<compile_context>
chip_gen: v7x
topology: tpu7x:2x2x1
jax: 0.10.2.dev20260603
libtpu: 0.0.44.dev20260713+nightly
codegen_flags: <defaults>
</compile_context>

<pallas_src>
import jax
import jax.numpy as jnp
from jax import lax
from jax.experimental import pallas as pl
from jax.experimental.pallas import tpu as pltpu
from jax.experimental.pallas import tpu_sc as plsc

_WEIGHT = 0.1
_MOMENT = 0.9
_WARM_UP = 1.0 / 1000.0
_COOL_DOWN = 1.0 / 100000.0
_MAX_ITEMS = 1000000
_ITERATIONS = 500.0

_ROWS = _MAX_ITEMS + 1
_DIM = 128
_BATCH = 16384
_NVREG = _DIM // 16

_NC = 2
_NS = 16
_LANES = 16
_SENT = -1

_PER_TILE = _BATCH // _NS
_CHUNK = 128
_NCHUNK = _PER_TILE // _CHUNK

_B_PER_TILE = _BATCH // (_NC * _NS)
_B_NCHUNK = _B_PER_TILE // _CHUNK

_COPY_BLK = 8192


def _copy_body(src_ref, dst_ref):
    dst_ref[...] = src_ref[...]


def _pallas_copy(history):
    n_blocks = (_ROWS + _COPY_BLK - 1) // _COPY_BLK
    return pl.pallas_call(
        _copy_body,
        grid=(n_blocks,),
        in_specs=[pl.BlockSpec((_COPY_BLK, _DIM), lambda i: (i, 0))],
        out_specs=pl.BlockSpec((_COPY_BLK, _DIM), lambda i: (i, 0)),
        out_shape=jax.ShapeDtypeStruct((_ROWS, _DIM), jnp.float32),
    )(history)


def _sc_a_body(
    act_hbm,
    idx_hbm,
    hist_hbm,
    loss_hbm,
    lg_hbm,
    val_hbm,
    tag_sp,
    cnt_sm,
    sidx,
    gidx,
    lgidx,
    lslot,
    tgot,
    bval,
    rem_pos,
    act_c,
    row_c,
    val_c,
    b16,
    t16,
    tgix,
    lgix,
    asix,
    cvix,
    h16,
    a16,
    c16,
    v16,
    acc_v,
):
    c = lax.axis_index("c")
    s = lax.axis_index("s")
    slot0 = s * _PER_TILE
    lanes = lax.iota(jnp.int32, _LANES)

    pltpu.sync_copy(idx_hbm.at[pl.ds(slot0, _PER_TILE)], sidx)

    def _build(i, _):
        sl = pl.ds(i * _LANES, _LANES)
        v = sidx[sl]
        active = (v != 0) & (v < _MAX_ITEMS) & ((v & 1) == c)
        gidx[sl] = jnp.where(active, v, _SENT)
        bval[sl] = slot0 + i * _LANES + lanes
        return 0

    lax.fori_loop(0, _PER_TILE // _LANES, _build, 0)

    tag_ix = plsc.Indices(gidx, ignored_value=_SENT)
    pltpu.sync_copy(bval, tag_sp.at[tag_ix])
    plsc.subcore_barrier()
    pltpu.sync_copy(tag_sp.at[tag_ix], tgot)

    def _elect(i, off):
        sl = pl.ds(i * _LANES, _LANES)
        g = gidx[sl]
        b = bval[sl]
        act = g != _SENT
        lead = act & (tgot[sl] == b)
        lgidx[sl] = jnp.where(lead, g, _SENT)
        lslot[sl] = jnp.where(lead, b, _SENT)
        rem = jnp.where(act & ~lead, 1, 0)
        dst = jnp.maximum(off + plsc.cumsum(rem) - 1, 0)
        plsc.store_scatter(
            rem_pos, [dst], i * _LANES + lanes, mask=rem != 0
        )
        return off + jnp.sum(rem)

    n_rem = lax.fori_loop(0, _PER_TILE // _LANES, _elect, 0)

    pltpu.sync_copy(lgidx, lg_hbm.at[c, pl.ds(slot0, _PER_TILE)])

    acc = jnp.zeros((_LANES,), jnp.float32)
    for j in range(_NCHUNK):
        base = j * _CHUNK
        pltpu.sync_copy(act_hbm.at[pl.ds(slot0 + base, _CHUNK)], act_c)
        pltpu.sync_copy(
            hist_hbm.at[
                plsc.Indices(gidx.at[pl.ds(base, _CHUNK)], ignored_value=_SENT)
            ],
            row_c,
        )

        def _slots(i, a, base=base):
            isp = jnp.full((_LANES,), i, jnp.int32)
            am = (
                plsc.load_gather(gidx, [jnp.full((_LANES,), base, jnp.int32) + i])
                != _SENT
            )
            for r in range(_NVREG):
                cols = r * _LANES + lanes
                h = plsc.load_gather(row_c, [isp, cols])
                av = plsc.load_gather(act_c, [isp, cols])
                d = jnp.where(am, h - av, 0.0)
                a = a + d * d
                plsc.store_scatter(val_c, [isp, cols], h - (1.0 - _MOMENT) * d)
            return a

        acc = lax.fori_loop(0, _CHUNK, _slots, acc)
        pltpu.sync_copy(
            val_c,
            val_hbm.at[
                plsc.Indices(lslot.at[pl.ds(base, _CHUNK)], ignored_value=_SENT)
            ],
        )

    acc_v[...] = acc
    pltpu.sync_copy(acc_v, loss_hbm.at[c * _NS + s])

    def _count(local):
        plsc.subcore_barrier()

        @pl.when(s == 0)
        def _():
            cnt_sm[0] = 0

        plsc.subcore_barrier()
        plsc.fetch_and_add(cnt_sm, local, subcore_id=0)
        plsc.subcore_barrier()
        return plsc.fetch_and_add(cnt_sm, 0, subcore_id=0)

    def _round(carry):
        _, n_rem = carry
        ng = (n_rem + _LANES - 1) // _LANES

        def _scat(k, _):
            lm = k * _LANES + lanes < n_rem
            pos = jnp.where(lm, rem_pos[pl.ds(k * _LANES, _LANES)], 0)
            g = plsc.load_gather(gidx, [pos])
            tgix[...] = jnp.where(lm, g, _SENT)
            b16[...] = slot0 + pos
            pltpu.sync_copy(
                b16, tag_sp.at[plsc.Indices(tgix, ignored_value=_SENT)]
            )
            return 0

        lax.fori_loop(0, ng, _scat, 0)
        plsc.subcore_barrier()

        def _proc(k, off):
            lm = k * _LANES + lanes < n_rem
            pos = jnp.where(lm, rem_pos[pl.ds(k * _LANES, _LANES)], 0)
            g = plsc.load_gather(gidx, [pos])
            b = slot0 + pos
            tgix[...] = jnp.where(lm, g, _SENT)
            pltpu.sync_copy(
                tag_sp.at[plsc.Indices(tgix, ignored_value=_SENT)], t16
            )
            lead = lm & (t16[...] == b)
            winner = plsc.load_gather(tgot, [pos])
            lgix[...] = jnp.where(lead, g, _SENT)
            asix[...] = jnp.where(lead, b, _SENT)
            cvix[...] = jnp.where(lead, winner, _SENT)
            vix = plsc.Indices(cvix, ignored_value=_SENT)
            pltpu.sync_copy(
                hist_hbm.at[plsc.Indices(lgix, ignored_value=_SENT)], h16
            )
            pltpu.sync_copy(
                act_hbm.at[plsc.Indices(asix, ignored_value=_SENT)], a16
            )
            pltpu.sync_copy(val_hbm.at[vix], c16)

            def _rows(i, _):
                isp = jnp.full((_LANES,), i, jnp.int32)
                for r in range(_NVREG):
                    cols = r * _LANES + lanes
                    hh = plsc.load_gather(h16, [isp, cols])
                    aa = plsc.load_gather(a16, [isp, cols])
                    cc = plsc.load_gather(c16, [isp, cols])
                    plsc.store_scatter(
                        v16, [isp, cols], cc - (1.0 - _MOMENT) * (hh - aa)
                    )
                return 0

            lax.fori_loop(0, _LANES, _rows, 0)
            pltpu.sync_copy(v16, val_hbm.at[vix])

            keep = jnp.where(lm & ~lead, 1, 0)
            dst = jnp.maximum(off + plsc.cumsum(keep) - 1, 0)
            plsc.store_scatter(rem_pos, [dst], pos, mask=keep != 0)
            return off + jnp.sum(keep)

        n_rem = lax.fori_loop(0, ng, _proc, 0)
        return _count(n_rem), n_rem

    total = _count(n_rem)
    lax.while_loop(lambda t: t[0] > 0, _round, (total, n_rem))


def _sc_b_body(
    lg_hbm,
    val_hbm,
    out_ref,
    lg0,
    lg1,
    lgm,
    val_c,
):
    c = lax.axis_index("c")
    s = lax.axis_index("s")
    wid = c * _NS + s
    base0 = wid * _B_PER_TILE
    for j in range(_B_NCHUNK):
        base = base0 + j * _CHUNK
        pltpu.sync_copy(lg_hbm.at[0, pl.ds(base, _CHUNK)], lg0)
        pltpu.sync_copy(lg_hbm.at[1, pl.ds(base, _CHUNK)], lg1)

        def _merge(i, _):
            sl = pl.ds(i * _LANES, _LANES)
            a = lg0[sl]
            lgm[sl] = jnp.where(a != _SENT, a, lg1[sl])
            return 0

        lax.fori_loop(0, _CHUNK // _LANES, _merge, 0)
        pltpu.sync_copy(val_hbm.at[pl.ds(base, _CHUNK)], val_c)
        pltpu.sync_copy(
            val_c, out_ref.at[plsc.Indices(lgm, ignored_value=_SENT)]
        )


_sc_mesh = plsc.VectorSubcoreMesh(
    core_axis_name="c", subcore_axis_name="s", num_cores=_NC, num_subcores=_NS
)

_sc_a = pl.kernel(
    _sc_a_body,
    out_type=(
        jax.ShapeDtypeStruct((_NC * _NS, _LANES), jnp.float32),
        jax.ShapeDtypeStruct((_NC, _BATCH), jnp.int32),
        jax.ShapeDtypeStruct((_BATCH, _DIM), jnp.float32),
    ),
    mesh=_sc_mesh,
    compiler_params=pltpu.CompilerParams(needs_layout_passes=False),
    scratch_types=[
        pltpu.VMEM_SHARED((_ROWS,), jnp.int32),
        pltpu.SMEM((1,), jnp.int32),
        pltpu.VMEM((_PER_TILE,), jnp.int32),
        pltpu.VMEM((_PER_TILE,), jnp.int32),
        pltpu.VMEM((_PER_TILE,), jnp.int32),
        pltpu.VMEM((_PER_TILE,), jnp.int32),
        pltpu.VMEM((_PER_TILE,), jnp.int32),
        pltpu.VMEM((_PER_TILE,), jnp.int32),
        pltpu.VMEM((_PER_TILE + _LANES,), jnp.int32),
        pltpu.VMEM((_CHUNK, _DIM), jnp.float32),
        pltpu.VMEM((_CHUNK, _DIM), jnp.float32),
        pltpu.VMEM((_CHUNK, _DIM), jnp.float32),
        pltpu.VMEM((_LANES,), jnp.int32),
        pltpu.VMEM((_LANES,), jnp.int32),
        pltpu.VMEM((_LANES,), jnp.int32),
        pltpu.VMEM((_LANES,), jnp.int32),
        pltpu.VMEM((_LANES,), jnp.int32),
        pltpu.VMEM((_LANES,), jnp.int32),
        pltpu.VMEM((_LANES, _DIM), jnp.float32),
        pltpu.VMEM((_LANES, _DIM), jnp.float32),
        pltpu.VMEM((_LANES, _DIM), jnp.float32),
        pltpu.VMEM((_LANES, _DIM), jnp.float32),
        pltpu.VMEM((_LANES,), jnp.float32),
    ],
)

_sc_b = pl.kernel(
    _sc_b_body,
    out_type=(),
    mesh=_sc_mesh,
    compiler_params=pltpu.CompilerParams(needs_layout_passes=False),
    scratch_types=[
        pltpu.VMEM((_CHUNK,), jnp.int32),
        pltpu.VMEM((_CHUNK,), jnp.int32),
        pltpu.VMEM((_CHUNK,), jnp.int32),
        pltpu.VMEM((_CHUNK, _DIM), jnp.float32),
    ],
)


def kernel(activations, samples, history):
    idx = jnp.minimum(samples, _MAX_ITEMS).astype(jnp.int32).reshape(-1)
    copy = _pallas_copy(history)
    parts, lg, val = _sc_a(activations, idx, history)
    out_ref = jax.new_ref(copy)
    _sc_b(lg, val, out_ref)
    warm_up = _WARM_UP * _ITERATIONS
    cool_down = _COOL_DOWN * _ITERATIONS
    loss = (
        _WEIGHT
        * (jnp.sum(parts) / (_BATCH * _DIM))
        * warm_up
        / (1.0 + warm_up)
        / (1.0 + cool_down)
    )
    new_history = out_ref[...]
    return (activations, loss, new_history)

# --- scband reference (transcript-rebuilt; emitter-appended) ---
"""Pipeline reference for scband-temporal-activity-regularizer-37761352466538 (READ-ONLY COPY).

The authoritative reference and input builder live on the scoring server;
editing this copy changes nothing except your own understanding.
"""

import jax, jax.numpy as jnp
import numpy as np

WEIGHT = 0.1
MOMENT = 0.9
WARM_UP = 1.0 / 1000.0
COOL_DOWN = 1.0 / 100000.0
MAX_ITEMS = 1000000
ITERATIONS = 500.0  # current value of the iteration-counter state variable
BATCH = 16384
DIM = 128


def setup_inputs(seed: int = 0) -> dict:
    key = jax.random.key(seed)
    k1, k2, k3 = jax.random.split(key, 3)
    activations = jax.random.normal(k1, (BATCH, DIM), dtype=jnp.float32)
    samples = jax.random.randint(k2, (BATCH, 1), 0, MAX_ITEMS, dtype=jnp.int32)
    # non-trainable history state: (max_items + 1, DIM)
    history = jax.random.normal(k3, (MAX_ITEMS + 1, DIM), dtype=jnp.float32) * 0.01
    return {"activations": activations, "samples": samples, "history": history}


def reference(activations, samples, history):
    # mask: zero index masked out, and samples >= max_items masked out
    mask = jnp.not_equal(samples, 0).astype(jnp.float32) * (samples < MAX_ITEMS).astype(jnp.float32)
    masked_samples = jnp.minimum(samples, MAX_ITEMS).astype(jnp.int32).reshape(-1)
    # gather old activations from history (K.gather)
    old_activations = jnp.take(history, masked_samples, axis=0)
    diff_activations = (old_activations - activations) * mask
    warm_up = WARM_UP * ITERATIONS
    cool_down = COOL_DOWN * ITERATIONS
    loss = WEIGHT * jnp.mean(jnp.square(diff_activations)) * warm_up / (1.0 + warm_up) / (1.0 + cool_down)
    # state update: tf.scatter_sub(history, masked_samples, (1 - moment) * diff)
    new_history = history.at[masked_samples].add(-(1.0 - MOMENT) * diff_activations)
    # layer output is the activations passed through; also return loss and updated state
    return (activations, loss, new_history)

if __name__ == "__main__":
    import jax
    _d = setup_inputs()
    print(jax.jit(kernel)(*tuple(_d.values())))

</pallas_src>

<mosaic_0001>
#map = affine_map<(d0, d1) -> (0, 0)>
#map1 = affine_map<(d0, d1) -> (0)>
module attributes {stable_mosaic.version = 14 : i64} {
  func.func @_sc_a_body(%arg0: i32, %arg1: i32, %arg2: memref<16384x128xf32, #tpu.memory_space<hbm>>, %arg3: memref<16384xi32, #tpu.memory_space<hbm>>, %arg4: memref<1000001x128xf32, #tpu.memory_space<hbm>>, %arg5: memref<32x16xf32, #tpu.memory_space<hbm>>, %arg6: memref<2x16384xi32, #tpu.memory_space<hbm>>, %arg7: memref<16384x128xf32, #tpu.memory_space<hbm>>, %arg8: memref<1000001xi32, #tpu.memory_space<vmem_shared>>, %arg9: memref<1xi32, #tpu.memory_space<smem>>, %arg10: memref<1024xi32, #tpu.memory_space<vmem>>, %arg11: memref<1024xi32, #tpu.memory_space<vmem>>, %arg12: memref<1024xi32, #tpu.memory_space<vmem>>, %arg13: memref<1024xi32, #tpu.memory_space<vmem>>, %arg14: memref<1024xi32, #tpu.memory_space<vmem>>, %arg15: memref<1024xi32, #tpu.memory_space<vmem>>, %arg16: memref<1040xi32, #tpu.memory_space<vmem>>, %arg17: memref<128x128xf32, #tpu.memory_space<vmem>>, %arg18: memref<128x128xf32, #tpu.memory_space<vmem>>, %arg19: memref<128x128xf32, #tpu.memory_space<vmem>>, %arg20: memref<16xi32, #tpu.memory_space<vmem>>, %arg21: memref<16xi32, #tpu.memory_space<vmem>>, %arg22: memref<16xi32, #tpu.memory_space<vmem>>, %arg23: memref<16xi32, #tpu.memory_space<vmem>>, %arg24: memref<16xi32, #tpu.memory_space<vmem>>, %arg25: memref<16xi32, #tpu.memory_space<vmem>>, %arg26: memref<16x128xf32, #tpu.memory_space<vmem>>, %arg27: memref<16x128xf32, #tpu.memory_space<vmem>>, %arg28: memref<16x128xf32, #tpu.memory_space<vmem>>, %arg29: memref<16x128xf32, #tpu.memory_space<vmem>>, %arg30: memref<16xf32, #tpu.memory_space<vmem>>) attributes {dimension_semantics = [#tpu.dimension_semantics<core_parallel>, #tpu.dimension_semantics<subcore_parallel>], iteration_bounds = array<i64: 2, 16>, scalar_prefetch = 0 : i64, scratch_operands = 23 : i64, tpu.core_type = #tpu.core_type<sc_vector_subcore>, window_params = [{transform_indices = #map}, {transform_indices = #map1}, {transform_indices = #map}, {transform_indices = #map}, {transform_indices = #map}, {transform_indices = #map}]} {
    %mul3A = arith.constant 1024 : i32
    %mul3A_0 = arith.muli %arg1, %mul3A : i32
    %iota3A = tpu.iota {dimensions = array<i32: 0>} : vector<16xi32>
    "tpu.region"() ({
      %run_scoped3A = tpu.sem_alloc : memref<!tpu.dma_semaphore, #tpu.memory_space<semaphore_mem>>
      %dma_start3A = tpu.memref_slice %arg3[%mul3A_0] : memref<16384xi32, #tpu.memory_space<hbm>> -> memref<1024xi32, #tpu.memory_space<hbm>>
      %dma_start3A_93 = tpu.memref_slice %arg3[%mul3A_0] : memref<16384xi32, #tpu.memory_space<hbm>> -> memref<1024xi32, #tpu.memory_space<hbm>>
      tpu.enqueue_dma source(%dma_start3A_93 : memref<1024xi32, #tpu.memory_space<hbm>>) target(%arg10 : memref<1024xi32, #tpu.memory_space<vmem>>) target_semaphore(%run_scoped3A : memref<!tpu.dma_semaphore, #tpu.memory_space<semaphore_mem>>)
      %dma_wait3A = tpu.memref_slice %arg3[%mul3A_0] : memref<16384xi32, #tpu.memory_space<hbm>> -> memref<1024xi32, #tpu.memory_space<hbm>>
      %dma_wait3A_94 = tpu.memref_slice %arg3[%mul3A_0] : memref<16384xi32, #tpu.memory_space<hbm>> -> memref<1024xi32, #tpu.memory_space<hbm>>
      tpu.wait_dma2 semaphore(%run_scoped3A : memref<!tpu.dma_semaphore, #tpu.memory_space<semaphore_mem>>) src(%dma_wait3A_94 : memref<1024xi32, #tpu.memory_space<hbm>>) dst(%arg10 : memref<1024xi32, #tpu.memory_space<vmem>>)
      tpu.yield
    }) : () -> ()
    %scan3A = arith.constant 0 : i32
    %scan3A_1 = arith.constant 0 : i32
    %scan3A_2 = arith.constant 64 : i32
    %scan3A_3 = arith.addi %scan3A_1, %scan3A_2 : i32
    %scan3A_4 = arith.constant 1 : i32
    %scan3A_5 = scf.for %scan3A_93 = %scan3A_1 to %scan3A_3 step %scan3A_4 iter_args(%scan3A_94 = %scan3A) -> (i32)  : i32 {
      %mul3A_95 = arith.constant 16 : i32
      %mul3A_96 = arith.muli %scan3A_93, %mul3A_95 : i32
      %get3A = arith.index_cast %mul3A_96 : i32 to index
      %get3A_97 = tpu.vector_load %arg10[%get3A] {strides = array<i32>} : memref<1024xi32, #tpu.memory_space<vmem>>, vector<16xi32>,
      %ne3A = arith.constant 0 : i32
      %ne3A_98 = vector.broadcast %ne3A : i32 to vector<16xi32>
      %ne3A_99 = arith.cmpi ne, %get3A_97, %ne3A_98 : vector<16xi32>
      %lt3A = arith.constant 1000000 : i32
      %lt3A_100 = vector.broadcast %lt3A : i32 to vector<16xi32>
      %lt3A_101 = arith.cmpi slt, %get3A_97, %lt3A_100 : vector<16xi32>
      %and3A = arith.andi %ne3A_99, %lt3A_101 : vector<16xi1>
      %and3A_102 = arith.constant 1 : i32
      %and3A_103 = vector.broadcast %and3A_102 : i32 to vector<16xi32>
      %and3A_104 = arith.andi %get3A_97, %and3A_103 : vector<16xi32>
      %eq3A_105 = vector.broadcast %arg0 : i32 to vector<16xi32>
      %eq3A_106 = arith.cmpi eq, %and3A_104, %eq3A_105 : vector<16xi32>
      %and3A_107 = arith.andi %and3A, %eq3A_106 : vector<16xi1>
      %jit3A = arith.constant -1 : i32
      %broadcast_in_dim3A_108 = vector.broadcast %jit3A : i32 to vector<16xi32>
      %select_n3A = arith.select %and3A_107, %get3A_97, %broadcast_in_dim3A_108 : vector<16xi1>, vector<16xi32>
      %swap3A_109 = arith.index_cast %mul3A_96 : i32 to index
      %swap3A_110 = tpu.vector_load %arg11[%swap3A_109] {strides = array<i32>} : memref<1024xi32, #tpu.memory_space<vmem>>, vector<16xi32>,
      tpu.vector_store %arg11[%swap3A_109], %select_n3A {strides = array<i32>} : memref<1024xi32, #tpu.memory_space<vmem>>, vector<16xi32>,
      %mul3A_111 = arith.constant 16 : i32
      %mul3A_112 = arith.muli %scan3A_93, %mul3A_111 : i32
      %add3A_113 = arith.addi %mul3A_0, %mul3A_112 : i32
      %add3A_114 = vector.broadcast %add3A_113 : i32 to vector<16xi32>
      %add3A_115 = arith.addi %add3A_114, %iota3A : vector<16xi32>
      %swap3A_116 = arith.index_cast %mul3A_96 : i32 to index
      %swap3A_117 = tpu.vector_load %arg15[%swap3A_116] {strides = array<i32>} : memref<1024xi32, #tpu.memory_space<vmem>>, vector<16xi32>,
      tpu.vector_store %arg15[%swap3A_116], %add3A_115 {strides = array<i32>} : memref<1024xi32, #tpu.memory_space<vmem>>, vector<16xi32>,
      %scan3A_118 = arith.constant 0 : i32
      scf.yield %scan3A_118 : i32
    }
    %scan3A_6 = arith.constant 64 : i32
    "tpu.region"() ({
      %run_scoped3A = tpu.sem_alloc : memref<!tpu.dma_semaphore, #tpu.memory_space<semaphore_mem>>
      %dma_start3A = arith.constant 0 : i32
      %dma_start3A_93 = tpu.memref_slice %arg8[%dma_start3A] : memref<1000001xi32, #tpu.memory_space<vmem_shared>> -> memref<1000001xi32, #tpu.memory_space<vmem_shared>>
      %dma_start3A_94 = arith.constant -1 : i32
      tpu.enqueue_indirect_dma source(%arg15 : memref<1024xi32, #tpu.memory_space<vmem>>) target(%dma_start3A_93 : memref<1000001xi32, #tpu.memory_space<vmem_shared>>) offsets(%arg11 : memref<1024xi32, #tpu.memory_space<vmem>>) offset_filter(%dma_start3A_94) semaphore(%run_scoped3A : memref<!tpu.dma_semaphore, #tpu.memory_space<semaphore_mem>>)
      %dma_wait3A = arith.constant 0 : i32
      %dma_wait3A_95 = tpu.memref_slice %arg8[%dma_wait3A] : memref<1000001xi32, #tpu.memory_space<vmem_shared>> -> memref<1000001xi32, #tpu.memory_space<vmem_shared>>
      tpu.wait_indirect_dma semaphore(%run_scoped3A : memref<!tpu.dma_semaphore, #tpu.memory_space<semaphore_mem>>) src(%arg15 : memref<1024xi32, #tpu.memory_space<vmem>>) dst(%dma_wait3A_95 : memref<1000001xi32, #tpu.memory_space<vmem_shared>>)
      tpu.yield
    }) : () -> ()
    %barrier3A = arith.constant 0 : index
    tpu.barrier barrier_id(%barrier3A)
    "tpu.region"() ({
      %run_scoped3A = tpu.sem_alloc : memref<!tpu.dma_semaphore, #tpu.memory_space<semaphore_mem>>
      %dma_start3A = arith.constant 0 : i32
      %dma_start3A_93 = tpu.memref_slice %arg8[%dma_start3A] : memref<1000001xi32, #tpu.memory_space<vmem_shared>> -> memref<1000001xi32, #tpu.memory_space<vmem_shared>>
      %dma_start3A_94 = arith.constant -1 : i32
      tpu.enqueue_indirect_dma source(%dma_start3A_93 : memref<1000001xi32, #tpu.memory_space<vmem_shared>>) target(%arg14 : memref<1024xi32, #tpu.memory_space<vmem>>) offsets(%arg11 : memref<1024xi32, #tpu.memory_space<vmem>>) offset_filter(%dma_start3A_94) semaphore(%run_scoped3A : memref<!tpu.dma_semaphore, #tpu.memory_space<semaphore_mem>>)
      %dma_wait3A = arith.constant 0 : i32
      %dma_wait3A_95 = tpu.memref_slice %arg8[%dma_wait3A] : memref<1000001xi32, #tpu.memory_space<vmem_shared>> -> memref<1000001xi32, #tpu.memory_space<vmem_shared>>
      tpu.wait_indirect_dma semaphore(%run_scoped3A : memref<!tpu.dma_semaphore, #tpu.memory_space<semaphore_mem>>) src(%dma_wait3A_95 : memref<1000001xi32, #tpu.memory_space<vmem_shared>>) dst(%arg14 : memref<1024xi32, #tpu.memory_space<vmem>>)
      tpu.yield
    }) : () -> ()
    %scan3A_7 = arith.constant 0 : i32
    %scan3A_8 = arith.constant 0 : i32
    %scan3A_9 = arith.constant 64 : i32
    %scan3A_10 = arith.addi %scan3A_8, %scan3A_9 : i32
    %scan3A_11 = arith.constant 1 : i32
    %scan3A_12 = scf.for %scan3A_93 = %scan3A_8 to %scan3A_10 step %scan3A_11 iter_args(%scan3A_94 = %scan3A_7) -> (i32)  : i32 {
      %mul3A_95 = arith.constant 16 : i32
      %mul3A_96 = arith.muli %scan3A_93, %mul3A_95 : i32
      %get3A = arith.index_cast %mul3A_96 : i32 to index
      %get3A_97 = tpu.vector_load %arg11[%get3A] {strides = array<i32>} : memref<1024xi32, #tpu.memory_space<vmem>>, vector<16xi32>,
      %get3A_98 = arith.index_cast %mul3A_96 : i32 to index
      %get3A_99 = tpu.vector_load %arg15[%get3A_98] {strides = array<i32>} : memref<1024xi32, #tpu.memory_space<vmem>>, vector<16xi32>,
      %ne3A = arith.constant -1 : i32
      %ne3A_100 = vector.broadcast %ne3A : i32 to vector<16xi32>
      %ne3A_101 = arith.cmpi ne, %get3A_97, %ne3A_100 : vector<16xi32>
      %get3A_102 = arith.index_cast %mul3A_96 : i32 to index
      %get3A_103 = tpu.vector_load %arg14[%get3A_102] {strides = array<i32>} : memref<1024xi32, #tpu.memory_space<vmem>>, vector<16xi32>,
      %eq3A_104 = arith.cmpi eq, %get3A_103, %get3A_99 : vector<16xi32>
      %and3A = arith.andi %ne3A_101, %eq3A_104 : vector<16xi1>
      %jit3A = arith.constant -1 : i32
      %broadcast_in_dim3A_105 = vector.broadcast %jit3A : i32 to vector<16xi32>
      %select_n3A = arith.select %and3A, %get3A_97, %broadcast_in_dim3A_105 : vector<16xi1>, vector<16xi32>
      %swap3A_106 = arith.index_cast %mul3A_96 : i32 to index
      %swap3A_107 = tpu.vector_load %arg12[%swap3A_106] {strides = array<i32>} : memref<1024xi32, #tpu.memory_space<vmem>>, vector<16xi32>,
      tpu.vector_store %arg12[%swap3A_106], %select_n3A {strides = array<i32>} : memref<1024xi32, #tpu.memory_space<vmem>>, vector<16xi32>,
      %jit3A_108 = arith.constant -1 : i32
      %broadcast_in_dim3A_109 = vector.broadcast %jit3A_108 : i32 to vector<16xi32>
      %select_n3A_110 = arith.select %and3A, %get3A_99, %broadcast_in_dim3A_109 : vector<16xi1>, vector<16xi32>
      %swap3A_111 = arith.index_cast %mul3A_96 : i32 to index
      %swap3A_112 = tpu.vector_load %arg13[%swap3A_111] {strides = array<i32>} : memref<1024xi32, #tpu.memory_space<vmem>>, vector<16xi32>,
      tpu.vector_store %arg13[%swap3A_111], %select_n3A_110 {strides = array<i32>} : memref<1024xi32, #tpu.memory_space<vmem>>, vector<16xi32>,
      %not3A = arith.constant dense<true> : vector<16xi1>
      %not3A_113 = arith.xori %and3A, %not3A : vector<16xi1>
      %and3A_114 = arith.andi %ne3A_101, %not3A_113 : vector<16xi1>
      %jit3A_115 = arith.constant 1 : i32
      %jit3A_116 = arith.constant 0 : i32
      %broadcast_in_dim3A_117 = vector.broadcast %jit3A_115 : i32 to vector<16xi32>
      %broadcast_in_dim3A_118 = vector.broadcast %jit3A_116 : i32 to vector<16xi32>
      %select_n3A_119 = arith.select %and3A_114, %broadcast_in_dim3A_117, %broadcast_in_dim3A_118 : vector<16xi1>, vector<16xi32>
      %broadcast_in_dim3A_120 = arith.constant true
      %broadcast_in_dim3A_121 = vector.broadcast %broadcast_in_dim3A_120 : i1 to vector<16xi1>
      %masked_cumsum3A = tpu.scan <sum>, %select_n3A_119 masked %broadcast_in_dim3A_121 : vector<16xi32>, vector<16xi1> -> vector<16xi32>
      %add3A_122 = vector.broadcast %scan3A_94 : i32 to vector<16xi32>
      %add3A_123 = arith.addi %add3A_122, %masked_cumsum3A : vector<16xi32>
      %sub3A = arith.constant 1 : i32
      %sub3A_124 = vector.broadcast %sub3A : i32 to vector<16xi32>
      %sub3A_125 = arith.subi %add3A_123, %sub3A_124 : vector<16xi32>
      %max3A = arith.constant 0 : i32
      %max3A_126 = vector.broadcast %max3A : i32 to vector<16xi32>
      %max3A_127 = arith.maxsi %sub3A_125, %max3A_126 : vector<16xi32>
      %mul3A_128 = arith.constant 16 : i32
      %mul3A_129 = arith.muli %scan3A_93, %mul3A_128 : i32
      %add3A_130 = vector.broadcast %mul3A_129 : i32 to vector<16xi32>
      %add3A_131 = arith.addi %add3A_130, %iota3A : vector<16xi32>
      %ne3A_132 = arith.constant 0 : i32
      %ne3A_133 = vector.broadcast %ne3A_132 : i32 to vector<16xi32>
      %ne3A_134 = arith.cmpi ne, %select_n3A_119, %ne3A_133 : vector<16xi32>
      tpu.vector_store_idx %arg16[%max3A_127], %add3A_131 masked %ne3A_134 : memref<1040xi32, #tpu.memory_space<vmem>>[vector<16xi32>], vector<16xi32>, vector<16xi1>
      %reduce_sum3A = arith.constant true
      %reduce_sum3A_135 = vector.broadcast %reduce_sum3A : i1 to vector<16xi1>
      %reduce_sum3A_136 = tpu.scan <sum>, %select_n3A_119 masked %reduce_sum3A_135 : vector<16xi32>, vector<16xi1> -> vector<16xi32>
      %reduce_sum3A_137 = vector.extract %reduce_sum3A_136[15] : i32 from vector<16xi32>
      %add3A_138 = arith.addi %scan3A_94, %reduce_sum3A_137 : i32
      scf.yield %add3A_138 : i32
    }
    %scan3A_13 = arith.constant 64 : i32
    "tpu.region"() ({
      %run_scoped3A = tpu.sem_alloc : memref<!tpu.dma_semaphore, #tpu.memory_space<semaphore_mem>>
      %dma_start3A = tpu.memref_slice %arg6[%arg0, %mul3A_0] : memref<2x16384xi32, #tpu.memory_space<hbm>> -> memref<1x1024xi32, #tpu.memory_space<hbm>>
      %dma_start3A_93 = tpu.memref_squeeze %dma_start3A : memref<1x1024xi32, #tpu.memory_space<hbm>> -> memref<1024xi32, #tpu.memory_space<hbm>>
      %dma_start3A_94 = tpu.memref_slice %arg6[%arg0, %mul3A_0] : memref<2x16384xi32, #tpu.memory_space<hbm>> -> memref<1x1024xi32, #tpu.memory_space<hbm>>
      %dma_start3A_95 = tpu.memref_squeeze %dma_start3A_94 : memref<1x1024xi32, #tpu.memory_space<hbm>> -> memref<1024xi32, #tpu.memory_space<hbm>>
      tpu.enqueue_dma source(%arg12 : memref<1024xi32, #tpu.memory_space<vmem>>) target(%dma_start3A_95 : memref<1024xi32, #tpu.memory_space<hbm>>) target_semaphore(%run_scoped3A : memref<!tpu.dma_semaphore, #tpu.memory_space<semaphore_mem>>)
      %dma_wait3A = tpu.memref_slice %arg6[%arg0, %mul3A_0] : memref<2x16384xi32, #tpu.memory_space<hbm>> -> memref<1x1024xi32, #tpu.memory_space<hbm>>
      %dma_wait3A_96 = tpu.memref_squeeze %dma_wait3A : memref<1x1024xi32, #tpu.memory_space<hbm>> -> memref<1024xi32, #tpu.memory_space<hbm>>
      %dma_wait3A_97 = tpu.memref_slice %arg6[%arg0, %mul3A_0] : memref<2x16384xi32, #tpu.memory_space<hbm>> -> memref<1x1024xi32, #tpu.memory_space<hbm>>
      %dma_wait3A_98 = tpu.memref_squeeze %dma_wait3A_97 : memref<1x1024xi32, #tpu.memory_space<hbm>> -> memref<1024xi32, #tpu.memory_space<hbm>>
      tpu.wait_dma2 semaphore(%run_scoped3A : memref<!tpu.dma_semaphore, #tpu.memory_space<semaphore_mem>>) src(%arg12 : memref<1024xi32, #tpu.memory_space<vmem>>) dst(%dma_wait3A_98 : memref<1024xi32, #tpu.memory_space<hbm>>)
      tpu.yield
    }) : () -> ()
    %broadcast_in_dim3A = arith.constant 0.000000e+00 : f32
    %broadcast_in_dim3A_14 = vector.broadcast %broadcast_in_dim3A : f32 to vector<16xf32>
    %add3A = arith.constant 0 : i32
    %add3A_15 = arith.addi %mul3A_0, %add3A : i32
    "tpu.region"() ({
      %run_scoped3A = tpu.sem_alloc : memref<!tpu.dma_semaphore, #tpu.memory_space<semaphore_mem>>
      %dma_start3A = arith.constant 0 : i32
      %dma_start3A_93 = tpu.memref_slice %arg2[%add3A_15, %dma_start3A] : memref<16384x128xf32, #tpu.memory_space<hbm>> -> memref<128x128xf32, #tpu.memory_space<hbm>>
      %dma_start3A_94 = arith.constant 0 : i32
      %dma_start3A_95 = tpu.memref_slice %arg2[%add3A_15, %dma_start3A_94] : memref<16384x128xf32, #tpu.memory_space<hbm>> -> memref<128x128xf32, #tpu.memory_space<hbm>>
      tpu.enqueue_dma source(%dma_start3A_95 : memref<128x128xf32, #tpu.memory_space<hbm>>) target(%arg17 : memref<128x128xf32, #tpu.memory_space<vmem>>) target_semaphore(%run_scoped3A : memref<!tpu.dma_semaphore, #tpu.memory_space<semaphore_mem>>)
      %dma_wait3A = arith.constant 0 : i32
      %dma_wait3A_96 = tpu.memref_slice %arg2[%add3A_15, %dma_wait3A] : memref<16384x128xf32, #tpu.memory_space<hbm>> -> memref<128x128xf32, #tpu.memory_space<hbm>>
      %dma_wait3A_97 = arith.constant 0 : i32
      %dma_wait3A_98 = tpu.memref_slice %arg2[%add3A_15, %dma_wait3A_97] : memref<16384x128xf32, #tpu.memory_space<hbm>> -> memref<128x128xf32, #tpu.memory_space<hbm>>
      tpu.wait_dma2 semaphore(%run_scoped3A : memref<!tpu.dma_semaphore, #tpu.memory_space<semaphore_mem>>) src(%dma_wait3A_98 : memref<128x128xf32, #tpu.memory_space<hbm>>) dst(%arg17 : memref<128x128xf32, #tpu.memory_space<vmem>>)
      tpu.yield
    }) : () -> ()
    "tpu.region"() ({
      %run_scoped3A = tpu.sem_alloc : memref<!tpu.dma_semaphore, #tpu.memory_space<semaphore_mem>>
      %dma_start3A = arith.constant 0 : i32
      %dma_start3A_93 = tpu.memref_slice %arg11[%dma_start3A] : memref<1024xi32, #tpu.memory_space<vmem>> -> memref<128xi32, #tpu.memory_space<vmem>>
      %dma_start3A_94 = arith.constant 0 : i32
      %dma_start3A_95 = arith.constant 0 : i32
      %dma_start3A_96 = tpu.memref_slice %arg4[%dma_start3A_94, %dma_start3A_95] : memref<1000001x128xf32, #tpu.memory_space<hbm>> -> memref<1000001x128xf32, #tpu.memory_space<hbm>>
      %dma_start3A_97 = arith.constant -1 : i32
      tpu.enqueue_indirect_dma source(%dma_start3A_96 : memref<1000001x128xf32, #tpu.memory_space<hbm>>) target(%arg18 : memref<128x128xf32, #tpu.memory_space<vmem>>) offsets(%dma_start3A_93 : memref<128xi32, #tpu.memory_space<vmem>>) offset_filter(%dma_start3A_97) semaphore(%run_scoped3A : memref<!tpu.dma_semaphore, #tpu.memory_space<semaphore_mem>>)
      %dma_wait3A = arith.constant 0 : i32
      %dma_wait3A_98 = tpu.memref_slice %arg11[%dma_wait3A] : memref<1024xi32, #tpu.memory_space<vmem>> -> memref<128xi32, #tpu.memory_space<vmem>>
      %dma_wait3A_99 = arith.constant 0 : i32
      %dma_wait3A_100 = arith.constant 0 : i32
      %dma_wait3A_101 = tpu.memref_slice %arg4[%dma_wait3A_99, %dma_wait3A_100] : memref<1000001x128xf32, #tpu.memory_space<hbm>> -> memref<1000001x128xf32, #tpu.memory_space<hbm>>
      tpu.wait_indirect_dma semaphore(%run_scoped3A : memref<!tpu.dma_semaphore, #tpu.memory_space<semaphore_mem>>) src(%dma_wait3A_101 : memref<1000001x128xf32, #tpu.memory_space<hbm>>) dst(%arg18 : memref<128x128xf32, #tpu.memory_space<vmem>>)
      tpu.yield
    }) : () -> ()
    %scan3A_16 = arith.constant 0 : i32
    %scan3A_17 = arith.constant 128 : i32
    %scan3A_18 = arith.addi %scan3A_16, %scan3A_17 : i32
    %scan3A_19 = arith.constant 1 : i32
    %scan3A_20 = scf.for %scan3A_93 = %scan3A_16 to %scan3A_18 step %scan3A_19 iter_args(%scan3A_94 = %broadcast_in_dim3A_14) -> (vector<16xf32>)  : i32 {
      %broadcast_in_dim3A_95 = vector.broadcast %scan3A_93 : i32 to vector<16xi32>
      %broadcast_in_dim3A_96 = arith.constant 0 : i32
      %broadcast_in_dim3A_97 = vector.broadcast %broadcast_in_dim3A_96 : i32 to vector<16xi32>
      %add3A_98 = vector.broadcast %scan3A_93 : i32 to vector<16xi32>
      %add3A_99 = arith.addi %broadcast_in_dim3A_97, %add3A_98 : vector<16xi32>
      %gather3A = tpu.vector_load_idx %arg11[%add3A_99] : memref<1024xi32, #tpu.memory_space<vmem>>[vector<16xi32>], vector<16xi32>,
      %ne3A = arith.constant -1 : i32
      %ne3A_100 = vector.broadcast %ne3A : i32 to vector<16xi32>
      %ne3A_101 = arith.cmpi ne, %gather3A, %ne3A_100 : vector<16xi32>
      %add3A_102 = arith.constant 0 : i32
      %add3A_103 = vector.broadcast %add3A_102 : i32 to vector<16xi32>
      %add3A_104 = arith.addi %add3A_103, %iota3A : vector<16xi32>
      %gather3A_105 = tpu.vector_load_idx %arg18[%broadcast_in_dim3A_95, %add3A_104] : memref<128x128xf32, #tpu.memory_space<vmem>>[vector<16xi32>, vector<16xi32>], vector<16xf32>,
      %gather3A_106 = tpu.vector_load_idx %arg17[%broadcast_in_dim3A_95, %add3A_104] : memref<128x128xf32, #tpu.memory_space<vmem>>[vector<16xi32>, vector<16xi32>], vector<16xf32>,
      %sub3A = arith.subf %gather3A_105, %gather3A_106 : vector<16xf32>
      %jit3A = arith.constant 0.000000e+00 : f32
      %broadcast_in_dim3A_107 = vector.broadcast %jit3A : f32 to vector<16xf32>
      %select_n3A = arith.select %ne3A_101, %sub3A, %broadcast_in_dim3A_107 : vector<16xi1>, vector<16xf32>
      %mul3A_108 = arith.mulf %select_n3A, %select_n3A : vector<16xf32>
      %add3A_109 = arith.addf %scan3A_94, %mul3A_108 : vector<16xf32>
      %mul3A_110 = arith.constant 1.000000e-01 : f32
      %mul3A_111 = vector.broadcast %mul3A_110 : f32 to vector<16xf32>
      %mul3A_112 = arith.mulf %mul3A_111, %select_n3A : vector<16xf32>
      %sub3A_113 = arith.subf %gather3A_105, %mul3A_112 : vector<16xf32>
      tpu.vector_store_idx %arg19[%broadcast_in_dim3A_95, %add3A_104], %sub3A_113 : memref<128x128xf32, #tpu.memory_space<vmem>>[vector<16xi32>, vector<16xi32>], vector<16xf32>,
      %add3A_114 = arith.constant 16 : i32
      %add3A_115 = vector.broadcast %add3A_114 : i32 to vector<16xi32>
      %add3A_116 = arith.addi %add3A_115, %iota3A : vector<16xi32>
      %gather3A_117 = tpu.vector_load_idx %arg18[%broadcast_in_dim3A_95, %add3A_116] : memref<128x128xf32, #tpu.memory_space<vmem>>[vector<16xi32>, vector<16xi32>], vector<16xf32>,
      %gather3A_118 = tpu.vector_load_idx %arg17[%broadcast_in_dim3A_95, %add3A_116] : memref<128x128xf32, #tpu.memory_space<vmem>>[vector<16xi32>, vector<16xi32>], vector<16xf32>,
      %sub3A_119 = arith.subf %gather3A_117, %gather3A_118 : vector<16xf32>
      %jit3A_120 = arith.constant 0.000000e+00 : f32
      %broadcast_in_dim3A_121 = vector.broadcast %jit3A_120 : f32 to vector<16xf32>
      %select_n3A_122 = arith.select %ne3A_101, %sub3A_119, %broadcast_in_dim3A_121 : vector<16xi1>, vector<16xf32>
      %mul3A_123 = arith.mulf %select_n3A_122, %select_n3A_122 : vector<16xf32>
      %add3A_124 = arith.addf %add3A_109, %mul3A_123 : vector<16xf32>
      %mul3A_125 = arith.constant 1.000000e-01 : f32
      %mul3A_126 = vector.broadcast %mul3A_125 : f32 to vector<16xf32>
      %mul3A_127 = arith.mulf %mul3A_126, %select_n3A_122 : vector<16xf32>
      %sub3A_128 = arith.subf %gather3A_117, %mul3A_127 : vector<16xf32>
      tpu.vector_store_idx %arg19[%broadcast_in_dim3A_95, %add3A_116], %sub3A_128 : memref<128x128xf32, #tpu.memory_space<vmem>>[vector<16xi32>, vector<16xi32>], vector<16xf32>,
      %add3A_129 = arith.constant 32 : i32
      %add3A_130 = vector.broadcast %add3A_129 : i32 to vector<16xi32>
      %add3A_131 = arith.addi %add3A_130, %iota3A : vector<16xi32>
      %gather3A_132 = tpu.vector_load_idx %arg18[%broadcast_in_dim3A_95, %add3A_131] : memref<128x128xf32, #tpu.memory_space<vmem>>[vector<16xi32>, vector<16xi32>], vector<16xf32>,
      %gather3A_133 = tpu.vector_load_idx %arg17[%broadcast_in_dim3A_95, %add3A_131] : memref<128x128xf32, #tpu.memory_space<vmem>>[vector<16xi32>, vector<16xi32>], vector<16xf32>,
      %sub3A_134 = arith.subf %gather3A_132, %gather3A_133 : vector<16xf32>
      %jit3A_135 = arith.constant 0.000000e+00 : f32
      %broadcast_in_dim3A_136 = vector.broadcast %jit3A_135 : f32 to vector<16xf32>
      %select_n3A_137 = arith.select %ne3A_101, %sub3A_134, %broadcast_in_dim3A_136 : vector<16xi1>, vector<16xf32>
      %mul3A_138 = arith.mulf %select_n3A_137, %select_n3A_137 : vector<16xf32>
      %add3A_139 = arith.addf %add3A_124, %mul3A_138 : vector<16xf32>
      %mul3A_140 = arith.constant 1.000000e-01 : f32
      %mul3A_141 = vector.broadcast %mul3A_140 : f32 to vector<16xf32>
      %mul3A_142 = arith.mulf %mul3A_141, %select_n3A_137 : vector<16xf32>
      %sub3A_143 = arith.subf %gather3A_132, %mul3A_142 : vector<16xf32>
      tpu.vector_store_idx %arg19[%broadcast_in_dim3A_95, %add3A_131], %sub3A_143 : memref<128x128xf32, #tpu.memory_space<vmem>>[vector<16xi32>, vector<16xi32>], vector<16xf32>,
      %add3A_144 = arith.constant 48 : i32
      %add3A_145 = vector.broadcast %add3A_144 : i32 to vector<16xi32>
      %add3A_146 = arith.addi %add3A_145, %iota3A : vector<16xi32>
      %gather3A_147 = tpu.vector_load_idx %arg18[%broadcast_in_dim3A_95, %add3A_146] : memref<128x128xf32, #tpu.memory_space<vmem>>[vector<16xi32>, vector<16xi32>], vector<16xf32>,
      %gather3A_148 = tpu.vector_load_idx %arg17[%broadcast_in_dim3A_95, %add3A_146] : memref<128x128xf32, #tpu.memory_space<vmem>>[vector<16xi32>, vector<16xi32>], vector<16xf32>,
      %sub3A_149 = arith.subf %gather3A_147, %gather3A_148 : vector<16xf32>
      %jit3A_150 = arith.constant 0.000000e+00 : f32
      %broadcast_in_dim3A_151 = vector.broadcast %jit3A_150 : f32 to vector<16xf32>
      %select_n3A_152 = arith.select %ne3A_101, %sub3A_149, %broadcast_in_dim3A_151 : vector<16xi1>, vector<16xf32>
      %mul3A_153 = arith.mulf %select_n3A_152, %select_n3A_152 : vector<16xf32>
      %add3A_154 = arith.addf %add3A_139, %mul3A_153 : vector<16xf32>
      %mul3A_155 = arith.constant 1.000000e-01 : f32
      %mul3A_156 = vector.broadcast %mul3A_155 : f32 to vector<16xf32>
      %mul3A_157 = arith.mulf %mul3A_156, %select_n3A_152 : vector<16xf32>
      %sub3A_158 = arith.subf %gather3A_147, %mul3A_157 : vector<16xf32>
      tpu.vector_store_idx %arg19[%broadcast_in_dim3A_95, %add3A_146], %sub3A_158 : memref<128x128xf32, #tpu.memory_space<vmem>>[vector<16xi32>, vector<16xi32>], vector<16xf32>,
      %add3A_159 = arith.constant 64 : i32
      %add3A_160 = vector.broadcast %add3A_159 : i32 to vector<16xi32>
      %add3A_161 = arith.addi %add3A_160, %iota3A : vector<16xi32>
      %gather3A_162 = tpu.vector_load_idx %arg18[%broadcast_in_dim3A_95, %add3A_161] : memref<128x128xf32, #tpu.memory_space<vmem>>[vector<16xi32>, vector<16xi32>], vector<16xf32>,
      %gather3A_163 = tpu.vector_load_idx %arg17[%broadcast_in_dim3A_95, %add3A_161] : memref<128x128xf32, #tpu.memory_space<vmem>>[vector<16xi32>, vector<16xi32>], vector<16xf32>,
      %sub3A_164 = arith.subf %gather3A_162, %gather3A_163 : vector<16xf32>
      %jit3A_165 = arith.constant 0.000000e+00 : f32
      %broadcast_in_dim3A_166 = vector.broadcast %jit3A_165 : f32 to vector<16xf32>
      %select_n3A_167 = arith.select %ne3A_101, %sub3A_164, %broadcast_in_dim3A_166 : vector<16xi1>, vector<16xf32>
      %mul3A_168 = arith.mulf %select_n3A_167, %select_n3A_167 : vector<16xf32>
      %add3A_169 = arith.addf %add3A_154, %mul3A_168 : vector<16xf32>
      %mul3A_170 = arith.constant 1.000000e-01 : f32
      %mul3A_171 = vector.broadcast %mul3A_170 : f32 to vector<16xf32>
      %mul3A_172 = arith.mulf %mul3A_171, %select_n3A_167 : vector<16xf32>
      %sub3A_173 = arith.subf %gather3A_162, %mul3A_172 : vector<16xf32>
      tpu.vector_store_idx %arg19[%broadcast_in_dim3A_95, %add3A_161], %sub3A_173 : memref<128x128xf32, #tpu.memory_space<vmem>>[vector<16xi32>, vector<16xi32>], vector<16xf32>,
      %add3A_174 = arith.constant 80 : i32
      %add3A_175 = vector.broadcast %add3A_174 : i32 to vector<16xi32>
      %add3A_176 = arith.addi %add3A_175, %iota3A : vector<16xi32>
      %gather3A_177 = tpu.vector_load_idx %arg18[%broadcast_in_dim3A_95, %add3A_176] : memref<128x128xf32, #tpu.memory_space<vmem>>[vector<16xi32>, vector<16xi32>], vector<16xf32>,
      %gather3A_178 = tpu.vector_load_idx %arg17[%broadcast_in_dim3A_95, %add3A_176] : memref<128x128xf32, #tpu.memory_space<vmem>>[vector<16xi32>, vector<16xi32>], vector<16xf32>,
      %sub3A_179 = arith.subf %gather3A_177, %gather3A_178 : vector<16xf32>
      %jit3A_180 = arith.constant 0.000000e+00 : f32
      %broadcast_in_dim3A_181 = vector.broadcast %jit3A_180 : f32 to vector<16xf32>
      %select_n3A_182 = arith.select %ne3A_101, %sub3A_179, %broadcast_in_dim3A_181 : vector<16xi1>, vector<16xf32>
      %mul3A_183 = arith.mulf %select_n3A_182, %select_n3A_182 : vector<16xf32>
      %add3A_184 = arith.addf %add3A_169, %mul3A_183 : vector<16xf32>
      %mul3A_185 = arith.constant 1.000000e-01 : f32
      %mul3A_186 = vector.broadcast %mul3A_185 : f32 to vector<16xf32>
      %mul3A_187 = arith.mulf %mul3A_186, %select_n3A_182 : vector<16xf32>
      %sub3A_188 = arith.subf %gather3A_177, %mul3A_187 : vector<16xf32>
      tpu.vector_store_idx %arg19[%broadcast_in_dim3A_95, %add3A_176], %sub3A_188 : memref<128x128xf32, #tpu.memory_space<vmem>>[vector<16xi32>, vector<16xi32>], vector<16xf32>,
      %add3A_189 = arith.constant 96 : i32
      %add3A_190 = vector.broadcast %add3A_189 : i32 to vector<16xi32>
      %add3A_191 = arith.addi %add3A_190, %iota3A : vector<16xi32>
      %gather3A_192 = tpu.vector_load_idx %arg18[%broadcast_in_dim3A_95, %add3A_191] : memref<128x128xf32, #tpu.memory_space<vmem>>[vector<16xi32>, vector<16xi32>], vector<16xf32>,
      %gather3A_193 = tpu.vector_load_idx %arg17[%broadcast_in_dim3A_95, %add3A_191] : memref<128x128xf32, #tpu.memory_space<vmem>>[vector<16xi32>, vector<16xi32>], vector<16xf32>,
      %sub3A_194 = arith.subf %gather3A_192, %gather3A_193 : vector<16xf32>
      %jit3A_195 = arith.constant 0.000000e+00 : f32
      %broadcast_in_dim3A_196 = vector.broadcast %jit3A_195 : f32 to vector<16xf32>
      %select_n3A_197 = arith.select %ne3A_101, %sub3A_194, %broadcast_in_dim3A_196 : vector<16xi1>, vector<16xf32>
      %mul3A_198 = arith.mulf %select_n3A_197, %select_n3A_197 : vector<16xf32>
      %add3A_199 = arith.addf %add3A_184, %mul3A_198 : vector<16xf32>
      %mul3A_200 = arith.constant 1.000000e-01 : f32
      %mul3A_201 = vector.broadcast %mul3A_200 : f32 to vector<16xf32>
      %mul3A_202 = arith.mulf %mul3A_201, %select_n3A_197 : vector<16xf32>
      %sub3A_203 = arith.subf %gather3A_192, %mul3A_202 : vector<16xf32>
      tpu.vector_store_idx %arg19[%broadcast_in_dim3A_95, %add3A_191], %sub3A_203 : memref<128x128xf32, #tpu.memory_space<vmem>>[vector<16xi32>, vector<16xi32>], vector<16xf32>,
      %add3A_204 = arith.constant 112 : i32
      %add3A_205 = vector.broadcast %add3A_204 : i32 to vector<16xi32>
      %add3A_206 = arith.addi %add3A_205, %iota3A : vector<16xi32>
      %gather3A_207 = tpu.vector_load_idx %arg18[%broadcast_in_dim3A_95, %add3A_206] : memref<128x128xf32, #tpu.memory_space<vmem>>[vector<16xi32>, vector<16xi32>], vector<16xf32>,
      %gather3A_208 = tpu.vector_load_idx %arg17[%broadcast_in_dim3A_95, %add3A_206] : memref<128x128xf32, #tpu.memory_space<vmem>>[vector<16xi32>, vector<16xi32>], vector<16xf32>,
      %sub3A_209 = arith.subf %gather3A_207, %gather3A_208 : vector<16xf32>
      %jit3A_210 = arith.constant 0.000000e+00 : f32
      %broadcast_in_dim3A_211 = vector.broadcast %jit3A_210 : f32 to vector<16xf32>
      %select_n3A_212 = arith.select %ne3A_101, %sub3A_209, %broadcast_in_dim3A_211 : vector<16xi1>, vector<16xf32>
      %mul3A_213 = arith.mulf %select_n3A_212, %select_n3A_212 : vector<16xf32>
      %add3A_214 = arith.addf %add3A_199, %mul3A_213 : vector<16xf32>
      %mul3A_215 = arith.constant 1.000000e-01 : f32
      %mul3A_216 = vector.broadcast %mul3A_215 : f32 to vector<16xf32>
      %mul3A_217 = arith.mulf %mul3A_216, %select_n3A_212 : vector<16xf32>
      %sub3A_218 = arith.subf %gather3A_207, %mul3A_217 : vector<16xf32>
      tpu.vector_store_idx %arg19[%broadcast_in_dim3A_95, %add3A_206], %sub3A_218 : memref<128x128xf32, #tpu.memory_space<vmem>>[vector<16xi32>, vector<16xi32>], vector<16xf32>,
      scf.yield %add3A_214 : vector<16xf32>
    }
    %scan3A_21 = arith.constant 128 : i32
    "tpu.region"() ({
      %run_scoped3A = tpu.sem_alloc : memref<!tpu.dma_semaphore, #tpu.memory_space<semaphore_mem>>
      %dma_start3A = arith.constant 0 : i32
      %dma_start3A_93 = tpu.memref_slice %arg13[%dma_start3A] : memref<1024xi32, #tpu.memory_space<vmem>> -> memref<128xi32, #tpu.memory_space<vmem>>
      %dma_start3A_94 = arith.constant 0 : i32
      %dma_start3A_95 = arith.constant 0 : i32
      %dma_start3A_96 = tpu.memref_slice %arg7[%dma_start3A_94, %dma_start3A_95] : memref<16384x128xf32, #tpu.memory_space<hbm>> -> memref<16384x128xf32, #tpu.memory_space<hbm>>
      %dma_start3A_97 = arith.constant -1 : i32
      tpu.enqueue_indirect_dma source(%arg19 : memref<128x128xf32, #tpu.memory_space<vmem>>) target(%dma_start3A_96 : memref<16384x128xf32, #tpu.memory_space<hbm>>) offsets(%dma_start3A_93 : memref<128xi32, #tpu.memory_space<vmem>>) offset_filter(%dma_start3A_97) semaphore(%run_scoped3A : memref<!tpu.dma_semaphore, #tpu.memory_space<semaphore_mem>>)
      %dma_wait3A = arith.constant 0 : i32
      %dma_wait3A_98 = tpu.memref_slice %arg13[%dma_wait3A] : memref<1024xi32, #tpu.memory_space<vmem>> -> memref<128xi32, #tpu.memory_space<vmem>>
      %dma_wait3A_99 = arith.constant 0 : i32
      %dma_wait3A_100 = arith.constant 0 : i32
      %dma_wait3A_101 = tpu.memref_slice %arg7[%dma_wait3A_99, %dma_wait3A_100] : memref<16384x128xf32, #tpu.memory_space<hbm>> -> memref<16384x128xf32, #tpu.memory_space<hbm>>
      tpu.wait_indirect_dma semaphore(%run_scoped3A : memref<!tpu.dma_semaphore, #tpu.memory_space<semaphore_mem>>) src(%arg19 : memref<128x128xf32, #tpu.memory_space<vmem>>) dst(%dma_wait3A_101 : memref<16384x128xf32, #tpu.memory_space<hbm>>)
      tpu.yield
    }) : () -> ()
    %add3A_22 = arith.constant 128 : i32
    %add3A_23 = arith.addi %mul3A_0, %add3A_22 : i32
    "tpu.region"() ({
      %run_scoped3A = tpu.sem_alloc : memref<!tpu.dma_semaphore, #tpu.memory_space<semaphore_mem>>
      %dma_start3A = arith.constant 0 : i32
      %dma_start3A_93 = tpu.memref_slice %arg2[%add3A_23, %dma_start3A] : memref<16384x128xf32, #tpu.memory_space<hbm>> -> memref<128x128xf32, #tpu.memory_space<hbm>>
      %dma_start3A_94 = arith.constant 0 : i32
      %dma_start3A_95 = tpu.memref_slice %arg2[%add3A_23, %dma_start3A_94] : memref<16384x128xf32, #tpu.memory_space<hbm>> -> memref<128x128xf32, #tpu.memory_space<hbm>>
      tpu.enqueue_dma source(%dma_start3A_95 : memref<128x128xf32, #tpu.memory_space<hbm>>) target(%arg17 : memref<128x128xf32, #tpu.memory_space<vmem>>) target_semaphore(%run_scoped3A : memref<!tpu.dma_semaphore, #tpu.memory_space<semaphore_mem>>)
      %dma_wait3A = arith.constant 0 : i32
      %dma_wait3A_96 = tpu.memref_slice %arg2[%add3A_23, %dma_wait3A] : memref<16384x128xf32, #tpu.memory_space<hbm>> -> memref<128x128xf32, #tpu.memory_space<hbm>>
      %dma_wait3A_97 = arith.constant 0 : i32
      %dma_wait3A_98 = tpu.memref_slice %arg2[%add3A_23, %dma_wait3A_97] : memref<16384x128xf32, #tpu.memory_space<hbm>> -> memref<128x128xf32, #tpu.memory_space<hbm>>
      tpu.wait_dma2 semaphore(%run_scoped3A : memref<!tpu.dma_semaphore, #tpu.memory_space<semaphore_mem>>) src(%dma_wait3A_98 : memref<128x128xf32, #tpu.memory_space<hbm>>) dst(%arg17 : memref<128x128xf32, #tpu.memory_space<vmem>>)
      tpu.yield
    }) : () -> ()
    "tpu.region"() ({
      %run_scoped3A = tpu.sem_alloc : memref<!tpu.dma_semaphore, #tpu.memory_space<semaphore_mem>>
      %dma_start3A = arith.constant 128 : i32
      %dma_start3A_93 = tpu.memref_slice %arg11[%dma_start3A] : memref<1024xi32, #tpu.memory_space<vmem>> -> memref<128xi32, #tpu.memory_space<vmem>>
      %dma_start3A_94 = arith.constant 0 : i32
      %dma_start3A_95 = arith.constant 0 : i32
      %dma_start3A_96 = tpu.memref_slice %arg4[%dma_start3A_94, %dma_start3A_95] : memref<1000001x128xf32, #tpu.memory_space<hbm>> -> memref<1000001x128xf32, #tpu.memory_space<hbm>>
      %dma_start3A_97 = arith.constant -1 : i32
      tpu.enqueue_indirect_dma source(%dma_start3A_96 : memref<1000001x128xf32, #tpu.memory_space<hbm>>) target(%arg18 : memref<128x128xf32, #tpu.memory_space<vmem>>) offsets(%dma_start3A_93 : memref<128xi32, #tpu.memory_space<vmem>>) offset_filter(%dma_start3A_97) semaphore(%run_scoped3A : memref<!tpu.dma_semaphore, #tpu.memory_space<semaphore_mem>>)
      %dma_wait3A = arith.constant 128 : i32
      %dma_wait3A_98 = tpu.memref_slice %arg11[%dma_wait3A] : memref<1024xi32, #tpu.memory_space<vmem>> -> memref<128xi32, #tpu.memory_space<vmem>>
      %dma_wait3A_99 = arith.constant 0 : i32
      %dma_wait3A_100 = arith.constant 0 : i32
      %dma_wait3A_101 = tpu.memref_slice %arg4[%dma_wait3A_99, %dma_wait3A_100] : memref<1000001x128xf32, #tpu.memory_space<hbm>> -> memref<1000001x128xf32, #tpu.memory_space<hbm>>
      tpu.wait_indirect_dma semaphore(%run_scoped3A : memref<!tpu.dma_semaphore, #tpu.memory_space<semaphore_mem>>) src(%dma_wait3A_101 : memref<1000001x128xf32, #tpu.memory_space<hbm>>) dst(%arg18 : memref<128x128xf32, #tpu.memory_space<vmem>>)
      tpu.yield
    }) : () -> ()
    %scan3A_24 = arith.constant 0 : i32
    %scan3A_25 = arith.constant 128 : i32
    %scan3A_26 = arith.addi %scan3A_24, %scan3A_25 : i32
    %scan3A_27 = arith.constant 1 : i32
    %scan3A_28 = scf.for %scan3A_93 = %scan3A_24 to %scan3A_26 step %scan3A_27 iter_args(%scan3A_94 = %scan3A_20) -> (vector<16xf32>)  : i32 {
      %broadcast_in_dim3A_95 = vector.broadcast %scan3A_93 : i32 to vector<16xi32>
      %broadcast_in_dim3A_96 = arith.constant 128 : i32
      %broadcast_in_dim3A_97 = vector.broadcast %broadcast_in_dim3A_96 : i32 to vector<16xi32>
      %add3A_98 = vector.broadcast %scan3A_93 : i32 to vector<16xi32>
      %add3A_99 = arith.addi %broadcast_in_dim3A_97, %add3A_98 : vector<16xi32>
      %gather3A = tpu.vector_load_idx %arg11[%add3A_99] : memref<1024xi32, #tpu.memory_space<vmem>>[vector<16xi32>], vector<16xi32>,
      %ne3A = arith.constant -1 : i32
      %ne3A_100 = vector.broadcast %ne3A : i32 to vector<16xi32>
      %ne3A_101 = arith.cmpi ne, %gather3A, %ne3A_100 : vector<16xi32>
      %add3A_102 = arith.constant 0 : i32
      %add3A_103 = vector.broadcast %add3A_102 : i32 to vector<16xi32>
      %add3A_104 = arith.addi %add3A_103, %iota3A : vector<16xi32>
      %gather3A_105 = tpu.vector_load_idx %arg18[%broadcast_in_dim3A_95, %add3A_104] : memref<128x128xf32, #tpu.memory_space<vmem>>[vector<16xi32>, vector<16xi32>], vector<16xf32>,
      %gather3A_106 = tpu.vector_load_idx %arg17[%broadcast_in_dim3A_95, %add3A_104] : memref<128x128xf32, #tpu.memory_space<vmem>>[vector<16xi32>, vector<16xi32>], vector<16xf32>,
      %sub3A = arith.subf %gather3A_105, %gather3A_106 : vector<16xf32>
      %jit3A = arith.constant 0.000000e+00 : f32
      %broadcast_in_dim3A_107 = vector.broadcast %jit3A : f32 to vector<16xf32>
      %select_n3A = arith.select %ne3A_101, %sub3A, %broadcast_in_dim3A_107 : vector<16xi1>, vector<16xf32>
      %mul3A_108 = arith.mulf %select_n3A, %select_n3A : vector<16xf32>
      %add3A_109 = arith.addf %scan3A_94, %mul3A_108 : vector<16xf32>
      %mul3A_110 = arith.constant 1.000000e-01 : f32
      %mul3A_111 = vector.broadcast %mul3A_110 : f32 to vector<16xf32>
      %mul3A_112 = arith.mulf %mul3A_111, %select_n3A : vector<16xf32>
      %sub3A_113 = arith.subf %gather3A_105, %mul3A_112 : vector<16xf32>
      tpu.vector_store_idx %arg19[%broadcast_in_dim3A_95, %add3A_104], %sub3A_113 : memref<128x128xf32, #tpu.memory_space<vmem>>[vector<16xi32>, vector<16xi32>], vector<16xf32>,
      %add3A_114 = arith.constant 16 : i32
      %add3A_115 = vector.broadcast %add3A_114 : i32 to vector<16xi32>
      %add3A_116 = arith.addi %add3A_115, %iota3A : vector<16xi32>
      %gather3A_117 = tpu.vector_load_idx %arg18[%broadcast_in_dim3A_95, %add3A_116] : memref<128x128xf32, #tpu.memory_space<vmem>>[vector<16xi32>, vector<16xi32>], vector<16xf32>,
      %gather3A_118 = tpu.vector_load_idx %arg17[%broadcast_in_dim3A_95, %add3A_116] : memref<128x128xf32, #tpu.memory_space<vmem>>[vector<16xi32>, vector<16xi32>], vector<16xf32>,
      %sub3A_119 = arith.subf %gather3A_117, %gather3A_118 : vector<16xf32>
      %jit3A_120 = arith.constant 0.000000e+00 : f32
      %broadcast_in_dim3A_121 = vector.broadcast %jit3A_120 : f32 to vector<16xf32>
      %select_n3A_122 = arith.select %ne3A_101, %sub3A_119, %broadcast_in_dim3A_121 : vector<16xi1>, vector<16xf32>
      %mul3A_123 = arith.mulf %select_n3A_122, %select_n3A_122 : vector<16xf32>
      %add3A_124 = arith.addf %add3A_109, %mul3A_123 : vector<16xf32>
      %mul3A_125 = arith.constant 1.000000e-01 : f32
      %mul3A_126 = vector.broadcast %mul3A_125 : f32 to vector<16xf32>
      %mul3A_127 = arith.mulf %mul3A_126, %select_n3A_122 : vector<16xf32>
      %sub3A_128 = arith.subf %gather3A_117, %mul3A_127 : vector<16xf32>
      tpu.vector_store_idx %arg19[%broadcast_in_dim3A_95, %add3A_116], %sub3A_128 : memref<128x128xf32, #tpu.memory_space<vmem>>[vector<16xi32>, vector<16xi32>], vector<16xf32>,
      %add3A_129 = arith.constant 32 : i32
      %add3A_130 = vector.broadcast %add3A_129 : i32 to vector<16xi32>
      %add3A_131 = arith.addi %add3A_130, %iota3A : vector<16xi32>
      %gather3A_132 = tpu.vector_load_idx %arg18[%broadcast_in_dim3A_95, %add3A_131] : memref<128x128xf32, #tpu.memory_space<vmem>>[vector<16xi32>, vector<16xi32>], vector<16xf32>,
      %gather3A_133 = tpu.vector_load_idx %arg17[%broadcast_in_dim3A_95, %add3A_131] : memref<128x128xf32, #tpu.memory_space<vmem>>[vector<16xi32>, vector<16xi32>], vector<16xf32>,
      %sub3A_134 = arith.subf %gather3A_132, %gather3A_133 : vector<16xf32>
      %jit3A_135 = arith.constant 0.000000e+00 : f32
      %broadcast_in_dim3A_136 = vector.broadcast %jit3A_135 : f32 to vector<16xf32>
      %select_n3A_137 = arith.select %ne3A_101, %sub3A_134, %broadcast_in_dim3A_136 : vector<16xi1>, vector<16xf32>
      %mul3A_138 = arith.mulf %select_n3A_137, %select_n3A_137 : vector<16xf32>
      %add3A_139 = arith.addf %add3A_124, %mul3A_138 : vector<16xf32>
      %mul3A_140 = arith.constant 1.000000e-01 : f32
      %mul3A_141 = vector.broadcast %mul3A_140 : f32 to vector<16xf32>
      %mul3A_142 = arith.mulf %mul3A_141, %select_n3A_137 : vector<16xf32>
      %sub3A_143 = arith.subf %gather3A_132, %mul3A_142 : vector<16xf32>
      tpu.vector_store_idx %arg19[%broadcast_in_dim3A_95, %add3A_131], %sub3A_143 : memref<128x128xf32, #tpu.memory_space<vmem>>[vector<16xi32>, vector<16xi32>], vector<16xf32>,
      %add3A_144 = arith.constant 48 : i32
      %add3A_145 = vector.broadcast %add3A_144 : i32 to vector<16xi32>
      %add3A_146 = arith.addi %add3A_145, %iota3A : vector<16xi32>
      %gather3A_147 = tpu.vector_load_idx %arg18[%broadcast_in_dim3A_95, %add3A_146] : memref<128x128xf32, #tpu.memory_space<vmem>>[vector<16xi32>, vector<16xi32>], vector<16xf32>,
      %gather3A_148 = tpu.vector_load_idx %arg17[%broadcast_in_dim3A_95, %add3A_146] : memref<128x128xf32, #tpu.memory_space<vmem>>[vector<16xi32>, vector<16xi32>], vector<16xf32>,
      %sub3A_149 = arith.subf %gather3A_147, %gather3A_148 : vector<16xf32>
      %jit3A_150 = arith.constant 0.000000e+00 : f32
      %broadcast_in_dim3A_151 = vector.broadcast %jit3A_150 : f32 to vector<16xf32>
      %select_n3A_152 = arith.select %ne3A_101, %sub3A_149, %broadcast_in_dim3A_151 : vector<16xi1>, vector<16xf32>
      %mul3A_153 = arith.mulf %select_n3A_152, %select_n3A_152 : vector<16xf32>
      %add3A_154 = arith.addf %add3A_139, %mul3A_153 : vector<16xf32>
      %mul3A_155 = arith.constant 1.000000e-01 : f32
      %mul3A_156 = vector.broadcast %mul3A_155 : f32 to vector<16xf32>
      %mul3A_157 = arith.mulf %mul3A_156, %select_n3A_152 : vector<16xf32>
      %sub3A_158 = arith.subf %gather3A_147, %mul3A_157 : vector<16xf32>
      tpu.vector_store_idx %arg19[%broadcast_in_dim3A_95, %add3A_146], %sub3A_158 : memref<128x128xf32, #tpu.memory_space<vmem>>[vector<16xi32>, vector<16xi32>], vector<16xf32>,
      %add3A_159 = arith.constant 64 : i32
      %add3A_160 = vector.broadcast %add3A_159 : i32 to vector<16xi32>
      %add3A_161 = arith.addi %add3A_160, %iota3A : vector<16xi32>
      %gather3A_162 = tpu.vector_load_idx %arg18[%broadcast_in_dim3A_95, %add3A_161] : memref<128x128xf32, #tpu.memory_space<vmem>>[vector<16xi32>, vector<16xi32>], vector<16xf32>,
      %gather3A_163 = tpu.vector_load_idx %arg17[%broadcast_in_dim3A_95, %add3A_161] : memref<128x128xf32, #tpu.memory_space<vmem>>[vector<16xi32>, vector<16xi32>], vector<16xf32>,
      %sub3A_164 = arith.subf %gather3A_162, %gather3A_163 : vector<16xf32>
      %jit3A_165 = arith.constant 0.000000e+00 : f32
      %broadcast_in_dim3A_166 = vector.broadcast %jit3A_165 : f32 to vector<16xf32>
      %select_n3A_167 = arith.select %ne3A_101, %sub3A_164, %broadcast_in_dim3A_166 : vector<16xi1>, vector<16xf32>
      %mul3A_168 = arith.mulf %select_n3A_167, %select_n3A_167 : vector<16xf32>
      %add3A_169 = arith.addf %add3A_154, %mul3A_168 : vector<16xf32>
      %mul3A_170 = arith.constant 1.000000e-01 : f32
      %mul3A_171 = vector.broadcast %mul3A_170 : f32 to vector<16xf32>
      %mul3A_172 = arith.mulf %mul3A_171, %select_n3A_167 : vector<16xf32>
      %sub3A_173 = arith.subf %gather3A_162, %mul3A_172 : vector<16xf32>
      tpu.vector_store_idx %arg19[%broadcast_in_dim3A_95, %add3A_161], %sub3A_173 : memref<128x128xf32, #tpu.memory_space<vmem>>[vector<16xi32>, vector<16xi32>], vector<16xf32>,
      %add3A_174 = arith.constant 80 : i32
      %add3A_175 = vector.broadcast %add3A_174 : i32 to vector<16xi32>
      %add3A_176 = arith.addi %add3A_175, %iota3A : vector<16xi32>
      %gather3A_177 = tpu.vector_load_idx %arg18[%broadcast_in_dim3A_95, %add3A_176] : memref<128x128xf32, #tpu.memory_space<vmem>>[vector<16xi32>, vector<16xi32>], vector<16xf32>,
      %gather3A_178 = tpu.vector_load_idx %arg17[%broadcast_in_dim3A_95, %add3A_176] : memref<128x128xf32, #tpu.memory_space<vmem>>[vector<16xi32>, vector<16xi32>], vector<16xf32>,
      %sub3A_179 = arith.subf %gather3A_177, %gather3A_178 : vector<16xf32>
      %jit3A_180 = arith.constant 0.000000e+00 : f32
      %broadcast_in_dim3A_181 = vector.broadcast %jit3A_180 : f32 to vector<16xf32>
      %select_n3A_182 = arith.select %ne3A_101, %sub3A_179, %broadcast_in_dim3A_181 : vector<16xi1>, vector<16xf32>
      %mul3A_183 = arith.mulf %select_n3A_182, %select_n3A_182 : vector<16xf32>
      %add3A_184 = arith.addf %add3A_169, %mul3A_183 : vector<16xf32>
      %mul3A_185 = arith.constant 1.000000e-01 : f32
      %mul3A_186 = vector.broadcast %mul3A_185 : f32 to vector<16xf32>
      %mul3A_187 = arith.mulf %mul3A_186, %select_n3A_182 : vector<16xf32>
      %sub3A_188 = arith.subf %gather3A_177, %mul3A_187 : vector<16xf32>
      tpu.vector_store_idx %arg19[%broadcast_in_dim3A_95, %add3A_176], %sub3A_188 : memref<128x128xf32, #tpu.memory_space<vmem>>[vector<16xi32>, vector<16xi32>], vector<16xf32>,
      %add3A_189 = arith.constant 96 : i32
      %add3A_190 = vector.broadcast %add3A_189 : i32 to vector<16xi32>
      %add3A_191 = arith.addi %add3A_190, %iota3A : vector<16xi32>
      %gather3A_192 = tpu.vector_load_idx %arg18[%broadcast_in_dim3A_95, %add3A_191] : memref<128x128xf32, #tpu.memory_space<vmem>>[vector<16xi32>, vector<16xi32>], vector<16xf32>,
      %gather3A_193 = tpu.vector_load_idx %arg17[%broadcast_in_dim3A_95, %add3A_191] : memref<128x128xf32, #tpu.memory_space<vmem>>[vector<16xi32>, vector<16xi32>], vector<16xf32>,
      %sub3A_194 = arith.subf %gather3A_192, %gather3A_193 : vector<16xf32>
      %jit3A_195 = arith.constant 0.000000e+00 : f32
      %broadcast_in_dim3A_196 = vector.broadcast %jit3A_195 : f32 to vector<16xf32>
      %select_n3A_197 = arith.select %ne3A_101, %sub3A_194, %broadcast_in_dim3A_196 : vector<16xi1>, vector<16xf32>
      %mul3A_198 = arith.mulf %select_n3A_197, %select_n3A_197 : vector<16xf32>
      %add3A_199 = arith.addf %add3A_184, %mul3A_198 : vector<16xf32>
      %mul3A_200 = arith.constant 1.000000e-01 : f32
      %mul3A_201 = vector.broadcast %mul3A_200 : f32 to vector<16xf32>
      %mul3A_202 = arith.mulf %mul3A_201, %select_n3A_197 : vector<16xf32>
      %sub3A_203 = arith.subf %gather3A_192, %mul3A_202 : vector<16xf32>
      tpu.vector_store_idx %arg19[%broadcast_in_dim3A_95, %add3A_191], %sub3A_203 : memref<128x128xf32, #tpu.memory_space<vmem>>[vector<16xi32>, vector<16xi32>], vector<16xf32>,
      %add3A_204 = arith.constant 112 : i32
      %add3A_205 = vector.broadcast %add3A_204 : i32 to vector<16xi32>
      %add3A_206 = arith.addi %add3A_205, %iota3A : vector<16xi32>
      %gather3A_207 = tpu.vector_load_idx %arg18[%broadcast_in_dim3A_95, %add3A_206] : memref<128x128xf32, #tpu.memory_space<vmem>>[vector<16xi32>, vector<16xi32>], vector<16xf32>,
      %gather3A_208 = tpu.vector_load_idx %arg17[%broadcast_in_dim3A_95, %add3A_206] : memref<128x128xf32, #tpu.memory_space<vmem>>[vector<16xi32>, vector<16xi32>], vector<16xf32>,
      %sub3A_209 = arith.subf %gather3A_207, %gather3A_208 : vector<16xf32>
      %jit3A_210 = arith.constant 0.000000e+00 : f32
      %broadcast_in_dim3A_211 = vector.broadcast %jit3A_210 : f32 to vector<16xf32>
      %select_n3A_212 = arith.select %ne3A_101, %sub3A_209, %broadcast_in_dim3A_211 : vector<16xi1>, vector<16xf32>
      %mul3A_213 = arith.mulf %select_n3A_212, %select_n3A_212 : vector<16xf32>
      %add3A_214 = arith.addf %add3A_199, %mul3A_213 : vector<16xf32>
      %mul3A_215 = arith.constant 1.000000e-01 : f32
      %mul3A_216 = vector.broadcast %mul3A_215 : f32 to vector<16xf32>
      %mul3A_217 = arith.mulf %mul3A_216, %select_n3A_212 : vector<16xf32>
      %sub3A_218 = arith.subf %gather3A_207, %mul3A_217 : vector<16xf32>
      tpu.vector_store_idx %arg19[%broadcast_in_dim3A_95, %add3A_206], %sub3A_218 : memref<128x128xf32, #tpu.memory_space<vmem>>[vector<16xi32>, vector<16xi32>], vector<16xf32>,
      scf.yield %add3A_214 : vector<16xf32>
    }
    %scan3A_29 = arith.constant 128 : i32
    "tpu.region"() ({
      %run_scoped3A = tpu.sem_alloc : memref<!tpu.dma_semaphore, #tpu.memory_space<semaphore_mem>>
      %dma_start3A = arith.constant 128 : i32
      %dma_start3A_93 = tpu.memref_slice %arg13[%dma_start3A] : memref<1024xi32, #tpu.memory_space<vmem>> -> memref<128xi32, #tpu.memory_space<vmem>>
      %dma_start3A_94 = arith.constant 0 : i32
      %dma_start3A_95 = arith.constant 0 : i32
      %dma_start3A_96 = tpu.memref_slice %arg7[%dma_start3A_94, %dma_start3A_95] : memref<16384x128xf32, #tpu.memory_space<hbm>> -> memref<16384x128xf32, #tpu.memory_space<hbm>>
      %dma_start3A_97 = arith.constant -1 : i32
      tpu.enqueue_indirect_dma source(%arg19 : memref<128x128xf32, #tpu.memory_space<vmem>>) target(%dma_start3A_96 : memref<16384x128xf32, #tpu.memory_space<hbm>>) offsets(%dma_start3A_93 : memref<128xi32, #tpu.memory_space<vmem>>) offset_filter(%dma_start3A_97) semaphore(%run_scoped3A : memref<!tpu.dma_semaphore, #tpu.memory_space<semaphore_mem>>)
      %dma_wait3A = arith.constant 128 : i32
      %dma_wait3A_98 = tpu.memref_slice %arg13[%dma_wait3A] : memref<1024xi32, #tpu.memory_space<vmem>> -> memref<128xi32, #tpu.memory_space<vmem>>
      %dma_wait3A_99 = arith.constant 0 : i32
      %dma_wait3A_100 = arith.constant 0 : i32
      %dma_wait3A_101 = tpu.memref_slice %arg7[%dma_wait3A_99, %dma_wait3A_100] : memref<16384x128xf32, #tpu.memory_space<hbm>> -> memref<16384x128xf32, #tpu.memory_space<hbm>>
      tpu.wait_indirect_dma semaphore(%run_scoped3A : memref<!tpu.dma_semaphore, #tpu.memory_space<semaphore_mem>>) src(%arg19 : memref<128x128xf32, #tpu.memory_space<vmem>>) dst(%dma_wait3A_101 : memref<16384x128xf32, #tpu.memory_space<hbm>>)
      tpu.yield
    }) : () -> ()
    %add3A_30 = arith.constant 256 : i32
    %add3A_31 = arith.addi %mul3A_0, %add3A_30 : i32
    "tpu.region"() ({
      %run_scoped3A = tpu.sem_alloc : memref<!tpu.dma_semaphore, #tpu.memory_space<semaphore_mem>>
      %dma_start3A = arith.constant 0 : i32
      %dma_start3A_93 = tpu.memref_slice %arg2[%add3A_31, %dma_start3A] : memref<16384x128xf32, #tpu.memory_space<hbm>> -> memref<128x128xf32, #tpu.memory_space<hbm>>
      %dma_start3A_94 = arith.constant 0 : i32
      %dma_start3A_95 = tpu.memref_slice %arg2[%add3A_31, %dma_start3A_94] : memref<16384x128xf32, #tpu.memory_space<hbm>> -> memref<128x128xf32, #tpu.memory_space<hbm>>
      tpu.enqueue_dma source(%dma_start3A_95 : memref<128x128xf32, #tpu.memory_space<hbm>>) target(%arg17 : memref<128x128xf32, #tpu.memory_space<vmem>>) target_semaphore(%run_scoped3A : memref<!tpu.dma_semaphore, #tpu.memory_space<semaphore_mem>>)
      %dma_wait3A = arith.constant 0 : i32
      %dma_wait3A_96 = tpu.memref_slice %arg2[%add3A_31, %dma_wait3A] : memref<16384x128xf32, #tpu.memory_space<hbm>> -> memref<128x128xf32, #tpu.memory_space<hbm>>
      %dma_wait3A_97 = arith.constant 0 : i32
      %dma_wait3A_98 = tpu.memref_slice %arg2[%add3A_31, %dma_wait3A_97] : memref<16384x128xf32, #tpu.memory_space<hbm>> -> memref<128x128xf32, #tpu.memory_space<hbm>>
      tpu.wait_dma2 semaphore(%run_scoped3A : memref<!tpu.dma_semaphore, #tpu.memory_space<semaphore_mem>>) src(%dma_wait3A_98 : memref<128x128xf32, #tpu.memory_space<hbm>>) dst(%arg17 : memref<128x128xf32, #tpu.memory_space<vmem>>)
      tpu.yield
    }) : () -> ()
    "tpu.region"() ({
      %run_scoped3A = tpu.sem_alloc : memref<!tpu.dma_semaphore, #tpu.memory_space<semaphore_mem>>
      %dma_start3A = arith.constant 256 : i32
      %dma_start3A_93 = tpu.memref_slice %arg11[%dma_start3A] : memref<1024xi32, #tpu.memory_space<vmem>> -> memref<128xi32, #tpu.memory_space<vmem>>
      %dma_start3A_94 = arith.constant 0 : i32
      %dma_start3A_95 = arith.constant 0 : i32
      %dma_start3A_96 = tpu.memref_slice %arg4[%dma_start3A_94, %dma_start3A_95] : memref<1000001x128xf32, #tpu.memory_space<hbm>> -> memref<1000001x128xf32, #tpu.memory_space<hbm>>
      %dma_start3A_97 = arith.constant -1 : i32
      tpu.enqueue_indirect_dma source(%dma_start3A_96 : memref<1000001x128xf32, #tpu.memory_space<hbm>>) target(%arg18 : memref<128x128xf32, #tpu.memory_space<vmem>>) offsets(%dma_start3A_93 : memref<128xi32, #tpu.memory_space<vmem>>) offset_filter(%dma_start3A_97) semaphore(%run_scoped3A : memref<!tpu.dma_semaphore, #tpu.memory_space<semaphore_mem>>)
      %dma_wait3A = arith.constant 256 : i32
      %dma_wait3A_98 = tpu.memref_slice %arg11[%dma_wait3A] : memref<1024xi32, #tpu.memory_space<vmem>> -> memref<128xi32, #tpu.memory_space<vmem>>
      %dma_wait3A_99 = arith.constant 0 : i32
      %dma_wait3A_100 = arith.constant 0 : i32
      %dma_wait3A_101 = tpu.memref_slice %arg4[%dma_wait3A_99, %dma_wait3A_100] : memref<1000001x128xf32, #tpu.memory_space<hbm>> -> memref<1000001x128xf32, #tpu.memory_space<hbm>>
      tpu.wait_indirect_dma semaphore(%run_scoped3A : memref<!tpu.dma_semaphore, #tpu.memory_space<semaphore_mem>>) src(%dma_wait3A_101 : memref<1000001x128xf32, #tpu.memory_space<hbm>>) dst(%arg18 : memref<128x128xf32, #tpu.memory_space<vmem>>)
      tpu.yield
    }) : () -> ()
    %scan3A_32 = arith.constant 0 : i32
    %scan3A_33 = arith.constant 128 : i32
    %scan3A_34 = arith.addi %scan3A_32, %scan3A_33 : i32
    %scan3A_35 = arith.constant 1 : i32
    %scan3A_36 = scf.for %scan3A_93 = %scan3A_32 to %scan3A_34 step %scan3A_35 iter_args(%scan3A_94 = %scan3A_28) -> (vector<16xf32>)  : i32 {
      %broadcast_in_dim3A_95 = vector.broadcast %scan3A_93 : i32 to vector<16xi32>
      %broadcast_in_dim3A_96 = arith.constant 256 : i32
      %broadcast_in_dim3A_97 = vector.broadcast %broadcast_in_dim3A_96 : i32 to vector<16xi32>
      %add3A_98 = vector.broadcast %scan3A_93 : i32 to vector<16xi32>
      %add3A_99 = arith.addi %broadcast_in_dim3A_97, %add3A_98 : vector<16xi32>
      %gather3A = tpu.vector_load_idx %arg11[%add3A_99] : memref<1024xi32, #tpu.memory_space<vmem>>[vector<16xi32>], vector<16xi32>,
      %ne3A = arith.constant -1 : i32
      %ne3A_100 = vector.broadcast %ne3A : i32 to vector<16xi32>
      %ne3A_101 = arith.cmpi ne, %gather3A, %ne3A_100 : vector<16xi32>
      %add3A_102 = arith.constant 0 : i32
      %add3A_103 = vector.broadcast %add3A_102 : i32 to vector<16xi32>
      %add3A_104 = arith.addi %add3A_103, %iota3A : vector<16xi32>
      %gather3A_105 = tpu.vector_load_idx %arg18[%broadcast_in_dim3A_95, %add3A_104] : memref<128x128xf32, #tpu.memory_space<vmem>>[vector<16xi32>, vector<16xi32>], vector<16xf32>,
      %gather3A_106 = tpu.vector_load_idx %arg17[%broadcast_in_dim3A_95, %add3A_104] : memref<128x128xf32, #tpu.memory_space<vmem>>[vector<16xi32>, vector<16xi32>], vector<16xf32>,
      %sub3A = arith.subf %gather3A_105, %gather3A_106 : vector<16xf32>
      %jit3A = arith.constant 0.000000e+00 : f32
      %broadcast_in_dim3A_107 = vector.broadcast %jit3A : f32 to vector<16xf32>
      %select_n3A = arith.select %ne3A_101, %sub3A, %broadcast_in_dim3A_107 : vector<16xi1>, vector<16xf32>
      %mul3A_108 = arith.mulf %select_n3A, %select_n3A : vector<16xf32>
      %add3A_109 = arith.addf %scan3A_94, %mul3A_108 : vector<16xf32>
      %mul3A_110 = arith.constant 1.000000e-01 : f32
      %mul3A_111 = vector.broadcast %mul3A_110 : f32 to vector<16xf32>
      %mul3A_112 = arith.mulf %mul3A_111, %select_n3A : vector<16xf32>
      %sub3A_113 = arith.subf %gather3A_105, %mul3A_112 : vector<16xf32>
      tpu.vector_store_idx %arg19[%broadcast_in_dim3A_95, %add3A_104], %sub3A_113 : memref<128x128xf32, #tpu.memory_space<vmem>>[vector<16xi32>, vector<16xi32>], vector<16xf32>,
      %add3A_114 = arith.constant 16 : i32
      %add3A_115 = vector.broadcast %add3A_114 : i32 to vector<16xi32>
      %add3A_116 = arith.addi %add3A_115, %iota3A : vector<16xi32>
      %gather3A_117 = tpu.vector_load_idx %arg18[%broadcast_in_dim3A_95, %add3A_116] : memref<128x128xf32, #tpu.memory_space<vmem>>[vector<16xi32>, vector<16xi32>], vector<16xf32>,
      %gather3A_118 = tpu.vector_load_idx %arg17[%broadcast_in_dim3A_95, %add3A_116] : memref<128x128xf32, #tpu.memory_space<vmem>>[vector<16xi32>, vector<16xi32>], vector<16xf32>,
      %sub3A_119 = arith.subf %gather3A_117, %gather3A_118 : vector<16xf32>
      %jit3A_120 = arith.constant 0.000000e+00 : f32
      %broadcast_in_dim3A_121 = vector.broadcast %jit3A_120 : f32 to vector<16xf32>
      %select_n3A_122 = arith.select %ne3A_101, %sub3A_119, %broadcast_in_dim3A_121 : vector<16xi1>, vector<16xf32>
      %mul3A_123 = arith.mulf %select_n3A_122, %select_n3A_122 : vector<16xf32>
      %add3A_124 = arith.addf %add3A_109, %mul3A_123 : vector<16xf32>
      %mul3A_125 = arith.constant 1.000000e-01 : f32
      %mul3A_126 = vector.broadcast %mul3A_125 : f32 to vector<16xf32>
      %mul3A_127 = arith.mulf %mul3A_126, %select_n3A_122 : vector<16xf32>
      %sub3A_128 = arith.subf %gather3A_117, %mul3A_127 : vector<16xf32>
      tpu.vector_store_idx %arg19[%broadcast_in_dim3A_95, %add3A_116], %sub3A_128 : memref<128x128xf32, #tpu.memory_space<vmem>>[vector<16xi32>, vector<16xi32>], vector<16xf32>,
      %add3A_129 = arith.constant 32 : i32
      %add3A_130 = vector.broadcast %add3A_129 : i32 to vector<16xi32>
      %add3A_131 = arith.addi %add3A_130, %iota3A : vector<16xi32>
      %gather3A_132 = tpu.vector_load_idx %arg18[%broadcast_in_dim3A_95, %add3A_131] : memref<128x128xf32, #tpu.memory_space<vmem>>[vector<16xi32>, vector<16xi32>], vector<16xf32>,
      %gather3A_133 = tpu.vector_load_idx %arg17[%broadcast_in_dim3A_95, %add3A_131] : memref<128x128xf32, #tpu.memory_space<vmem>>[vector<16xi32>, vector<16xi32>], vector<16xf32>,
      %sub3A_134 = arith.subf %gather3A_132, %gather3A_133 : vector<16xf32>
      %jit3A_135 = arith.constant 0.000000e+00 : f32
      %broadcast_in_dim3A_136 = vector.broadcast %jit3A_135 : f32 to vector<16xf32>
      %select_n3A_137 = arith.select %ne3A_101, %sub3A_134, %broadcast_in_dim3A_136 : vector<16xi1>, vector<16xf32>
      %mul3A_138 = arith.mulf %select_n3A_137, %select_n3A_137 : vector<16xf32>
      %add3A_139 = arith.addf %add3A_124, %mul3A_138 : vector<16xf32>
      %mul3A_140 = arith.constant 1.000000e-01 : f32
      %mul3A_141 = vector.broadcast %mul3A_140 : f32 to vector<16xf32>
      %mul3A_142 = arith.mulf %mul3A_141, %select_n3A_137 : vector<16xf32>
      %sub3A_143 = arith.subf %gather3A_132, %mul3A_142 : vector<16xf32>
      tpu.vector_store_idx %arg19[%broadcast_in_dim3A_95, %add3A_131], %sub3A_143 : memref<128x128xf32, #tpu.memory_space<vmem>>[vector<16xi32>, vector<16xi32>], vector<16xf32>,
      %add3A_144 = arith.constant 48 : i32
      %add3A_145 = vector.broadcast %add3A_144 : i32 to vector<16xi32>
      %add3A_146 = arith.addi %add3A_145, %iota3A : vector<16xi32>
      %gather3A_147 = tpu.vector_load_idx %arg18[%broadcast_in_dim3A_95, %add3A_146] : memref<128x128xf32, #tpu.memory_space<vmem>>[vector<16xi32>, vector<16xi32>], vector<16xf32>,
      %gather3A_148 = tpu.vector_load_idx %arg17[%broadcast_in_dim3A_95, %add3A_146] : memref<128x128xf32, #tpu.memory_space<vmem>>[vector<16xi32>, vector<16xi32>], vector<16xf32>,
      %sub3A_149 = arith.subf %gather3A_147, %gather3A_148 : vector<16xf32>
      %jit3A_150 = arith.constant 0.000000e+00 : f32
      %broadcast_in_dim3A_151 = vector.broadcast %jit3A_150 : f32 to vector<16xf32>
      %select_n3A_152 = arith.select %ne3A_101, %sub3A_149, %broadcast_in_dim3A_151 : vector<16xi1>, vector<16xf32>
      %mul3A_153 = arith.mulf %select_n3A_152, %select_n3A_152 : vector<16xf32>
      %add3A_154 = arith.addf %add3A_139, %mul3A_153 : vector<16xf32>
      %mul3A_155 = arith.constant 1.000000e-01 : f32
      %mul3A_156 = vector.broadcast %mul3A_155 : f32 to vector<16xf32>
      %mul3A_157 = arith.mulf %mul3A_156, %select_n3A_152 : vector<16xf32>
      %sub3A_158 = arith.subf %gather3A_147, %mul3A_157 : vector<16xf32>
      tpu.vector_store_idx %arg19[%broadcast_in_dim3A_95, %add3A_146], %sub3A_158 : memref<128x128xf32, #tpu.memory_space<vmem>>[vector<16xi32>, vector<16xi32>], vector<16xf32>,
      %add3A_159 = arith.constant 64 : i32
      %add3A_160 = vector.broadcast %add3A_159 : i32 to vector<16xi32>
      %add3A_161 = arith.addi %add3A_160, %iota3A : vector<16xi32>
      %gather3A_162 = tpu.vector_load_idx %arg18[%broadcast_in_dim3A_95, %add3A_161] : memref<128x128xf32, #tpu.memory_space<vmem>>[vector<16xi32>, vector<16xi32>], vector<16xf32>,
      %gather3A_163 = tpu.vector_load_idx %arg17[%broadcast_in_dim3A_95, %add3A_161] : memref<128x128xf32, #tpu.memory_space<vmem>>[vector<16xi32>, vector<16xi32>], vector<16xf32>,
      %sub3A_164 = arith.subf %gather3A_162, %gather3A_163 : vector<16xf32>
      %jit3A_165 = arith.constant 0.000000e+00 : f32
      %broadcast_in_dim3A_166 = vector.broadcast %jit3A_165 : f32 to vector<16xf32>
      %select_n3A_167 = arith.select %ne3A_101, %sub3A_164, %broadcast_in_dim3A_166 : vector<16xi1>, vector<16xf32>
      %mul3A_168 = arith.mulf %select_n3A_167, %select_n3A_167 : vector<16xf32>
      %add3A_169 = arith.addf %add3A_154, %mul3A_168 : vector<16xf32>
      %mul3A_170 = arith.constant 1.000000e-01 : f32
      %mul3A_171 = vector.broadcast %mul3A_170 : f32 to vector<16xf32>
      %mul3A_172 = arith.mulf %mul3A_171, %select_n3A_167 : vector<16xf32>
      %sub3A_173 = arith.subf %gather3A_162, %mul3A_172 : vector<16xf32>
      tpu.vector_store_idx %arg19[%broadcast_in_dim3A_95, %add3A_161], %sub3A_173 : memref<128x128xf32, #tpu.memory_space<vmem>>[vector<16xi32>, vector<16xi32>], vector<16xf32>,
      %add3A_174 = arith.constant 80 : i32
      %add3A_175 = vector.broadcast %add3A_174 : i32 to vector<16xi32>
      %add3A_176 = arith.addi %add3A_175, %iota3A : vector<16xi32>
      %gather3A_177 = tpu.vector_load_idx %arg18[%broadcast_in_dim3A_95, %add3A_176] : memref<128x128xf32, #tpu.memory_space<vmem>>[vector<16xi32>, vector<16xi32>], vector<16xf32>,
      %gather3A_178 = tpu.vector_load_idx %arg17[%broadcast_in_dim3A_95, %add3A_176] : memref<128x128xf32, #tpu.memory_space<vmem>>[vector<16xi32>, vector<16xi32>], vector<16xf32>,
      %sub3A_179 = arith.subf %gather3A_177, %gather3A_178 : vector<16xf32>
      %jit3A_180 = arith.constant 0.000000e+00 : f32
      %broadcast_in_dim3A_181 = vector.broadcast %jit3A_180 : f32 to vector<16xf32>
      %select_n3A_182 = arith.select %ne3A_101, %sub3A_179, %broadcast_in_dim3A_181 : vector<16xi1>, vector<16xf32>
      %mul3A_183 = arith.mulf %select_n3A_182, %select_n3A_182 : vector<16xf32>
      %add3A_184 = arith.addf %add3A_169, %mul3A_183 : vector<16xf32>
      %mul3A_185 = arith.constant 1.000000e-01 : f32
      %mul3A_186 = vector.broadcast %mul3A_185 : f32 to vector<16xf32>
      %mul3A_187 = arith.mulf %mul3A_186, %select_n3A_182 : vector<16xf32>
      %sub3A_188 = arith.subf %gather3A_177, %mul3A_187 : vector<16xf32>
      tpu.vector_store_idx %arg19[%broadcast_in_dim3A_95, %add3A_176], %sub3A_188 : memref<128x128xf32, #tpu.memory_space<vmem>>[vector<16xi32>, vector<16xi32>], vector<16xf32>,
      %add3A_189 = arith.constant 96 : i32
      %add3A_190 = vector.broadcast %add3A_189 : i32 to vector<16xi32>
      %add3A_191 = arith.addi %add3A_190, %iota3A : vector<16xi32>
      %gather3A_192 = tpu.vector_load_idx %arg18[%broadcast_in_dim3A_95, %add3A_191] : memref<128x128xf32, #tpu.memory_space<vmem>>[vector<16xi32>, vector<16xi32>], vector<16xf32>,
      %gather3A_193 = tpu.vector_load_idx %arg17[%broadcast_in_dim3A_95, %add3A_191] : memref<128x128xf32, #tpu.memory_space<vmem>>[vector<16xi32>, vector<16xi32>], vector<16xf32>,
      %sub3A_194 = arith.subf %gather3A_192, %gather3A_193 : vector<16xf32>
      %jit3A_195 = arith.constant 0.000000e+00 : f32
      %broadcast_in_dim3A_196 = vector.broadcast %jit3A_195 : f32 to vector<16xf32>
      %select_n3A_197 = arith.select %ne3A_101, %sub3A_194, %broadcast_in_dim3A_196 : vector<16xi1>, vector<16xf32>
      %mul3A_198 = arith.mulf %select_n3A_197, %select_n3A_197 : vector<16xf32>
      %add3A_199 = arith.addf %add3A_184, %mul3A_198 : vector<16xf32>
      %mul3A_200 = arith.constant 1.000000e-01 : f32
      %mul3A_201 = vector.broadcast %mul3A_200 : f32 to vector<16xf32>
      %mul3A_202 = arith.mulf %mul3A_201, %select_n3A_197 : vector<16xf32>
      %sub3A_203 = arith.subf %gather3A_192, %mul3A_202 : vector<16xf32>
      tpu.vector_store_idx %arg19[%broadcast_in_dim3A_95, %add3A_191], %sub3A_203 : memref<128x128xf32, #tpu.memory_space<vmem>>[vector<16xi32>, vector<16xi32>], vector<16xf32>,
      %add3A_204 = arith.constant 112 : i32
      %add3A_205 = vector.broadcast %add3A_204 : i32 to vector<16xi32>
      %add3A_206 = arith.addi %add3A_205, %iota3A : vector<16xi32>
      %gather3A_207 = tpu.vector_load_idx %arg18[%broadcast_in_dim3A_95, %add3A_206] : memref<128x128xf32, #tpu.memory_space<vmem>>[vector<16xi32>, vector<16xi32>], vector<16xf32>,
      %gather3A_208 = tpu.vector_load_idx %arg17[%broadcast_in_dim3A_95, %add3A_206] : memref<128x128xf32, #tpu.memory_space<vmem>>[vector<16xi32>, vector<16xi32>], vector<16xf32>,
      %sub3A_209 = arith.subf %gather3A_207, %gather3A_208 : vector<16xf32>
      %jit3A_210 = arith.constant 0.000000e+00 : f32
      %broadcast_in_dim3A_211 = vector.broadcast %jit3A_210 : f32 to vector<16xf32>
      %select_n3A_212 = arith.select %ne3A_101, %sub3A_209, %broadcast_in_dim3A_211 : vector<16xi1>, vector<16xf32>
      %mul3A_213 = arith.mulf %select_n3A_212, %select_n3A_212 : vector<16xf32>
      %add3A_214 = arith.addf %add3A_199, %mul3A_213 : vector<16xf32>
      %mul3A_215 = arith.constant 1.000000e-01 : f32
      %mul3A_216 = vector.broadcast %mul3A_215 : f32 to vector<16xf32>
      %mul3A_217 = arith.mulf %mul3A_216, %select_n3A_212 : vector<16xf32>
      %sub3A_218 = arith.subf %gather3A_207, %mul3A_217 : vector<16xf32>
      tpu.vector_store_idx %arg19[%broadcast_in_dim3A_95, %add3A_206], %sub3A_218 : memref<128x128xf32, #tpu.memory_space<vmem>>[vector<16xi32>, vector<16xi32>], vector<16xf32>,
      scf.yield %add3A_214 : vector<16xf32>
    }
    %scan3A_37 = arith.constant 128 : i32
    "tpu.region"() ({
      %run_scoped3A = tpu.sem_alloc : memref<!tpu.dma_semaphore, #tpu.memory_space<semaphore_mem>>
      %dma_start3A = arith.constant 256 : i32
      %dma_start3A_93 = tpu.memref_slice %arg13[%dma_start3A] : memref<1024xi32, #tpu.memory_space<vmem>> -> memref<128xi32, #tpu.memory_space<vmem>>
      %dma_start3A_94 = arith.constant 0 : i32
      %dma_start3A_95 = arith.constant 0 : i32
      %dma_start3A_96 = tpu.memref_slice %arg7[%dma_start3A_94, %dma_start3A_95] : memref<16384x128xf32, #tpu.memory_space<hbm>> -> memref<16384x128xf32, #tpu.memory_space<hbm>>
      %dma_start3A_97 = arith.constant -1 : i32
      tpu.enqueue_indirect_dma source(%arg19 : memref<128x128xf32, #tpu.memory_space<vmem>>) target(%dma_start3A_96 : memref<16384x128xf32, #tpu.memory_space<hbm>>) offsets(%dma_start3A_93 : memref<128xi32, #tpu.memory_space<vmem>>) offset_filter(%dma_start3A_97) semaphore(%run_scoped3A : memref<!tpu.dma_semaphore, #tpu.memory_space<semaphore_mem>>)
      %dma_wait3A = arith.constant 256 : i32
      %dma_wait3A_98 = tpu.memref_slice %arg13[%dma_wait3A] : memref<1024xi32, #tpu.memory_space<vmem>> -> memref<128xi32, #tpu.memory_space<vmem>>
      %dma_wait3A_99 = arith.constant 0 : i32
      %dma_wait3A_100 = arith.constant 0 : i32
      %dma_wait3A_101 = tpu.memref_slice %arg7[%dma_wait3A_99, %dma_wait3A_100] : memref<16384x128xf32, #tpu.memory_space<hbm>> -> memref<16384x128xf32, #tpu.memory_space<hbm>>
      tpu.wait_indirect_dma semaphore(%run_scoped3A : memref<!tpu.dma_semaphore, #tpu.memory_space<semaphore_mem>>) src(%arg19 : memref<128x128xf32, #tpu.memory_space<vmem>>) dst(%dma_wait3A_101 : memref<16384x128xf32, #tpu.memory_space<hbm>>)
      tpu.yield
    }) : () -> ()
    %add3A_38 = arith.constant 384 : i32
    %add3A_39 = arith.addi %mul3A_0, %add3A_38 : i32
    "tpu.region"() ({
      %run_scoped3A = tpu.sem_alloc : memref<!tpu.dma_semaphore, #tpu.memory_space<semaphore_mem>>
      %dma_start3A = arith.constant 0 : i32
      %dma_start3A_93 = tpu.memref_slice %arg2[%add3A_39, %dma_start3A] : memref<16384x128xf32, #tpu.memory_space<hbm>> -> memref<128x128xf32, #tpu.memory_space<hbm>>
      %dma_start3A_94 = arith.constant 0 : i32
      %dma_start3A_95 = tpu.memref_slice %arg2[%add3A_39, %dma_start3A_94] : memref<16384x128xf32, #tpu.memory_space<hbm>> -> memref<128x128xf32, #tpu.memory_space<hbm>>
      tpu.enqueue_dma source(%dma_start3A_95 : memref<128x128xf32, #tpu.memory_space<hbm>>) target(%arg17 : memref<128x128xf32, #tpu.memory_space<vmem>>) target_semaphore(%run_scoped3A : memref<!tpu.dma_semaphore, #tpu.memory_space<semaphore_mem>>)
      %dma_wait3A = arith.constant 0 : i32
      %dma_wait3A_96 = tpu.memref_slice %arg2[%add3A_39, %dma_wait3A] : memref<16384x128xf32, #tpu.memory_space<hbm>> -> memref<128x128xf32, #tpu.memory_space<hbm>>
      %dma_wait3A_97 = arith.constant 0 : i32
      %dma_wait3A_98 = tpu.memref_slice %arg2[%add3A_39, %dma_wait3A_97] : memref<16384x128xf32, #tpu.memory_space<hbm>> -> memref<128x128xf32, #tpu.memory_space<hbm>>
      tpu.wait_dma2 semaphore(%run_scoped3A : memref<!tpu.dma_semaphore, #tpu.memory_space<semaphore_mem>>) src(%dma_wait3A_98 : memref<128x128xf32, #tpu.memory_space<hbm>>) dst(%arg17 : memref<128x128xf32, #tpu.memory_space<vmem>>)
      tpu.yield
    }) : () -> ()
    "tpu.region"() ({
      %run_scoped3A = tpu.sem_alloc : memref<!tpu.dma_semaphore, #tpu.memory_space<semaphore_mem>>
      %dma_start3A = arith.constant 384 : i32
      %dma_start3A_93 = tpu.memref_slice %arg11[%dma_start3A] : memref<1024xi32, #tpu.memory_space<vmem>> -> memref<128xi32, #tpu.memory_space<vmem>>
      %dma_start3A_94 = arith.constant 0 : i32
      %dma_start3A_95 = arith.constant 0 : i32
      %dma_start3A_96 = tpu.memref_slice %arg4[%dma_start3A_94, %dma_start3A_95] : memref<1000001x128xf32, #tpu.memory_space<hbm>> -> memref<1000001x128xf32, #tpu.memory_space<hbm>>
      %dma_start3A_97 = arith.constant -1 : i32
      tpu.enqueue_indirect_dma source(%dma_start3A_96 : memref<1000001x128xf32, #tpu.memory_space<hbm>>) target(%arg18 : memref<128x128xf32, #tpu.memory_space<vmem>>) offsets(%dma_start3A_93 : memref<128xi32, #tpu.memory_space<vmem>>) offset_filter(%dma_start3A_97) semaphore(%run_scoped3A : memref<!tpu.dma_semaphore, #tpu.memory_space<semaphore_mem>>)
      %dma_wait3A = arith.constant 384 : i32
      %dma_wait3A_98 = tpu.memref_slice %arg11[%dma_wait3A] : memref<1024xi32, #tpu.memory_space<vmem>> -> memref<128xi32, #tpu.memory_space<vmem>>
      %dma_wait3A_99 = arith.constant 0 : i32
      %dma_wait3A_100 = arith.constant 0 : i32
      %dma_wait3A_101 = tpu.memref_slice %arg4[%dma_wait3A_99, %dma_wait3A_100] : memref<1000001x128xf32, #tpu.memory_space<hbm>> -> memref<1000001x128xf32, #tpu.memory_space<hbm>>
      tpu.wait_indirect_dma semaphore(%run_scoped3A : memref<!tpu.dma_semaphore, #tpu.memory_space<semaphore_mem>>) src(%dma_wait3A_101 : memref<1000001x128xf32, #tpu.memory_space<hbm>>) dst(%arg18 : memref<128x128xf32, #tpu.memory_space<vmem>>)
      tpu.yield
    }) : () -> ()
    %scan3A_40 = arith.constant 0 : i32
    %scan3A_41 = arith.constant 128 : i32
    %scan3A_42 = arith.addi %scan3A_40, %scan3A_41 : i32
    %scan3A_43 = arith.constant 1 : i32
    %scan3A_44 = scf.for %scan3A_93 = %scan3A_40 to %scan3A_42 step %scan3A_43 iter_args(%scan3A_94 = %scan3A_36) -> (vector<16xf32>)  : i32 {
      %broadcast_in_dim3A_95 = vector.broadcast %scan3A_93 : i32 to vector<16xi32>
      %broadcast_in_dim3A_96 = arith.constant 384 : i32
      %broadcast_in_dim3A_97 = vector.broadcast %broadcast_in_dim3A_96 : i32 to vector<16xi32>
      %add3A_98 = vector.broadcast %scan3A_93 : i32 to vector<16xi32>
      %add3A_99 = arith.addi %broadcast_in_dim3A_97, %add3A_98 : vector<16xi32>
      %gather3A = tpu.vector_load_idx %arg11[%add3A_99] : memref<1024xi32, #tpu.memory_space<vmem>>[vector<16xi32>], vector<16xi32>,
      %ne3A = arith.constant -1 : i32
      %ne3A_100 = vector.broadcast %ne3A : i32 to vector<16xi32>
      %ne3A_101 = arith.cmpi ne, %gather3A, %ne3A_100 : vector<16xi32>
      %add3A_102 = arith.constant 0 : i32
      %add3A_103 = vector.broadcast %add3A_102 : i32 to vector<16xi32>
      %add3A_104 = arith.addi %add3A_103, %iota3A : vector<16xi32>
      %gather3A_105 = tpu.vector_load_idx %arg18[%broadcast_in_dim3A_95, %add3A_104] : memref<128x128xf32, #tpu.memory_space<vmem>>[vector<16xi32>, vector<16xi32>], vector<16xf32>,
      %gather3A_106 = tpu.vector_load_idx %arg17[%broadcast_in_dim3A_95, %add3A_104] : memref<128x128xf32, #tpu.memory_space<vmem>>[vector<16xi32>, vector<16xi32>], vector<16xf32>,
      %sub3A = arith.subf %gather3A_105, %gather3A_106 : vector<16xf32>
      %jit3A = arith.constant 0.000000e+00 : f32
      %broadcast_in_dim3A_107 = vector.broadcast %jit3A : f32 to vector<16xf32>
      %select_n3A = arith.select %ne3A_101, %sub3A, %broadcast_in_dim3A_107 : vector<16xi1>, vector<16xf32>
      %mul3A_108 = arith.mulf %select_n3A, %select_n3A : vector<16xf32>
      %add3A_109 = arith.addf %scan3A_94, %mul3A_108 : vector<16xf32>
      %mul3A_110 = arith.constant 1.000000e-01 : f32
      %mul3A_111 = vector.broadcast %mul3A_110 : f32 to vector<16xf32>
      %mul3A_112 = arith.mulf %mul3A_111, %select_n3A : vector<16xf32>
      %sub3A_113 = arith.subf %gather3A_105, %mul3A_112 : vector<16xf32>
      tpu.vector_store_idx %arg19[%broadcast_in_dim3A_95, %add3A_104], %sub3A_113 : memref<128x128xf32, #tpu.memory_space<vmem>>[vector<16xi32>, vector<16xi32>], vector<16xf32>,
      %add3A_114 = arith.constant 16 : i32
      %add3A_115 = vector.broadcast %add3A_114 : i32 to vector<16xi32>
      %add3A_116 = arith.addi %add3A_115, %iota3A : vector<16xi32>
      %gather3A_117 = tpu.vector_load_idx %arg18[%broadcast_in_dim3A_95, %add3A_116] : memref<128x128xf32, #tpu.memory_space<vmem>>[vector<16xi32>, vector<16xi32>], vector<16xf32>,
      %gather3A_118 = tpu.vector_load_idx %arg17[%broadcast_in_dim3A_95, %add3A_116] : memref<128x128xf32, #tpu.memory_space<vmem>>[vector<16xi32>, vector<16xi32>], vector<16xf32>,
      %sub3A_119 = arith.subf %gather3A_117, %gather3A_118 : vector<16xf32>
      %jit3A_120 = arith.constant 0.000000e+00 : f32
      %broadcast_in_dim3A_121 = vector.broadcast %jit3A_120 : f32 to vector<16xf32>
      %select_n3A_122 = arith.select %ne3A_101, %sub3A_119, %broadcast_in_dim3A_121 : vector<16xi1>, vector<16xf32>
      %mul3A_123 = arith.mulf %select_n3A_122, %select_n3A_122 : vector<16xf32>
      %add3A_124 = arith.addf %add3A_109, %mul3A_123 : vector<16xf32>
      %mul3A_125 = arith.constant 1.000000e-01 : f32
      %mul3A_126 = vector.broadcast %mul3A_125 : f32 to vector<16xf32>
      %mul3A_127 = arith.mulf %mul3A_126, %select_n3A_122 : vector<16xf32>
      %sub3A_128 = arith.subf %gather3A_117, %mul3A_127 : vector<16xf32>
      tpu.vector_store_idx %arg19[%broadcast_in_dim3A_95, %add3A_116], %sub3A_128 : memref<128x128xf32, #tpu.memory_space<vmem>>[vector<16xi32>, vector<16xi32>], vector<16xf32>,
      %add3A_129 = arith.constant 32 : i32
      %add3A_130 = vector.broadcast %add3A_129 : i32 to vector<16xi32>
      %add3A_131 = arith.addi %add3A_130, %iota3A : vector<16xi32>
      %gather3A_132 = tpu.vector_load_idx %arg18[%broadcast_in_dim3A_95, %add3A_131] : memref<128x128xf32, #tpu.memory_space<vmem>>[vector<16xi32>, vector<16xi32>], vector<16xf32>,
      %gather3A_133 = tpu.vector_load_idx %arg17[%broadcast_in_dim3A_95, %add3A_131] : memref<128x128xf32, #tpu.memory_space<vmem>>[vector<16xi32>, vector<16xi32>], vector<16xf32>,
      %sub3A_134 = arith.subf %gather3A_132, %gather3A_133 : vector<16xf32>
      %jit3A_135 = arith.constant 0.000000e+00 : f32
      %broadcast_in_dim3A_136 = vector.broadcast %jit3A_135 : f32 to vector<16xf32>
      %select_n3A_137 = arith.select %ne3A_101, %sub3A_134, %broadcast_in_dim3A_136 : vector<16xi1>, vector<16xf32>
      %mul3A_138 = arith.mulf %select_n3A_137, %select_n3A_137 : vector<16xf32>
      %add3A_139 = arith.addf %add3A_124, %mul3A_138 : vector<16xf32>
      %mul3A_140 = arith.constant 1.000000e-01 : f32
      %mul3A_141 = vector.broadcast %mul3A_140 : f32 to vector<16xf32>
      %mul3A_142 = arith.mulf %mul3A_141, %select_n3A_137 : vector<16xf32>
      %sub3A_143 = arith.subf %gather3A_132, %mul3A_142 : vector<16xf32>
      tpu.vector_store_idx %arg19[%broadcast_in_dim3A_95, %add3A_131], %sub3A_143 : memref<128x128xf32, #tpu.memory_space<vmem>>[vector<16xi32>, vector<16xi32>], vector<16xf32>,
      %add3A_144 = arith.constant 48 : i32
      %add3A_145 = vector.broadcast %add3A_144 : i32 to vector<16xi32>
      %add3A_146 = arith.addi %add3A_145, %iota3A : vector<16xi32>
      %gather3A_147 = tpu.vector_load_idx %arg18[%broadcast_in_dim3A_95, %add3A_146] : memref<128x128xf32, #tpu.memory_space<vmem>>[vector<16xi32>, vector<16xi32>], vector<16xf32>,
      %gather3A_148 = tpu.vector_load_idx %arg17[%broadcast_in_dim3A_95, %add3A_146] : memref<128x128xf32, #tpu.memory_space<vmem>>[vector<16xi32>, vector<16xi32>], vector<16xf32>,
      %sub3A_149 = arith.subf %gather3A_147, %gather3A_148 : vector<16xf32>
      %jit3A_150 = arith.constant 0.000000e+00 : f32
      %broadcast_in_dim3A_151 = vector.broadcast %jit3A_150 : f32 to vector<16xf32>
      %select_n3A_152 = arith.select %ne3A_101, %sub3A_149, %broadcast_in_dim3A_151 : vector<16xi1>, vector<16xf32>
      %mul3A_153 = arith.mulf %select_n3A_152, %select_n3A_152 : vector<16xf32>
      %add3A_154 = arith.addf %add3A_139, %mul3A_153 : vector<16xf32>
      %mul3A_155 = arith.constant 1.000000e-01 : f32
      %mul3A_156 = vector.broadcast %mul3A_155 : f32 to vector<16xf32>
      %mul3A_157 = arith.mulf %mul3A_156, %select_n3A_152 : vector<16xf32>
      %sub3A_158 = arith.subf %gather3A_147, %mul3A_157 : vector<16xf32>
      tpu.vector_store_idx %arg19[%broadcast_in_dim3A_95, %add3A_146], %sub3A_158 : memref<128x128xf32, #tpu.memory_space<vmem>>[vector<16xi32>, vector<16xi32>], vector<16xf32>,
      %add3A_159 = arith.constant 64 : i32
      %add3A_160 = vector.broadcast %add3A_159 : i32 to vector<16xi32>
      %add3A_161 = arith.addi %add3A_160, %iota3A : vector<16xi32>
      %gather3A_162 = tpu.vector_load_idx %arg18[%broadcast_in_dim3A_95, %add3A_161] : memref<128x128xf32, #tpu.memory_space<vmem>>[vector<16xi32>, vector<16xi32>], vector<16xf32>,
      %gather3A_163 = tpu.vector_load_idx %arg17[%broadcast_in_dim3A_95, %add3A_161] : memref<128x128xf32, #tpu.memory_space<vmem>>[vector<16xi32>, vector<16xi32>], vector<16xf32>,
      %sub3A_164 = arith.subf %gather3A_162, %gather3A_163 : vector<16xf32>
      %jit3A_165 = arith.constant 0.000000e+00 : f32
      %broadcast_in_dim3A_166 = vector.broadcast %jit3A_165 : f32 to vector<16xf32>
      %select_n3A_167 = arith.select %ne3A_101, %sub3A_164, %broadcast_in_dim3A_166 : vector<16xi1>, vector<16xf32>
      %mul3A_168 = arith.mulf %select_n3A_167, %select_n3A_167 : vector<16xf32>
      %add3A_169 = arith.addf %add3A_154, %mul3A_168 : vector<16xf32>
      %mul3A_170 = arith.constant 1.000000e-01 : f32
      %mul3A_171 = vector.broadcast %mul3A_170 : f32 to vector<16xf32>
      %mul3A_172 = arith.mulf %mul3A_171, %select_n3A_167 : vector<16xf32>
      %sub3A_173 = arith.subf %gather3A_162, %mul3A_172 : vector<16xf32>
      tpu.vector_store_idx %arg19[%broadcast_in_dim3A_95, %add3A_161], %sub3A_173 : memref<128x128xf32, #tpu.memory_space<vmem>>[vector<16xi32>, vector<16xi32>], vector<16xf32>,
      %add3A_174 = arith.constant 80 : i32
      %add3A_175 = vector.broadcast %add3A_174 : i32 to vector<16xi32>
      %add3A_176 = arith.addi %add3A_175, %iota3A : vector<16xi32>
      %gather3A_177 = tpu.vector_load_idx %arg18[%broadcast_in_dim3A_95, %add3A_176] : memref<128x128xf32, #tpu.memory_space<vmem>>[vector<16xi32>, vector<16xi32>], vector<16xf32>,
      %gather3A_178 = tpu.vector_load_idx %arg17[%broadcast_in_dim3A_95, %add3A_176] : memref<128x128xf32, #tpu.memory_space<vmem>>[vector<16xi32>, vector<16xi32>], vector<16xf32>,
      %sub3A_179 = arith.subf %gather3A_177, %gather3A_178 : vector<16xf32>
      %jit3A_180 = arith.constant 0.000000e+00 : f32
      %broadcast_in_dim3A_181 = vector.broadcast %jit3A_180 : f32 to vector<16xf32>
      %select_n3A_182 = arith.select %ne3A_101, %sub3A_179, %broadcast_in_dim3A_181 : vector<16xi1>, vector<16xf32>
      %mul3A_183 = arith.mulf %select_n3A_182, %select_n3A_182 : vector<16xf32>
      %add3A_184 = arith.addf %add3A_169, %mul3A_183 : vector<16xf32>
      %mul3A_185 = arith.constant 1.000000e-01 : f32
      %mul3A_186 = vector.broadcast %mul3A_185 : f32 to vector<16xf32>
      %mul3A_187 = arith.mulf %mul3A_186, %select_n3A_182 : vector<16xf32>
      %sub3A_188 = arith.subf %gather3A_177, %mul3A_187 : vector<16xf32>
      tpu.vector_store_idx %arg19[%broadcast_in_dim3A_95, %add3A_176], %sub3A_188 : memref<128x128xf32, #tpu.memory_space<vmem>>[vector<16xi32>, vector<16xi32>], vector<16xf32>,
      %add3A_189 = arith.constant 96 : i32
      %add3A_190 = vector.broadcast %add3A_189 : i32 to vector<16xi32>
      %add3A_191 = arith.addi %add3A_190, %iota3A : vector<16xi32>
      %gather3A_192 = tpu.vector_load_idx %arg18[%broadcast_in_dim3A_95, %add3A_191] : memref<128x128xf32, #tpu.memory_space<vmem>>[vector<16xi32>, vector<16xi32>], vector<16xf32>,
      %gather3A_193 = tpu.vector_load_idx %arg17[%broadcast_in_dim3A_95, %add3A_191] : memref<128x128xf32, #tpu.memory_space<vmem>>[vector<16xi32>, vector<16xi32>], vector<16xf32>,
      %sub3A_194 = arith.subf %gather3A_192, %gather3A_193 : vector<16xf32>
      %jit3A_195 = arith.constant 0.000000e+00 : f32
      %broadcast_in_dim3A_196 = vector.broadcast %jit3A_195 : f32 to vector<16xf32>
      %select_n3A_197 = arith.select %ne3A_101, %sub3A_194, %broadcast_in_dim3A_196 : vector<16xi1>, vector<16xf32>
      %mul3A_198 = arith.mulf %select_n3A_197, %select_n3A_197 : vector<16xf32>
      %add3A_199 = arith.addf %add3A_184, %mul3A_198 : vector<16xf32>
      %mul3A_200 = arith.constant 1.000000e-01 : f32
      %mul3A_201 = vector.broadcast %mul3A_200 : f32 to vector<16xf32>
      %mul3A_202 = arith.mulf %mul3A_201, %select_n3A_197 : vector<16xf32>
      %sub3A_203 = arith.subf %gather3A_192, %mul3A_202 : vector<16xf32>
      tpu.vector_store_idx %arg19[%broadcast_in_dim3A_95, %add3A_191], %sub3A_203 : memref<128x128xf32, #tpu.memory_space<vmem>>[vector<16xi32>, vector<16xi32>], vector<16xf32>,
      %add3A_204 = arith.constant 112 : i32
      %add3A_205 = vector.broadcast %add3A_204 : i32 to vector<16xi32>
      %add3A_206 = arith.addi %add3A_205, %iota3A : vector<16xi32>
      %gather3A_207 = tpu.vector_load_idx %arg18[%broadcast_in_dim3A_95, %add3A_206] : memref<128x128xf32, #tpu.memory_space<vmem>>[vector<16xi32>, vector<16xi32>], vector<16xf32>,
      %gather3A_208 = tpu.vector_load_idx %arg17[%broadcast_in_dim3A_95, %add3A_206] : memref<128x128xf32, #tpu.memory_space<vmem>>[vector<16xi32>, vector<16xi32>], vector<16xf32>,
      %sub3A_209 = arith.subf %gather3A_207, %gather3A_208 : vector<16xf32>
      %jit3A_210 = arith.constant 0.000000e+00 : f32
      %broadcast_in_dim3A_211 = vector.broadcast %jit3A_210 : f32 to vector<16xf32>
      %select_n3A_212 = arith.select %ne3A_101, %sub3A_209, %broadcast_in_dim3A_211 : vector<16xi1>, vector<16xf32>
      %mul3A_213 = arith.mulf %select_n3A_212, %select_n3A_212 : vector<16xf32>
      %add3A_214 = arith.addf %add3A_199, %mul3A_213 : vector<16xf32>
      %mul3A_215 = arith.constant 1.000000e-01 : f32
      %mul3A_216 = vector.broadcast %mul3A_215 : f32 to vector<16xf32>
      %mul3A_217 = arith.mulf %mul3A_216, %select_n3A_212 : vector<16xf32>
      %sub3A_218 = arith.subf %gather3A_207, %mul3A_217 : vector<16xf32>
      tpu.vector_store_idx %arg19[%broadcast_in_dim3A_95, %add3A_206], %sub3A_218 : memref<128x128xf32, #tpu.memory_space<vmem>>[vector<16xi32>, vector<16xi32>], vector<16xf32>,
      scf.yield %add3A_214 : vector<16xf32>
    }
    %scan3A_45 = arith.constant 128 : i32
    "tpu.region"() ({
      %run_scoped3A = tpu.sem_alloc : memref<!tpu.dma_semaphore, #tpu.memory_space<semaphore_mem>>
      %dma_start3A = arith.constant 384 : i32
      %dma_start3A_93 = tpu.memref_slice %arg13[%dma_start3A] : memref<1024xi32, #tpu.memory_space<vmem>> -> memref<128xi32, #tpu.memory_space<vmem>>
      %dma_start3A_94 = arith.constant 0 : i32
      %dma_start3A_95 = arith.constant 0 : i32
      %dma_start3A_96 = tpu.memref_slice %arg7[%dma_start3A_94, %dma_start3A_95] : memref<16384x128xf32, #tpu.memory_space<hbm>> -> memref<16384x128xf32, #tpu.memory_space<hbm>>
      %dma_start3A_97 = arith.constant -1 : i32
      tpu.enqueue_indirect_dma source(%arg19 : memref<128x128xf32, #tpu.memory_space<vmem>>) target(%dma_start3A_96 : memref<16384x128xf32, #tpu.memory_space<hbm>>) offsets(%dma_start3A_93 : memref<128xi32, #tpu.memory_space<vmem>>) offset_filter(%dma_start3A_97) semaphore(%run_scoped3A : memref<!tpu.dma_semaphore, #tpu.memory_space<semaphore_mem>>)
      %dma_wait3A = arith.constant 384 : i32
      %dma_wait3A_98 = tpu.memref_slice %arg13[%dma_wait3A] : memref<1024xi32, #tpu.memory_space<vmem>> -> memref<128xi32, #tpu.memory_space<vmem>>
      %dma_wait3A_99 = arith.constant 0 : i32
      %dma_wait3A_100 = arith.constant 0 : i32
      %dma_wait3A_101 = tpu.memref_slice %arg7[%dma_wait3A_99, %dma_wait3A_100] : memref<16384x128xf32, #tpu.memory_space<hbm>> -> memref<16384x128xf32, #tpu.memory_space<hbm>>
      tpu.wait_indirect_dma semaphore(%run_scoped3A : memref<!tpu.dma_semaphore, #tpu.memory_space<semaphore_mem>>) src(%arg19 : memref<128x128xf32, #tpu.memory_space<vmem>>) dst(%dma_wait3A_101 : memref<16384x128xf32, #tpu.memory_space<hbm>>)
      tpu.yield
    }) : () -> ()
    %add3A_46 = arith.constant 512 : i32
    %add3A_47 = arith.addi %mul3A_0, %add3A_46 : i32
    "tpu.region"() ({
      %run_scoped3A = tpu.sem_alloc : memref<!tpu.dma_semaphore, #tpu.memory_space<semaphore_mem>>
      %dma_start3A = arith.constant 0 : i32
      %dma_start3A_93 = tpu.memref_slice %arg2[%add3A_47, %dma_start3A] : memref<16384x128xf32, #tpu.memory_space<hbm>> -> memref<128x128xf32, #tpu.memory_space<hbm>>
      %dma_start3A_94 = arith.constant 0 : i32
      %dma_start3A_95 = tpu.memref_slice %arg2[%add3A_47, %dma_start3A_94] : memref<16384x128xf32, #tpu.memory_space<hbm>> -> memref<128x128xf32, #tpu.memory_space<hbm>>
      tpu.enqueue_dma source(%dma_start3A_95 : memref<128x128xf32, #tpu.memory_space<hbm>>) target(%arg17 : memref<128x128xf32, #tpu.memory_space<vmem>>) target_semaphore(%run_scoped3A : memref<!tpu.dma_semaphore, #tpu.memory_space<semaphore_mem>>)
      %dma_wait3A = arith.constant 0 : i32
      %dma_wait3A_96 = tpu.memref_slice %arg2[%add3A_47, %dma_wait3A] : memref<16384x128xf32, #tpu.memory_space<hbm>> -> memref<128x128xf32, #tpu.memory_space<hbm>>
      %dma_wait3A_97 = arith.constant 0 : i32
      %dma_wait3A_98 = tpu.memref_slice %arg2[%add3A_47, %dma_wait3A_97] : memref<16384x128xf32, #tpu.memory_space<hbm>> -> memref<128x128xf32, #tpu.memory_space<hbm>>
      tpu.wait_dma2 semaphore(%run_scoped3A : memref<!tpu.dma_semaphore, #tpu.memory_space<semaphore_mem>>) src(%dma_wait3A_98 : memref<128x128xf32, #tpu.memory_space<hbm>>) dst(%arg17 : memref<128x128xf32, #tpu.memory_space<vmem>>)
      tpu.yield
    }) : () -> ()
    "tpu.region"() ({
      %run_scoped3A = tpu.sem_alloc : memref<!tpu.dma_semaphore, #tpu.memory_space<semaphore_mem>>
      %dma_start3A = arith.constant 512 : i32
      %dma_start3A_93 = tpu.memref_slice %arg11[%dma_start3A] : memref<1024xi32, #tpu.memory_space<vmem>> -> memref<128xi32, #tpu.memory_space<vmem>>
      %dma_start3A_94 = arith.constant 0 : i32
      %dma_start3A_95 = arith.constant 0 : i32
      %dma_start3A_96 = tpu.memref_slice %arg4[%dma_start3A_94, %dma_start3A_95] : memref<1000001x128xf32, #tpu.memory_space<hbm>> -> memref<1000001x128xf32, #tpu.memory_space<hbm>>
      %dma_start3A_97 = arith.constant -1 : i32
      tpu.enqueue_indirect_dma source(%dma_start3A_96 : memref<1000001x128xf32, #tpu.memory_space<hbm>>) target(%arg18 : memref<128x128xf32, #tpu.memory_space<vmem>>) offsets(%dma_start3A_93 : memref<128xi32, #tpu.memory_space<vmem>>) offset_filter(%dma_start3A_97) semaphore(%run_scoped3A : memref<!tpu.dma_semaphore, #tpu.memory_space<semaphore_mem>>)
      %dma_wait3A = arith.constant 512 : i32
      %dma_wait3A_98 = tpu.memref_slice %arg11[%dma_wait3A] : memref<1024xi32, #tpu.memory_space<vmem>> -> memref<128xi32, #tpu.memory_space<vmem>>
      %dma_wait3A_99 = arith.constant 0 : i32
      %dma_wait3A_100 = arith.constant 0 : i32
      %dma_wait3A_101 = tpu.memref_slice %arg4[%dma_wait3A_99, %dma_wait3A_100] : memref<1000001x128xf32, #tpu.memory_space<hbm>> -> memref<1000001x128xf32, #tpu.memory_space<hbm>>
      tpu.wait_indirect_dma semaphore(%run_scoped3A : memref<!tpu.dma_semaphore, #tpu.memory_space<semaphore_mem>>) src(%dma_wait3A_101 : memref<1000001x128xf32, #tpu.memory_space<hbm>>) dst(%arg18 : memref<128x128xf32, #tpu.memory_space<vmem>>)
      tpu.yield
    }) : () -> ()
    %scan3A_48 = arith.constant 0 : i32
    %scan3A_49 = arith.constant 128 : i32
    %scan3A_50 = arith.addi %scan3A_48, %scan3A_49 : i32
    %scan3A_51 = arith.constant 1 : i32
    %scan3A_52 = scf.for %scan3A_93 = %scan3A_48 to %scan3A_50 step %scan3A_51 iter_args(%scan3A_94 = %scan3A_44) -> (vector<16xf32>)  : i32 {
      %broadcast_in_dim3A_95 = vector.broadcast %scan3A_93 : i32 to vector<16xi32>
      %broadcast_in_dim3A_96 = arith.constant 512 : i32
      %broadcast_in_dim3A_97 = vector.broadcast %broadcast_in_dim3A_96 : i32 to vector<16xi32>
      %add3A_98 = vector.broadcast %scan3A_93 : i32 to vector<16xi32>
      %add3A_99 = arith.addi %broadcast_in_dim3A_97, %add3A_98 : vector<16xi32>
      %gather3A = tpu.vector_load_idx %arg11[%add3A_99] : memref<1024xi32, #tpu.memory_space<vmem>>[vector<16xi32>], vector<16xi32>,
      %ne3A = arith.constant -1 : i32
      %ne3A_100 = vector.broadcast %ne3A : i32 to vector<16xi32>
      %ne3A_101 = arith.cmpi ne, %gather3A, %ne3A_100 : vector<16xi32>
      %add3A_102 = arith.constant 0 : i32
      %add3A_103 = vector.broadcast %add3A_102 : i32 to vector<16xi32>
      %add3A_104 = arith.addi %add3A_103, %iota3A : vector<16xi32>
      %gather3A_105 = tpu.vector_load_idx %arg18[%broadcast_in_dim3A_95, %add3A_104] : memref<128x128xf32, #tpu.memory_space<vmem>>[vector<16xi32>, vector<16xi32>], vector<16xf32>,
      %gather3A_106 = tpu.vector_load_idx %arg17[%broadcast_in_dim3A_95, %add3A_104] : memref<128x128xf32, #tpu.memory_space<vmem>>[vector<16xi32>, vector<16xi32>], vector<16xf32>,
      %sub3A = arith.subf %gather3A_105, %gather3A_106 : vector<16xf32>
      %jit3A = arith.constant 0.000000e+00 : f32
      %broadcast_in_dim3A_107 = vector.broadcast %jit3A : f32 to vector<16xf32>
      %select_n3A = arith.select %ne3A_101, %sub3A, %broadcast_in_dim3A_107 : vector<16xi1>, vector<16xf32>
      %mul3A_108 = arith.mulf %select_n3A, %select_n3A : vector<16xf32>
      %add3A_109 = arith.addf %scan3A_94, %mul3A_108 : vector<16xf32>
      %mul3A_110 = arith.constant 1.000000e-01 : f32
      %mul3A_111 = vector.broadcast %mul3A_110 : f32 to vector<16xf32>
      %mul3A_112 = arith.mulf %mul3A_111, %select_n3A : vector<16xf32>
      %sub3A_113 = arith.subf %gather3A_105, %mul3A_112 : vector<16xf32>
      tpu.vector_store_idx %arg19[%broadcast_in_dim3A_95, %add3A_104], %sub3A_113 : memref<128x128xf32, #tpu.memory_space<vmem>>[vector<16xi32>, vector<16xi32>], vector<16xf32>,
      %add3A_114 = arith.constant 16 : i32
      %add3A_115 = vector.broadcast %add3A_114 : i32 to vector<16xi32>
      %add3A_116 = arith.addi %add3A_115, %iota3A : vector<16xi32>
      %gather3A_117 = tpu.vector_load_idx %arg18[%broadcast_in_dim3A_95, %add3A_116] : memref<128x128xf32, #tpu.memory_space<vmem>>[vector<16xi32>, vector<16xi32>], vector<16xf32>,
      %gather3A_118 = tpu.vector_load_idx %arg17[%broadcast_in_dim3A_95, %add3A_116] : memref<128x128xf32, #tpu.memory_space<vmem>>[vector<16xi32>, vector<16xi32>], vector<16xf32>,
      %sub3A_119 = arith.subf %gather3A_117, %gather3A_118 : vector<16xf32>
      %jit3A_120 = arith.constant 0.000000e+00 : f32
      %broadcast_in_dim3A_121 = vector.broadcast %jit3A_120 : f32 to vector<16xf32>
      %select_n3A_122 = arith.select %ne3A_101, %sub3A_119, %broadcast_in_dim3A_121 : vector<16xi1>, vector<16xf32>
      %mul3A_123 = arith.mulf %select_n3A_122, %select_n3A_122 : vector<16xf32>
      %add3A_124 = arith.addf %add3A_109, %mul3A_123 : vector<16xf32>
      %mul3A_125 = arith.constant 1.000000e-01 : f32
      %mul3A_126 = vector.broadcast %mul3A_125 : f32 to vector<16xf32>
      %mul3A_127 = arith.mulf %mul3A_126, %select_n3A_122 : vector<16xf32>
      %sub3A_128 = arith.subf %gather3A_117, %mul3A_127 : vector<16xf32>
      tpu.vector_store_idx %arg19[%broadcast_in_dim3A_95, %add3A_116], %sub3A_128 : memref<128x128xf32, #tpu.memory_space<vmem>>[vector<16xi32>, vector<16xi32>], vector<16xf32>,
      %add3A_129 = arith.constant 32 : i32
      %add3A_130 = vector.broadcast %add3A_129 : i32 to vector<16xi32>
      %add3A_131 = arith.addi %add3A_130, %iota3A : vector<16xi32>
      %gather3A_132 = tpu.vector_load_idx %arg18[%broadcast_in_dim3A_95, %add3A_131] : memref<128x128xf32, #tpu.memory_space<vmem>>[vector<16xi32>, vector<16xi32>], vector<16xf32>,
      %gather3A_133 = tpu.vector_load_idx %arg17[%broadcast_in_dim3A_95, %add3A_131] : memref<128x128xf32, #tpu.memory_space<vmem>>[vector<16xi32>, vector<16xi32>], vector<16xf32>,
      %sub3A_134 = arith.subf %gather3A_132, %gather3A_133 : vector<16xf32>
      %jit3A_135 = arith.constant 0.000000e+00 : f32
      %broadcast_in_dim3A_136 = vector.broadcast %jit3A_135 : f32 to vector<16xf32>
      %select_n3A_137 = arith.select %ne3A_101, %sub3A_134, %broadcast_in_dim3A_136 : vector<16xi1>, vector<16xf32>
      %mul3A_138 = arith.mulf %select_n3A_137, %select_n3A_137 : vector<16xf32>
      %add3A_139 = arith.addf %add3A_124, %mul3A_138 : vector<16xf32>
      %mul3A_140 = arith.constant 1.000000e-01 : f32
      %mul3A_141 = vector.broadcast %mul3A_140 : f32 to vector<16xf32>
      %mul3A_142 = arith.mulf %mul3A_141, %select_n3A_137 : vector<16xf32>
      %sub3A_143 = arith.subf %gather3A_132, %mul3A_142 : vector<16xf32>
      tpu.vector_store_idx %arg19[%broadcast_in_dim3A_95, %add3A_131], %sub3A_143 : memref<128x128xf32, #tpu.memory_space<vmem>>[vector<16xi32>, vector<16xi32>], vector<16xf32>,
      %add3A_144 = arith.constant 48 : i32
      %add3A_145 = vector.broadcast %add3A_144 : i32 to vector<16xi32>
      %add3A_146 = arith.addi %add3A_145, %iota3A : vector<16xi32>
      %gather3A_147 = tpu.vector_load_idx %arg18[%broadcast_in_dim3A_95, %add3A_146] : memref<128x128xf32, #tpu.memory_space<vmem>>[vector<16xi32>, vector<16xi32>], vector<16xf32>,
      %gather3A_148 = tpu.vector_load_idx %arg17[%broadcast_in_dim3A_95, %add3A_146] : memref<128x128xf32, #tpu.memory_space<vmem>>[vector<16xi32>, vector<16xi32>], vector<16xf32>,
      %sub3A_149 = arith.subf %gather3A_147, %gather3A_148 : vector<16xf32>
      %jit3A_150 = arith.constant 0.000000e+00 : f32
      %broadcast_in_dim3A_151 = vector.broadcast %jit3A_150 : f32 to vector<16xf32>
      %select_n3A_152 = arith.select %ne3A_101, %sub3A_149, %broadcast_in_dim3A_151 : vector<16xi1>, vector<16xf32>
      %mul3A_153 = arith.mulf %select_n3A_152, %select_n3A_152 : vector<16xf32>
      %add3A_154 = arith.addf %add3A_139, %mul3A_153 : vector<16xf32>
      %mul3A_155 = arith.constant 1.000000e-01 : f32
      %mul3A_156 = vector.broadcast %mul3A_155 : f32 to vector<16xf32>
      %mul3A_157 = arith.mulf %mul3A_156, %select_n3A_152 : vector<16xf32>
      %sub3A_158 = arith.subf %gather3A_147, %mul3A_157 : vector<16xf32>
      tpu.vector_store_idx %arg19[%broadcast_in_dim3A_95, %add3A_146], %sub3A_158 : memref<128x128xf32, #tpu.memory_space<vmem>>[vector<16xi32>, vector<16xi32>], vector<16xf32>,
      %add3A_159 = arith.constant 64 : i32
      %add3A_160 = vector.broadcast %add3A_159 : i32 to vector<16xi32>
      %add3A_161 = arith.addi %add3A_160, %iota3A : vector<16xi32>
      %gather3A_162 = tpu.vector_load_idx %arg18[%broadcast_in_dim3A_95, %add3A_161] : memref<128x128xf32, #tpu.memory_space<vmem>>[vector<16xi32>, vector<16xi32>], vector<16xf32>,
      %gather3A_163 = tpu.vector_load_idx %arg17[%broadcast_in_dim3A_95, %add3A_161] : memref<128x128xf32, #tpu.memory_space<vmem>>[vector<16xi32>, vector<16xi32>], vector<16xf32>,
      %sub3A_164 = arith.subf %gather3A_162, %gather3A_163 : vector<16xf32>
      %jit3A_165 = arith.constant 0.000000e+00 : f32
      %broadcast_in_dim3A_166 = vector.broadcast %jit3A_165 : f32 to vector<16xf32>
      %select_n3A_167 = arith.select %ne3A_101, %sub3A_164, %broadcast_in_dim3A_166 : vector<16xi1>, vector<16xf32>
      %mul3A_168 = arith.mulf %select_n3A_167, %select_n3A_167 : vector<16xf32>
      %add3A_169 = arith.addf %add3A_154, %mul3A_168 : vector<16xf32>
      %mul3A_170 = arith.constant 1.000000e-01 : f32
      %mul3A_171 = vector.broadcast %mul3A_170 : f32 to vector<16xf32>
      %mul3A_172 = arith.mulf %mul3A_171, %select_n3A_167 : vector<16xf32>
      %sub3A_173 = arith.subf %gather3A_162, %mul3A_172 : vector<16xf32>
      tpu.vector_store_idx %arg19[%broadcast_in_dim3A_95, %add3A_161], %sub3A_173 : memref<128x128xf32, #tpu.memory_space<vmem>>[vector<16xi32>, vector<16xi32>], vector<16xf32>,
      %add3A_174 = arith.constant 80 : i32
      %add3A_175 = vector.broadcast %add3A_174 : i32 to vector<16xi32>
      %add3A_176 = arith.addi %add3A_175, %iota3A : vector<16xi32>
      %gather3A_177 = tpu.vector_load_idx %arg18[%broadcast_in_dim3A_95, %add3A_176] : memref<128x128xf32, #tpu.memory_space<vmem>>[vector<16xi32>, vector<16xi32>], vector<16xf32>,
      %gather3A_178 = tpu.vector_load_idx %arg17[%broadcast_in_dim3A_95, %add3A_176] : memref<128x128xf32, #tpu.memory_space<vmem>>[vector<16xi32>, vector<16xi32>], vector<16xf32>,
      %sub3A_179 = arith.subf %gather3A_177, %gather3A_178 : vector<16xf32>
      %jit3A_180 = arith.constant 0.000000e+00 : f32
      %broadcast_in_dim3A_181 = vector.broadcast %jit3A_180 : f32 to vector<16xf32>
      %select_n3A_182 = arith.select %ne3A_101, %sub3A_179, %broadcast_in_dim3A_181 : vector<16xi1>, vector<16xf32>
      %mul3A_183 = arith.mulf %select_n3A_182, %select_n3A_182 : vector<16xf32>
      %add3A_184 = arith.addf %add3A_169, %mul3A_183 : vector<16xf32>
      %mul3A_185 = arith.constant 1.000000e-01 : f32
      %mul3A_186 = vector.broadcast %mul3A_185 : f32 to vector<16xf32>
      %mul3A_187 = arith.mulf %mul3A_186, %select_n3A_182 : vector<16xf32>
      %sub3A_188 = arith.subf %gather3A_177, %mul3A_187 : vector<16xf32>
      tpu.vector_store_idx %arg19[%broadcast_in_dim3A_95, %add3A_176], %sub3A_188 : memref<128x128xf32, #tpu.memory_space<vmem>>[vector<16xi32>, vector<16xi32>], vector<16xf32>,
      %add3A_189 = arith.constant 96 : i32
      %add3A_190 = vector.broadcast %add3A_189 : i32 to vector<16xi32>
      %add3A_191 = arith.addi %add3A_190, %iota3A : vector<16xi32>
      %gather3A_192 = tpu.vector_load_idx %arg18[%broadcast_in_dim3A_95, %add3A_191] : memref<128x128xf32, #tpu.memory_space<vmem>>[vector<16xi32>, vector<16xi32>], vector<16xf32>,
      %gather3A_193 = tpu.vector_load_idx %arg17[%broadcast_in_dim3A_95, %add3A_191] : memref<128x128xf32, #tpu.memory_space<vmem>>[vector<16xi32>, vector<16xi32>], vector<16xf32>,
      %sub3A_194 = arith.subf %gather3A_192, %gather3A_193 : vector<16xf32>
      %jit3A_195 = arith.constant 0.000000e+00 : f32
      %broadcast_in_dim3A_196 = vector.broadcast %jit3A_195 : f32 to vector<16xf32>
      %select_n3A_197 = arith.select %ne3A_101, %sub3A_194, %broadcast_in_dim3A_196 : vector<16xi1>, vector<16xf32>
      %mul3A_198 = arith.mulf %select_n3A_197, %select_n3A_197 : vector<16xf32>
      %add3A_199 = arith.addf %add3A_184, %mul3A_198 : vector<16xf32>
      %mul3A_200 = arith.constant 1.000000e-01 : f32
      %mul3A_201 = vector.broadcast %mul3A_200 : f32 to vector<16xf32>
      %mul3A_202 = arith.mulf %mul3A_201, %select_n3A_197 : vector<16xf32>
      %sub3A_203 = arith.subf %gather3A_192, %mul3A_202 : vector<16xf32>
      tpu.vector_store_idx %arg19[%broadcast_in_dim3A_95, %add3A_191], %sub3A_203 : memref<128x128xf32, #tpu.memory_space<vmem>>[vector<16xi32>, vector<16xi32>], vector<16xf32>,
      %add3A_204 = arith.constant 112 : i32
      %add3A_205 = vector.broadcast %add3A_204 : i32 to vector<16xi32>
      %add3A_206 = arith.addi %add3A_205, %iota3A : vector<16xi32>
      %gather3A_207 = tpu.vector_load_idx %arg18[%broadcast_in_dim3A_95, %add3A_206] : memref<128x128xf32, #tpu.memory_space<vmem>>[vector<16xi32>, vector<16xi32>], vector<16xf32>,
      %gather3A_208 = tpu.vector_load_idx %arg17[%broadcast_in_dim3A_95, %add3A_206] : memref<128x128xf32, #tpu.memory_space<vmem>>[vector<16xi32>, vector<16xi32>], vector<16xf32>,
      %sub3A_209 = arith.subf %gather3A_207, %gather3A_208 : vector<16xf32>
      %jit3A_210 = arith.constant 0.000000e+00 : f32
      %broadcast_in_dim3A_211 = vector.broadcast %jit3A_210 : f32 to vector<16xf32>
      %select_n3A_212 = arith.select %ne3A_101, %sub3A_209, %broadcast_in_dim3A_211 : vector<16xi1>, vector<16xf32>
      %mul3A_213 = arith.mulf %select_n3A_212, %select_n3A_212 : vector<16xf32>
      %add3A_214 = arith.addf %add3A_199, %mul3A_213 : vector<16xf32>
      %mul3A_215 = arith.constant 1.000000e-01 : f32
      %mul3A_216 = vector.broadcast %mul3A_215 : f32 to vector<16xf32>
      %mul3A_217 = arith.mulf %mul3A_216, %select_n3A_212 : vector<16xf32>
      %sub3A_218 = arith.subf %gather3A_207, %mul3A_217 : vector<16xf32>
      tpu.vector_store_idx %arg19[%broadcast_in_dim3A_95, %add3A_206], %sub3A_218 : memref<128x128xf32, #tpu.memory_space<vmem>>[vector<16xi32>, vector<16xi32>], vector<16xf32>,
      scf.yield %add3A_214 : vector<16xf32>
    }
    %scan3A_53 = arith.constant 128 : i32
    "tpu.region"() ({
      %run_scoped3A = tpu.sem_alloc : memref<!tpu.dma_semaphore, #tpu.memory_space<semaphore_mem>>
      %dma_start3A = arith.constant 512 : i32
      %dma_start3A_93 = tpu.memref_slice %arg13[%dma_start3A] : memref<1024xi32, #tpu.memory_space<vmem>> -> memref<128xi32, #tpu.memory_space<vmem>>
      %dma_start3A_94 = arith.constant 0 : i32
      %dma_start3A_95 = arith.constant 0 : i32
      %dma_start3A_96 = tpu.memref_slice %arg7[%dma_start3A_94, %dma_start3A_95] : memref<16384x128xf32, #tpu.memory_space<hbm>> -> memref<16384x128xf32, #tpu.memory_space<hbm>>
      %dma_start3A_97 = arith.constant -1 : i32
      tpu.enqueue_indirect_dma source(%arg19 : memref<128x128xf32, #tpu.memory_space<vmem>>) target(%dma_start3A_96 : memref<16384x128xf32, #tpu.memory_space<hbm>>) offsets(%dma_start3A_93 : memref<128xi32, #tpu.memory_space<vmem>>) offset_filter(%dma_start3A_97) semaphore(%run_scoped3A : memref<!tpu.dma_semaphore, #tpu.memory_space<semaphore_mem>>)
      %dma_wait3A = arith.constant 512 : i32
      %dma_wait3A_98 = tpu.memref_slice %arg13[%dma_wait3A] : memref<1024xi32, #tpu.memory_space<vmem>> -> memref<128xi32, #tpu.memory_space<vmem>>
      %dma_wait3A_99 = arith.constant 0 : i32
      %dma_wait3A_100 = arith.constant 0 : i32
      %dma_wait3A_101 = tpu.memref_slice %arg7[%dma_wait3A_99, %dma_wait3A_100] : memref<16384x128xf32, #tpu.memory_space<hbm>> -> memref<16384x128xf32, #tpu.memory_space<hbm>>
      tpu.wait_indirect_dma semaphore(%run_scoped3A : memref<!tpu.dma_semaphore, #tpu.memory_space<semaphore_mem>>) src(%arg19 : memref<128x128xf32, #tpu.memory_space<vmem>>) dst(%dma_wait3A_101 : memref<16384x128xf32, #tpu.memory_space<hbm>>)
      tpu.yield
    }) : () -> ()
    %add3A_54 = arith.constant 640 : i32
    %add3A_55 = arith.addi %mul3A_0, %add3A_54 : i32
    "tpu.region"() ({
      %run_scoped3A = tpu.sem_alloc : memref<!tpu.dma_semaphore, #tpu.memory_space<semaphore_mem>>
      %dma_start3A = arith.constant 0 : i32
      %dma_start3A_93 = tpu.memref_slice %arg2[%add3A_55, %dma_start3A] : memref<16384x128xf32, #tpu.memory_space<hbm>> -> memref<128x128xf32, #tpu.memory_space<hbm>>
      %dma_start3A_94 = arith.constant 0 : i32
      %dma_start3A_95 = tpu.memref_slice %arg2[%add3A_55, %dma_start3A_94] : memref<16384x128xf32, #tpu.memory_space<hbm>> -> memref<128x128xf32, #tpu.memory_space<hbm>>
      tpu.enqueue_dma source(%dma_start3A_95 : memref<128x128xf32, #tpu.memory_space<hbm>>) target(%arg17 : memref<128x128xf32, #tpu.memory_space<vmem>>) target_semaphore(%run_scoped3A : memref<!tpu.dma_semaphore, #tpu.memory_space<semaphore_mem>>)
      %dma_wait3A = arith.constant 0 : i32
      %dma_wait3A_96 = tpu.memref_slice %arg2[%add3A_55, %dma_wait3A] : memref<16384x128xf32, #tpu.memory_space<hbm>> -> memref<128x128xf32, #tpu.memory_space<hbm>>
      %dma_wait3A_97 = arith.constant 0 : i32
      %dma_wait3A_98 = tpu.memref_slice %arg2[%add3A_55, %dma_wait3A_97] : memref<16384x128xf32, #tpu.memory_space<hbm>> -> memref<128x128xf32, #tpu.memory_space<hbm>>
      tpu.wait_dma2 semaphore(%run_scoped3A : memref<!tpu.dma_semaphore, #tpu.memory_space<semaphore_mem>>) src(%dma_wait3A_98 : memref<128x128xf32, #tpu.memory_space<hbm>>) dst(%arg17 : memref<128x128xf32, #tpu.memory_space<vmem>>)
      tpu.yield
    }) : () -> ()
    "tpu.region"() ({
      %run_scoped3A = tpu.sem_alloc : memref<!tpu.dma_semaphore, #tpu.memory_space<semaphore_mem>>
      %dma_start3A = arith.constant 640 : i32
      %dma_start3A_93 = tpu.memref_slice %arg11[%dma_start3A] : memref<1024xi32, #tpu.memory_space<vmem>> -> memref<128xi32, #tpu.memory_space<vmem>>
      %dma_start3A_94 = arith.constant 0 : i32
      %dma_start3A_95 = arith.constant 0 : i32
      %dma_start3A_96 = tpu.memref_slice %arg4[%dma_start3A_94, %dma_start3A_95] : memref<1000001x128xf32, #tpu.memory_space<hbm>> -> memref<1000001x128xf32, #tpu.memory_space<hbm>>
      %dma_start3A_97 = arith.constant -1 : i32
      tpu.enqueue_indirect_dma source(%dma_start3A_96 : memref<1000001x128xf32, #tpu.memory_space<hbm>>) target(%arg18 : memref<128x128xf32, #tpu.memory_space<vmem>>) offsets(%dma_start3A_93 : memref<128xi32, #tpu.memory_space<vmem>>) offset_filter(%dma_start3A_97) semaphore(%run_scoped3A : memref<!tpu.dma_semaphore, #tpu.memory_space<semaphore_mem>>)
      %dma_wait3A = arith.constant 640 : i32
      %dma_wait3A_98 = tpu.memref_slice %arg11[%dma_wait3A] : memref<1024xi32, #tpu.memory_space<vmem>> -> memref<128xi32, #tpu.memory_space<vmem>>
      %dma_wait3A_99 = arith.constant 0 : i32
      %dma_wait3A_100 = arith.constant 0 : i32
      %dma_wait3A_101 = tpu.memref_slice %arg4[%dma_wait3A_99, %dma_wait3A_100] : memref<1000001x128xf32, #tpu.memory_space<hbm>> -> memref<1000001x128xf32, #tpu.memory_space<hbm>>
      tpu.wait_indirect_dma semaphore(%run_scoped3A : memref<!tpu.dma_semaphore, #tpu.memory_space<semaphore_mem>>) src(%dma_wait3A_101 : memref<1000001x128xf32, #tpu.memory_space<hbm>>) dst(%arg18 : memref<128x128xf32, #tpu.memory_space<vmem>>)
      tpu.yield
    }) : () -> ()
    %scan3A_56 = arith.constant 0 : i32
    %scan3A_57 = arith.constant 128 : i32
    %scan3A_58 = arith.addi %scan3A_56, %scan3A_57 : i32
    %scan3A_59 = arith.constant 1 : i32
    %scan3A_60 = scf.for %scan3A_93 = %scan3A_56 to %scan3A_58 step %scan3A_59 iter_args(%scan3A_94 = %scan3A_52) -> (vector<16xf32>)  : i32 {
      %broadcast_in_dim3A_95 = vector.broadcast %scan3A_93 : i32 to vector<16xi32>
      %broadcast_in_dim3A_96 = arith.constant 640 : i32
      %broadcast_in_dim3A_97 = vector.broadcast %broadcast_in_dim3A_96 : i32 to vector<16xi32>
      %add3A_98 = vector.broadcast %scan3A_93 : i32 to vector<16xi32>
      %add3A_99 = arith.addi %broadcast_in_dim3A_97, %add3A_98 : vector<16xi32>
      %gather3A = tpu.vector_load_idx %arg11[%add3A_99] : memref<1024xi32, #tpu.memory_space<vmem>>[vector<16xi32>], vector<16xi32>,
      %ne3A = arith.constant -1 : i32
      %ne3A_100 = vector.broadcast %ne3A : i32 to vector<16xi32>
      %ne3A_101 = arith.cmpi ne, %gather3A, %ne3A_100 : vector<16xi32>
      %add3A_102 = arith.constant 0 : i32
      %add3A_103 = vector.broadcast %add3A_102 : i32 to vector<16xi32>
      %add3A_104 = arith.addi %add3A_103, %iota3A : vector<16xi32>
      %gather3A_105 = tpu.vector_load_idx %arg18[%broadcast_in_dim3A_95, %add3A_104] : memref<128x128xf32, #tpu.memory_space<vmem>>[vector<16xi32>, vector<16xi32>], vector<16xf32>,
      %gather3A_106 = tpu.vector_load_idx %arg17[%broadcast_in_dim3A_95, %add3A_104] : memref<128x128xf32, #tpu.memory_space<vmem>>[vector<16xi32>, vector<16xi32>], vector<16xf32>,
      %sub3A = arith.subf %gather3A_105, %gather3A_106 : vector<16xf32>
      %jit3A = arith.constant 0.000000e+00 : f32
      %broadcast_in_dim3A_107 = vector.broadcast %jit3A : f32 to vector<16xf32>
      %select_n3A = arith.select %ne3A_101, %sub3A, %broadcast_in_dim3A_107 : vector<16xi1>, vector<16xf32>
      %mul3A_108 = arith.mulf %select_n3A, %select_n3A : vector<16xf32>
      %add3A_109 = arith.addf %scan3A_94, %mul3A_108 : vector<16xf32>
      %mul3A_110 = arith.constant 1.000000e-01 : f32
      %mul3A_111 = vector.broadcast %mul3A_110 : f32 to vector<16xf32>
      %mul3A_112 = arith.mulf %mul3A_111, %select_n3A : vector<16xf32>
      %sub3A_113 = arith.subf %gather3A_105, %mul3A_112 : vector<16xf32>
      tpu.vector_store_idx %arg19[%broadcast_in_dim3A_95, %add3A_104], %sub3A_113 : memref<128x128xf32, #tpu.memory_space<vmem>>[vector<16xi32>, vector<16xi32>], vector<16xf32>,
      %add3A_114 = arith.constant 16 : i32
      %add3A_115 = vector.broadcast %add3A_114 : i32 to vector<16xi32>
      %add3A_116 = arith.addi %add3A_115, %iota3A : vector<16xi32>
      %gather3A_117 = tpu.vector_load_idx %arg18[%broadcast_in_dim3A_95, %add3A_116] : memref<128x128xf32, #tpu.memory_space<vmem>>[vector<16xi32>, vector<16xi32>], vector<16xf32>,
      %gather3A_118 = tpu.vector_load_idx %arg17[%broadcast_in_dim3A_95, %add3A_116] : memref<128x128xf32, #tpu.memory_space<vmem>>[vector<16xi32>, vector<16xi32>], vector<16xf32>,
      %sub3A_119 = arith.subf %gather3A_117, %gather3A_118 : vector<16xf32>
      %jit3A_120 = arith.constant 0.000000e+00 : f32
      %broadcast_in_dim3A_121 = vector.broadcast %jit3A_120 : f32 to vector<16xf32>
      %select_n3A_122 = arith.select %ne3A_101, %sub3A_119, %broadcast_in_dim3A_121 : vector<16xi1>, vector<16xf32>
      %mul3A_123 = arith.mulf %select_n3A_122, %select_n3A_122 : vector<16xf32>
      %add3A_124 = arith.addf %add3A_109, %mul3A_123 : vector<16xf32>
      %mul3A_125 = arith.constant 1.000000e-01 : f32
      %mul3A_126 = vector.broadcast %mul3A_125 : f32 to vector<16xf32>
      %mul3A_127 = arith.mulf %mul3A_126, %select_n3A_122 : vector<16xf32>
      %sub3A_128 = arith.subf %gather3A_117, %mul3A_127 : vector<16xf32>
      tpu.vector_store_idx %arg19[%broadcast_in_dim3A_95, %add3A_116], %sub3A_128 : memref<128x128xf32, #tpu.memory_space<vmem>>[vector<16xi32>, vector<16xi32>], vector<16xf32>,
      %add3A_129 = arith.constant 32 : i32
      %add3A_130 = vector.broadcast %add3A_129 : i32 to vector<16xi32>
      %add3A_131 = arith.addi %add3A_130, %iota3A : vector<16xi32>
      %gather3A_132 = tpu.vector_load_idx %arg18[%broadcast_in_dim3A_95, %add3A_131] : memref<128x128xf32, #tpu.memory_space<vmem>>[vector<16xi32>, vector<16xi32>], vector<16xf32>,
      %gather3A_133 = tpu.vector_load_idx %arg17[%broadcast_in_dim3A_95, %add3A_131] : memref<128x128xf32, #tpu.memory_space<vmem>>[vector<16xi32>, vector<16xi32>], vector<16xf32>,
      %sub3A_134 = arith.subf %gather3A_132, %gather3A_133 : vector<16xf32>
      %jit3A_135 = arith.constant 0.000000e+00 : f32
      %broadcast_in_dim3A_136 = vector.broadcast %jit3A_135 : f32 to vector<16xf32>
      %select_n3A_137 = arith.select %ne3A_101, %sub3A_134, %broadcast_in_dim3A_136 : vector<16xi1>, vector<16xf32>
      %mul3A_138 = arith.mulf %select_n3A_137, %select_n3A_137 : vector<16xf32>
      %add3A_139 = arith.addf %add3A_124, %mul3A_138 : vector<16xf32>
      %mul3A_140 = arith.constant 1.000000e-01 : f32
      %mul3A_141 = vector.broadcast %mul3A_140 : f32 to vector<16xf32>
      %mul3A_142 = arith.mulf %mul3A_141, %select_n3A_137 : vector<16xf32>
      %sub3A_143 = arith.subf %gather3A_132, %mul3A_142 : vector<16xf32>
      tpu.vector_store_idx %arg19[%broadcast_in_dim3A_95, %add3A_131], %sub3A_143 : memref<128x128xf32, #tpu.memory_space<vmem>>[vector<16xi32>, vector<16xi32>], vector<16xf32>,
      %add3A_144 = arith.constant 48 : i32
      %add3A_145 = vector.broadcast %add3A_144 : i32 to vector<16xi32>
      %add3A_146 = arith.addi %add3A_145, %iota3A : vector<16xi32>
      %gather3A_147 = tpu.vector_load_idx %arg18[%broadcast_in_dim3A_95, %add3A_146] : memref<128x128xf32, #tpu.memory_space<vmem>>[vector<16xi32>, vector<16xi32>], vector<16xf32>,
      %gather3A_148 = tpu.vector_load_idx %arg17[%broadcast_in_dim3A_95, %add3A_146] : memref<128x128xf32, #tpu.memory_space<vmem>>[vector<16xi32>, vector<16xi32>], vector<16xf32>,
      %sub3A_149 = arith.subf %gather3A_147, %gather3A_148 : vector<16xf32>
      %jit3A_150 = arith.constant 0.000000e+00 : f32
      %broadcast_in_dim3A_151 = vector.broadcast %jit3A_150 : f32 to vector<16xf32>
      %select_n3A_152 = arith.select %ne3A_101, %sub3A_149, %broadcast_in_dim3A_151 : vector<16xi1>, vector<16xf32>
      %mul3A_153 = arith.mulf %select_n3A_152, %select_n3A_152 : vector<16xf32>
      %add3A_154 = arith.addf %add3A_139, %mul3A_153 : vector<16xf32>
      %mul3A_155 = arith.constant 1.000000e-01 : f32
      %mul3A_156 = vector.broadcast %mul3A_155 : f32 to vector<16xf32>
      %mul3A_157 = arith.mulf %mul3A_156, %select_n3A_152 : vector<16xf32>
      %sub3A_158 = arith.subf %gather3A_147, %mul3A_157 : vector<16xf32>
      tpu.vector_store_idx %arg19[%broadcast_in_dim3A_95, %add3A_146], %sub3A_158 : memref<128x128xf32, #tpu.memory_space<vmem>>[vector<16xi32>, vector<16xi32>], vector<16xf32>,
      %add3A_159 = arith.constant 64 : i32
      %add3A_160 = vector.broadcast %add3A_159 : i32 to vector<16xi32>
      %add3A_161 = arith.addi %add3A_160, %iota3A : vector<16xi32>
      %gather3A_162 = tpu.vector_load_idx %arg18[%broadcast_in_dim3A_95, %add3A_161] : memref<128x128xf32, #tpu.memory_space<vmem>>[vector<16xi32>, vector<16xi32>], vector<16xf32>,
      %gather3A_163 = tpu.vector_load_idx %arg17[%broadcast_in_dim3A_95, %add3A_161] : memref<128x128xf32, #tpu.memory_space<vmem>>[vector<16xi32>, vector<16xi32>], vector<16xf32>,
      %sub3A_164 = arith.subf %gather3A_162, %gather3A_163 : vector<16xf32>
      %jit3A_165 = arith.constant 0.000000e+00 : f32
      %broadcast_in_dim3A_166 = vector.broadcast %jit3A_165 : f32 to vector<16xf32>
      %select_n3A_167 = arith.select %ne3A_101, %sub3A_164, %broadcast_in_dim3A_166 : vector<16xi1>, vector<16xf32>
      %mul3A_168 = arith.mulf %select_n3A_167, %select_n3A_167 : vector<16xf32>
      %add3A_169 = arith.addf %add3A_154, %mul3A_168 : vector<16xf32>
      %mul3A_170 = arith.constant 1.000000e-01 : f32
      %mul3A_171 = vector.broadcast %mul3A_170 : f32 to vector<16xf32>
      %mul3A_172 = arith.mulf %mul3A_171, %select_n3A_167 : vector<16xf32>
      %sub3A_173 = arith.subf %gather3A_162, %mul3A_172 : vector<16xf32>
      tpu.vector_store_idx %arg19[%broadcast_in_dim3A_95, %add3A_161], %sub3A_173 : memref<128x128xf32, #tpu.memory_space<vmem>>[vector<16xi32>, vector<16xi32>], vector<16xf32>,
      %add3A_174 = arith.constant 80 : i32
      %add3A_175 = vector.broadcast %add3A_174 : i32 to vector<16xi32>
      %add3A_176 = arith.addi %add3A_175, %iota3A : vector<16xi32>
      %gather3A_177 = tpu.vector_load_idx %arg18[%broadcast_in_dim3A_95, %add3A_176] : memref<128x128xf32, #tpu.memory_space<vmem>>[vector<16xi32>, vector<16xi32>], vector<16xf32>,
      %gather3A_178 = tpu.vector_load_idx %arg17[%broadcast_in_dim3A_95, %add3A_176] : memref<128x128xf32, #tpu.memory_space<vmem>>[vector<16xi32>, vector<16xi32>], vector<16xf32>,
      %sub3A_179 = arith.subf %gather3A_177, %gather3A_178 : vector<16xf32>
      %jit3A_180 = arith.constant 0.000000e+00 : f32
      %broadcast_in_dim3A_181 = vector.broadcast %jit3A_180 : f32 to vector<16xf32>
      %select_n3A_182 = arith.select %ne3A_101, %sub3A_179, %broadcast_in_dim3A_181 : vector<16xi1>, vector<16xf32>
      %mul3A_183 = arith.mulf %select_n3A_182, %select_n3A_182 : vector<16xf32>
      %add3A_184 = arith.addf %add3A_169, %mul3A_183 : vector<16xf32>
      %mul3A_185 = arith.constant 1.000000e-01 : f32
      %mul3A_186 = vector.broadcast %mul3A_185 : f32 to vector<16xf32>
      %mul3A_187 = arith.mulf %mul3A_186, %select_n3A_182 : vector<16xf32>
      %sub3A_188 = arith.subf %gather3A_177, %mul3A_187 : vector<16xf32>
      tpu.vector_store_idx %arg19[%broadcast_in_dim3A_95, %add3A_176], %sub3A_188 : memref<128x128xf32, #tpu.memory_space<vmem>>[vector<16xi32>, vector<16xi32>], vector<16xf32>,
      %add3A_189 = arith.constant 96 : i32
      %add3A_190 = vector.broadcast %add3A_189 : i32 to vector<16xi32>
      %add3A_191 = arith.addi %add3A_190, %iota3A : vector<16xi32>
      %gather3A_192 = tpu.vector_load_idx %arg18[%broadcast_in_dim3A_95, %add3A_191] : memref<128x128xf32, #tpu.memory_space<vmem>>[vector<16xi32>, vector<16xi32>], vector<16xf32>,
      %gather3A_193 = tpu.vector_load_idx %arg17[%broadcast_in_dim3A_95, %add3A_191] : memref<128x128xf32, #tpu.memory_space<vmem>>[vector<16xi32>, vector<16xi32>], vector<16xf32>,
      %sub3A_194 = arith.subf %gather3A_192, %gather3A_193 : vector<16xf32>
      %jit3A_195 = arith.constant 0.000000e+00 : f32
      %broadcast_in_dim3A_196 = vector.broadcast %jit3A_195 : f32 to vector<16xf32>
      %select_n3A_197 = arith.select %ne3A_101, %sub3A_194, %broadcast_in_dim3A_196 : vector<16xi1>, vector<16xf32>
      %mul3A_198 = arith.mulf %select_n3A_197, %select_n3A_197 : vector<16xf32>
      %add3A_199 = arith.addf %add3A_184, %mul3A_198 : vector<16xf32>
      %mul3A_200 = arith.constant 1.000000e-01 : f32
      %mul3A_201 = vector.broadcast %mul3A_200 : f32 to vector<16xf32>
      %mul3A_202 = arith.mulf %mul3A_201, %select_n3A_197 : vector<16xf32>
      %sub3A_203 = arith.subf %gather3A_192, %mul3A_202 : vector<16xf32>
      tpu.vector_store_idx %arg19[%broadcast_in_dim3A_95, %add3A_191], %sub3A_203 : memref<128x128xf32, #tpu.memory_space<vmem>>[vector<16xi32>, vector<16xi32>], vector<16xf32>,
      %add3A_204 = arith.constant 112 : i32
      %add3A_205 = vector.broadcast %add3A_204 : i32 to vector<16xi32>
      %add3A_206 = arith.addi %add3A_205, %iota3A : vector<16xi32>
      %gather3A_207 = tpu.vector_load_idx %arg18[%broadcast_in_dim3A_95, %add3A_206] : memref<128x128xf32, #tpu.memory_space<vmem>>[vector<16xi32>, vector<16xi32>], vector<16xf32>,
      %gather3A_208 = tpu.vector_load_idx %arg17[%broadcast_in_dim3A_95, %add3A_206] : memref<128x128xf32, #tpu.memory_space<vmem>>[vector<16xi32>, vector<16xi32>], vector<16xf32>,
      %sub3A_209 = arith.subf %gather3A_207, %gather3A_208 : vector<16xf32>
      %jit3A_210 = arith.constant 0.000000e+00 : f32
      %broadcast_in_dim3A_211 = vector.broadcast %jit3A_210 : f32 to vector<16xf32>
      %select_n3A_212 = arith.select %ne3A_101, %sub3A_209, %broadcast_in_dim3A_211 : vector<16xi1>, vector<16xf32>
      %mul3A_213 = arith.mulf %select_n3A_212, %select_n3A_212 : vector<16xf32>
      %add3A_214 = arith.addf %add3A_199, %mul3A_213 : vector<16xf32>
      %mul3A_215 = arith.constant 1.000000e-01 : f32
      %mul3A_216 = vector.broadcast %mul3A_215 : f32 to vector<16xf32>
      %mul3A_217 = arith.mulf %mul3A_216, %select_n3A_212 : vector<16xf32>
      %sub3A_218 = arith.subf %gather3A_207, %mul3A_217 : vector<16xf32>
      tpu.vector_store_idx %arg19[%broadcast_in_dim3A_95, %add3A_206], %sub3A_218 : memref<128x128xf32, #tpu.memory_space<vmem>>[vector<16xi32>, vector<16xi32>], vector<16xf32>,
      scf.yield %add3A_214 : vector<16xf32>
    }
    %scan3A_61 = arith.constant 128 : i32
    "tpu.region"() ({
      %run_scoped3A = tpu.sem_alloc : memref<!tpu.dma_semaphore, #tpu.memory_space<semaphore_mem>>
      %dma_start3A = arith.constant 640 : i32
      %dma_start3A_93 = tpu.memref_slice %arg13[%dma_start3A] : memref<1024xi32, #tpu.memory_space<vmem>> -> memref<128xi32, #tpu.memory_space<vmem>>
      %dma_start3A_94 = arith.constant 0 : i32
      %dma_start3A_95 = arith.constant 0 : i32
      %dma_start3A_96 = tpu.memref_slice %arg7[%dma_start3A_94, %dma_start3A_95] : memref<16384x128xf32, #tpu.memory_space<hbm>> -> memref<16384x128xf32, #tpu.memory_space<hbm>>
      %dma_start3A_97 = arith.constant -1 : i32
      tpu.enqueue_indirect_dma source(%arg19 : memref<128x128xf32, #tpu.memory_space<vmem>>) target(%dma_start3A_96 : memref<16384x128xf32, #tpu.memory_space<hbm>>) offsets(%dma_start3A_93 : memref<128xi32, #tpu.memory_space<vmem>>) offset_filter(%dma_start3A_97) semaphore(%run_scoped3A : memref<!tpu.dma_semaphore, #tpu.memory_space<semaphore_mem>>)
      %dma_wait3A = arith.constant 640 : i32
      %dma_wait3A_98 = tpu.memref_slice %arg13[%dma_wait3A] : memref<1024xi32, #tpu.memory_space<vmem>> -> memref<128xi32, #tpu.memory_space<vmem>>
      %dma_wait3A_99 = arith.constant 0 : i32
      %dma_wait3A_100 = arith.constant 0 : i32
      %dma_wait3A_101 = tpu.memref_slice %arg7[%dma_wait3A_99, %dma_wait3A_100] : memref<16384x128xf32, #tpu.memory_space<hbm>> -> memref<16384x128xf32, #tpu.memory_space<hbm>>
      tpu.wait_indirect_dma semaphore(%run_scoped3A : memref<!tpu.dma_semaphore, #tpu.memory_space<semaphore_mem>>) src(%arg19 : memref<128x128xf32, #tpu.memory_space<vmem>>) dst(%dma_wait3A_101 : memref<16384x128xf32, #tpu.memory_space<hbm>>)
      tpu.yield
    }) : () -> ()
    %add3A_62 = arith.constant 768 : i32
    %add3A_63 = arith.addi %mul3A_0, %add3A_62 : i32
    "tpu.region"() ({
      %run_scoped3A = tpu.sem_alloc : memref<!tpu.dma_semaphore, #tpu.memory_space<semaphore_mem>>
      %dma_start3A = arith.constant 0 : i32
      %dma_start3A_93 = tpu.memref_slice %arg2[%add3A_63, %dma_start3A] : memref<16384x128xf32, #tpu.memory_space<hbm>> -> memref<128x128xf32, #tpu.memory_space<hbm>>
      %dma_start3A_94 = arith.constant 0 : i32
      %dma_start3A_95 = tpu.memref_slice %arg2[%add3A_63, %dma_start3A_94] : memref<16384x128xf32, #tpu.memory_space<hbm>> -> memref<128x128xf32, #tpu.memory_space<hbm>>
      tpu.enqueue_dma source(%dma_start3A_95 : memref<128x128xf32, #tpu.memory_space<hbm>>) target(%arg17 : memref<128x128xf32, #tpu.memory_space<vmem>>) target_semaphore(%run_scoped3A : memref<!tpu.dma_semaphore, #tpu.memory_space<semaphore_mem>>)
      %dma_wait3A = arith.constant 0 : i32
      %dma_wait3A_96 = tpu.memref_slice %arg2[%add3A_63, %dma_wait3A] : memref<16384x128xf32, #tpu.memory_space<hbm>> -> memref<128x128xf32, #tpu.memory_space<hbm>>
      %dma_wait3A_97 = arith.constant 0 : i32
      %dma_wait3A_98 = tpu.memref_slice %arg2[%add3A_63, %dma_wait3A_97] : memref<16384x128xf32, #tpu.memory_space<hbm>> -> memref<128x128xf32, #tpu.memory_space<hbm>>
      tpu.wait_dma2 semaphore(%run_scoped3A : memref<!tpu.dma_semaphore, #tpu.memory_space<semaphore_mem>>) src(%dma_wait3A_98 : memref<128x128xf32, #tpu.memory_space<hbm>>) dst(%arg17 : memref<128x128xf32, #tpu.memory_space<vmem>>)
      tpu.yield
    }) : () -> ()
    "tpu.region"() ({
      %run_scoped3A = tpu.sem_alloc : memref<!tpu.dma_semaphore, #tpu.memory_space<semaphore_mem>>
      %dma_start3A = arith.constant 768 : i32
      %dma_start3A_93 = tpu.memref_slice %arg11[%dma_start3A] : memref<1024xi32, #tpu.memory_space<vmem>> -> memref<128xi32, #tpu.memory_space<vmem>>
      %dma_start3A_94 = arith.constant 0 : i32
      %dma_start3A_95 = arith.constant 0 : i32
      %dma_start3A_96 = tpu.memref_slice %arg4[%dma_start3A_94, %dma_start3A_95] : memref<1000001x128xf32, #tpu.memory_space<hbm>> -> memref<1000001x128xf32, #tpu.memory_space<hbm>>
      %dma_start3A_97 = arith.constant -1 : i32
      tpu.enqueue_indirect_dma source(%dma_start3A_96 : memref<1000001x128xf32, #tpu.memory_space<hbm>>) target(%arg18 : memref<128x128xf32, #tpu.memory_space<vmem>>) offsets(%dma_start3A_93 : memref<128xi32, #tpu.memory_space<vmem>>) offset_filter(%dma_start3A_97) semaphore(%run_scoped3A : memref<!tpu.dma_semaphore, #tpu.memory_space<semaphore_mem>>)
      %dma_wait3A = arith.constant 768 : i32
      %dma_wait3A_98 = tpu.memref_slice %arg11[%dma_wait3A] : memref<1024xi32, #tpu.memory_space<vmem>> -> memref<128xi32, #tpu.memory_space<vmem>>
      %dma_wait3A_99 = arith.constant 0 : i32
      %dma_wait3A_100 = arith.constant 0 : i32
      %dma_wait3A_101 = tpu.memref_slice %arg4[%dma_wait3A_99, %dma_wait3A_100] : memref<1000001x128xf32, #tpu.memory_space<hbm>> -> memref<1000001x128xf32, #tpu.memory_space<hbm>>
      tpu.wait_indirect_dma semaphore(%run_scoped3A : memref<!tpu.dma_semaphore, #tpu.memory_space<semaphore_mem>>) src(%dma_wait3A_101 : memref<1000001x128xf32, #tpu.memory_space<hbm>>) dst(%arg18 : memref<128x128xf32, #tpu.memory_space<vmem>>)
      tpu.yield
    }) : () -> ()
    %scan3A_64 = arith.constant 0 : i32
    %scan3A_65 = arith.constant 128 : i32
    %scan3A_66 = arith.addi %scan3A_64, %scan3A_65 : i32
    %scan3A_67 = arith.constant 1 : i32
    %scan3A_68 = scf.for %scan3A_93 = %scan3A_64 to %scan3A_66 step %scan3A_67 iter_args(%scan3A_94 = %scan3A_60) -> (vector<16xf32>)  : i32 {
      %broadcast_in_dim3A_95 = vector.broadcast %scan3A_93 : i32 to vector<16xi32>
      %broadcast_in_dim3A_96 = arith.constant 768 : i32
      %broadcast_in_dim3A_97 = vector.broadcast %broadcast_in_dim3A_96 : i32 to vector<16xi32>
      %add3A_98 = vector.broadcast %scan3A_93 : i32 to vector<16xi32>
      %add3A_99 = arith.addi %broadcast_in_dim3A_97, %add3A_98 : vector<16xi32>
      %gather3A = tpu.vector_load_idx %arg11[%add3A_99] : memref<1024xi32, #tpu.memory_space<vmem>>[vector<16xi32>], vector<16xi32>,
      %ne3A = arith.constant -1 : i32
      %ne3A_100 = vector.broadcast %ne3A : i32 to vector<16xi32>
      %ne3A_101 = arith.cmpi ne, %gather3A, %ne3A_100 : vector<16xi32>
      %add3A_102 = arith.constant 0 : i32
      %add3A_103 = vector.broadcast %add3A_102 : i32 to vector<16xi32>
      %add3A_104 = arith.addi %add3A_103, %iota3A : vector<16xi32>
      %gather3A_105 = tpu.vector_load_idx %arg18[%broadcast_in_dim3A_95, %add3A_104] : memref<128x128xf32, #tpu.memory_space<vmem>>[vector<16xi32>, vector<16xi32>], vector<16xf32>,
      %gather3A_106 = tpu.vector_load_idx %arg17[%broadcast_in_dim3A_95, %add3A_104] : memref<128x128xf32, #tpu.memory_space<vmem>>[vector<16xi32>, vector<16xi32>], vector<16xf32>,
      %sub3A = arith.subf %gather3A_105, %gather3A_106 : vector<16xf32>
      %jit3A = arith.constant 0.000000e+00 : f32
      %broadcast_in_dim3A_107 = vector.broadcast %jit3A : f32 to vector<16xf32>
      %select_n3A = arith.select %ne3A_101, %sub3A, %broadcast_in_dim3A_107 : vector<16xi1>, vector<16xf32>
      %mul3A_108 = arith.mulf %select_n3A, %select_n3A : vector<16xf32>
      %add3A_109 = arith.addf %scan3A_94, %mul3A_108 : vector<16xf32>
      %mul3A_110 = arith.constant 1.000000e-01 : f32
      %mul3A_111 = vector.broadcast %mul3A_110 : f32 to vector<16xf32>
      %mul3A_112 = arith.mulf %mul3A_111, %select_n3A : vector<16xf32>
      %sub3A_113 = arith.subf %gather3A_105, %mul3A_112 : vector<16xf32>
      tpu.vector_store_idx %arg19[%broadcast_in_dim3A_95, %add3A_104], %sub3A_113 : memref<128x128xf32, #tpu.memory_space<vmem>>[vector<16xi32>, vector<16xi32>], vector<16xf32>,
      %add3A_114 = arith.constant 16 : i32
      %add3A_115 = vector.broadcast %add3A_114 : i32 to vector<16xi32>
      %add3A_116 = arith.addi %add3A_115, %iota3A : vector<16xi32>
      %gather3A_117 = tpu.vector_load_idx %arg18[%broadcast_in_dim3A_95, %add3A_116] : memref<128x128xf32, #tpu.memory_space<vmem>>[vector<16xi32>, vector<16xi32>], vector<16xf32>,
      %gather3A_118 = tpu.vector_load_idx %arg17[%broadcast_in_dim3A_95, %add3A_116] : memref<128x128xf32, #tpu.memory_space<vmem>>[vector<16xi32>, vector<16xi32>], vector<16xf32>,
      %sub3A_119 = arith.subf %gather3A_117, %gather3A_118 : vector<16xf32>
      %jit3A_120 = arith.constant 0.000000e+00 : f32
      %broadcast_in_dim3A_121 = vector.broadcast %jit3A_120 : f32 to vector<16xf32>
      %select_n3A_122 = arith.select %ne3A_101, %sub3A_119, %broadcast_in_dim3A_121 : vector<16xi1>, vector<16xf32>
      %mul3A_123 = arith.mulf %select_n3A_122, %select_n3A_122 : vector<16xf32>
      %add3A_124 = arith.addf %add3A_109, %mul3A_123 : vector<16xf32>
      %mul3A_125 = arith.constant 1.000000e-01 : f32
      %mul3A_126 = vector.broadcast %mul3A_125 : f32 to vector<16xf32>
      %mul3A_127 = arith.mulf %mul3A_126, %select_n3A_122 : vector<16xf32>
      %sub3A_128 = arith.subf %gather3A_117, %mul3A_127 : vector<16xf32>
      tpu.vector_store_idx %arg19[%broadcast_in_dim3A_95, %add3A_116], %sub3A_128 : memref<128x128xf32, #tpu.memory_space<vmem>>[vector<16xi32>, vector<16xi32>], vector<16xf32>,
      %add3A_129 = arith.constant 32 : i32
      %add3A_130 = vector.broadcast %add3A_129 : i32 to vector<16xi32>
      %add3A_131 = arith.addi %add3A_130, %iota3A : vector<16xi32>
      %gather3A_132 = tpu.vector_load_idx %arg18[%broadcast_in_dim3A_95, %add3A_131] : memref<128x128xf32, #tpu.memory_space<vmem>>[vector<16xi32>, vector<16xi32>], vector<16xf32>,
      %gather3A_133 = tpu.vector_load_idx %arg17[%broadcast_in_dim3A_95, %add3A_131] : memref<128x128xf32, #tpu.memory_space<vmem>>[vector<16xi32>, vector<16xi32>], vector<16xf32>,
      %sub3A_134 = arith.subf %gather3A_132, %gather3A_133 : vector<16xf32>
      %jit3A_135 = arith.constant 0.000000e+00 : f32
      %broadcast_in_dim3A_136 = vector.broadcast %jit3A_135 : f32 to vector<16xf32>
      %select_n3A_137 = arith.select %ne3A_101, %sub3A_134, %broadcast_in_dim3A_136 : vector<16xi1>, vector<16xf32>
      %mul3A_138 = arith.mulf %select_n3A_137, %select_n3A_137 : vector<16xf32>
      %add3A_139 = arith.addf %add3A_124, %mul3A_138 : vector<16xf32>
      %mul3A_140 = arith.constant 1.000000e-01 : f32
      %mul3A_141 = vector.broadcast %mul3A_140 : f32 to vector<16xf32>
      %mul3A_142 = arith.mulf %mul3A_141, %select_n3A_137 : vector<16xf32>
      %sub3A_143 = arith.subf %gather3A_132, %mul3A_142 : vector<16xf32>
      tpu.vector_store_idx %arg19[%broadcast_in_dim3A_95, %add3A_131], %sub3A_143 : memref<128x128xf32, #tpu.memory_space<vmem>>[vector<16xi32>, vector<16xi32>], vector<16xf32>,
      %add3A_144 = arith.constant 48 : i32
      %add3A_145 = vector.broadcast %add3A_144 : i32 to vector<16xi32>
      %add3A_146 = arith.addi %add3A_145, %iota3A : vector<16xi32>
      %gather3A_147 = tpu.vector_load_idx %arg18[%broadcast_in_dim3A_95, %add3A_146] : memref<128x128xf32, #tpu.memory_space<vmem>>[vector<16xi32>, vector<16xi32>], vector<16xf32>,
      %gather3A_148 = tpu.vector_load_idx %arg17[%broadcast_in_dim3A_95, %add3A_146] : memref<128x128xf32, #tpu.memory_space<vmem>>[vector<16xi32>, vector<16xi32>], vector<16xf32>,
      %sub3A_149 = arith.subf %gather3A_147, %gather3A_148 : vector<16xf32>
      %jit3A_150 = arith.constant 0.000000e+00 : f32
      %broadcast_in_dim3A_151 = vector.broadcast %jit3A_150 : f32 to vector<16xf32>
      %select_n3A_152 = arith.select %ne3A_101, %sub3A_149, %broadcast_in_dim3A_151 : vector<16xi1>, vector<16xf32>
      %mul3A_153 = arith.mulf %select_n3A_152, %select_n3A_152 : vector<16xf32>
      %add3A_154 = arith.addf %add3A_139, %mul3A_153 : vector<16xf32>
      %mul3A_155 = arith.constant 1.000000e-01 : f32
      %mul3A_156 = vector.broadcast %mul3A_155 : f32 to vector<16xf32>
      %mul3A_157 = arith.mulf %mul3A_156, %select_n3A_152 : vector<16xf32>
      %sub3A_158 = arith.subf %gather3A_147, %mul3A_157 : vector<16xf32>
      tpu.vector_store_idx %arg19[%broadcast_in_dim3A_95, %add3A_146], %sub3A_158 : memref<128x128xf32, #tpu.memory_space<vmem>>[vector<16xi32>, vector<16xi32>], vector<16xf32>,
      %add3A_159 = arith.constant 64 : i32
      %add3A_160 = vector.broadcast %add3A_159 : i32 to vector<16xi32>
      %add3A_161 = arith.addi %add3A_160, %iota3A : vector<16xi32>
      %gather3A_162 = tpu.vector_load_idx %arg18[%broadcast_in_dim3A_95, %add3A_161] : memref<128x128xf32, #tpu.memory_space<vmem>>[vector<16xi32>, vector<16xi32>], vector<16xf32>,
      %gather3A_163 = tpu.vector_load_idx %arg17[%broadcast_in_dim3A_95, %add3A_161] : memref<128x128xf32, #tpu.memory_space<vmem>>[vector<16xi32>, vector<16xi32>], vector<16xf32>,
      %sub3A_164 = arith.subf %gather3A_162, %gather3A_163 : vector<16xf32>
      %jit3A_165 = arith.constant 0.000000e+00 : f32
      %broadcast_in_dim3A_166 = vector.broadcast %jit3A_165 : f32 to vector<16xf32>
      %select_n3A_167 = arith.select %ne3A_101, %sub3A_164, %broadcast_in_dim3A_166 : vector<16xi1>, vector<16xf32>
      %mul3A_168 = arith.mulf %select_n3A_167, %select_n3A_167 : vector<16xf32>
      %add3A_169 = arith.addf %add3A_154, %mul3A_168 : vector<16xf32>
      %mul3A_170 = arith.constant 1.000000e-01 : f32
      %mul3A_171 = vector.broadcast %mul3A_170 : f32 to vector<16xf32>
      %mul3A_172 = arith.mulf %mul3A_171, %select_n3A_167 : vector<16xf32>
      %sub3A_173 = arith.subf %gather3A_162, %mul3A_172 : vector<16xf32>
      tpu.vector_store_idx %arg19[%broadcast_in_dim3A_95, %add3A_161], %sub3A_173 : memref<128x128xf32, #tpu.memory_space<vmem>>[vector<16xi32>, vector<16xi32>], vector<16xf32>,
      %add3A_174 = arith.constant 80 : i32
      %add3A_175 = vector.broadcast %add3A_174 : i32 to vector<16xi32>
      %add3A_176 = arith.addi %add3A_175, %iota3A : vector<16xi32>
      %gather3A_177 = tpu.vector_load_idx %arg18[%broadcast_in_dim3A_95, %add3A_176] : memref<128x128xf32, #tpu.memory_space<vmem>>[vector<16xi32>, vector<16xi32>], vector<16xf32>,
      %gather3A_178 = tpu.vector_load_idx %arg17[%broadcast_in_dim3A_95, %add3A_176] : memref<128x128xf32, #tpu.memory_space<vmem>>[vector<16xi32>, vector<16xi32>], vector<16xf32>,
      %sub3A_179 = arith.subf %gather3A_177, %gather3A_178 : vector<16xf32>
      %jit3A_180 = arith.constant 0.000000e+00 : f32
      %broadcast_in_dim3A_181 = vector.broadcast %jit3A_180 : f32 to vector<16xf32>
      %select_n3A_182 = arith.select %ne3A_101, %sub3A_179, %broadcast_in_dim3A_181 : vector<16xi1>, vector<16xf32>
      %mul3A_183 = arith.mulf %select_n3A_182, %select_n3A_182 : vector<16xf32>
      %add3A_184 = arith.addf %add3A_169, %mul3A_183 : vector<16xf32>
      %mul3A_185 = arith.constant 1.000000e-01 : f32
      %mul3A_186 = vector.broadcast %mul3A_185 : f32 to vector<16xf32>
      %mul3A_187 = arith.mulf %mul3A_186, %select_n3A_182 : vector<16xf32>
      %sub3A_188 = arith.subf %gather3A_177, %mul3A_187 : vector<16xf32>
      tpu.vector_store_idx %arg19[%broadcast_in_dim3A_95, %add3A_176], %sub3A_188 : memref<128x128xf32, #tpu.memory_space<vmem>>[vector<16xi32>, vector<16xi32>], vector<16xf32>,
      %add3A_189 = arith.constant 96 : i32
      %add3A_190 = vector.broadcast %add3A_189 : i32 to vector<16xi32>
      %add3A_191 = arith.addi %add3A_190, %iota3A : vector<16xi32>
      %gather3A_192 = tpu.vector_load_idx %arg18[%broadcast_in_dim3A_95, %add3A_191] : memref<128x128xf32, #tpu.memory_space<vmem>>[vector<16xi32>, vector<16xi32>], vector<16xf32>,
      %gather3A_193 = tpu.vector_load_idx %arg17[%broadcast_in_dim3A_95, %add3A_191] : memref<128x128xf32, #tpu.memory_space<vmem>>[vector<16xi32>, vector<16xi32>], vector<16xf32>,
      %sub3A_194 = arith.subf %gather3A_192, %gather3A_193 : vector<16xf32>
      %jit3A_195 = arith.constant 0.000000e+00 : f32
      %broadcast_in_dim3A_196 = vector.broadcast %jit3A_195 : f32 to vector<16xf32>
      %select_n3A_197 = arith.select %ne3A_101, %sub3A_194, %broadcast_in_dim3A_196 : vector<16xi1>, vector<16xf32>
      %mul3A_198 = arith.mulf %select_n3A_197, %select_n3A_197 : vector<16xf32>
      %add3A_199 = arith.addf %add3A_184, %mul3A_198 : vector<16xf32>
      %mul3A_200 = arith.constant 1.000000e-01 : f32
      %mul3A_201 = vector.broadcast %mul3A_200 : f32 to vector<16xf32>
      %mul3A_202 = arith.mulf %mul3A_201, %select_n3A_197 : vector<16xf32>
      %sub3A_203 = arith.subf %gather3A_192, %mul3A_202 : vector<16xf32>
      tpu.vector_store_idx %arg19[%broadcast_in_dim3A_95, %add3A_191], %sub3A_203 : memref<128x128xf32, #tpu.memory_space<vmem>>[vector<16xi32>, vector<16xi32>], vector<16xf32>,
      %add3A_204 = arith.constant 112 : i32
      %add3A_205 = vector.broadcast %add3A_204 : i32 to vector<16xi32>
      %add3A_206 = arith.addi %add3A_205, %iota3A : vector<16xi32>
      %gather3A_207 = tpu.vector_load_idx %arg18[%broadcast_in_dim3A_95, %add3A_206] : memref<128x128xf32, #tpu.memory_space<vmem>>[vector<16xi32>, vector<16xi32>], vector<16xf32>,
      %gather3A_208 = tpu.vector_load_idx %arg17[%broadcast_in_dim3A_95, %add3A_206] : memref<128x128xf32, #tpu.memory_space<vmem>>[vector<16xi32>, vector<16xi32>], vector<16xf32>,
      %sub3A_209 = arith.subf %gather3A_207, %gather3A_208 : vector<16xf32>
      %jit3A_210 = arith.constant 0.000000e+00 : f32
      %broadcast_in_dim3A_211 = vector.broadcast %jit3A_210 : f32 to vector<16xf32>
      %select_n3A_212 = arith.select %ne3A_101, %sub3A_209, %broadcast_in_dim3A_211 : vector<16xi1>, vector<16xf32>
      %mul3A_213 = arith.mulf %select_n3A_212, %select_n3A_212 : vector<16xf32>
      %add3A_214 = arith.addf %add3A_199, %mul3A_213 : vector<16xf32>
      %mul3A_215 = arith.constant 1.000000e-01 : f32
      %mul3A_216 = vector.broadcast %mul3A_215 : f32 to vector<16xf32>
      %mul3A_217 = arith.mulf %mul3A_216, %select_n3A_212 : vector<16xf32>
      %sub3A_218 = arith.subf %gather3A_207, %mul3A_217 : vector<16xf32>
      tpu.vector_store_idx %arg19[%broadcast_in_dim3A_95, %add3A_206], %sub3A_218 : memref<128x128xf32, #tpu.memory_space<vmem>>[vector<16xi32>, vector<16xi32>], vector<16xf32>,
      scf.yield %add3A_214 : vector<16xf32>
    }
    %scan3A_69 = arith.constant 128 : i32
    "tpu.region"() ({
      %run_scoped3A = tpu.sem_alloc : memref<!tpu.dma_semaphore, #tpu.memory_space<semaphore_mem>>
      %dma_start3A = arith.constant 768 : i32
      %dma_start3A_93 = tpu.memref_slice %arg13[%dma_start3A] : memref<1024xi32, #tpu.memory_space<vmem>> -> memref<128xi32, #tpu.memory_space<vmem>>
      %dma_start3A_94 = arith.constant 0 : i32
      %dma_start3A_95 = arith.constant 0 : i32
      %dma_start3A_96 = tpu.memref_slice %arg7[%dma_start3A_94, %dma_start3A_95] : memref<16384x128xf32, #tpu.memory_space<hbm>> -> memref<16384x128xf32, #tpu.memory_space<hbm>>
      %dma_start3A_97 = arith.constant -1 : i32
      tpu.enqueue_indirect_dma source(%arg19 : memref<128x128xf32, #tpu.memory_space<vmem>>) target(%dma_start3A_96 : memref<16384x128xf32, #tpu.memory_space<hbm>>) offsets(%dma_start3A_93 : memref<128xi32, #tpu.memory_space<vmem>>) offset_filter(%dma_start3A_97) semaphore(%run_scoped3A : memref<!tpu.dma_semaphore, #tpu.memory_space<semaphore_mem>>)
      %dma_wait3A = arith.constant 768 : i32
      %dma_wait3A_98 = tpu.memref_slice %arg13[%dma_wait3A] : memref<1024xi32, #tpu.memory_space<vmem>> -> memref<128xi32, #tpu.memory_space<vmem>>
      %dma_wait3A_99 = arith.constant 0 : i32
      %dma_wait3A_100 = arith.constant 0 : i32
      %dma_wait3A_101 = tpu.memref_slice %arg7[%dma_wait3A_99, %dma_wait3A_100] : memref<16384x128xf32, #tpu.memory_space<hbm>> -> memref<16384x128xf32, #tpu.memory_space<hbm>>
      tpu.wait_indirect_dma semaphore(%run_scoped3A : memref<!tpu.dma_semaphore, #tpu.memory_space<semaphore_mem>>) src(%arg19 : memref<128x128xf32, #tpu.memory_space<vmem>>) dst(%dma_wait3A_101 : memref<16384x128xf32, #tpu.memory_space<hbm>>)
      tpu.yield
    }) : () -> ()
    %add3A_70 = arith.constant 896 : i32
    %add3A_71 = arith.addi %mul3A_0, %add3A_70 : i32
    "tpu.region"() ({
      %run_scoped3A = tpu.sem_alloc : memref<!tpu.dma_semaphore, #tpu.memory_space<semaphore_mem>>
      %dma_start3A = arith.constant 0 : i32
      %dma_start3A_93 = tpu.memref_slice %arg2[%add3A_71, %dma_start3A] : memref<16384x128xf32, #tpu.memory_space<hbm>> -> memref<128x128xf32, #tpu.memory_space<hbm>>
      %dma_start3A_94 = arith.constant 0 : i32
      %dma_start3A_95 = tpu.memref_slice %arg2[%add3A_71, %dma_start3A_94] : memref<16384x128xf32, #tpu.memory_space<hbm>> -> memref<128x128xf32, #tpu.memory_space<hbm>>
      tpu.enqueue_dma source(%dma_start3A_95 : memref<128x128xf32, #tpu.memory_space<hbm>>) target(%arg17 : memref<128x128xf32, #tpu.memory_space<vmem>>) target_semaphore(%run_scoped3A : memref<!tpu.dma_semaphore, #tpu.memory_space<semaphore_mem>>)
      %dma_wait3A = arith.constant 0 : i32
      %dma_wait3A_96 = tpu.memref_slice %arg2[%add3A_71, %dma_wait3A] : memref<16384x128xf32, #tpu.memory_space<hbm>> -> memref<128x128xf32, #tpu.memory_space<hbm>>
      %dma_wait3A_97 = arith.constant 0 : i32
      %dma_wait3A_98 = tpu.memref_slice %arg2[%add3A_71, %dma_wait3A_97] : memref<16384x128xf32, #tpu.memory_space<hbm>> -> memref<128x128xf32, #tpu.memory_space<hbm>>
      tpu.wait_dma2 semaphore(%run_scoped3A : memref<!tpu.dma_semaphore, #tpu.memory_space<semaphore_mem>>) src(%dma_wait3A_98 : memref<128x128xf32, #tpu.memory_space<hbm>>) dst(%arg17 : memref<128x128xf32, #tpu.memory_space<vmem>>)
      tpu.yield
    }) : () -> ()
    "tpu.region"() ({
      %run_scoped3A = tpu.sem_alloc : memref<!tpu.dma_semaphore, #tpu.memory_space<semaphore_mem>>
      %dma_start3A = arith.constant 896 : i32
      %dma_start3A_93 = tpu.memref_slice %arg11[%dma_start3A] : memref<1024xi32, #tpu.memory_space<vmem>> -> memref<128xi32, #tpu.memory_space<vmem>>
      %dma_start3A_94 = arith.constant 0 : i32
      %dma_start3A_95 = arith.constant 0 : i32
      %dma_start3A_96 = tpu.memref_slice %arg4[%dma_start3A_94, %dma_start3A_95] : memref<1000001x128xf32, #tpu.memory_space<hbm>> -> memref<1000001x128xf32, #tpu.memory_space<hbm>>
      %dma_start3A_97 = arith.constant -1 : i32
      tpu.enqueue_indirect_dma source(%dma_start3A_96 : memref<1000001x128xf32, #tpu.memory_space<hbm>>) target(%arg18 : memref<128x128xf32, #tpu.memory_space<vmem>>) offsets(%dma_start3A_93 : memref<128xi32, #tpu.memory_space<vmem>>) offset_filter(%dma_start3A_97) semaphore(%run_scoped3A : memref<!tpu.dma_semaphore, #tpu.memory_space<semaphore_mem>>)
      %dma_wait3A = arith.constant 896 : i32
      %dma_wait3A_98 = tpu.memref_slice %arg11[%dma_wait3A] : memref<1024xi32, #tpu.memory_space<vmem>> -> memref<128xi32, #tpu.memory_space<vmem>>
      %dma_wait3A_99 = arith.constant 0 : i32
      %dma_wait3A_100 = arith.constant 0 : i32
      %dma_wait3A_101 = tpu.memref_slice %arg4[%dma_wait3A_99, %dma_wait3A_100] : memref<1000001x128xf32, #tpu.memory_space<hbm>> -> memref<1000001x128xf32, #tpu.memory_space<hbm>>
      tpu.wait_indirect_dma semaphore(%run_scoped3A : memref<!tpu.dma_semaphore, #tpu.memory_space<semaphore_mem>>) src(%dma_wait3A_101 : memref<1000001x128xf32, #tpu.memory_space<hbm>>) dst(%arg18 : memref<128x128xf32, #tpu.memory_space<vmem>>)
      tpu.yield
    }) : () -> ()
    %scan3A_72 = arith.constant 0 : i32
    %scan3A_73 = arith.constant 128 : i32
    %scan3A_74 = arith.addi %scan3A_72, %scan3A_73 : i32
    %scan3A_75 = arith.constant 1 : i32
    %scan3A_76 = scf.for %scan3A_93 = %scan3A_72 to %scan3A_74 step %scan3A_75 iter_args(%scan3A_94 = %scan3A_68) -> (vector<16xf32>)  : i32 {
      %broadcast_in_dim3A_95 = vector.broadcast %scan3A_93 : i32 to vector<16xi32>
      %broadcast_in_dim3A_96 = arith.constant 896 : i32
      %broadcast_in_dim3A_97 = vector.broadcast %broadcast_in_dim3A_96 : i32 to vector<16xi32>
      %add3A_98 = vector.broadcast %scan3A_93 : i32 to vector<16xi32>
      %add3A_99 = arith.addi %broadcast_in_dim3A_97, %add3A_98 : vector<16xi32>
      %gather3A = tpu.vector_load_idx %arg11[%add3A_99] : memref<1024xi32, #tpu.memory_space<vmem>>[vector<16xi32>], vector<16xi32>,
      %ne3A = arith.constant -1 : i32
      %ne3A_100 = vector.broadcast %ne3A : i32 to vector<16xi32>
      %ne3A_101 = arith.cmpi ne, %gather3A, %ne3A_100 : vector<16xi32>
      %add3A_102 = arith.constant 0 : i32
      %add3A_103 = vector.broadcast %add3A_102 : i32 to vector<16xi32>
      %add3A_104 = arith.addi %add3A_103, %iota3A : vector<16xi32>
      %gather3A_105 = tpu.vector_load_idx %arg18[%broadcast_in_dim3A_95, %add3A_104] : memref<128x128xf32, #tpu.memory_space<vmem>>[vector<16xi32>, vector<16xi32>], vector<16xf32>,
      %gather3A_106 = tpu.vector_load_idx %arg17[%broadcast_in_dim3A_95, %add3A_104] : memref<128x128xf32, #tpu.memory_space<vmem>>[vector<16xi32>, vector<16xi32>], vector<16xf32>,
      %sub3A = arith.subf %gather3A_105, %gather3A_106 : vector<16xf32>
      %jit3A = arith.constant 0.000000e+00 : f32
      %broadcast_in_dim3A_107 = vector.broadcast %jit3A : f32 to vector<16xf32>
      %select_n3A = arith.select %ne3A_101, %sub3A, %broadcast_in_dim3A_107 : vector<16xi1>, vector<16xf32>
      %mul3A_108 = arith.mulf %select_n3A, %select_n3A : vector<16xf32>
      %add3A_109 = arith.addf %scan3A_94, %mul3A_108 : vector<16xf32>
      %mul3A_110 = arith.constant 1.000000e-01 : f32
      %mul3A_111 = vector.broadcast %mul3A_110 : f32 to vector<16xf32>
      %mul3A_112 = arith.mulf %mul3A_111, %select_n3A : vector<16xf32>
      %sub3A_113 = arith.subf %gather3A_105, %mul3A_112 : vector<16xf32>
      tpu.vector_store_idx %arg19[%broadcast_in_dim3A_95, %add3A_104], %sub3A_113 : memref<128x128xf32, #tpu.memory_space<vmem>>[vector<16xi32>, vector<16xi32>], vector<16xf32>,
      %add3A_114 = arith.constant 16 : i32
      %add3A_115 = vector.broadcast %add3A_114 : i32 to vector<16xi32>
      %add3A_116 = arith.addi %add3A_115, %iota3A : vector<16xi32>
      %gather3A_117 = tpu.vector_load_idx %arg18[%broadcast_in_dim3A_95, %add3A_116] : memref<128x128xf32, #tpu.memory_space<vmem>>[vector<16xi32>, vector<16xi32>], vector<16xf32>,
      %gather3A_118 = tpu.vector_load_idx %arg17[%broadcast_in_dim3A_95, %add3A_116] : memref<128x128xf32, #tpu.memory_space<vmem>>[vector<16xi32>, vector<16xi32>], vector<16xf32>,
      %sub3A_119 = arith.subf %gather3A_117, %gather3A_118 : vector<16xf32>
      %jit3A_120 = arith.constant 0.000000e+00 : f32
      %broadcast_in_dim3A_121 = vector.broadcast %jit3A_120 : f32 to vector<16xf32>
      %select_n3A_122 = arith.select %ne3A_101, %sub3A_119, %broadcast_in_dim3A_121 : vector<16xi1>, vector<16xf32>
      %mul3A_123 = arith.mulf %select_n3A_122, %select_n3A_122 : vector<16xf32>
      %add3A_124 = arith.addf %add3A_109, %mul3A_123 : vector<16xf32>
      %mul3A_125 = arith.constant 1.000000e-01 : f32
      %mul3A_126 = vector.broadcast %mul3A_125 : f32 to vector<16xf32>
      %mul3A_127 = arith.mulf %mul3A_126, %select_n3A_122 : vector<16xf32>
      %sub3A_128 = arith.subf %gather3A_117, %mul3A_127 : vector<16xf32>
      tpu.vector_store_idx %arg19[%broadcast_in_dim3A_95, %add3A_116], %sub3A_128 : memref<128x128xf32, #tpu.memory_space<vmem>>[vector<16xi32>, vector<16xi32>], vector<16xf32>,
      %add3A_129 = arith.constant 32 : i32
      %add3A_130 = vector.broadcast %add3A_129 : i32 to vector<16xi32>
      %add3A_131 = arith.addi %add3A_130, %iota3A : vector<16xi32>
      %gather3A_132 = tpu.vector_load_idx %arg18[%broadcast_in_dim3A_95, %add3A_131] : memref<128x128xf32, #tpu.memory_space<vmem>>[vector<16xi32>, vector<16xi32>], vector<16xf32>,
      %gather3A_133 = tpu.vector_load_idx %arg17[%broadcast_in_dim3A_95, %add3A_131] : memref<128x128xf32, #tpu.memory_space<vmem>>[vector<16xi32>, vector<16xi32>], vector<16xf32>,
      %sub3A_134 = arith.subf %gather3A_132, %gather3A_133 : vector<16xf32>
      %jit3A_135 = arith.constant 0.000000e+00 : f32
      %broadcast_in_dim3A_136 = vector.broadcast %jit3A_135 : f32 to vector<16xf32>
      %select_n3A_137 = arith.select %ne3A_101, %sub3A_134, %broadcast_in_dim3A_136 : vector<16xi1>, vector<16xf32>
      %mul3A_138 = arith.mulf %select_n3A_137, %select_n3A_137 : vector<16xf32>
      %add3A_139 = arith.addf %add3A_124, %mul3A_138 : vector<16xf32>
      %mul3A_140 = arith.constant 1.000000e-01 : f32
      %mul3A_141 = vector.broadcast %mul3A_140 : f32 to vector<16xf32>
      %mul3A_142 = arith.mulf %mul3A_141, %select_n3A_137 : vector<16xf32>
      %sub3A_143 = arith.subf %gather3A_132, %mul3A_142 : vector<16xf32>
      tpu.vector_store_idx %arg19[%broadcast_in_dim3A_95, %add3A_131], %sub3A_143 : memref<128x128xf32, #tpu.memory_space<vmem>>[vector<16xi32>, vector<16xi32>], vector<16xf32>,
      %add3A_144 = arith.constant 48 : i32
      %add3A_145 = vector.broadcast %add3A_144 : i32 to vector<16xi32>
      %add3A_146 = arith.addi %add3A_145, %iota3A : vector<16xi32>
      %gather3A_147 = tpu.vector_load_idx %arg18[%broadcast_in_dim3A_95, %add3A_146] : memref<128x128xf32, #tpu.memory_space<vmem>>[vector<16xi32>, vector<16xi32>], vector<16xf32>,
      %gather3A_148 = tpu.vector_load_idx %arg17[%broadcast_in_dim3A_95, %add3A_146] : memref<128x128xf32, #tpu.memory_space<vmem>>[vector<16xi32>, vector<16xi32>], vector<16xf32>,
      %sub3A_149 = arith.subf %gather3A_147, %gather3A_148 : vector<16xf32>
      %jit3A_150 = arith.constant 0.000000e+00 : f32
      %broadcast_in_dim3A_151 = vector.broadcast %jit3A_150 : f32 to vector<16xf32>
      %select_n3A_152 = arith.select %ne3A_101, %sub3A_149, %broadcast_in_dim3A_151 : vector<16xi1>, vector<16xf32>
      %mul3A_153 = arith.mulf %select_n3A_152, %select_n3A_152 : vector<16xf32>
      %add3A_154 = arith.addf %add3A_139, %mul3A_153 : vector<16xf32>
      %mul3A_155 = arith.constant 1.000000e-01 : f32
      %mul3A_156 = vector.broadcast %mul3A_155 : f32 to vector<16xf32>
      %mul3A_157 = arith.mulf %mul3A_156, %select_n3A_152 : vector<16xf32>
      %sub3A_158 = arith.subf %gather3A_147, %mul3A_157 : vector<16xf32>
      tpu.vector_store_idx %arg19[%broadcast_in_dim3A_95, %add3A_146], %sub3A_158 : memref<128x128xf32, #tpu.memory_space<vmem>>[vector<16xi32>, vector<16xi32>], vector<16xf32>,
      %add3A_159 = arith.constant 64 : i32
      %add3A_160 = vector.broadcast %add3A_159 : i32 to vector<16xi32>
      %add3A_161 = arith.addi %add3A_160, %iota3A : vector<16xi32>
      %gather3A_162 = tpu.vector_load_idx %arg18[%broadcast_in_dim3A_95, %add3A_161] : memref<128x128xf32, #tpu.memory_space<vmem>>[vector<16xi32>, vector<16xi32>], vector<16xf32>,
      %gather3A_163 = tpu.vector_load_idx %arg17[%broadcast_in_dim3A_95, %add3A_161] : memref<128x128xf32, #tpu.memory_space<vmem>>[vector<16xi32>, vector<16xi32>], vector<16xf32>,
      %sub3A_164 = arith.subf %gather3A_162, %gather3A_163 : vector<16xf32>
      %jit3A_165 = arith.constant 0.000000e+00 : f32
      %broadcast_in_dim3A_166 = vector.broadcast %jit3A_165 : f32 to vector<16xf32>
      %select_n3A_167 = arith.select %ne3A_101, %sub3A_164, %broadcast_in_dim3A_166 : vector<16xi1>, vector<16xf32>
      %mul3A_168 = arith.mulf %select_n3A_167, %select_n3A_167 : vector<16xf32>
      %add3A_169 = arith.addf %add3A_154, %mul3A_168 : vector<16xf32>
      %mul3A_170 = arith.constant 1.000000e-01 : f32
      %mul3A_171 = vector.broadcast %mul3A_170 : f32 to vector<16xf32>
      %mul3A_172 = arith.mulf %mul3A_171, %select_n3A_167 : vector<16xf32>
      %sub3A_173 = arith.subf %gather3A_162, %mul3A_172 : vector<16xf32>
      tpu.vector_store_idx %arg19[%broadcast_in_dim3A_95, %add3A_161], %sub3A_173 : memref<128x128xf32, #tpu.memory_space<vmem>>[vector<16xi32>, vector<16xi32>], vector<16xf32>,
      %add3A_174 = arith.constant 80 : i32
      %add3A_175 = vector.broadcast %add3A_174 : i32 to vector<16xi32>
      %add3A_176 = arith.addi %add3A_175, %iota3A : vector<16xi32>
      %gather3A_177 = tpu.vector_load_idx %arg18[%broadcast_in_dim3A_95, %add3A_176] : memref<128x128xf32, #tpu.memory_space<vmem>>[vector<16xi32>, vector<16xi32>], vector<16xf32>,
      %gather3A_178 = tpu.vector_load_idx %arg17[%broadcast_in_dim3A_95, %add3A_176] : memref<128x128xf32, #tpu.memory_space<vmem>>[vector<16xi32>, vector<16xi32>], vector<16xf32>,
      %sub3A_179 = arith.subf %gather3A_177, %gather3A_178 : vector<16xf32>
      %jit3A_180 = arith.constant 0.000000e+00 : f32
      %broadcast_in_dim3A_181 = vector.broadcast %jit3A_180 : f32 to vector<16xf32>
      %select_n3A_182 = arith.select %ne3A_101, %sub3A_179, %broadcast_in_dim3A_181 : vector<16xi1>, vector<16xf32>
      %mul3A_183 = arith.mulf %select_n3A_182, %select_n3A_182 : vector<16xf32>
      %add3A_184 = arith.addf %add3A_169, %mul3A_183 : vector<16xf32>
      %mul3A_185 = arith.constant 1.000000e-01 : f32
      %mul3A_186 = vector.broadcast %mul3A_185 : f32 to vector<16xf32>
      %mul3A_187 = arith.mulf %mul3A_186, %select_n3A_182 : vector<16xf32>
      %sub3A_188 = arith.subf %gather3A_177, %mul3A_187 : vector<16xf32>
      tpu.vector_store_idx %arg19[%broadcast_in_dim3A_95, %add3A_176], %sub3A_188 : memref<128x128xf32, #tpu.memory_space<vmem>>[vector<16xi32>, vector<16xi32>], vector<16xf32>,
      %add3A_189 = arith.constant 96 : i32
      %add3A_190 = vector.broadcast %add3A_189 : i32 to vector<16xi32>
      %add3A_191 = arith.addi %add3A_190, %iota3A : vector<16xi32>
      %gather3A_192 = tpu.vector_load_idx %arg18[%broadcast_in_dim3A_95, %add3A_191] : memref<128x128xf32, #tpu.memory_space<vmem>>[vector<16xi32>, vector<16xi32>], vector<16xf32>,
      %gather3A_193 = tpu.vector_load_idx %arg17[%broadcast_in_dim3A_95, %add3A_191] : memref<128x128xf32, #tpu.memory_space<vmem>>[vector<16xi32>, vector<16xi32>], vector<16xf32>,
      %sub3A_194 = arith.subf %gather3A_192, %gather3A_193 : vector<16xf32>
      %jit3A_195 = arith.constant 0.000000e+00 : f32
      %broadcast_in_dim3A_196 = vector.broadcast %jit3A_195 : f32 to vector<16xf32>
      %select_n3A_197 = arith.select %ne3A_101, %sub3A_194, %broadcast_in_dim3A_196 : vector<16xi1>, vector<16xf32>
      %mul3A_198 = arith.mulf %select_n3A_197, %select_n3A_197 : vector<16xf32>
      %add3A_199 = arith.addf %add3A_184, %mul3A_198 : vector<16xf32>
      %mul3A_200 = arith.constant 1.000000e-01 : f32
      %mul3A_201 = vector.broadcast %mul3A_200 : f32 to vector<16xf32>
      %mul3A_202 = arith.mulf %mul3A_201, %select_n3A_197 : vector<16xf32>
      %sub3A_203 = arith.subf %gather3A_192, %mul3A_202 : vector<16xf32>
      tpu.vector_store_idx %arg19[%broadcast_in_dim3A_95, %add3A_191], %sub3A_203 : memref<128x128xf32, #tpu.memory_space<vmem>>[vector<16xi32>, vector<16xi32>], vector<16xf32>,
      %add3A_204 = arith.constant 112 : i32
      %add3A_205 = vector.broadcast %add3A_204 : i32 to vector<16xi32>
      %add3A_206 = arith.addi %add3A_205, %iota3A : vector<16xi32>
      %gather3A_207 = tpu.vector_load_idx %arg18[%broadcast_in_dim3A_95, %add3A_206] : memref<128x128xf32, #tpu.memory_space<vmem>>[vector<16xi32>, vector<16xi32>], vector<16xf32>,
      %gather3A_208 = tpu.vector_load_idx %arg17[%broadcast_in_dim3A_95, %add3A_206] : memref<128x128xf32, #tpu.memory_space<vmem>>[vector<16xi32>, vector<16xi32>], vector<16xf32>,
      %sub3A_209 = arith.subf %gather3A_207, %gather3A_208 : vector<16xf32>
      %jit3A_210 = arith.constant 0.000000e+00 : f32
      %broadcast_in_dim3A_211 = vector.broadcast %jit3A_210 : f32 to vector<16xf32>
      %select_n3A_212 = arith.select %ne3A_101, %sub3A_209, %broadcast_in_dim3A_211 : vector<16xi1>, vector<16xf32>
      %mul3A_213 = arith.mulf %select_n3A_212, %select_n3A_212 : vector<16xf32>
      %add3A_214 = arith.addf %add3A_199, %mul3A_213 : vector<16xf32>
      %mul3A_215 = arith.constant 1.000000e-01 : f32
      %mul3A_216 = vector.broadcast %mul3A_215 : f32 to vector<16xf32>
      %mul3A_217 = arith.mulf %mul3A_216, %select_n3A_212 : vector<16xf32>
      %sub3A_218 = arith.subf %gather3A_207, %mul3A_217 : vector<16xf32>
      tpu.vector_store_idx %arg19[%broadcast_in_dim3A_95, %add3A_206], %sub3A_218 : memref<128x128xf32, #tpu.memory_space<vmem>>[vector<16xi32>, vector<16xi32>], vector<16xf32>,
      scf.yield %add3A_214 : vector<16xf32>
    }
    %scan3A_77 = arith.constant 128 : i32
    "tpu.region"() ({
      %run_scoped3A = tpu.sem_alloc : memref<!tpu.dma_semaphore, #tpu.memory_space<semaphore_mem>>
      %dma_start3A = arith.constant 896 : i32
      %dma_start3A_93 = tpu.memref_slice %arg13[%dma_start3A] : memref<1024xi32, #tpu.memory_space<vmem>> -> memref<128xi32, #tpu.memory_space<vmem>>
      %dma_start3A_94 = arith.constant 0 : i32
      %dma_start3A_95 = arith.constant 0 : i32
      %dma_start3A_96 = tpu.memref_slice %arg7[%dma_start3A_94, %dma_start3A_95] : memref<16384x128xf32, #tpu.memory_space<hbm>> -> memref<16384x128xf32, #tpu.memory_space<hbm>>
      %dma_start3A_97 = arith.constant -1 : i32
      tpu.enqueue_indirect_dma source(%arg19 : memref<128x128xf32, #tpu.memory_space<vmem>>) target(%dma_start3A_96 : memref<16384x128xf32, #tpu.memory_space<hbm>>) offsets(%dma_start3A_93 : memref<128xi32, #tpu.memory_space<vmem>>) offset_filter(%dma_start3A_97) semaphore(%run_scoped3A : memref<!tpu.dma_semaphore, #tpu.memory_space<semaphore_mem>>)
      %dma_wait3A = arith.constant 896 : i32
      %dma_wait3A_98 = tpu.memref_slice %arg13[%dma_wait3A] : memref<1024xi32, #tpu.memory_space<vmem>> -> memref<128xi32, #tpu.memory_space<vmem>>
      %dma_wait3A_99 = arith.constant 0 : i32
      %dma_wait3A_100 = arith.constant 0 : i32
      %dma_wait3A_101 = tpu.memref_slice %arg7[%dma_wait3A_99, %dma_wait3A_100] : memref<16384x128xf32, #tpu.memory_space<hbm>> -> memref<16384x128xf32, #tpu.memory_space<hbm>>
      tpu.wait_indirect_dma semaphore(%run_scoped3A : memref<!tpu.dma_semaphore, #tpu.memory_space<semaphore_mem>>) src(%arg19 : memref<128x128xf32, #tpu.memory_space<vmem>>) dst(%dma_wait3A_101 : memref<16384x128xf32, #tpu.memory_space<hbm>>)
      tpu.yield
    }) : () -> ()
    %swap3A = arith.constant 0 : index
    %swap3A_78 = tpu.vector_load %arg30[%swap3A] {strides = array<i32>} : memref<16xf32, #tpu.memory_space<vmem>>, vector<16xf32>,
    tpu.vector_store %arg30[%swap3A], %scan3A_76 {strides = array<i32>} : memref<16xf32, #tpu.memory_space<vmem>>, vector<16xf32>,
    %mul3A_79 = arith.constant 16 : i32
    %mul3A_80 = arith.muli %arg0, %mul3A_79 : i32
    %add3A_81 = arith.addi %mul3A_80, %arg1 : i32
    "tpu.region"() ({
      %run_scoped3A = tpu.sem_alloc : memref<!tpu.dma_semaphore, #tpu.memory_space<semaphore_mem>>
      %dma_start3A = arith.constant 0 : i32
      %dma_start3A_93 = tpu.memref_slice %arg5[%add3A_81, %dma_start3A] : memref<32x16xf32, #tpu.memory_space<hbm>> -> memref<1x16xf32, #tpu.memory_space<hbm>>
      %dma_start3A_94 = tpu.memref_squeeze %dma_start3A_93 : memref<1x16xf32, #tpu.memory_space<hbm>> -> memref<16xf32, #tpu.memory_space<hbm>>
      %dma_start3A_95 = arith.constant 0 : i32
      %dma_start3A_96 = tpu.memref_slice %arg5[%add3A_81, %dma_start3A_95] : memref<32x16xf32, #tpu.memory_space<hbm>> -> memref<1x16xf32, #tpu.memory_space<hbm>>
      %dma_start3A_97 = tpu.memref_squeeze %dma_start3A_96 : memref<1x16xf32, #tpu.memory_space<hbm>> -> memref<16xf32, #tpu.memory_space<hbm>>
      tpu.enqueue_dma source(%arg30 : memref<16xf32, #tpu.memory_space<vmem>>) target(%dma_start3A_97 : memref<16xf32, #tpu.memory_space<hbm>>) target_semaphore(%run_scoped3A : memref<!tpu.dma_semaphore, #tpu.memory_space<semaphore_mem>>)
      %dma_wait3A = arith.constant 0 : i32
      %dma_wait3A_98 = tpu.memref_slice %arg5[%add3A_81, %dma_wait3A] : memref<32x16xf32, #tpu.memory_space<hbm>> -> memref<1x16xf32, #tpu.memory_space<hbm>>
      %dma_wait3A_99 = tpu.memref_squeeze %dma_wait3A_98 : memref<1x16xf32, #tpu.memory_space<hbm>> -> memref<16xf32, #tpu.memory_space<hbm>>
      %dma_wait3A_100 = arith.constant 0 : i32
      %dma_wait3A_101 = tpu.memref_slice %arg5[%add3A_81, %dma_wait3A_100] : memref<32x16xf32, #tpu.memory_space<hbm>> -> memref<1x16xf32, #tpu.memory_space<hbm>>
      %dma_wait3A_102 = tpu.memref_squeeze %dma_wait3A_101 : memref<1x16xf32, #tpu.memory_space<hbm>> -> memref<16xf32, #tpu.memory_space<hbm>>
      tpu.wait_dma2 semaphore(%run_scoped3A : memref<!tpu.dma_semaphore, #tpu.memory_space<semaphore_mem>>) src(%arg30 : memref<16xf32, #tpu.memory_space<vmem>>) dst(%dma_wait3A_102 : memref<16xf32, #tpu.memory_space<hbm>>)
      tpu.yield
    }) : () -> ()
    %barrier3A_82 = arith.constant 0 : index
    tpu.barrier barrier_id(%barrier3A_82)
    %eq3A = arith.constant 0 : i32
    %eq3A_83 = arith.cmpi eq, %arg1, %eq3A : i32
    %convert_element_type3A = arith.extui %eq3A_83 : i1 to i32
    %cond3A = arith.constant 0 : i32
    %cond3A_84 = arith.cmpi ne, %convert_element_type3A, %cond3A : i32
    scf.if %cond3A_84 {
      %swap3A_93 = arith.constant 0 : i32
      %swap3A_94 = arith.constant 0 : i32
      %swap3A_95 = arith.index_cast %swap3A_94 : i32 to index
      %swap3A_96 = memref.load %arg9[%swap3A_95] : memref<1xi32, #tpu.memory_space<smem>>
      memref.store %swap3A_93, %arg9[%swap3A_95] : memref<1xi32, #tpu.memory_space<smem>>
    } else {
    }
    %barrier3A_85 = arith.constant 0 : index
    tpu.barrier barrier_id(%barrier3A_85)
    %sc_fetch_and_add3A = arith.constant 0 : i32
    %sc_fetch_and_add3A_86 = arith.constant 0 : i32
    %sc_fetch_and_add3A_87 = tpu.fetch_and_add_sync %arg9[%sc_fetch_and_add3A], %scan3A_12, %sc_fetch_and_add3A_86 : memref<1xi32, #tpu.memory_space<smem>>, i32 -> i32
    %barrier3A_88 = arith.constant 0 : index
    tpu.barrier barrier_id(%barrier3A_88)
    %sc_fetch_and_add3A_89 = arith.constant 0 : i32
    %sc_fetch_and_add3A_90 = arith.constant 0 : i32
    %sc_fetch_and_add3A_91 = arith.constant 0 : i32
    %sc_fetch_and_add3A_92 = tpu.fetch_and_add_sync %arg9[%sc_fetch_and_add3A_90], %sc_fetch_and_add3A_89, %sc_fetch_and_add3A_91 : memref<1xi32, #tpu.memory_space<smem>>, i32 -> i32
    %while3A:2 = scf.while (%while3A_93 = %sc_fetch_and_add3A_92, %while3A_94 = %scan3A_12) : (i32, i32) -> (i32, i32) {
      %gt3A = arith.constant 0 : i32
      %gt3A_95 = arith.cmpi sgt, %while3A_93, %gt3A : i32
      scf.condition(%gt3A_95) %while3A_93, %while3A_94 : i32, i32
    } do {
    ^bb0(%while3A_93: i32, %while3A_94: i32):
      %add3A_95 = arith.constant 16 : i32
      %add3A_96 = arith.addi %while3A_94, %add3A_95 : i32
      %sub3A = arith.constant 1 : i32
      %sub3A_97 = arith.subi %add3A_96, %sub3A : i32
      %jit3A = arith.constant 16 : i32
      %div3A = arith.divsi %sub3A_97, %jit3A : i32
      %sign3A = arith.constant 0 : i32
      %sign3A_98 = arith.cmpi sgt, %sub3A_97, %sign3A : i32
      %sign3A_99 = arith.extui %sign3A_98 : i1 to i32
      %sign3A_100 = arith.constant 0 : i32
      %sign3A_101 = arith.cmpi slt, %sub3A_97, %sign3A_100 : i32
      %sign3A_102 = arith.extui %sign3A_101 : i1 to i32
      %sign3A_103 = arith.subi %sign3A_99, %sign3A_102 : i32
      %sign3A_104 = arith.constant 0 : i32
      %sign3A_105 = arith.cmpi sgt, %jit3A, %sign3A_104 : i32
      %sign3A_106 = arith.extui %sign3A_105 : i1 to i32
      %sign3A_107 = arith.constant 0 : i32
      %sign3A_108 = arith.cmpi slt, %jit3A, %sign3A_107 : i32
      %sign3A_109 = arith.extui %sign3A_108 : i1 to i32
      %sign3A_110 = arith.subi %sign3A_106, %sign3A_109 : i32
      %ne3A = arith.cmpi ne, %sign3A_103, %sign3A_110 : i32
      %rem3A = arith.remsi %sub3A_97, %jit3A : i32
      %ne3A_111 = arith.constant 0 : i32
      %ne3A_112 = arith.cmpi ne, %rem3A, %ne3A_111 : i32
      %and3A = arith.andi %ne3A, %ne3A_112 : i1
      %sub3A_113 = arith.constant 1 : i32
      %sub3A_114 = arith.subi %div3A, %sub3A_113 : i32
      %select_n3A = arith.select %and3A, %sub3A_114, %div3A : i32
      %while3A_115 = arith.constant 0 : i32
      %while3A_116 = arith.constant 0 : i32
      %while3A_117 = arith.subi %select_n3A, %while3A_115 : i32
      %while3A_118 = arith.addi %while3A_115, %while3A_117 : i32
      %while3A_119 = arith.constant 1 : i32
      %while3A_120 = arith.divsi %while3A_117, %while3A_119 : i32
      %while3A_121 = arith.muli %while3A_120, %while3A_119 : i32
      %while3A_122 = arith.addi %while3A_115, %while3A_121 : i32
      %while3A_123 = arith.constant 1 : i32
      %while3A_124 = scf.for %while3A_155 = %while3A_115 to %while3A_122 step %while3A_123 iter_args(%while3A_156 = %while3A_116) -> (i32)  : i32 {
        %mul3A_157 = arith.constant 16 : i32
        %mul3A_158 = arith.muli %while3A_155, %mul3A_157 : i32
        %add3A_159 = vector.broadcast %mul3A_158 : i32 to vector<16xi32>
        %add3A_160 = arith.addi %add3A_159, %iota3A : vector<16xi32>
        %lt3A = vector.broadcast %while3A_94 : i32 to vector<16xi32>
        %lt3A_161 = arith.cmpi slt, %add3A_160, %lt3A : vector<16xi32>
        %mul3A_162 = arith.constant 16 : i32
        %mul3A_163 = arith.muli %while3A_155, %mul3A_162 : i32
        %get3A = arith.index_cast %mul3A_163 : i32 to index
        %get3A_164 = tpu.vector_load %arg16[%get3A] {strides = array<i32>} : memref<1040xi32, #tpu.memory_space<vmem>>, vector<16xi32>,
        %jit3A_165 = arith.constant 0 : i32
        %broadcast_in_dim3A_166 = vector.broadcast %jit3A_165 : i32 to vector<16xi32>
        %select_n3A_167 = arith.select %lt3A_161, %get3A_164, %broadcast_in_dim3A_166 : vector<16xi1>, vector<16xi32>
        %gather3A = tpu.vector_load_idx %arg11[%select_n3A_167] : memref<1024xi32, #tpu.memory_space<vmem>>[vector<16xi32>], vector<16xi32>,
        %jit3A_168 = arith.constant -1 : i32
        %broadcast_in_dim3A_169 = vector.broadcast %jit3A_168 : i32 to vector<16xi32>
        %select_n3A_170 = arith.select %lt3A_161, %gather3A, %broadcast_in_dim3A_169 : vector<16xi1>, vector<16xi32>
        %swap3A_171 = arith.constant 0 : index
        %swap3A_172 = tpu.vector_load %arg22[%swap3A_171] {strides = array<i32>} : memref<16xi32, #tpu.memory_space<vmem>>, vector<16xi32>,
        tpu.vector_store %arg22[%swap3A_171], %select_n3A_170 {strides = array<i32>} : memref<16xi32, #tpu.memory_space<vmem>>, vector<16xi32>,
        %add3A_173 = vector.broadcast %mul3A_0 : i32 to vector<16xi32>
        %add3A_174 = arith.addi %add3A_173, %select_n3A_167 : vector<16xi32>
        %swap3A_175 = arith.constant 0 : index
        %swap3A_176 = tpu.vector_load %arg20[%swap3A_175] {strides = array<i32>} : memref<16xi32, #tpu.memory_space<vmem>>, vector<16xi32>,
        tpu.vector_store %arg20[%swap3A_175], %add3A_174 {strides = array<i32>} : memref<16xi32, #tpu.memory_space<vmem>>, vector<16xi32>,
        "tpu.region"() ({
          %run_scoped3A = tpu.sem_alloc : memref<!tpu.dma_semaphore, #tpu.memory_space<semaphore_mem>>
          %dma_start3A = arith.constant 0 : i32
          %dma_start3A_178 = tpu.memref_slice %arg8[%dma_start3A] : memref<1000001xi32, #tpu.memory_space<vmem_shared>> -> memref<1000001xi32, #tpu.memory_space<vmem_shared>>
          %dma_start3A_179 = arith.constant -1 : i32
          tpu.enqueue_indirect_dma source(%arg20 : memref<16xi32, #tpu.memory_space<vmem>>) target(%dma_start3A_178 : memref<1000001xi32, #tpu.memory_space<vmem_shared>>) offsets(%arg22 : memref<16xi32, #tpu.memory_space<vmem>>) offset_filter(%dma_start3A_179) semaphore(%run_scoped3A : memref<!tpu.dma_semaphore, #tpu.memory_space<semaphore_mem>>)
          %dma_wait3A = arith.constant 0 : i32
          %dma_wait3A_180 = tpu.memref_slice %arg8[%dma_wait3A] : memref<1000001xi32, #tpu.memory_space<vmem_shared>> -> memref<1000001xi32, #tpu.memory_space<vmem_shared>>
          tpu.wait_indirect_dma semaphore(%run_scoped3A : memref<!tpu.dma_semaphore, #tpu.memory_space<semaphore_mem>>) src(%arg20 : memref<16xi32, #tpu.memory_space<vmem>>) dst(%dma_wait3A_180 : memref<1000001xi32, #tpu.memory_space<vmem_shared>>)
          tpu.yield
        }) : () -> ()
        %while3A_177 = arith.constant 0 : i32
        scf.yield %while3A_177 : i32
      }
      %while3A_125 = arith.constant 1 : i32
      %while3A_126 = scf.for %while3A_155 = %while3A_122 to %while3A_118 step %while3A_125 iter_args(%while3A_156 = %while3A_124) -> (i32)  : i32 {
        %mul3A_157 = arith.constant 16 : i32
        %mul3A_158 = arith.muli %while3A_155, %mul3A_157 : i32
        %add3A_159 = vector.broadcast %mul3A_158 : i32 to vector<16xi32>
        %add3A_160 = arith.addi %add3A_159, %iota3A : vector<16xi32>
        %lt3A = vector.broadcast %while3A_94 : i32 to vector<16xi32>
        %lt3A_161 = arith.cmpi slt, %add3A_160, %lt3A : vector<16xi32>
        %mul3A_162 = arith.constant 16 : i32
        %mul3A_163 = arith.muli %while3A_155, %mul3A_162 : i32
        %get3A = arith.index_cast %mul3A_163 : i32 to index
        %get3A_164 = tpu.vector_load %arg16[%get3A] {strides = array<i32>} : memref<1040xi32, #tpu.memory_space<vmem>>, vector<16xi32>,
        %jit3A_165 = arith.constant 0 : i32
        %broadcast_in_dim3A_166 = vector.broadcast %jit3A_165 : i32 to vector<16xi32>
        %select_n3A_167 = arith.select %lt3A_161, %get3A_164, %broadcast_in_dim3A_166 : vector<16xi1>, vector<16xi32>
        %gather3A = tpu.vector_load_idx %arg11[%select_n3A_167] : memref<1024xi32, #tpu.memory_space<vmem>>[vector<16xi32>], vector<16xi32>,
        %jit3A_168 = arith.constant -1 : i32
        %broadcast_in_dim3A_169 = vector.broadcast %jit3A_168 : i32 to vector<16xi32>
        %select_n3A_170 = arith.select %lt3A_161, %gather3A, %broadcast_in_dim3A_169 : vector<16xi1>, vector<16xi32>
        %swap3A_171 = arith.constant 0 : index
        %swap3A_172 = tpu.vector_load %arg22[%swap3A_171] {strides = array<i32>} : memref<16xi32, #tpu.memory_space<vmem>>, vector<16xi32>,
        tpu.vector_store %arg22[%swap3A_171], %select_n3A_170 {strides = array<i32>} : memref<16xi32, #tpu.memory_space<vmem>>, vector<16xi32>,
        %add3A_173 = vector.broadcast %mul3A_0 : i32 to vector<16xi32>
        %add3A_174 = arith.addi %add3A_173, %select_n3A_167 : vector<16xi32>
        %swap3A_175 = arith.constant 0 : index
        %swap3A_176 = tpu.vector_load %arg20[%swap3A_175] {strides = array<i32>} : memref<16xi32, #tpu.memory_space<vmem>>, vector<16xi32>,
        tpu.vector_store %arg20[%swap3A_175], %add3A_174 {strides = array<i32>} : memref<16xi32, #tpu.memory_space<vmem>>, vector<16xi32>,
        "tpu.region"() ({
          %run_scoped3A = tpu.sem_alloc : memref<!tpu.dma_semaphore, #tpu.memory_space<semaphore_mem>>
          %dma_start3A = arith.constant 0 : i32
          %dma_start3A_178 = tpu.memref_slice %arg8[%dma_start3A] : memref<1000001xi32, #tpu.memory_space<vmem_shared>> -> memref<1000001xi32, #tpu.memory_space<vmem_shared>>
          %dma_start3A_179 = arith.constant -1 : i32
          tpu.enqueue_indirect_dma source(%arg20 : memref<16xi32, #tpu.memory_space<vmem>>) target(%dma_start3A_178 : memref<1000001xi32, #tpu.memory_space<vmem_shared>>) offsets(%arg22 : memref<16xi32, #tpu.memory_space<vmem>>) offset_filter(%dma_start3A_179) semaphore(%run_scoped3A : memref<!tpu.dma_semaphore, #tpu.memory_space<semaphore_mem>>)
          %dma_wait3A = arith.constant 0 : i32
          %dma_wait3A_180 = tpu.memref_slice %arg8[%dma_wait3A] : memref<1000001xi32, #tpu.memory_space<vmem_shared>> -> memref<1000001xi32, #tpu.memory_space<vmem_shared>>
          tpu.wait_indirect_dma semaphore(%run_scoped3A : memref<!tpu.dma_semaphore, #tpu.memory_space<semaphore_mem>>) src(%arg20 : memref<16xi32, #tpu.memory_space<vmem>>) dst(%dma_wait3A_180 : memref<1000001xi32, #tpu.memory_space<vmem_shared>>)
          tpu.yield
        }) : () -> ()
        %while3A_177 = arith.constant 0 : i32
        scf.yield %while3A_177 : i32
      }
      %barrier3A_127 = arith.constant 0 : index
      tpu.barrier barrier_id(%barrier3A_127)
      %while3A_128 = arith.constant 0 : i32
      %while3A_129 = arith.constant 0 : i32
      %while3A_130 = arith.subi %select_n3A, %while3A_128 : i32
      %while3A_131 = arith.addi %while3A_128, %while3A_130 : i32
      %while3A_132 = arith.constant 1 : i32
      %while3A_133 = arith.divsi %while3A_130, %while3A_132 : i32
      %while3A_134 = arith.muli %while3A_133, %while3A_132 : i32
      %while3A_135 = arith.addi %while3A_128, %while3A_134 : i32
      %while3A_136 = arith.constant 1 : i32
      %while3A_137 = scf.for %while3A_155 = %while3A_128 to %while3A_135 step %while3A_136 iter_args(%while3A_156 = %while3A_129) -> (i32)  : i32 {
        %mul3A_157 = arith.constant 16 : i32
        %mul3A_158 = arith.muli %while3A_155, %mul3A_157 : i32
        %add3A_159 = vector.broadcast %mul3A_158 : i32 to vector<16xi32>
        %add3A_160 = arith.addi %add3A_159, %iota3A : vector<16xi32>
        %lt3A = vector.broadcast %while3A_94 : i32 to vector<16xi32>
        %lt3A_161 = arith.cmpi slt, %add3A_160, %lt3A : vector<16xi32>
        %mul3A_162 = arith.constant 16 : i32
        %mul3A_163 = arith.muli %while3A_155, %mul3A_162 : i32
        %get3A = arith.index_cast %mul3A_163 : i32 to index
        %get3A_164 = tpu.vector_load %arg16[%get3A] {strides = array<i32>} : memref<1040xi32, #tpu.memory_space<vmem>>, vector<16xi32>,
        %jit3A_165 = arith.constant 0 : i32
        %broadcast_in_dim3A_166 = vector.broadcast %jit3A_165 : i32 to vector<16xi32>
        %select_n3A_167 = arith.select %lt3A_161, %get3A_164, %broadcast_in_dim3A_166 : vector<16xi1>, vector<16xi32>
        %gather3A = tpu.vector_load_idx %arg11[%select_n3A_167] : memref<1024xi32, #tpu.memory_space<vmem>>[vector<16xi32>], vector<16xi32>,
        %add3A_168 = vector.broadcast %mul3A_0 : i32 to vector<16xi32>
        %add3A_169 = arith.addi %add3A_168, %select_n3A_167 : vector<16xi32>
        %jit3A_170 = arith.constant -1 : i32
        %broadcast_in_dim3A_171 = vector.broadcast %jit3A_170 : i32 to vector<16xi32>
        %select_n3A_172 = arith.select %lt3A_161, %gather3A, %broadcast_in_dim3A_171 : vector<16xi1>, vector<16xi32>
        %swap3A_173 = arith.constant 0 : index
        %swap3A_174 = tpu.vector_load %arg22[%swap3A_173] {strides = array<i32>} : memref<16xi32, #tpu.memory_space<vmem>>, vector<16xi32>,
        tpu.vector_store %arg22[%swap3A_173], %select_n3A_172 {strides = array<i32>} : memref<16xi32, #tpu.memory_space<vmem>>, vector<16xi32>,
        "tpu.region"() ({
          %run_scoped3A = tpu.sem_alloc : memref<!tpu.dma_semaphore, #tpu.memory_space<semaphore_mem>>
          %dma_start3A = arith.constant 0 : i32
          %dma_start3A_225 = tpu.memref_slice %arg8[%dma_start3A] : memref<1000001xi32, #tpu.memory_space<vmem_shared>> -> memref<1000001xi32, #tpu.memory_space<vmem_shared>>
          %dma_start3A_226 = arith.constant -1 : i32
          tpu.enqueue_indirect_dma source(%dma_start3A_225 : memref<1000001xi32, #tpu.memory_space<vmem_shared>>) target(%arg21 : memref<16xi32, #tpu.memory_space<vmem>>) offsets(%arg22 : memref<16xi32, #tpu.memory_space<vmem>>) offset_filter(%dma_start3A_226) semaphore(%run_scoped3A : memref<!tpu.dma_semaphore, #tpu.memory_space<semaphore_mem>>)
          %dma_wait3A = arith.constant 0 : i32
          %dma_wait3A_227 = tpu.memref_slice %arg8[%dma_wait3A] : memref<1000001xi32, #tpu.memory_space<vmem_shared>> -> memref<1000001xi32, #tpu.memory_space<vmem_shared>>
          tpu.wait_indirect_dma semaphore(%run_scoped3A : memref<!tpu.dma_semaphore, #tpu.memory_space<semaphore_mem>>) src(%dma_wait3A_227 : memref<1000001xi32, #tpu.memory_space<vmem_shared>>) dst(%arg21 : memref<16xi32, #tpu.memory_space<vmem>>)
          tpu.yield
        }) : () -> ()
        %get3A_175 = arith.constant 0 : index
        %get3A_176 = tpu.vector_load %arg21[%get3A_175] {strides = array<i32>} : memref<16xi32, #tpu.memory_space<vmem>>, vector<16xi32>,
        %eq3A_177 = arith.cmpi eq, %get3A_176, %add3A_169 : vector<16xi32>
        %and3A_178 = arith.andi %lt3A_161, %eq3A_177 : vector<16xi1>
        %gather3A_179 = tpu.vector_load_idx %arg14[%select_n3A_167] : memref<1024xi32, #tpu.memory_space<vmem>>[vector<16xi32>], vector<16xi32>,
        %jit3A_180 = arith.constant -1 : i32
        %broadcast_in_dim3A_181 = vector.broadcast %jit3A_180 : i32 to vector<16xi32>
        %select_n3A_182 = arith.select %and3A_178, %gather3A, %broadcast_in_dim3A_181 : vector<16xi1>, vector<16xi32>
        %swap3A_183 = arith.constant 0 : index
        %swap3A_184 = tpu.vector_load %arg23[%swap3A_183] {strides = array<i32>} : memref<16xi32, #tpu.memory_space<vmem>>, vector<16xi32>,
        tpu.vector_store %arg23[%swap3A_183], %select_n3A_182 {strides = array<i32>} : memref<16xi32, #tpu.memory_space<vmem>>, vector<16xi32>,
        %jit3A_185 = arith.constant -1 : i32
        %broadcast_in_dim3A_186 = vector.broadcast %jit3A_185 : i32 to vector<16xi32>
        %select_n3A_187 = arith.select %and3A_178, %add3A_169, %broadcast_in_dim3A_186 : vector<16xi1>, vector<16xi32>
        %swap3A_188 = arith.constant 0 : index
        %swap3A_189 = tpu.vector_load %arg24[%swap3A_188] {strides = array<i32>} : memref<16xi32, #tpu.memory_space<vmem>>, vector<16xi32>,
        tpu.vector_store %arg24[%swap3A_188], %select_n3A_187 {strides = array<i32>} : memref<16xi32, #tpu.memory_space<vmem>>, vector<16xi32>,
        %jit3A_190 = arith.constant -1 : i32
        %broadcast_in_dim3A_191 = vector.broadcast %jit3A_190 : i32 to vector<16xi32>
        %select_n3A_192 = arith.select %and3A_178, %gather3A_179, %broadcast_in_dim3A_191 : vector<16xi1>, vector<16xi32>
        %swap3A_193 = arith.constant 0 : index
        %swap3A_194 = tpu.vector_load %arg25[%swap3A_193] {strides = array<i32>} : memref<16xi32, #tpu.memory_space<vmem>>, vector<16xi32>,
        tpu.vector_store %arg25[%swap3A_193], %select_n3A_192 {strides = array<i32>} : memref<16xi32, #tpu.memory_space<vmem>>, vector<16xi32>,
        "tpu.region"() ({
          %run_scoped3A = tpu.sem_alloc : memref<!tpu.dma_semaphore, #tpu.memory_space<semaphore_mem>>
          %dma_start3A = arith.constant 0 : i32
          %dma_start3A_225 = arith.constant 0 : i32
          %dma_start3A_226 = tpu.memref_slice %arg4[%dma_start3A, %dma_start3A_225] : memref<1000001x128xf32, #tpu.memory_space<hbm>> -> memref<1000001x128xf32, #tpu.memory_space<hbm>>
          %dma_start3A_227 = arith.constant -1 : i32
          tpu.enqueue_indirect_dma source(%dma_start3A_226 : memref<1000001x128xf32, #tpu.memory_space<hbm>>) target(%arg26 : memref<16x128xf32, #tpu.memory_space<vmem>>) offsets(%arg23 : memref<16xi32, #tpu.memory_space<vmem>>) offset_filter(%dma_start3A_227) semaphore(%run_scoped3A : memref<!tpu.dma_semaphore, #tpu.memory_space<semaphore_mem>>)
          %dma_wait3A = arith.constant 0 : i32
          %dma_wait3A_228 = arith.constant 0 : i32
          %dma_wait3A_229 = tpu.memref_slice %arg4[%dma_wait3A, %dma_wait3A_228] : memref<1000001x128xf32, #tpu.memory_space<hbm>> -> memref<1000001x128xf32, #tpu.memory_space<hbm>>
          tpu.wait_indirect_dma semaphore(%run_scoped3A : memref<!tpu.dma_semaphore, #tpu.memory_space<semaphore_mem>>) src(%dma_wait3A_229 : memref<1000001x128xf32, #tpu.memory_space<hbm>>) dst(%arg26 : memref<16x128xf32, #tpu.memory_space<vmem>>)
          tpu.yield
        }) : () -> ()
        "tpu.region"() ({
          %run_scoped3A = tpu.sem_alloc : memref<!tpu.dma_semaphore, #tpu.memory_space<semaphore_mem>>
          %dma_start3A = arith.constant 0 : i32
          %dma_start3A_225 = arith.constant 0 : i32
          %dma_start3A_226 = tpu.memref_slice %arg2[%dma_start3A, %dma_start3A_225] : memref<16384x128xf32, #tpu.memory_space<hbm>> -> memref<16384x128xf32, #tpu.memory_space<hbm>>
          %dma_start3A_227 = arith.constant -1 : i32
          tpu.enqueue_indirect_dma source(%dma_start3A_226 : memref<16384x128xf32, #tpu.memory_space<hbm>>) target(%arg27 : memref<16x128xf32, #tpu.memory_space<vmem>>) offsets(%arg24 : memref<16xi32, #tpu.memory_space<vmem>>) offset_filter(%dma_start3A_227) semaphore(%run_scoped3A : memref<!tpu.dma_semaphore, #tpu.memory_space<semaphore_mem>>)
          %dma_wait3A = arith.constant 0 : i32
          %dma_wait3A_228 = arith.constant 0 : i32
          %dma_wait3A_229 = tpu.memref_slice %arg2[%dma_wait3A, %dma_wait3A_228] : memref<16384x128xf32, #tpu.memory_space<hbm>> -> memref<16384x128xf32, #tpu.memory_space<hbm>>
          tpu.wait_indirect_dma semaphore(%run_scoped3A : memref<!tpu.dma_semaphore, #tpu.memory_space<semaphore_mem>>) src(%dma_wait3A_229 : memref<16384x128xf32, #tpu.memory_space<hbm>>) dst(%arg27 : memref<16x128xf32, #tpu.memory_space<vmem>>)
          tpu.yield
        }) : () -> ()
        "tpu.region"() ({
          %run_scoped3A = tpu.sem_alloc : memref<!tpu.dma_semaphore, #tpu.memory_space<semaphore_mem>>
          %dma_start3A = arith.constant 0 : i32
          %dma_start3A_225 = arith.constant 0 : i32
          %dma_start3A_226 = tpu.memref_slice %arg7[%dma_start3A, %dma_start3A_225] : memref<16384x128xf32, #tpu.memory_space<hbm>> -> memref<16384x128xf32, #tpu.memory_space<hbm>>
          %dma_start3A_227 = arith.constant -1 : i32
          tpu.enqueue_indirect_dma source(%dma_start3A_226 : memref<16384x128xf32, #tpu.memory_space<hbm>>) target(%arg28 : memref<16x128xf32, #tpu.memory_space<vmem>>) offsets(%arg25 : memref<16xi32, #tpu.memory_space<vmem>>) offset_filter(%dma_start3A_227) semaphore(%run_scoped3A : memref<!tpu.dma_semaphore, #tpu.memory_space<semaphore_mem>>)
          %dma_wait3A = arith.constant 0 : i32
          %dma_wait3A_228 = arith.constant 0 : i32
          %dma_wait3A_229 = tpu.memref_slice %arg7[%dma_wait3A, %dma_wait3A_228] : memref<16384x128xf32, #tpu.memory_space<hbm>> -> memref<16384x128xf32, #tpu.memory_space<hbm>>
          tpu.wait_indirect_dma semaphore(%run_scoped3A : memref<!tpu.dma_semaphore, #tpu.memory_space<semaphore_mem>>) src(%dma_wait3A_229 : memref<16384x128xf32, #tpu.memory_space<hbm>>) dst(%arg28 : memref<16x128xf32, #tpu.memory_space<vmem>>)
          tpu.yield
        }) : () -> ()
        %scan3A_195 = arith.constant 0 : i32
        %scan3A_196 = arith.constant 0 : i32
        %scan3A_197 = arith.constant 16 : i32
        %scan3A_198 = arith.addi %scan3A_196, %scan3A_197 : i32
        %scan3A_199 = arith.constant 1 : i32
        %scan3A_200 = scf.for %scan3A_225 = %scan3A_196 to %scan3A_198 step %scan3A_199 iter_args(%scan3A_226 = %scan3A_195) -> (i32)  : i32 {
          %broadcast_in_dim3A_227 = vector.broadcast %scan3A_225 : i32 to vector<16xi32>
          %add3A_228 = arith.constant 0 : i32
          %add3A_229 = vector.broadcast %add3A_228 : i32 to vector<16xi32>
          %add3A_230 = arith.addi %add3A_229, %iota3A : vector<16xi32>
          %gather3A_231 = tpu.vector_load_idx %arg26[%broadcast_in_dim3A_227, %add3A_230] : memref<16x128xf32, #tpu.memory_space<vmem>>[vector<16xi32>, vector<16xi32>], vector<16xf32>,
          %gather3A_232 = tpu.vector_load_idx %arg27[%broadcast_in_dim3A_227, %add3A_230] : memref<16x128xf32, #tpu.memory_space<vmem>>[vector<16xi32>, vector<16xi32>], vector<16xf32>,
          %gather3A_233 = tpu.vector_load_idx %arg28[%broadcast_in_dim3A_227, %add3A_230] : memref<16x128xf32, #tpu.memory_space<vmem>>[vector<16xi32>, vector<16xi32>], vector<16xf32>,
          %sub3A_234 = arith.subf %gather3A_231, %gather3A_232 : vector<16xf32>
          %mul3A_235 = arith.constant 1.000000e-01 : f32
          %mul3A_236 = vector.broadcast %mul3A_235 : f32 to vector<16xf32>
          %mul3A_237 = arith.mulf %mul3A_236, %sub3A_234 : vector<16xf32>
          %sub3A_238 = arith.subf %gather3A_233, %mul3A_237 : vector<16xf32>
          tpu.vector_store_idx %arg29[%broadcast_in_dim3A_227, %add3A_230], %sub3A_238 : memref<16x128xf32, #tpu.memory_space<vmem>>[vector<16xi32>, vector<16xi32>], vector<16xf32>,
          %add3A_239 = arith.constant 16 : i32
          %add3A_240 = vector.broadcast %add3A_239 : i32 to vector<16xi32>
          %add3A_241 = arith.addi %add3A_240, %iota3A : vector<16xi32>
          %gather3A_242 = tpu.vector_load_idx %arg26[%broadcast_in_dim3A_227, %add3A_241] : memref<16x128xf32, #tpu.memory_space<vmem>>[vector<16xi32>, vector<16xi32>], vector<16xf32>,
          %gather3A_243 = tpu.vector_load_idx %arg27[%broadcast_in_dim3A_227, %add3A_241] : memref<16x128xf32, #tpu.memory_space<vmem>>[vector<16xi32>, vector<16xi32>], vector<16xf32>,
          %gather3A_244 = tpu.vector_load_idx %arg28[%broadcast_in_dim3A_227, %add3A_241] : memref<16x128xf32, #tpu.memory_space<vmem>>[vector<16xi32>, vector<16xi32>], vector<16xf32>,
          %sub3A_245 = arith.subf %gather3A_242, %gather3A_243 : vector<16xf32>
          %mul3A_246 = arith.constant 1.000000e-01 : f32
          %mul3A_247 = vector.broadcast %mul3A_246 : f32 to vector<16xf32>
          %mul3A_248 = arith.mulf %mul3A_247, %sub3A_245 : vector<16xf32>
          %sub3A_249 = arith.subf %gather3A_244, %mul3A_248 : vector<16xf32>
          tpu.vector_store_idx %arg29[%broadcast_in_dim3A_227, %add3A_241], %sub3A_249 : memref<16x128xf32, #tpu.memory_space<vmem>>[vector<16xi32>, vector<16xi32>], vector<16xf32>,
          %add3A_250 = arith.constant 32 : i32
          %add3A_251 = vector.broadcast %add3A_250 : i32 to vector<16xi32>
          %add3A_252 = arith.addi %add3A_251, %iota3A : vector<16xi32>
          %gather3A_253 = tpu.vector_load_idx %arg26[%broadcast_in_dim3A_227, %add3A_252] : memref<16x128xf32, #tpu.memory_space<vmem>>[vector<16xi32>, vector<16xi32>], vector<16xf32>,
          %gather3A_254 = tpu.vector_load_idx %arg27[%broadcast_in_dim3A_227, %add3A_252] : memref<16x128xf32, #tpu.memory_space<vmem>>[vector<16xi32>, vector<16xi32>], vector<16xf32>,
          %gather3A_255 = tpu.vector_load_idx %arg28[%broadcast_in_dim3A_227, %add3A_252] : memref<16x128xf32, #tpu.memory_space<vmem>>[vector<16xi32>, vector<16xi32>], vector<16xf32>,
          %sub3A_256 = arith.subf %gather3A_253, %gather3A_254 : vector<16xf32>
          %mul3A_257 = arith.constant 1.000000e-01 : f32
          %mul3A_258 = vector.broadcast %mul3A_257 : f32 to vector<16xf32>
          %mul3A_259 = arith.mulf %mul3A_258, %sub3A_256 : vector<16xf32>
          %sub3A_260 = arith.subf %gather3A_255, %mul3A_259 : vector<16xf32>
          tpu.vector_store_idx %arg29[%broadcast_in_dim3A_227, %add3A_252], %sub3A_260 : memref<16x128xf32, #tpu.memory_space<vmem>>[vector<16xi32>, vector<16xi32>], vector<16xf32>,
          %add3A_261 = arith.constant 48 : i32
          %add3A_262 = vector.broadcast %add3A_261 : i32 to vector<16xi32>
          %add3A_263 = arith.addi %add3A_262, %iota3A : vector<16xi32>
          %gather3A_264 = tpu.vector_load_idx %arg26[%broadcast_in_dim3A_227, %add3A_263] : memref<16x128xf32, #tpu.memory_space<vmem>>[vector<16xi32>, vector<16xi32>], vector<16xf32>,
          %gather3A_265 = tpu.vector_load_idx %arg27[%broadcast_in_dim3A_227, %add3A_263] : memref<16x128xf32, #tpu.memory_space<vmem>>[vector<16xi32>, vector<16xi32>], vector<16xf32>,
          %gather3A_266 = tpu.vector_load_idx %arg28[%broadcast_in_dim3A_227, %add3A_263] : memref<16x128xf32, #tpu.memory_space<vmem>>[vector<16xi32>, vector<16xi32>], vector<16xf32>,
          %sub3A_267 = arith.subf %gather3A_264, %gather3A_265 : vector<16xf32>
          %mul3A_268 = arith.constant 1.000000e-01 : f32
          %mul3A_269 = vector.broadcast %mul3A_268 : f32 to vector<16xf32>
          %mul3A_270 = arith.mulf %mul3A_269, %sub3A_267 : vector<16xf32>
          %sub3A_271 = arith.subf %gather3A_266, %mul3A_270 : vector<16xf32>
          tpu.vector_store_idx %arg29[%broadcast_in_dim3A_227, %add3A_263], %sub3A_271 : memref<16x128xf32, #tpu.memory_space<vmem>>[vector<16xi32>, vector<16xi32>], vector<16xf32>,
          %add3A_272 = arith.constant 64 : i32
          %add3A_273 = vector.broadcast %add3A_272 : i32 to vector<16xi32>
          %add3A_274 = arith.addi %add3A_273, %iota3A : vector<16xi32>
          %gather3A_275 = tpu.vector_load_idx %arg26[%broadcast_in_dim3A_227, %add3A_274] : memref<16x128xf32, #tpu.memory_space<vmem>>[vector<16xi32>, vector<16xi32>], vector<16xf32>,
          %gather3A_276 = tpu.vector_load_idx %arg27[%broadcast_in_dim3A_227, %add3A_274] : memref<16x128xf32, #tpu.memory_space<vmem>>[vector<16xi32>, vector<16xi32>], vector<16xf32>,
          %gather3A_277 = tpu.vector_load_idx %arg28[%broadcast_in_dim3A_227, %add3A_274] : memref<16x128xf32, #tpu.memory_space<vmem>>[vector<16xi32>, vector<16xi32>], vector<16xf32>,
          %sub3A_278 = arith.subf %gather3A_275, %gather3A_276 : vector<16xf32>
          %mul3A_279 = arith.constant 1.000000e-01 : f32
          %mul3A_280 = vector.broadcast %mul3A_279 : f32 to vector<16xf32>
          %mul3A_281 = arith.mulf %mul3A_280, %sub3A_278 : vector<16xf32>
          %sub3A_282 = arith.subf %gather3A_277, %mul3A_281 : vector<16xf32>
          tpu.vector_store_idx %arg29[%broadcast_in_dim3A_227, %add3A_274], %sub3A_282 : memref<16x128xf32, #tpu.memory_space<vmem>>[vector<16xi32>, vector<16xi32>], vector<16xf32>,
          %add3A_283 = arith.constant 80 : i32
          %add3A_284 = vector.broadcast %add3A_283 : i32 to vector<16xi32>
          %add3A_285 = arith.addi %add3A_284, %iota3A : vector<16xi32>
          %gather3A_286 = tpu.vector_load_idx %arg26[%broadcast_in_dim3A_227, %add3A_285] : memref<16x128xf32, #tpu.memory_space<vmem>>[vector<16xi32>, vector<16xi32>], vector<16xf32>,
          %gather3A_287 = tpu.vector_load_idx %arg27[%broadcast_in_dim3A_227, %add3A_285] : memref<16x128xf32, #tpu.memory_space<vmem>>[vector<16xi32>, vector<16xi32>], vector<16xf32>,
          %gather3A_288 = tpu.vector_load_idx %arg28[%broadcast_in_dim3A_227, %add3A_285] : memref<16x128xf32, #tpu.memory_space<vmem>>[vector<16xi32>, vector<16xi32>], vector<16xf32>,
          %sub3A_289 = arith.subf %gather3A_286, %gather3A_287 : vector<16xf32>
          %mul3A_290 = arith.constant 1.000000e-01 : f32
          %mul3A_291 = vector.broadcast %mul3A_290 : f32 to vector<16xf32>
          %mul3A_292 = arith.mulf %mul3A_291, %sub3A_289 : vector<16xf32>
          %sub3A_293 = arith.subf %gather3A_288, %mul3A_292 : vector<16xf32>
          tpu.vector_store_idx %arg29[%broadcast_in_dim3A_227, %add3A_285], %sub3A_293 : memref<16x128xf32, #tpu.memory_space<vmem>>[vector<16xi32>, vector<16xi32>], vector<16xf32>,
          %add3A_294 = arith.constant 96 : i32
          %add3A_295 = vector.broadcast %add3A_294 : i32 to vector<16xi32>
          %add3A_296 = arith.addi %add3A_295, %iota3A : vector<16xi32>
          %gather3A_297 = tpu.vector_load_idx %arg26[%broadcast_in_dim3A_227, %add3A_296] : memref<16x128xf32, #tpu.memory_space<vmem>>[vector<16xi32>, vector<16xi32>], vector<16xf32>,
          %gather3A_298 = tpu.vector_load_idx %arg27[%broadcast_in_dim3A_227, %add3A_296] : memref<16x128xf32, #tpu.memory_space<vmem>>[vector<16xi32>, vector<16xi32>], vector<16xf32>,
          %gather3A_299 = tpu.vector_load_idx %arg28[%broadcast_in_dim3A_227, %add3A_296] : memref<16x128xf32, #tpu.memory_space<vmem>>[vector<16xi32>, vector<16xi32>], vector<16xf32>,
          %sub3A_300 = arith.subf %gather3A_297, %gather3A_298 : vector<16xf32>
          %mul3A_301 = arith.constant 1.000000e-01 : f32
          %mul3A_302 = vector.broadcast %mul3A_301 : f32 to vector<16xf32>
          %mul3A_303 = arith.mulf %mul3A_302, %sub3A_300 : vector<16xf32>
          %sub3A_304 = arith.subf %gather3A_299, %mul3A_303 : vector<16xf32>
          tpu.vector_store_idx %arg29[%broadcast_in_dim3A_227, %add3A_296], %sub3A_304 : memref<16x128xf32, #tpu.memory_space<vmem>>[vector<16xi32>, vector<16xi32>], vector<16xf32>,
          %add3A_305 = arith.constant 112 : i32
          %add3A_306 = vector.broadcast %add3A_305 : i32 to vector<16xi32>
          %add3A_307 = arith.addi %add3A_306, %iota3A : vector<16xi32>
          %gather3A_308 = tpu.vector_load_idx %arg26[%broadcast_in_dim3A_227, %add3A_307] : memref<16x128xf32, #tpu.memory_space<vmem>>[vector<16xi32>, vector<16xi32>], vector<16xf32>,
          %gather3A_309 = tpu.vector_load_idx %arg27[%broadcast_in_dim3A_227, %add3A_307] : memref<16x128xf32, #tpu.memory_space<vmem>>[vector<16xi32>, vector<16xi32>], vector<16xf32>,
          %gather3A_310 = tpu.vector_load_idx %arg28[%broadcast_in_dim3A_227, %add3A_307] : memref<16x128xf32, #tpu.memory_space<vmem>>[vector<16xi32>, vector<16xi32>], vector<16xf32>,
          %sub3A_311 = arith.subf %gather3A_308, %gather3A_309 : vector<16xf32>
          %mul3A_312 = arith.constant 1.000000e-01 : f32
          %mul3A_313 = vector.broadcast %mul3A_312 : f32 to vector<16xf32>
          %mul3A_314 = arith.mulf %mul3A_313, %sub3A_311 : vector<16xf32>
          %sub3A_315 = arith.subf %gather3A_310, %mul3A_314 : vector<16xf32>
          tpu.vector_store_idx %arg29[%broadcast_in_dim3A_227, %add3A_307], %sub3A_315 : memref<16x128xf32, #tpu.memory_space<vmem>>[vector<16xi32>, vector<16xi32>], vector<16xf32>,
          %scan3A_316 = arith.constant 0 : i32
          scf.yield %scan3A_316 : i32
        }
        %scan3A_201 = arith.constant 16 : i32
        "tpu.region"() ({
          %run_scoped3A = tpu.sem_alloc : memref<!tpu.dma_semaphore, #tpu.memory_space<semaphore_mem>>
          %dma_start3A = arith.constant 0 : i32
          %dma_start3A_225 = arith.constant 0 : i32
          %dma_start3A_226 = tpu.memref_slice %arg7[%dma_start3A, %dma_start3A_225] : memref<16384x128xf32, #tpu.memory_space<hbm>> -> memref<16384x128xf32, #tpu.memory_space<hbm>>
          %dma_start3A_227 = arith.constant -1 : i32
          tpu.enqueue_indirect_dma source(%arg29 : memref<16x128xf32, #tpu.memory_space<vmem>>) target(%dma_start3A_226 : memref<16384x128xf32, #tpu.memory_space<hbm>>) offsets(%arg25 : memref<16xi32, #tpu.memory_space<vmem>>) offset_filter(%dma_start3A_227) semaphore(%run_scoped3A : memref<!tpu.dma_semaphore, #tpu.memory_space<semaphore_mem>>)
          %dma_wait3A = arith.constant 0 : i32
          %dma_wait3A_228 = arith.constant 0 : i32
          %dma_wait3A_229 = tpu.memref_slice %arg7[%dma_wait3A, %dma_wait3A_228] : memref<16384x128xf32, #tpu.memory_space<hbm>> -> memref<16384x128xf32, #tpu.memory_space<hbm>>
          tpu.wait_indirect_dma semaphore(%run_scoped3A : memref<!tpu.dma_semaphore, #tpu.memory_space<semaphore_mem>>) src(%arg29 : memref<16x128xf32, #tpu.memory_space<vmem>>) dst(%dma_wait3A_229 : memref<16384x128xf32, #tpu.memory_space<hbm>>)
          tpu.yield
        }) : () -> ()
        %not3A = arith.constant dense<true> : vector<16xi1>
        %not3A_202 = arith.xori %and3A_178, %not3A : vector<16xi1>
        %and3A_203 = arith.andi %lt3A_161, %not3A_202 : vector<16xi1>
        %jit3A_204 = arith.constant 1 : i32
        %jit3A_205 = arith.constant 0 : i32
        %broadcast_in_dim3A_206 = vector.broadcast %jit3A_204 : i32 to vector<16xi32>
        %broadcast_in_dim3A_207 = vector.broadcast %jit3A_205 : i32 to vector<16xi32>
        %select_n3A_208 = arith.select %and3A_203, %broadcast_in_dim3A_206, %broadcast_in_dim3A_207 : vector<16xi1>, vector<16xi32>
        %broadcast_in_dim3A_209 = arith.constant true
        %broadcast_in_dim3A_210 = vector.broadcast %broadcast_in_dim3A_209 : i1 to vector<16xi1>
        %masked_cumsum3A = tpu.scan <sum>, %select_n3A_208 masked %broadcast_in_dim3A_210 : vector<16xi32>, vector<16xi1> -> vector<16xi32>
        %add3A_211 = vector.broadcast %while3A_156 : i32 to vector<16xi32>
        %add3A_212 = arith.addi %add3A_211, %masked_cumsum3A : vector<16xi32>
        %sub3A_213 = arith.constant 1 : i32
        %sub3A_214 = vector.broadcast %sub3A_213 : i32 to vector<16xi32>
        %sub3A_215 = arith.subi %add3A_212, %sub3A_214 : vector<16xi32>
        %max3A = arith.constant 0 : i32
        %max3A_216 = vector.broadcast %max3A : i32 to vector<16xi32>
        %max3A_217 = arith.maxsi %sub3A_215, %max3A_216 : vector<16xi32>
        %ne3A_218 = arith.constant 0 : i32
        %ne3A_219 = vector.broadcast %ne3A_218 : i32 to vector<16xi32>
        %ne3A_220 = arith.cmpi ne, %select_n3A_208, %ne3A_219 : vector<16xi32>
        tpu.vector_store_idx %arg16[%max3A_217], %select_n3A_167 masked %ne3A_220 : memref<1040xi32, #tpu.memory_space<vmem>>[vector<16xi32>], vector<16xi32>, vector<16xi1>
        %reduce_sum3A = arith.constant true
        %reduce_sum3A_221 = vector.broadcast %reduce_sum3A : i1 to vector<16xi1>
        %reduce_sum3A_222 = tpu.scan <sum>, %select_n3A_208 masked %reduce_sum3A_221 : vector<16xi32>, vector<16xi1> -> vector<16xi32>
        %reduce_sum3A_223 = vector.extract %reduce_sum3A_222[15] : i32 from vector<16xi32>
        %add3A_224 = arith.addi %while3A_156, %reduce_sum3A_223 : i32
        scf.yield %add3A_224 : i32
      }
      %while3A_138 = arith.constant 1 : i32
      %while3A_139 = scf.for %while3A_155 = %while3A_135 to %while3A_131 step %while3A_138 iter_args(%while3A_156 = %while3A_137) -> (i32)  : i32 {
        %mul3A_157 = arith.constant 16 : i32
        %mul3A_158 = arith.muli %while3A_155, %mul3A_157 : i32
        %add3A_159 = vector.broadcast %mul3A_158 : i32 to vector<16xi32>
        %add3A_160 = arith.addi %add3A_159, %iota3A : vector<16xi32>
        %lt3A = vector.broadcast %while3A_94 : i32 to vector<16xi32>
        %lt3A_161 = arith.cmpi slt, %add3A_160, %lt3A : vector<16xi32>
        %mul3A_162 = arith.constant 16 : i32
        %mul3A_163 = arith.muli %while3A_155, %mul3A_162 : i32
        %get3A = arith.index_cast %mul3A_163 : i32 to index
        %get3A_164 = tpu.vector_load %arg16[%get3A] {strides = array<i32>} : memref<1040xi32, #tpu.memory_space<vmem>>, vector<16xi32>,
        %jit3A_165 = arith.constant 0 : i32
        %broadcast_in_dim3A_166 = vector.broadcast %jit3A_165 : i32 to vector<16xi32>
        %select_n3A_167 = arith.select %lt3A_161, %get3A_164, %broadcast_in_dim3A_166 : vector<16xi1>, vector<16xi32>
        %gather3A = tpu.vector_load_idx %arg11[%select_n3A_167] : memref<1024xi32, #tpu.memory_space<vmem>>[vector<16xi32>], vector<16xi32>,
        %add3A_168 = vector.broadcast %mul3A_0 : i32 to vector<16xi32>
        %add3A_169 = arith.addi %add3A_168, %select_n3A_167 : vector<16xi32>
        %jit3A_170 = arith.constant -1 : i32
        %broadcast_in_dim3A_171 = vector.broadcast %jit3A_170 : i32 to vector<16xi32>
        %select_n3A_172 = arith.select %lt3A_161, %gather3A, %broadcast_in_dim3A_171 : vector<16xi1>, vector<16xi32>
        %swap3A_173 = arith.constant 0 : index
        %swap3A_174 = tpu.vector_load %arg22[%swap3A_173] {strides = array<i32>} : memref<16xi32, #tpu.memory_space<vmem>>, vector<16xi32>,
        tpu.vector_store %arg22[%swap3A_173], %select_n3A_172 {strides = array<i32>} : memref<16xi32, #tpu.memory_space<vmem>>, vector<16xi32>,
        "tpu.region"() ({
          %run_scoped3A = tpu.sem_alloc : memref<!tpu.dma_semaphore, #tpu.memory_space<semaphore_mem>>
          %dma_start3A = arith.constant 0 : i32
          %dma_start3A_225 = tpu.memref_slice %arg8[%dma_start3A] : memref<1000001xi32, #tpu.memory_space<vmem_shared>> -> memref<1000001xi32, #tpu.memory_space<vmem_shared>>
          %dma_start3A_226 = arith.constant -1 : i32
          tpu.enqueue_indirect_dma source(%dma_start3A_225 : memref<1000001xi32, #tpu.memory_space<vmem_shared>>) target(%arg21 : memref<16xi32, #tpu.memory_space<vmem>>) offsets(%arg22 : memref<16xi32, #tpu.memory_space<vmem>>) offset_filter(%dma_start3A_226) semaphore(%run_scoped3A : memref<!tpu.dma_semaphore, #tpu.memory_space<semaphore_mem>>)
          %dma_wait3A = arith.constant 0 : i32
          %dma_wait3A_227 = tpu.memref_slice %arg8[%dma_wait3A] : memref<1000001xi32, #tpu.memory_space<vmem_shared>> -> memref<1000001xi32, #tpu.memory_space<vmem_shared>>
          tpu.wait_indirect_dma semaphore(%run_scoped3A : memref<!tpu.dma_semaphore, #tpu.memory_space<semaphore_mem>>) src(%dma_wait3A_227 : memref<1000001xi32, #tpu.memory_space<vmem_shared>>) dst(%arg21 : memref<16xi32, #tpu.memory_space<vmem>>)
          tpu.yield
        }) : () -> ()
        %get3A_175 = arith.constant 0 : index
        %get3A_176 = tpu.vector_load %arg21[%get3A_175] {strides = array<i32>} : memref<16xi32, #tpu.memory_space<vmem>>, vector<16xi32>,
        %eq3A_177 = arith.cmpi eq, %get3A_176, %add3A_169 : vector<16xi32>
        %and3A_178 = arith.andi %lt3A_161, %eq3A_177 : vector<16xi1>
        %gather3A_179 = tpu.vector_load_idx %arg14[%select_n3A_167] : memref<1024xi32, #tpu.memory_space<vmem>>[vector<16xi32>], vector<16xi32>,
        %jit3A_180 = arith.constant -1 : i32
        %broadcast_in_dim3A_181 = vector.broadcast %jit3A_180 : i32 to vector<16xi32>
        %select_n3A_182 = arith.select %and3A_178, %gather3A, %broadcast_in_dim3A_181 : vector<16xi1>, vector<16xi32>
        %swap3A_183 = arith.constant 0 : index
        %swap3A_184 = tpu.vector_load %arg23[%swap3A_183] {strides = array<i32>} : memref<16xi32, #tpu.memory_space<vmem>>, vector<16xi32>,
        tpu.vector_store %arg23[%swap3A_183], %select_n3A_182 {strides = array<i32>} : memref<16xi32, #tpu.memory_space<vmem>>, vector<16xi32>,
        %jit3A_185 = arith.constant -1 : i32
        %broadcast_in_dim3A_186 = vector.broadcast %jit3A_185 : i32 to vector<16xi32>
        %select_n3A_187 = arith.select %and3A_178, %add3A_169, %broadcast_in_dim3A_186 : vector<16xi1>, vector<16xi32>
        %swap3A_188 = arith.constant 0 : index
        %swap3A_189 = tpu.vector_load %arg24[%swap3A_188] {strides = array<i32>} : memref<16xi32, #tpu.memory_space<vmem>>, vector<16xi32>,
        tpu.vector_store %arg24[%swap3A_188], %select_n3A_187 {strides = array<i32>} : memref<16xi32, #tpu.memory_space<vmem>>, vector<16xi32>,
        %jit3A_190 = arith.constant -1 : i32
        %broadcast_in_dim3A_191 = vector.broadcast %jit3A_190 : i32 to vector<16xi32>
        %select_n3A_192 = arith.select %and3A_178, %gather3A_179, %broadcast_in_dim3A_191 : vector<16xi1>, vector<16xi32>
        %swap3A_193 = arith.constant 0 : index
        %swap3A_194 = tpu.vector_load %arg25[%swap3A_193] {strides = array<i32>} : memref<16xi32, #tpu.memory_space<vmem>>, vector<16xi32>,
        tpu.vector_store %arg25[%swap3A_193], %select_n3A_192 {strides = array<i32>} : memref<16xi32, #tpu.memory_space<vmem>>, vector<16xi32>,
        "tpu.region"() ({
          %run_scoped3A = tpu.sem_alloc : memref<!tpu.dma_semaphore, #tpu.memory_space<semaphore_mem>>
          %dma_start3A = arith.constant 0 : i32
          %dma_start3A_225 = arith.constant 0 : i32
          %dma_start3A_226 = tpu.memref_slice %arg4[%dma_start3A, %dma_start3A_225] : memref<1000001x128xf32, #tpu.memory_space<hbm>> -> memref<1000001x128xf32, #tpu.memory_space<hbm>>
          %dma_start3A_227 = arith.constant -1 : i32
          tpu.enqueue_indirect_dma source(%dma_start3A_226 : memref<1000001x128xf32, #tpu.memory_space<hbm>>) target(%arg26 : memref<16x128xf32, #tpu.memory_space<vmem>>) offsets(%arg23 : memref<16xi32, #tpu.memory_space<vmem>>) offset_filter(%dma_start3A_227) semaphore(%run_scoped3A : memref<!tpu.dma_semaphore, #tpu.memory_space<semaphore_mem>>)
          %dma_wait3A = arith.constant 0 : i32
          %dma_wait3A_228 = arith.constant 0 : i32
          %dma_wait3A_229 = tpu.memref_slice %arg4[%dma_wait3A, %dma_wait3A_228] : memref<1000001x128xf32, #tpu.memory_space<hbm>> -> memref<1000001x128xf32, #tpu.memory_space<hbm>>
          tpu.wait_indirect_dma semaphore(%run_scoped3A : memref<!tpu.dma_semaphore, #tpu.memory_space<semaphore_mem>>) src(%dma_wait3A_229 : memref<1000001x128xf32, #tpu.memory_space<hbm>>) dst(%arg26 : memref<16x128xf32, #tpu.memory_space<vmem>>)
          tpu.yield
        }) : () -> ()
        "tpu.region"() ({
          %run_scoped3A = tpu.sem_alloc : memref<!tpu.dma_semaphore, #tpu.memory_space<semaphore_mem>>
          %dma_start3A = arith.constant 0 : i32
          %dma_start3A_225 = arith.constant 0 : i32
          %dma_start3A_226 = tpu.memref_slice %arg2[%dma_start3A, %dma_start3A_225] : memref<16384x128xf32, #tpu.memory_space<hbm>> -> memref<16384x128xf32, #tpu.memory_space<hbm>>
          %dma_start3A_227 = arith.constant -1 : i32
          tpu.enqueue_indirect_dma source(%dma_start3A_226 : memref<16384x128xf32, #tpu.memory_space<hbm>>) target(%arg27 : memref<16x128xf32, #tpu.memory_space<vmem>>) offsets(%arg24 : memref<16xi32, #tpu.memory_space<vmem>>) offset_filter(%dma_start3A_227) semaphore(%run_scoped3A : memref<!tpu.dma_semaphore, #tpu.memory_space<semaphore_mem>>)
          %dma_wait3A = arith.constant 0 : i32
          %dma_wait3A_228 = arith.constant 0 : i32
          %dma_wait3A_229 = tpu.memref_slice %arg2[%dma_wait3A, %dma_wait3A_228] : memref<16384x128xf32, #tpu.memory_space<hbm>> -> memref<16384x128xf32, #tpu.memory_space<hbm>>
          tpu.wait_indirect_dma semaphore(%run_scoped3A : memref<!tpu.dma_semaphore, #tpu.memory_space<semaphore_mem>>) src(%dma_wait3A_229 : memref<16384x128xf32, #tpu.memory_space<hbm>>) dst(%arg27 : memref<16x128xf32, #tpu.memory_space<vmem>>)
          tpu.yield
        }) : () -> ()
        "tpu.region"() ({
          %run_scoped3A = tpu.sem_alloc : memref<!tpu.dma_semaphore, #tpu.memory_space<semaphore_mem>>
          %dma_start3A = arith.constant 0 : i32
          %dma_start3A_225 = arith.constant 0 : i32
          %dma_start3A_226 = tpu.memref_slice %arg7[%dma_start3A, %dma_start3A_225] : memref<16384x128xf32, #tpu.memory_space<hbm>> -> memref<16384x128xf32, #tpu.memory_space<hbm>>
          %dma_start3A_227 = arith.constant -1 : i32
          tpu.enqueue_indirect_dma source(%dma_start3A_226 : memref<16384x128xf32, #tpu.memory_space<hbm>>) target(%arg28 : memref<16x128xf32, #tpu.memory_space<vmem>>) offsets(%arg25 : memref<16xi32, #tpu.memory_space<vmem>>) offset_filter(%dma_start3A_227) semaphore(%run_scoped3A : memref<!tpu.dma_semaphore, #tpu.memory_space<semaphore_mem>>)
          %dma_wait3A = arith.constant 0 : i32
          %dma_wait3A_228 = arith.constant 0 : i32
          %dma_wait3A_229 = tpu.memref_slice %arg7[%dma_wait3A, %dma_wait3A_228] : memref<16384x128xf32, #tpu.memory_space<hbm>> -> memref<16384x128xf32, #tpu.memory_space<hbm>>
          tpu.wait_indirect_dma semaphore(%run_scoped3A : memref<!tpu.dma_semaphore, #tpu.memory_space<semaphore_mem>>) src(%dma_wait3A_229 : memref<16384x128xf32, #tpu.memory_space<hbm>>) dst(%arg28 : memref<16x128xf32, #tpu.memory_space<vmem>>)
          tpu.yield
        }) : () -> ()
        %scan3A_195 = arith.constant 0 : i32
        %scan3A_196 = arith.constant 0 : i32
        %scan3A_197 = arith.constant 16 : i32
        %scan3A_198 = arith.addi %scan3A_196, %scan3A_197 : i32
        %scan3A_199 = arith.constant 1 : i32
        %scan3A_200 = scf.for %scan3A_225 = %scan3A_196 to %scan3A_198 step %scan3A_199 iter_args(%scan3A_226 = %scan3A_195) -> (i32)  : i32 {
          %broadcast_in_dim3A_227 = vector.broadcast %scan3A_225 : i32 to vector<16xi32>
          %add3A_228 = arith.constant 0 : i32
          %add3A_229 = vector.broadcast %add3A_228 : i32 to vector<16xi32>
          %add3A_230 = arith.addi %add3A_229, %iota3A : vector<16xi32>
          %gather3A_231 = tpu.vector_load_idx %arg26[%broadcast_in_dim3A_227, %add3A_230] : memref<16x128xf32, #tpu.memory_space<vmem>>[vector<16xi32>, vector<16xi32>], vector<16xf32>,
          %gather3A_232 = tpu.vector_load_idx %arg27[%broadcast_in_dim3A_227, %add3A_230] : memref<16x128xf32, #tpu.memory_space<vmem>>[vector<16xi32>, vector<16xi32>], vector<16xf32>,
          %gather3A_233 = tpu.vector_load_idx %arg28[%broadcast_in_dim3A_227, %add3A_230] : memref<16x128xf32, #tpu.memory_space<vmem>>[vector<16xi32>, vector<16xi32>], vector<16xf32>,
          %sub3A_234 = arith.subf %gather3A_231, %gather3A_232 : vector<16xf32>
          %mul3A_235 = arith.constant 1.000000e-01 : f32
          %mul3A_236 = vector.broadcast %mul3A_235 : f32 to vector<16xf32>
          %mul3A_237 = arith.mulf %mul3A_236, %sub3A_234 : vector<16xf32>
          %sub3A_238 = arith.subf %gather3A_233, %mul3A_237 : vector<16xf32>
          tpu.vector_store_idx %arg29[%broadcast_in_dim3A_227, %add3A_230], %sub3A_238 : memref<16x128xf32, #tpu.memory_space<vmem>>[vector<16xi32>, vector<16xi32>], vector<16xf32>,
          %add3A_239 = arith.constant 16 : i32
          %add3A_240 = vector.broadcast %add3A_239 : i32 to vector<16xi32>
          %add3A_241 = arith.addi %add3A_240, %iota3A : vector<16xi32>
          %gather3A_242 = tpu.vector_load_idx %arg26[%broadcast_in_dim3A_227, %add3A_241] : memref<16x128xf32, #tpu.memory_space<vmem>>[vector<16xi32>, vector<16xi32>], vector<16xf32>,
          %gather3A_243 = tpu.vector_load_idx %arg27[%broadcast_in_dim3A_227, %add3A_241] : memref<16x128xf32, #tpu.memory_space<vmem>>[vector<16xi32>, vector<16xi32>], vector<16xf32>,
          %gather3A_244 = tpu.vector_load_idx %arg28[%broadcast_in_dim3A_227, %add3A_241] : memref<16x128xf32, #tpu.memory_space<vmem>>[vector<16xi32>, vector<16xi32>], vector<16xf32>,
          %sub3A_245 = arith.subf %gather3A_242, %gather3A_243 : vector<16xf32>
          %mul3A_246 = arith.constant 1.000000e-01 : f32
          %mul3A_247 = vector.broadcast %mul3A_246 : f32 to vector<16xf32>
          %mul3A_248 = arith.mulf %mul3A_247, %sub3A_245 : vector<16xf32>
          %sub3A_249 = arith.subf %gather3A_244, %mul3A_248 : vector<16xf32>
          tpu.vector_store_idx %arg29[%broadcast_in_dim3A_227, %add3A_241], %sub3A_249 : memref<16x128xf32, #tpu.memory_space<vmem>>[vector<16xi32>, vector<16xi32>], vector<16xf32>,
          %add3A_250 = arith.constant 32 : i32
          %add3A_251 = vector.broadcast %add3A_250 : i32 to vector<16xi32>
          %add3A_252 = arith.addi %add3A_251, %iota3A : vector<16xi32>
          %gather3A_253 = tpu.vector_load_idx %arg26[%broadcast_in_dim3A_227, %add3A_252] : memref<16x128xf32, #tpu.memory_space<vmem>>[vector<16xi32>, vector<16xi32>], vector<16xf32>,
          %gather3A_254 = tpu.vector_load_idx %arg27[%broadcast_in_dim3A_227, %add3A_252] : memref<16x128xf32, #tpu.memory_space<vmem>>[vector<16xi32>, vector<16xi32>], vector<16xf32>,
          %gather3A_255 = tpu.vector_load_idx %arg28[%broadcast_in_dim3A_227, %add3A_252] : memref<16x128xf32, #tpu.memory_space<vmem>>[vector<16xi32>, vector<16xi32>], vector<16xf32>,
          %sub3A_256 = arith.subf %gather3A_253, %gather3A_254 : vector<16xf32>
          %mul3A_257 = arith.constant 1.000000e-01 : f32
          %mul3A_258 = vector.broadcast %mul3A_257 : f32 to vector<16xf32>
          %mul3A_259 = arith.mulf %mul3A_258, %sub3A_256 : vector<16xf32>
          %sub3A_260 = arith.subf %gather3A_255, %mul3A_259 : vector<16xf32>
          tpu.vector_store_idx %arg29[%broadcast_in_dim3A_227, %add3A_252], %sub3A_260 : memref<16x128xf32, #tpu.memory_space<vmem>>[vector<16xi32>, vector<16xi32>], vector<16xf32>,
          %add3A_261 = arith.constant 48 : i32
          %add3A_262 = vector.broadcast %add3A_261 : i32 to vector<16xi32>
          %add3A_263 = arith.addi %add3A_262, %iota3A : vector<16xi32>
          %gather3A_264 = tpu.vector_load_idx %arg26[%broadcast_in_dim3A_227, %add3A_263] : memref<16x128xf32, #tpu.memory_space<vmem>>[vector<16xi32>, vector<16xi32>], vector<16xf32>,
          %gather3A_265 = tpu.vector_load_idx %arg27[%broadcast_in_dim3A_227, %add3A_263] : memref<16x128xf32, #tpu.memory_space<vmem>>[vector<16xi32>, vector<16xi32>], vector<16xf32>,
          %gather3A_266 = tpu.vector_load_idx %arg28[%broadcast_in_dim3A_227, %add3A_263] : memref<16x128xf32, #tpu.memory_space<vmem>>[vector<16xi32>, vector<16xi32>], vector<16xf32>,
          %sub3A_267 = arith.subf %gather3A_264, %gather3A_265 : vector<16xf32>
          %mul3A_268 = arith.constant 1.000000e-01 : f32
          %mul3A_269 = vector.broadcast %mul3A_268 : f32 to vector<16xf32>
          %mul3A_270 = arith.mulf %mul3A_269, %sub3A_267 : vector<16xf32>
          %sub3A_271 = arith.subf %gather3A_266, %mul3A_270 : vector<16xf32>
          tpu.vector_store_idx %arg29[%broadcast_in_dim3A_227, %add3A_263], %sub3A_271 : memref<16x128xf32, #tpu.memory_space<vmem>>[vector<16xi32>, vector<16xi32>], vector<16xf32>,
          %add3A_272 = arith.constant 64 : i32
          %add3A_273 = vector.broadcast %add3A_272 : i32 to vector<16xi32>
          %add3A_274 = arith.addi %add3A_273, %iota3A : vector<16xi32>
          %gather3A_275 = tpu.vector_load_idx %arg26[%broadcast_in_dim3A_227, %add3A_274] : memref<16x128xf32, #tpu.memory_space<vmem>>[vector<16xi32>, vector<16xi32>], vector<16xf32>,
          %gather3A_276 = tpu.vector_load_idx %arg27[%broadcast_in_dim3A_227, %add3A_274] : memref<16x128xf32, #tpu.memory_space<vmem>>[vector<16xi32>, vector<16xi32>], vector<16xf32>,
          %gather3A_277 = tpu.vector_load_idx %arg28[%broadcast_in_dim3A_227, %add3A_274] : memref<16x128xf32, #tpu.memory_space<vmem>>[vector<16xi32>, vector<16xi32>], vector<16xf32>,
          %sub3A_278 = arith.subf %gather3A_275, %gather3A_276 : vector<16xf32>
          %mul3A_279 = arith.constant 1.000000e-01 : f32
          %mul3A_280 = vector.broadcast %mul3A_279 : f32 to vector<16xf32>
          %mul3A_281 = arith.mulf %mul3A_280, %sub3A_278 : vector<16xf32>
          %sub3A_282 = arith.subf %gather3A_277, %mul3A_281 : vector<16xf32>
          tpu.vector_store_idx %arg29[%broadcast_in_dim3A_227, %add3A_274], %sub3A_282 : memref<16x128xf32, #tpu.memory_space<vmem>>[vector<16xi32>, vector<16xi32>], vector<16xf32>,
          %add3A_283 = arith.constant 80 : i32
          %add3A_284 = vector.broadcast %add3A_283 : i32 to vector<16xi32>
          %add3A_285 = arith.addi %add3A_284, %iota3A : vector<16xi32>
          %gather3A_286 = tpu.vector_load_idx %arg26[%broadcast_in_dim3A_227, %add3A_285] : memref<16x128xf32, #tpu.memory_space<vmem>>[vector<16xi32>, vector<16xi32>], vector<16xf32>,
          %gather3A_287 = tpu.vector_load_idx %arg27[%broadcast_in_dim3A_227, %add3A_285] : memref<16x128xf32, #tpu.memory_space<vmem>>[vector<16xi32>, vector<16xi32>], vector<16xf32>,
          %gather3A_288 = tpu.vector_load_idx %arg28[%broadcast_in_dim3A_227, %add3A_285] : memref<16x128xf32, #tpu.memory_space<vmem>>[vector<16xi32>, vector<16xi32>], vector<16xf32>,
          %sub3A_289 = arith.subf %gather3A_286, %gather3A_287 : vector<16xf32>
          %mul3A_290 = arith.constant 1.000000e-01 : f32
          %mul3A_291 = vector.broadcast %mul3A_290 : f32 to vector<16xf32>
          %mul3A_292 = arith.mulf %mul3A_291, %sub3A_289 : vector<16xf32>
          %sub3A_293 = arith.subf %gather3A_288, %mul3A_292 : vector<16xf32>
          tpu.vector_store_idx %arg29[%broadcast_in_dim3A_227, %add3A_285], %sub3A_293 : memref<16x128xf32, #tpu.memory_space<vmem>>[vector<16xi32>, vector<16xi32>], vector<16xf32>,
          %add3A_294 = arith.constant 96 : i32
          %add3A_295 = vector.broadcast %add3A_294 : i32 to vector<16xi32>
          %add3A_296 = arith.addi %add3A_295, %iota3A : vector<16xi32>
          %gather3A_297 = tpu.vector_load_idx %arg26[%broadcast_in_dim3A_227, %add3A_296] : memref<16x128xf32, #tpu.memory_space<vmem>>[vector<16xi32>, vector<16xi32>], vector<16xf32>,
          %gather3A_298 = tpu.vector_load_idx %arg27[%broadcast_in_dim3A_227, %add3A_296] : memref<16x128xf32, #tpu.memory_space<vmem>>[vector<16xi32>, vector<16xi32>], vector<16xf32>,
          %gather3A_299 = tpu.vector_load_idx %arg28[%broadcast_in_dim3A_227, %add3A_296] : memref<16x128xf32, #tpu.memory_space<vmem>>[vector<16xi32>, vector<16xi32>], vector<16xf32>,
          %sub3A_300 = arith.subf %gather3A_297, %gather3A_298 : vector<16xf32>
          %mul3A_301 = arith.constant 1.000000e-01 : f32
          %mul3A_302 = vector.broadcast %mul3A_301 : f32 to vector<16xf32>
          %mul3A_303 = arith.mulf %mul3A_302, %sub3A_300 : vector<16xf32>
          %sub3A_304 = arith.subf %gather3A_299, %mul3A_303 : vector<16xf32>
          tpu.vector_store_idx %arg29[%broadcast_in_dim3A_227, %add3A_296], %sub3A_304 : memref<16x128xf32, #tpu.memory_space<vmem>>[vector<16xi32>, vector<16xi32>], vector<16xf32>,
          %add3A_305 = arith.constant 112 : i32
          %add3A_306 = vector.broadcast %add3A_305 : i32 to vector<16xi32>
          %add3A_307 = arith.addi %add3A_306, %iota3A : vector<16xi32>
          %gather3A_308 = tpu.vector_load_idx %arg26[%broadcast_in_dim3A_227, %add3A_307] : memref<16x128xf32, #tpu.memory_space<vmem>>[vector<16xi32>, vector<16xi32>], vector<16xf32>,
          %gather3A_309 = tpu.vector_load_idx %arg27[%broadcast_in_dim3A_227, %add3A_307] : memref<16x128xf32, #tpu.memory_space<vmem>>[vector<16xi32>, vector<16xi32>], vector<16xf32>,
          %gather3A_310 = tpu.vector_load_idx %arg28[%broadcast_in_dim3A_227, %add3A_307] : memref<16x128xf32, #tpu.memory_space<vmem>>[vector<16xi32>, vector<16xi32>], vector<16xf32>,
          %sub3A_311 = arith.subf %gather3A_308, %gather3A_309 : vector<16xf32>
          %mul3A_312 = arith.constant 1.000000e-01 : f32
          %mul3A_313 = vector.broadcast %mul3A_312 : f32 to vector<16xf32>
          %mul3A_314 = arith.mulf %mul3A_313, %sub3A_311 : vector<16xf32>
          %sub3A_315 = arith.subf %gather3A_310, %mul3A_314 : vector<16xf32>
          tpu.vector_store_idx %arg29[%broadcast_in_dim3A_227, %add3A_307], %sub3A_315 : memref<16x128xf32, #tpu.memory_space<vmem>>[vector<16xi32>, vector<16xi32>], vector<16xf32>,
          %scan3A_316 = arith.constant 0 : i32
          scf.yield %scan3A_316 : i32
        }
        %scan3A_201 = arith.constant 16 : i32
        "tpu.region"() ({
          %run_scoped3A = tpu.sem_alloc : memref<!tpu.dma_semaphore, #tpu.memory_space<semaphore_mem>>
          %dma_start3A = arith.constant 0 : i32
          %dma_start3A_225 = arith.constant 0 : i32
          %dma_start3A_226 = tpu.memref_slice %arg7[%dma_start3A, %dma_start3A_225] : memref<16384x128xf32, #tpu.memory_space<hbm>> -> memref<16384x128xf32, #tpu.memory_space<hbm>>
          %dma_start3A_227 = arith.constant -1 : i32
          tpu.enqueue_indirect_dma source(%arg29 : memref<16x128xf32, #tpu.memory_space<vmem>>) target(%dma_start3A_226 : memref<16384x128xf32, #tpu.memory_space<hbm>>) offsets(%arg25 : memref<16xi32, #tpu.memory_space<vmem>>) offset_filter(%dma_start3A_227) semaphore(%run_scoped3A : memref<!tpu.dma_semaphore, #tpu.memory_space<semaphore_mem>>)
          %dma_wait3A = arith.constant 0 : i32
          %dma_wait3A_228 = arith.constant 0 : i32
          %dma_wait3A_229 = tpu.memref_slice %arg7[%dma_wait3A, %dma_wait3A_228] : memref<16384x128xf32, #tpu.memory_space<hbm>> -> memref<16384x128xf32, #tpu.memory_space<hbm>>
          tpu.wait_indirect_dma semaphore(%run_scoped3A : memref<!tpu.dma_semaphore, #tpu.memory_space<semaphore_mem>>) src(%arg29 : memref<16x128xf32, #tpu.memory_space<vmem>>) dst(%dma_wait3A_229 : memref<16384x128xf32, #tpu.memory_space<hbm>>)
          tpu.yield
        }) : () -> ()
        %not3A = arith.constant dense<true> : vector<16xi1>
        %not3A_202 = arith.xori %and3A_178, %not3A : vector<16xi1>
        %and3A_203 = arith.andi %lt3A_161, %not3A_202 : vector<16xi1>
        %jit3A_204 = arith.constant 1 : i32
        %jit3A_205 = arith.constant 0 : i32
        %broadcast_in_dim3A_206 = vector.broadcast %jit3A_204 : i32 to vector<16xi32>
        %broadcast_in_dim3A_207 = vector.broadcast %jit3A_205 : i32 to vector<16xi32>
        %select_n3A_208 = arith.select %and3A_203, %broadcast_in_dim3A_206, %broadcast_in_dim3A_207 : vector<16xi1>, vector<16xi32>
        %broadcast_in_dim3A_209 = arith.constant true
        %broadcast_in_dim3A_210 = vector.broadcast %broadcast_in_dim3A_209 : i1 to vector<16xi1>
        %masked_cumsum3A = tpu.scan <sum>, %select_n3A_208 masked %broadcast_in_dim3A_210 : vector<16xi32>, vector<16xi1> -> vector<16xi32>
        %add3A_211 = vector.broadcast %while3A_156 : i32 to vector<16xi32>
        %add3A_212 = arith.addi %add3A_211, %masked_cumsum3A : vector<16xi32>
        %sub3A_213 = arith.constant 1 : i32
        %sub3A_214 = vector.broadcast %sub3A_213 : i32 to vector<16xi32>
        %sub3A_215 = arith.subi %add3A_212, %sub3A_214 : vector<16xi32>
        %max3A = arith.constant 0 : i32
        %max3A_216 = vector.broadcast %max3A : i32 to vector<16xi32>
        %max3A_217 = arith.maxsi %sub3A_215, %max3A_216 : vector<16xi32>
        %ne3A_218 = arith.constant 0 : i32
        %ne3A_219 = vector.broadcast %ne3A_218 : i32 to vector<16xi32>
        %ne3A_220 = arith.cmpi ne, %select_n3A_208, %ne3A_219 : vector<16xi32>
        tpu.vector_store_idx %arg16[%max3A_217], %select_n3A_167 masked %ne3A_220 : memref<1040xi32, #tpu.memory_space<vmem>>[vector<16xi32>], vector<16xi32>, vector<16xi1>
        %reduce_sum3A = arith.constant true
        %reduce_sum3A_221 = vector.broadcast %reduce_sum3A : i1 to vector<16xi1>
        %reduce_sum3A_222 = tpu.scan <sum>, %select_n3A_208 masked %reduce_sum3A_221 : vector<16xi32>, vector<16xi1> -> vector<16xi32>
        %reduce_sum3A_223 = vector.extract %reduce_sum3A_222[15] : i32 from vector<16xi32>
        %add3A_224 = arith.addi %while3A_156, %reduce_sum3A_223 : i32
        scf.yield %add3A_224 : i32
      }
      %barrier3A_140 = arith.constant 0 : index
      tpu.barrier barrier_id(%barrier3A_140)
      %eq3A_141 = arith.constant 0 : i32
      %eq3A_142 = arith.cmpi eq, %arg1, %eq3A_141 : i32
      %convert_element_type3A_143 = arith.extui %eq3A_142 : i1 to i32
      %cond3A_144 = arith.constant 0 : i32
      %cond3A_145 = arith.cmpi ne, %convert_element_type3A_143, %cond3A_144 : i32
      scf.if %cond3A_145 {
        %swap3A_155 = arith.constant 0 : i32
        %swap3A_156 = arith.constant 0 : i32
        %swap3A_157 = arith.index_cast %swap3A_156 : i32 to index
        %swap3A_158 = memref.load %arg9[%swap3A_157] : memref<1xi32, #tpu.memory_space<smem>>
        memref.store %swap3A_155, %arg9[%swap3A_157] : memref<1xi32, #tpu.memory_space<smem>>
      } else {
      }
      %barrier3A_146 = arith.constant 0 : index
      tpu.barrier barrier_id(%barrier3A_146)
      %sc_fetch_and_add3A_147 = arith.constant 0 : i32
      %sc_fetch_and_add3A_148 = arith.constant 0 : i32
      %sc_fetch_and_add3A_149 = tpu.fetch_and_add_sync %arg9[%sc_fetch_and_add3A_147], %while3A_139, %sc_fetch_and_add3A_148 : memref<1xi32, #tpu.memory_space<smem>>, i32 -> i32
      %barrier3A_150 = arith.constant 0 : index
      tpu.barrier barrier_id(%barrier3A_150)
      %sc_fetch_and_add3A_151 = arith.constant 0 : i32
      %sc_fetch_and_add3A_152 = arith.constant 0 : i32
      %sc_fetch_and_add3A_153 = arith.constant 0 : i32
      %sc_fetch_and_add3A_154 = tpu.fetch_and_add_sync %arg9[%sc_fetch_and_add3A_152], %sc_fetch_and_add3A_151, %sc_fetch_and_add3A_153 : memref<1xi32, #tpu.memory_space<smem>>, i32 -> i32
      scf.yield %sc_fetch_and_add3A_154, %while3A_139 : i32, i32
    }
    return
  }
}

#map = affine_map<(d0, d1) -> (0, 0)>
module attributes {stable_mosaic.version = 14 : i64} {
  func.func @new_body(%arg0: i32, %arg1: i32, %arg2: memref<2x16384xi32, #tpu.memory_space<hbm>>, %arg3: memref<16384x128xf32, #tpu.memory_space<hbm>>, %arg4: memref<1000001x128xf32, #tpu.memory_space<hbm>>, %arg5: memref<1000001x128xf32, #tpu.memory_space<hbm>>, %arg6: memref<128xi32, #tpu.memory_space<vmem>>, %arg7: memref<128xi32, #tpu.memory_space<vmem>>, %arg8: memref<128xi32, #tpu.memory_space<vmem>>, %arg9: memref<128x128xf32, #tpu.memory_space<vmem>>) attributes {dimension_semantics = [#tpu.dimension_semantics<core_parallel>, #tpu.dimension_semantics<subcore_parallel>], iteration_bounds = array<i64: 2, 16>, scalar_prefetch = 0 : i64, scratch_operands = 4 : i64, tpu.core_type = #tpu.core_type<sc_vector_subcore>, window_params = [{transform_indices = #map}, {transform_indices = #map}, {transform_indices = #map}, {transform_indices = #map}]} {
    %mul3A = arith.constant 16 : i32
    %mul3A_0 = arith.muli %arg0, %mul3A : i32
    %add3A = arith.addi %mul3A_0, %arg1 : i32
    %mul3A_1 = arith.constant 512 : i32
    %mul3A_2 = arith.muli %add3A, %mul3A_1 : i32
    %add3A_3 = arith.constant 0 : i32
    %add3A_4 = arith.addi %mul3A_2, %add3A_3 : i32
    %run_scoped3A = arith.constant 0 : i32
    "tpu.region"() ({
      %run_scoped3A_45 = tpu.sem_alloc : memref<!tpu.dma_semaphore, #tpu.memory_space<semaphore_mem>>
      %dma_start3A = tpu.memref_slice %arg2[%run_scoped3A, %add3A_4] : memref<2x16384xi32, #tpu.memory_space<hbm>> -> memref<1x128xi32, #tpu.memory_space<hbm>>
      %dma_start3A_46 = tpu.memref_squeeze %dma_start3A : memref<1x128xi32, #tpu.memory_space<hbm>> -> memref<128xi32, #tpu.memory_space<hbm>>
      %dma_start3A_47 = tpu.memref_slice %arg2[%run_scoped3A, %add3A_4] : memref<2x16384xi32, #tpu.memory_space<hbm>> -> memref<1x128xi32, #tpu.memory_space<hbm>>
      %dma_start3A_48 = tpu.memref_squeeze %dma_start3A_47 : memref<1x128xi32, #tpu.memory_space<hbm>> -> memref<128xi32, #tpu.memory_space<hbm>>
      tpu.enqueue_dma source(%dma_start3A_48 : memref<128xi32, #tpu.memory_space<hbm>>) target(%arg6 : memref<128xi32, #tpu.memory_space<vmem>>) target_semaphore(%run_scoped3A_45 : memref<!tpu.dma_semaphore, #tpu.memory_space<semaphore_mem>>)
      %dma_wait3A = tpu.memref_slice %arg2[%run_scoped3A, %add3A_4] : memref<2x16384xi32, #tpu.memory_space<hbm>> -> memref<1x128xi32, #tpu.memory_space<hbm>>
      %dma_wait3A_49 = tpu.memref_squeeze %dma_wait3A : memref<1x128xi32, #tpu.memory_space<hbm>> -> memref<128xi32, #tpu.memory_space<hbm>>
      %dma_wait3A_50 = tpu.memref_slice %arg2[%run_scoped3A, %add3A_4] : memref<2x16384xi32, #tpu.memory_space<hbm>> -> memref<1x128xi32, #tpu.memory_space<hbm>>
      %dma_wait3A_51 = tpu.memref_squeeze %dma_wait3A_50 : memref<1x128xi32, #tpu.memory_space<hbm>> -> memref<128xi32, #tpu.memory_space<hbm>>
      tpu.wait_dma2 semaphore(%run_scoped3A_45 : memref<!tpu.dma_semaphore, #tpu.memory_space<semaphore_mem>>) src(%dma_wait3A_51 : memref<128xi32, #tpu.memory_space<hbm>>) dst(%arg6 : memref<128xi32, #tpu.memory_space<vmem>>)
      tpu.yield
    }) : () -> ()
    %run_scoped3A_5 = arith.constant 1 : i32
    "tpu.region"() ({
      %run_scoped3A_45 = tpu.sem_alloc : memref<!tpu.dma_semaphore, #tpu.memory_space<semaphore_mem>>
      %dma_start3A = tpu.memref_slice %arg2[%run_scoped3A_5, %add3A_4] : memref<2x16384xi32, #tpu.memory_space<hbm>> -> memref<1x128xi32, #tpu.memory_space<hbm>>
      %dma_start3A_46 = tpu.memref_squeeze %dma_start3A : memref<1x128xi32, #tpu.memory_space<hbm>> -> memref<128xi32, #tpu.memory_space<hbm>>
      %dma_start3A_47 = tpu.memref_slice %arg2[%run_scoped3A_5, %add3A_4] : memref<2x16384xi32, #tpu.memory_space<hbm>> -> memref<1x128xi32, #tpu.memory_space<hbm>>
      %dma_start3A_48 = tpu.memref_squeeze %dma_start3A_47 : memref<1x128xi32, #tpu.memory_space<hbm>> -> memref<128xi32, #tpu.memory_space<hbm>>
      tpu.enqueue_dma source(%dma_start3A_48 : memref<128xi32, #tpu.memory_space<hbm>>) target(%arg7 : memref<128xi32, #tpu.memory_space<vmem>>) target_semaphore(%run_scoped3A_45 : memref<!tpu.dma_semaphore, #tpu.memory_space<semaphore_mem>>)
      %dma_wait3A = tpu.memref_slice %arg2[%run_scoped3A_5, %add3A_4] : memref<2x16384xi32, #tpu.memory_space<hbm>> -> memref<1x128xi32, #tpu.memory_space<hbm>>
      %dma_wait3A_49 = tpu.memref_squeeze %dma_wait3A : memref<1x128xi32, #tpu.memory_space<hbm>> -> memref<128xi32, #tpu.memory_space<hbm>>
      %dma_wait3A_50 = tpu.memref_slice %arg2[%run_scoped3A_5, %add3A_4] : memref<2x16384xi32, #tpu.memory_space<hbm>> -> memref<1x128xi32, #tpu.memory_space<hbm>>
      %dma_wait3A_51 = tpu.memref_squeeze %dma_wait3A_50 : memref<1x128xi32, #tpu.memory_space<hbm>> -> memref<128xi32, #tpu.memory_space<hbm>>
      tpu.wait_dma2 semaphore(%run_scoped3A_45 : memref<!tpu.dma_semaphore, #tpu.memory_space<semaphore_mem>>) src(%dma_wait3A_51 : memref<128xi32, #tpu.memory_space<hbm>>) dst(%arg7 : memref<128xi32, #tpu.memory_space<vmem>>)
      tpu.yield
    }) : () -> ()
    %scan3A = arith.constant 0 : i32
    %scan3A_6 = arith.constant 0 : i32
    %scan3A_7 = arith.constant 8 : i32
    %scan3A_8 = arith.addi %scan3A_6, %scan3A_7 : i32
    %scan3A_9 = arith.constant 1 : i32
    %scan3A_10 = scf.for %scan3A_45 = %scan3A_6 to %scan3A_8 step %scan3A_9 iter_args(%scan3A_46 = %scan3A) -> (i32)  : i32 {
      %mul3A_47 = arith.constant 16 : i32
      %mul3A_48 = arith.muli %scan3A_45, %mul3A_47 : i32
      %get3A = arith.index_cast %mul3A_48 : i32 to index
      %get3A_49 = tpu.vector_load %arg6[%get3A] {strides = array<i32>} : memref<128xi32, #tpu.memory_space<vmem>>, vector<16xi32>,
      %ne3A = arith.constant -1 : i32
      %ne3A_50 = vector.broadcast %ne3A : i32 to vector<16xi32>
      %ne3A_51 = arith.cmpi ne, %get3A_49, %ne3A_50 : vector<16xi32>
      %get3A_52 = arith.index_cast %mul3A_48 : i32 to index
      %get3A_53 = tpu.vector_load %arg7[%get3A_52] {strides = array<i32>} : memref<128xi32, #tpu.memory_space<vmem>>, vector<16xi32>,
      %select_n3A = arith.select %ne3A_51, %get3A_49, %get3A_53 : vector<16xi1>, vector<16xi32>
      %swap3A = arith.index_cast %mul3A_48 : i32 to index
      %swap3A_54 = tpu.vector_load %arg8[%swap3A] {strides = array<i32>} : memref<128xi32, #tpu.memory_space<vmem>>, vector<16xi32>,
      tpu.vector_store %arg8[%swap3A], %select_n3A {strides = array<i32>} : memref<128xi32, #tpu.memory_space<vmem>>, vector<16xi32>,
      %scan3A_55 = arith.constant 0 : i32
      scf.yield %scan3A_55 : i32
    }
    %scan3A_11 = arith.constant 8 : i32
    "tpu.region"() ({
      %run_scoped3A_45 = tpu.sem_alloc : memref<!tpu.dma_semaphore, #tpu.memory_space<semaphore_mem>>
      %dma_start3A = arith.constant 0 : i32
      %dma_start3A_46 = tpu.memref_slice %arg3[%add3A_4, %dma_start3A] : memref<16384x128xf32, #tpu.memory_space<hbm>> -> memref<128x128xf32, #tpu.memory_space<hbm>>
      %dma_start3A_47 = arith.constant 0 : i32
      %dma_start3A_48 = tpu.memref_slice %arg3[%add3A_4, %dma_start3A_47] : memref<16384x128xf32, #tpu.memory_space<hbm>> -> memref<128x128xf32, #tpu.memory_space<hbm>>
      tpu.enqueue_dma source(%dma_start3A_48 : memref<128x128xf32, #tpu.memory_space<hbm>>) target(%arg9 : memref<128x128xf32, #tpu.memory_space<vmem>>) target_semaphore(%run_scoped3A_45 : memref<!tpu.dma_semaphore, #tpu.memory_space<semaphore_mem>>)
      %dma_wait3A = arith.constant 0 : i32
      %dma_wait3A_49 = tpu.memref_slice %arg3[%add3A_4, %dma_wait3A] : memref<16384x128xf32, #tpu.memory_space<hbm>> -> memref<128x128xf32, #tpu.memory_space<hbm>>
      %dma_wait3A_50 = arith.constant 0 : i32
      %dma_wait3A_51 = tpu.memref_slice %arg3[%add3A_4, %dma_wait3A_50] : memref<16384x128xf32, #tpu.memory_space<hbm>> -> memref<128x128xf32, #tpu.memory_space<hbm>>
      tpu.wait_dma2 semaphore(%run_scoped3A_45 : memref<!tpu.dma_semaphore, #tpu.memory_space<semaphore_mem>>) src(%dma_wait3A_51 : memref<128x128xf32, #tpu.memory_space<hbm>>) dst(%arg9 : memref<128x128xf32, #tpu.memory_space<vmem>>)
      tpu.yield
    }) : () -> ()
    "tpu.region"() ({
      %run_scoped3A_45 = tpu.sem_alloc : memref<!tpu.dma_semaphore, #tpu.memory_space<semaphore_mem>>
      %dma_start3A = arith.constant 0 : i32
      %dma_start3A_46 = arith.constant 0 : i32
      %dma_start3A_47 = tpu.memref_slice %arg4[%dma_start3A, %dma_start3A_46] : memref<1000001x128xf32, #tpu.memory_space<hbm>> -> memref<1000001x128xf32, #tpu.memory_space<hbm>>
      %dma_start3A_48 = arith.constant -1 : i32
      tpu.enqueue_indirect_dma source(%arg9 : memref<128x128xf32, #tpu.memory_space<vmem>>) target(%dma_start3A_47 : memref<1000001x128xf32, #tpu.memory_space<hbm>>) offsets(%arg8 : memref<128xi32, #tpu.memory_space<vmem>>) offset_filter(%dma_start3A_48) semaphore(%run_scoped3A_45 : memref<!tpu.dma_semaphore, #tpu.memory_space<semaphore_mem>>)
      %dma_wait3A = arith.constant 0 : i32
      %dma_wait3A_49 = arith.constant 0 : i32
      %dma_wait3A_50 = tpu.memref_slice %arg4[%dma_wait3A, %dma_wait3A_49] : memref<1000001x128xf32, #tpu.memory_space<hbm>> -> memref<1000001x128xf32, #tpu.memory_space<hbm>>
      tpu.wait_indirect_dma semaphore(%run_scoped3A_45 : memref<!tpu.dma_semaphore, #tpu.memory_space<semaphore_mem>>) src(%arg9 : memref<128x128xf32, #tpu.memory_space<vmem>>) dst(%dma_wait3A_50 : memref<1000001x128xf32, #tpu.memory_space<hbm>>)
      tpu.yield
    }) : () -> ()
    %add3A_12 = arith.constant 128 : i32
    %add3A_13 = arith.addi %mul3A_2, %add3A_12 : i32
    %run_scoped3A_14 = arith.constant 0 : i32
    "tpu.region"() ({
      %run_scoped3A_45 = tpu.sem_alloc : memref<!tpu.dma_semaphore, #tpu.memory_space<semaphore_mem>>
      %dma_start3A = tpu.memref_slice %arg2[%run_scoped3A_14, %add3A_13] : memref<2x16384xi32, #tpu.memory_space<hbm>> -> memref<1x128xi32, #tpu.memory_space<hbm>>
      %dma_start3A_46 = tpu.memref_squeeze %dma_start3A : memref<1x128xi32, #tpu.memory_space<hbm>> -> memref<128xi32, #tpu.memory_space<hbm>>
      %dma_start3A_47 = tpu.memref_slice %arg2[%run_scoped3A_14, %add3A_13] : memref<2x16384xi32, #tpu.memory_space<hbm>> -> memref<1x128xi32, #tpu.memory_space<hbm>>
      %dma_start3A_48 = tpu.memref_squeeze %dma_start3A_47 : memref<1x128xi32, #tpu.memory_space<hbm>> -> memref<128xi32, #tpu.memory_space<hbm>>
      tpu.enqueue_dma source(%dma_start3A_48 : memref<128xi32, #tpu.memory_space<hbm>>) target(%arg6 : memref<128xi32, #tpu.memory_space<vmem>>) target_semaphore(%run_scoped3A_45 : memref<!tpu.dma_semaphore, #tpu.memory_space<semaphore_mem>>)
      %dma_wait3A = tpu.memref_slice %arg2[%run_scoped3A_14, %add3A_13] : memref<2x16384xi32, #tpu.memory_space<hbm>> -> memref<1x128xi32, #tpu.memory_space<hbm>>
      %dma_wait3A_49 = tpu.memref_squeeze %dma_wait3A : memref<1x128xi32, #tpu.memory_space<hbm>> -> memref<128xi32, #tpu.memory_space<hbm>>
      %dma_wait3A_50 = tpu.memref_slice %arg2[%run_scoped3A_14, %add3A_13] : memref<2x16384xi32, #tpu.memory_space<hbm>> -> memref<1x128xi32, #tpu.memory_space<hbm>>
      %dma_wait3A_51 = tpu.memref_squeeze %dma_wait3A_50 : memref<1x128xi32, #tpu.memory_space<hbm>> -> memref<128xi32, #tpu.memory_space<hbm>>
      tpu.wait_dma2 semaphore(%run_scoped3A_45 : memref<!tpu.dma_semaphore, #tpu.memory_space<semaphore_mem>>) src(%dma_wait3A_51 : memref<128xi32, #tpu.memory_space<hbm>>) dst(%arg6 : memref<128xi32, #tpu.memory_space<vmem>>)
      tpu.yield
    }) : () -> ()
    %run_scoped3A_15 = arith.constant 1 : i32
    "tpu.region"() ({
      %run_scoped3A_45 = tpu.sem_alloc : memref<!tpu.dma_semaphore, #tpu.memory_space<semaphore_mem>>
      %dma_start3A = tpu.memref_slice %arg2[%run_scoped3A_15, %add3A_13] : memref<2x16384xi32, #tpu.memory_space<hbm>> -> memref<1x128xi32, #tpu.memory_space<hbm>>
      %dma_start3A_46 = tpu.memref_squeeze %dma_start3A : memref<1x128xi32, #tpu.memory_space<hbm>> -> memref<128xi32, #tpu.memory_space<hbm>>
      %dma_start3A_47 = tpu.memref_slice %arg2[%run_scoped3A_15, %add3A_13] : memref<2x16384xi32, #tpu.memory_space<hbm>> -> memref<1x128xi32, #tpu.memory_space<hbm>>
      %dma_start3A_48 = tpu.memref_squeeze %dma_start3A_47 : memref<1x128xi32, #tpu.memory_space<hbm>> -> memref<128xi32, #tpu.memory_space<hbm>>
      tpu.enqueue_dma source(%dma_start3A_48 : memref<128xi32, #tpu.memory_space<hbm>>) target(%arg7 : memref<128xi32, #tpu.memory_space<vmem>>) target_semaphore(%run_scoped3A_45 : memref<!tpu.dma_semaphore, #tpu.memory_space<semaphore_mem>>)
      %dma_wait3A = tpu.memref_slice %arg2[%run_scoped3A_15, %add3A_13] : memref<2x16384xi32, #tpu.memory_space<hbm>> -> memref<1x128xi32, #tpu.memory_space<hbm>>
      %dma_wait3A_49 = tpu.memref_squeeze %dma_wait3A : memref<1x128xi32, #tpu.memory_space<hbm>> -> memref<128xi32, #tpu.memory_space<hbm>>
      %dma_wait3A_50 = tpu.memref_slice %arg2[%run_scoped3A_15, %add3A_13] : memref<2x16384xi32, #tpu.memory_space<hbm>> -> memref<1x128xi32, #tpu.memory_space<hbm>>
      %dma_wait3A_51 = tpu.memref_squeeze %dma_wait3A_50 : memref<1x128xi32, #tpu.memory_space<hbm>> -> memref<128xi32, #tpu.memory_space<hbm>>
      tpu.wait_dma2 semaphore(%run_scoped3A_45 : memref<!tpu.dma_semaphore, #tpu.memory_space<semaphore_mem>>) src(%dma_wait3A_51 : memref<128xi32, #tpu.memory_space<hbm>>) dst(%arg7 : memref<128xi32, #tpu.memory_space<vmem>>)
      tpu.yield
    }) : () -> ()
    %scan3A_16 = arith.constant 0 : i32
    %scan3A_17 = arith.constant 0 : i32
    %scan3A_18 = arith.constant 8 : i32
    %scan3A_19 = arith.addi %scan3A_17, %scan3A_18 : i32
    %scan3A_20 = arith.constant 1 : i32
    %scan3A_21 = scf.for %scan3A_45 = %scan3A_17 to %scan3A_19 step %scan3A_20 iter_args(%scan3A_46 = %scan3A_16) -> (i32)  : i32 {
      %mul3A_47 = arith.constant 16 : i32
      %mul3A_48 = arith.muli %scan3A_45, %mul3A_47 : i32
      %get3A = arith.index_cast %mul3A_48 : i32 to index
      %get3A_49 = tpu.vector_load %arg6[%get3A] {strides = array<i32>} : memref<128xi32, #tpu.memory_space<vmem>>, vector<16xi32>,
      %ne3A = arith.constant -1 : i32
      %ne3A_50 = vector.broadcast %ne3A : i32 to vector<16xi32>
      %ne3A_51 = arith.cmpi ne, %get3A_49, %ne3A_50 : vector<16xi32>
      %get3A_52 = arith.index_cast %mul3A_48 : i32 to index
      %get3A_53 = tpu.vector_load %arg7[%get3A_52] {strides = array<i32>} : memref<128xi32, #tpu.memory_space<vmem>>, vector<16xi32>,
      %select_n3A = arith.select %ne3A_51, %get3A_49, %get3A_53 : vector<16xi1>, vector<16xi32>
      %swap3A = arith.index_cast %mul3A_48 : i32 to index
      %swap3A_54 = tpu.vector_load %arg8[%swap3A] {strides = array<i32>} : memref<128xi32, #tpu.memory_space<vmem>>, vector<16xi32>,
      tpu.vector_store %arg8[%swap3A], %select_n3A {strides = array<i32>} : memref<128xi32, #tpu.memory_space<vmem>>, vector<16xi32>,
      %scan3A_55 = arith.constant 0 : i32
      scf.yield %scan3A_55 : i32
    }
    %scan3A_22 = arith.constant 8 : i32
    "tpu.region"() ({
      %run_scoped3A_45 = tpu.sem_alloc : memref<!tpu.dma_semaphore, #tpu.memory_space<semaphore_mem>>
      %dma_start3A = arith.constant 0 : i32
      %dma_start3A_46 = tpu.memref_slice %arg3[%add3A_13, %dma_start3A] : memref<16384x128xf32, #tpu.memory_space<hbm>> -> memref<128x128xf32, #tpu.memory_space<hbm>>
      %dma_start3A_47 = arith.constant 0 : i32
      %dma_start3A_48 = tpu.memref_slice %arg3[%add3A_13, %dma_start3A_47] : memref<16384x128xf32, #tpu.memory_space<hbm>> -> memref<128x128xf32, #tpu.memory_space<hbm>>
      tpu.enqueue_dma source(%dma_start3A_48 : memref<128x128xf32, #tpu.memory_space<hbm>>) target(%arg9 : memref<128x128xf32, #tpu.memory_space<vmem>>) target_semaphore(%run_scoped3A_45 : memref<!tpu.dma_semaphore, #tpu.memory_space<semaphore_mem>>)
      %dma_wait3A = arith.constant 0 : i32
      %dma_wait3A_49 = tpu.memref_slice %arg3[%add3A_13, %dma_wait3A] : memref<16384x128xf32, #tpu.memory_space<hbm>> -> memref<128x128xf32, #tpu.memory_space<hbm>>
      %dma_wait3A_50 = arith.constant 0 : i32
      %dma_wait3A_51 = tpu.memref_slice %arg3[%add3A_13, %dma_wait3A_50] : memref<16384x128xf32, #tpu.memory_space<hbm>> -> memref<128x128xf32, #tpu.memory_space<hbm>>
      tpu.wait_dma2 semaphore(%run_scoped3A_45 : memref<!tpu.dma_semaphore, #tpu.memory_space<semaphore_mem>>) src(%dma_wait3A_51 : memref<128x128xf32, #tpu.memory_space<hbm>>) dst(%arg9 : memref<128x128xf32, #tpu.memory_space<vmem>>)
      tpu.yield
    }) : () -> ()
    "tpu.region"() ({
      %run_scoped3A_45 = tpu.sem_alloc : memref<!tpu.dma_semaphore, #tpu.memory_space<semaphore_mem>>
      %dma_start3A = arith.constant 0 : i32
      %dma_start3A_46 = arith.constant 0 : i32
      %dma_start3A_47 = tpu.memref_slice %arg4[%dma_start3A, %dma_start3A_46] : memref<1000001x128xf32, #tpu.memory_space<hbm>> -> memref<1000001x128xf32, #tpu.memory_space<hbm>>
      %dma_start3A_48 = arith.constant -1 : i32
      tpu.enqueue_indirect_dma source(%arg9 : memref<128x128xf32, #tpu.memory_space<vmem>>) target(%dma_start3A_47 : memref<1000001x128xf32, #tpu.memory_space<hbm>>) offsets(%arg8 : memref<128xi32, #tpu.memory_space<vmem>>) offset_filter(%dma_start3A_48) semaphore(%run_scoped3A_45 : memref<!tpu.dma_semaphore, #tpu.memory_space<semaphore_mem>>)
      %dma_wait3A = arith.constant 0 : i32
      %dma_wait3A_49 = arith.constant 0 : i32
      %dma_wait3A_50 = tpu.memref_slice %arg4[%dma_wait3A, %dma_wait3A_49] : memref<1000001x128xf32, #tpu.memory_space<hbm>> -> memref<1000001x128xf32, #tpu.memory_space<hbm>>
      tpu.wait_indirect_dma semaphore(%run_scoped3A_45 : memref<!tpu.dma_semaphore, #tpu.memory_space<semaphore_mem>>) src(%arg9 : memref<128x128xf32, #tpu.memory_space<vmem>>) dst(%dma_wait3A_50 : memref<1000001x128xf32, #tpu.memory_space<hbm>>)
      tpu.yield
    }) : () -> ()
    %add3A_23 = arith.constant 256 : i32
    %add3A_24 = arith.addi %mul3A_2, %add3A_23 : i32
    %run_scoped3A_25 = arith.constant 0 : i32
    "tpu.region"() ({
      %run_scoped3A_45 = tpu.sem_alloc : memref<!tpu.dma_semaphore, #tpu.memory_space<semaphore_mem>>
      %dma_start3A = tpu.memref_slice %arg2[%run_scoped3A_25, %add3A_24] : memref<2x16384xi32, #tpu.memory_space<hbm>> -> memref<1x128xi32, #tpu.memory_space<hbm>>
      %dma_start3A_46 = tpu.memref_squeeze %dma_start3A : memref<1x128xi32, #tpu.memory_space<hbm>> -> memref<128xi32, #tpu.memory_space<hbm>>
      %dma_start3A_47 = tpu.memref_slice %arg2[%run_scoped3A_25, %add3A_24] : memref<2x16384xi32, #tpu.memory_space<hbm>> -> memref<1x128xi32, #tpu.memory_space<hbm>>
      %dma_start3A_48 = tpu.memref_squeeze %dma_start3A_47 : memref<1x128xi32, #tpu.memory_space<hbm>> -> memref<128xi32, #tpu.memory_space<hbm>>
      tpu.enqueue_dma source(%dma_start3A_48 : memref<128xi32, #tpu.memory_space<hbm>>) target(%arg6 : memref<128xi32, #tpu.memory_space<vmem>>) target_semaphore(%run_scoped3A_45 : memref<!tpu.dma_semaphore, #tpu.memory_space<semaphore_mem>>)
      %dma_wait3A = tpu.memref_slice %arg2[%run_scoped3A_25, %add3A_24] : memref<2x16384xi32, #tpu.memory_space<hbm>> -> memref<1x128xi32, #tpu.memory_space<hbm>>
      %dma_wait3A_49 = tpu.memref_squeeze %dma_wait3A : memref<1x128xi32, #tpu.memory_space<hbm>> -> memref<128xi32, #tpu.memory_space<hbm>>
      %dma_wait3A_50 = tpu.memref_slice %arg2[%run_scoped3A_25, %add3A_24] : memref<2x16384xi32, #tpu.memory_space<hbm>> -> memref<1x128xi32, #tpu.memory_space<hbm>>
      %dma_wait3A_51 = tpu.memref_squeeze %dma_wait3A_50 : memref<1x128xi32, #tpu.memory_space<hbm>> -> memref<128xi32, #tpu.memory_space<hbm>>
      tpu.wait_dma2 semaphore(%run_scoped3A_45 : memref<!tpu.dma_semaphore, #tpu.memory_space<semaphore_mem>>) src(%dma_wait3A_51 : memref<128xi32, #tpu.memory_space<hbm>>) dst(%arg6 : memref<128xi32, #tpu.memory_space<vmem>>)
      tpu.yield
    }) : () -> ()
    %run_scoped3A_26 = arith.constant 1 : i32
    "tpu.region"() ({
      %run_scoped3A_45 = tpu.sem_alloc : memref<!tpu.dma_semaphore, #tpu.memory_space<semaphore_mem>>
      %dma_start3A = tpu.memref_slice %arg2[%run_scoped3A_26, %add3A_24] : memref<2x16384xi32, #tpu.memory_space<hbm>> -> memref<1x128xi32, #tpu.memory_space<hbm>>
      %dma_start3A_46 = tpu.memref_squeeze %dma_start3A : memref<1x128xi32, #tpu.memory_space<hbm>> -> memref<128xi32, #tpu.memory_space<hbm>>
      %dma_start3A_47 = tpu.memref_slice %arg2[%run_scoped3A_26, %add3A_24] : memref<2x16384xi32, #tpu.memory_space<hbm>> -> memref<1x128xi32, #tpu.memory_space<hbm>>
      %dma_start3A_48 = tpu.memref_squeeze %dma_start3A_47 : memref<1x128xi32, #tpu.memory_space<hbm>> -> memref<128xi32, #tpu.memory_space<hbm>>
      tpu.enqueue_dma source(%dma_start3A_48 : memref<128xi32, #tpu.memory_space<hbm>>) target(%arg7 : memref<128xi32, #tpu.memory_space<vmem>>) target_semaphore(%run_scoped3A_45 : memref<!tpu.dma_semaphore, #tpu.memory_space<semaphore_mem>>)
      %dma_wait3A = tpu.memref_slice %arg2[%run_scoped3A_26, %add3A_24] : memref<2x16384xi32, #tpu.memory_space<hbm>> -> memref<1x128xi32, #tpu.memory_space<hbm>>
      %dma_wait3A_49 = tpu.memref_squeeze %dma_wait3A : memref<1x128xi32, #tpu.memory_space<hbm>> -> memref<128xi32, #tpu.memory_space<hbm>>
      %dma_wait3A_50 = tpu.memref_slice %arg2[%run_scoped3A_26, %add3A_24] : memref<2x16384xi32, #tpu.memory_space<hbm>> -> memref<1x128xi32, #tpu.memory_space<hbm>>
      %dma_wait3A_51 = tpu.memref_squeeze %dma_wait3A_50 : memref<1x128xi32, #tpu.memory_space<hbm>> -> memref<128xi32, #tpu.memory_space<hbm>>
      tpu.wait_dma2 semaphore(%run_scoped3A_45 : memref<!tpu.dma_semaphore, #tpu.memory_space<semaphore_mem>>) src(%dma_wait3A_51 : memref<128xi32, #tpu.memory_space<hbm>>) dst(%arg7 : memref<128xi32, #tpu.memory_space<vmem>>)
      tpu.yield
    }) : () -> ()
    %scan3A_27 = arith.constant 0 : i32
    %scan3A_28 = arith.constant 0 : i32
    %scan3A_29 = arith.constant 8 : i32
    %scan3A_30 = arith.addi %scan3A_28, %scan3A_29 : i32
    %scan3A_31 = arith.constant 1 : i32
    %scan3A_32 = scf.for %scan3A_45 = %scan3A_28 to %scan3A_30 step %scan3A_31 iter_args(%scan3A_46 = %scan3A_27) -> (i32)  : i32 {
      %mul3A_47 = arith.constant 16 : i32
      %mul3A_48 = arith.muli %scan3A_45, %mul3A_47 : i32
      %get3A = arith.index_cast %mul3A_48 : i32 to index
      %get3A_49 = tpu.vector_load %arg6[%get3A] {strides = array<i32>} : memref<128xi32, #tpu.memory_space<vmem>>, vector<16xi32>,
      %ne3A = arith.constant -1 : i32
      %ne3A_50 = vector.broadcast %ne3A : i32 to vector<16xi32>
      %ne3A_51 = arith.cmpi ne, %get3A_49, %ne3A_50 : vector<16xi32>
      %get3A_52 = arith.index_cast %mul3A_48 : i32 to index
      %get3A_53 = tpu.vector_load %arg7[%get3A_52] {strides = array<i32>} : memref<128xi32, #tpu.memory_space<vmem>>, vector<16xi32>,
      %select_n3A = arith.select %ne3A_51, %get3A_49, %get3A_53 : vector<16xi1>, vector<16xi32>
      %swap3A = arith.index_cast %mul3A_48 : i32 to index
      %swap3A_54 = tpu.vector_load %arg8[%swap3A] {strides = array<i32>} : memref<128xi32, #tpu.memory_space<vmem>>, vector<16xi32>,
      tpu.vector_store %arg8[%swap3A], %select_n3A {strides = array<i32>} : memref<128xi32, #tpu.memory_space<vmem>>, vector<16xi32>,
      %scan3A_55 = arith.constant 0 : i32
      scf.yield %scan3A_55 : i32
    }
    %scan3A_33 = arith.constant 8 : i32
    "tpu.region"() ({
      %run_scoped3A_45 = tpu.sem_alloc : memref<!tpu.dma_semaphore, #tpu.memory_space<semaphore_mem>>
      %dma_start3A = arith.constant 0 : i32
      %dma_start3A_46 = tpu.memref_slice %arg3[%add3A_24, %dma_start3A] : memref<16384x128xf32, #tpu.memory_space<hbm>> -> memref<128x128xf32, #tpu.memory_space<hbm>>
      %dma_start3A_47 = arith.constant 0 : i32
      %dma_start3A_48 = tpu.memref_slice %arg3[%add3A_24, %dma_start3A_47] : memref<16384x128xf32, #tpu.memory_space<hbm>> -> memref<128x128xf32, #tpu.memory_space<hbm>>
      tpu.enqueue_dma source(%dma_start3A_48 : memref<128x128xf32, #tpu.memory_space<hbm>>) target(%arg9 : memref<128x128xf32, #tpu.memory_space<vmem>>) target_semaphore(%run_scoped3A_45 : memref<!tpu.dma_semaphore, #tpu.memory_space<semaphore_mem>>)
      %dma_wait3A = arith.constant 0 : i32
      %dma_wait3A_49 = tpu.memref_slice %arg3[%add3A_24, %dma_wait3A] : memref<16384x128xf32, #tpu.memory_space<hbm>> -> memref<128x128xf32, #tpu.memory_space<hbm>>
      %dma_wait3A_50 = arith.constant 0 : i32
      %dma_wait3A_51 = tpu.memref_slice %arg3[%add3A_24, %dma_wait3A_50] : memref<16384x128xf32, #tpu.memory_space<hbm>> -> memref<128x128xf32, #tpu.memory_space<hbm>>
      tpu.wait_dma2 semaphore(%run_scoped3A_45 : memref<!tpu.dma_semaphore, #tpu.memory_space<semaphore_mem>>) src(%dma_wait3A_51 : memref<128x128xf32, #tpu.memory_space<hbm>>) dst(%arg9 : memref<128x128xf32, #tpu.memory_space<vmem>>)
      tpu.yield
    }) : () -> ()
    "tpu.region"() ({
      %run_scoped3A_45 = tpu.sem_alloc : memref<!tpu.dma_semaphore, #tpu.memory_space<semaphore_mem>>
      %dma_start3A = arith.constant 0 : i32
      %dma_start3A_46 = arith.constant 0 : i32
      %dma_start3A_47 = tpu.memref_slice %arg4[%dma_start3A, %dma_start3A_46] : memref<1000001x128xf32, #tpu.memory_space<hbm>> -> memref<1000001x128xf32, #tpu.memory_space<hbm>>
      %dma_start3A_48 = arith.constant -1 : i32
      tpu.enqueue_indirect_dma source(%arg9 : memref<128x128xf32, #tpu.memory_space<vmem>>) target(%dma_start3A_47 : memref<1000001x128xf32, #tpu.memory_space<hbm>>) offsets(%arg8 : memref<128xi32, #tpu.memory_space<vmem>>) offset_filter(%dma_start3A_48) semaphore(%run_scoped3A_45 : memref<!tpu.dma_semaphore, #tpu.memory_space<semaphore_mem>>)
      %dma_wait3A = arith.constant 0 : i32
      %dma_wait3A_49 = arith.constant 0 : i32
      %dma_wait3A_50 = tpu.memref_slice %arg4[%dma_wait3A, %dma_wait3A_49] : memref<1000001x128xf32, #tpu.memory_space<hbm>> -> memref<1000001x128xf32, #tpu.memory_space<hbm>>
      tpu.wait_indirect_dma semaphore(%run_scoped3A_45 : memref<!tpu.dma_semaphore, #tpu.memory_space<semaphore_mem>>) src(%arg9 : memref<128x128xf32, #tpu.memory_space<vmem>>) dst(%dma_wait3A_50 : memref<1000001x128xf32, #tpu.memory_space<hbm>>)
      tpu.yield
    }) : () -> ()
    %add3A_34 = arith.constant 384 : i32
    %add3A_35 = arith.addi %mul3A_2, %add3A_34 : i32
    %run_scoped3A_36 = arith.constant 0 : i32
    "tpu.region"() ({
      %run_scoped3A_45 = tpu.sem_alloc : memref<!tpu.dma_semaphore, #tpu.memory_space<semaphore_mem>>
      %dma_start3A = tpu.memref_slice %arg2[%run_scoped3A_36, %add3A_35] : memref<2x16384xi32, #tpu.memory_space<hbm>> -> memref<1x128xi32, #tpu.memory_space<hbm>>
      %dma_start3A_46 = tpu.memref_squeeze %dma_start3A : memref<1x128xi32, #tpu.memory_space<hbm>> -> memref<128xi32, #tpu.memory_space<hbm>>
      %dma_start3A_47 = tpu.memref_slice %arg2[%run_scoped3A_36, %add3A_35] : memref<2x16384xi32, #tpu.memory_space<hbm>> -> memref<1x128xi32, #tpu.memory_space<hbm>>
      %dma_start3A_48 = tpu.memref_squeeze %dma_start3A_47 : memref<1x128xi32, #tpu.memory_space<hbm>> -> memref<128xi32, #tpu.memory_space<hbm>>
      tpu.enqueue_dma source(%dma_start3A_48 : memref<128xi32, #tpu.memory_space<hbm>>) target(%arg6 : memref<128xi32, #tpu.memory_space<vmem>>) target_semaphore(%run_scoped3A_45 : memref<!tpu.dma_semaphore, #tpu.memory_space<semaphore_mem>>)
      %dma_wait3A = tpu.memref_slice %arg2[%run_scoped3A_36, %add3A_35] : memref<2x16384xi32, #tpu.memory_space<hbm>> -> memref<1x128xi32, #tpu.memory_space<hbm>>
      %dma_wait3A_49 = tpu.memref_squeeze %dma_wait3A : memref<1x128xi32, #tpu.memory_space<hbm>> -> memref<128xi32, #tpu.memory_space<hbm>>
      %dma_wait3A_50 = tpu.memref_slice %arg2[%run_scoped3A_36, %add3A_35] : memref<2x16384xi32, #tpu.memory_space<hbm>> -> memref<1x128xi32, #tpu.memory_space<hbm>>
      %dma_wait3A_51 = tpu.memref_squeeze %dma_wait3A_50 : memref<1x128xi32, #tpu.memory_space<hbm>> -> memref<128xi32, #tpu.memory_space<hbm>>
      tpu.wait_dma2 semaphore(%run_scoped3A_45 : memref<!tpu.dma_semaphore, #tpu.memory_space<semaphore_mem>>) src(%dma_wait3A_51 : memref<128xi32, #tpu.memory_space<hbm>>) dst(%arg6 : memref<128xi32, #tpu.memory_space<vmem>>)
      tpu.yield
    }) : () -> ()
    %run_scoped3A_37 = arith.constant 1 : i32
    "tpu.region"() ({
      %run_scoped3A_45 = tpu.sem_alloc : memref<!tpu.dma_semaphore, #tpu.memory_space<semaphore_mem>>
      %dma_start3A = tpu.memref_slice %arg2[%run_scoped3A_37, %add3A_35] : memref<2x16384xi32, #tpu.memory_space<hbm>> -> memref<1x128xi32, #tpu.memory_space<hbm>>
      %dma_start3A_46 = tpu.memref_squeeze %dma_start3A : memref<1x128xi32, #tpu.memory_space<hbm>> -> memref<128xi32, #tpu.memory_space<hbm>>
      %dma_start3A_47 = tpu.memref_slice %arg2[%run_scoped3A_37, %add3A_35] : memref<2x16384xi32, #tpu.memory_space<hbm>> -> memref<1x128xi32, #tpu.memory_space<hbm>>
      %dma_start3A_48 = tpu.memref_squeeze %dma_start3A_47 : memref<1x128xi32, #tpu.memory_space<hbm>> -> memref<128xi32, #tpu.memory_space<hbm>>
      tpu.enqueue_dma source(%dma_start3A_48 : memref<128xi32, #tpu.memory_space<hbm>>) target(%arg7 : memref<128xi32, #tpu.memory_space<vmem>>) target_semaphore(%run_scoped3A_45 : memref<!tpu.dma_semaphore, #tpu.memory_space<semaphore_mem>>)
      %dma_wait3A = tpu.memref_slice %arg2[%run_scoped3A_37, %add3A_35] : memref<2x16384xi32, #tpu.memory_space<hbm>> -> memref<1x128xi32, #tpu.memory_space<hbm>>
      %dma_wait3A_49 = tpu.memref_squeeze %dma_wait3A : memref<1x128xi32, #tpu.memory_space<hbm>> -> memref<128xi32, #tpu.memory_space<hbm>>
      %dma_wait3A_50 = tpu.memref_slice %arg2[%run_scoped3A_37, %add3A_35] : memref<2x16384xi32, #tpu.memory_space<hbm>> -> memref<1x128xi32, #tpu.memory_space<hbm>>
      %dma_wait3A_51 = tpu.memref_squeeze %dma_wait3A_50 : memref<1x128xi32, #tpu.memory_space<hbm>> -> memref<128xi32, #tpu.memory_space<hbm>>
      tpu.wait_dma2 semaphore(%run_scoped3A_45 : memref<!tpu.dma_semaphore, #tpu.memory_space<semaphore_mem>>) src(%dma_wait3A_51 : memref<128xi32, #tpu.memory_space<hbm>>) dst(%arg7 : memref<128xi32, #tpu.memory_space<vmem>>)
      tpu.yield
    }) : () -> ()
    %scan3A_38 = arith.constant 0 : i32
    %scan3A_39 = arith.constant 0 : i32
    %scan3A_40 = arith.constant 8 : i32
    %scan3A_41 = arith.addi %scan3A_39, %scan3A_40 : i32
    %scan3A_42 = arith.constant 1 : i32
    %scan3A_43 = scf.for %scan3A_45 = %scan3A_39 to %scan3A_41 step %scan3A_42 iter_args(%scan3A_46 = %scan3A_38) -> (i32)  : i32 {
      %mul3A_47 = arith.constant 16 : i32
      %mul3A_48 = arith.muli %scan3A_45, %mul3A_47 : i32
      %get3A = arith.index_cast %mul3A_48 : i32 to index
      %get3A_49 = tpu.vector_load %arg6[%get3A] {strides = array<i32>} : memref<128xi32, #tpu.memory_space<vmem>>, vector<16xi32>,
      %ne3A = arith.constant -1 : i32
      %ne3A_50 = vector.broadcast %ne3A : i32 to vector<16xi32>
      %ne3A_51 = arith.cmpi ne, %get3A_49, %ne3A_50 : vector<16xi32>
      %get3A_52 = arith.index_cast %mul3A_48 : i32 to index
      %get3A_53 = tpu.vector_load %arg7[%get3A_52] {strides = array<i32>} : memref<128xi32, #tpu.memory_space<vmem>>, vector<16xi32>,
      %select_n3A = arith.select %ne3A_51, %get3A_49, %get3A_53 : vector<16xi1>, vector<16xi32>
      %swap3A = arith.index_cast %mul3A_48 : i32 to index
      %swap3A_54 = tpu.vector_load %arg8[%swap3A] {strides = array<i32>} : memref<128xi32, #tpu.memory_space<vmem>>, vector<16xi32>,
      tpu.vector_store %arg8[%swap3A], %select_n3A {strides = array<i32>} : memref<128xi32, #tpu.memory_space<vmem>>, vector<16xi32>,
      %scan3A_55 = arith.constant 0 : i32
      scf.yield %scan3A_55 : i32
    }
    %scan3A_44 = arith.constant 8 : i32
    "tpu.region"() ({
      %run_scoped3A_45 = tpu.sem_alloc : memref<!tpu.dma_semaphore, #tpu.memory_space<semaphore_mem>>
      %dma_start3A = arith.constant 0 : i32
      %dma_start3A_46 = tpu.memref_slice %arg3[%add3A_35, %dma_start3A] : memref<16384x128xf32, #tpu.memory_space<hbm>> -> memref<128x128xf32, #tpu.memory_space<hbm>>
      %dma_start3A_47 = arith.constant 0 : i32
      %dma_start3A_48 = tpu.memref_slice %arg3[%add3A_35, %dma_start3A_47] : memref<16384x128xf32, #tpu.memory_space<hbm>> -> memref<128x128xf32, #tpu.memory_space<hbm>>
      tpu.enqueue_dma source(%dma_start3A_48 : memref<128x128xf32, #tpu.memory_space<hbm>>) target(%arg9 : memref<128x128xf32, #tpu.memory_space<vmem>>) target_semaphore(%run_scoped3A_45 : memref<!tpu.dma_semaphore, #tpu.memory_space<semaphore_mem>>)
      %dma_wait3A = arith.constant 0 : i32
      %dma_wait3A_49 = tpu.memref_slice %arg3[%add3A_35, %dma_wait3A] : memref<16384x128xf32, #tpu.memory_space<hbm>> -> memref<128x128xf32, #tpu.memory_space<hbm>>
      %dma_wait3A_50 = arith.constant 0 : i32
      %dma_wait3A_51 = tpu.memref_slice %arg3[%add3A_35, %dma_wait3A_50] : memref<16384x128xf32, #tpu.memory_space<hbm>> -> memref<128x128xf32, #tpu.memory_space<hbm>>
      tpu.wait_dma2 semaphore(%run_scoped3A_45 : memref<!tpu.dma_semaphore, #tpu.memory_space<semaphore_mem>>) src(%dma_wait3A_51 : memref<128x128xf32, #tpu.memory_space<hbm>>) dst(%arg9 : memref<128x128xf32, #tpu.memory_space<vmem>>)
      tpu.yield
    }) : () -> ()
    "tpu.region"() ({
      %run_scoped3A_45 = tpu.sem_alloc : memref<!tpu.dma_semaphore, #tpu.memory_space<semaphore_mem>>
      %dma_start3A = arith.constant 0 : i32
      %dma_start3A_46 = arith.constant 0 : i32
      %dma_start3A_47 = tpu.memref_slice %arg4[%dma_start3A, %dma_start3A_46] : memref<1000001x128xf32, #tpu.memory_space<hbm>> -> memref<1000001x128xf32, #tpu.memory_space<hbm>>
      %dma_start3A_48 = arith.constant -1 : i32
      tpu.enqueue_indirect_dma source(%arg9 : memref<128x128xf32, #tpu.memory_space<vmem>>) target(%dma_start3A_47 : memref<1000001x128xf32, #tpu.memory_space<hbm>>) offsets(%arg8 : memref<128xi32, #tpu.memory_space<vmem>>) offset_filter(%dma_start3A_48) semaphore(%run_scoped3A_45 : memref<!tpu.dma_semaphore, #tpu.memory_space<semaphore_mem>>)
      %dma_wait3A = arith.constant 0 : i32
      %dma_wait3A_49 = arith.constant 0 : i32
      %dma_wait3A_50 = tpu.memref_slice %arg4[%dma_wait3A, %dma_wait3A_49] : memref<1000001x128xf32, #tpu.memory_space<hbm>> -> memref<1000001x128xf32, #tpu.memory_space<hbm>>
      tpu.wait_indirect_dma semaphore(%run_scoped3A_45 : memref<!tpu.dma_semaphore, #tpu.memory_space<semaphore_mem>>) src(%arg9 : memref<128x128xf32, #tpu.memory_space<vmem>>) dst(%dma_wait3A_50 : memref<1000001x128xf32, #tpu.memory_space<hbm>>)
      tpu.yield
    }) : () -> ()
    return
  }
}

module attributes {stable_mosaic.version = 14 : i64} {
  func.func @_copy_body(%arg0: i32, %arg1: memref<8192x128xf32, #tpu.memory_space<vmem>>, %arg2: memref<8192x128xf32, #tpu.memory_space<vmem>>) attributes {dimension_semantics = [#tpu.dimension_semantics<arbitrary>], iteration_bounds = array<i64: 123>, scalar_prefetch = 0 : i64, scratch_operands = 0 : i64, tpu.core_type = #tpu.core_type<tc>, window_params = [{transform_indices = @transform_0, window_bounds = array<i64: 8192, 128>}, {transform_indices = @transform_1, window_bounds = array<i64: 8192, 128>}]} {
    %get3A = arith.constant 0 : index
    %get3A_0 = arith.constant 0 : index
    %get3A_1 = vector.load %arg1[%get3A, %get3A_0] : memref<8192x128xf32, #tpu.memory_space<vmem>>, vector<8192x128xf32>
    %swap3A = arith.constant 0 : index
    %swap3A_2 = arith.constant 0 : index
    %swap3A_3 = vector.load %arg2[%swap3A, %swap3A_2] : memref<8192x128xf32, #tpu.memory_space<vmem>>, vector<8192x128xf32>
    tpu.vector_store %arg2[%swap3A, %swap3A_2], %get3A_1 {strides = array<i32>} : memref<8192x128xf32, #tpu.memory_space<vmem>>, vector<8192x128xf32>,
    return
  }
  func.func @transform_0(%arg0: i32) -> (i32, i32) {
    %c0_i32 = arith.constant 0 : i32
    %c0_i32_0 = arith.constant 0 : i32
    return %arg0, %c0_i32 : i32, i32
  }
  func.func @transform_1(%arg0: i32) -> (i32, i32) {
    %c0_i32 = arith.constant 0 : i32
    %c0_i32_0 = arith.constant 0 : i32
    return %arg0, %c0_i32 : i32, i32
  }
}

</mosaic_0001>

<sc_bundles>
// kernel: kernel.5.cloned.1.call-start
scs
__scs_entry_jumppad:
0x0: {  	(pc) =	sbr.rel $0x88, $3  }
0x1: {  	(tag) =	ssettag $0x0;
	lr =	simm.s32 $0x1  }
0x2: {  	[smem:$0x3F9E] =	sst lr;
	_ =	strace $0xD0000000  }
0x3: {  	_ = 	snop  }
0x4: {  	_ = 	snop  }
0x5: {  	_ = 	snop  }
0x6: {  	_ = 	snop  }
0x7: {  	_ = 	snop  }
__scs_overlays_trampoline_lowered:
0x8: {  	[smem:$0x3FAD] =	sst s0  }
0x9: {  	[smem:$0x3FAE] =	sst s1  }
0xa: {  	[smem:$0x3FAF] =	sst s2  }
0xb: {  	[smem:$0x3FB0] =	sst s3  }
0xc: {  	[smem:$0x3FB1] =	sst s4  }
0xd: {  	[smem:$0x3FB2] =	sst s5  }
0xe: {  	[smem:$0x3FB3] =	sst s6  }
0xf: {  	[smem:$0x3FB4] =	sst s7  }
0x10: {  	[smem:$0x3FB5] =	sst s8  }
0x11: {  	[smem:$0x3FB6] =	sst s9;
	s0 =	simm.s32 @!p0 $0x0  }
0x12: {  	s1 =	sld [smem:$0x3F9C];
	s0 =	simm.s32 @p0 $0x1  }
0x13: {  	[smem:$0x3FB7] =	sst s0;
	s0 =	simm.s32 @!p1 $0x0  }
0x14: {  	s2 =	sld [smem:$0x3F9B];
	s0 =	simm.s32 @p1 $0x1  }
0x15: {  	[smem:$0x3FB8] =	sst s0;
	s0 =	simm.s32 @!p2 $0x0  }
0x16: {  	s3 =	sld [smem:$0x3FDB];
	s0 =	simm.s32 @p2 $0x1  }
0x17: {  	s4 =	simm.s32 $0x1BF5;
	[smem:$0x3FBA] =	sst s0  }
0x18: {  	s0 =	sld [smem:$0x3F9D];
	_ =	swait.ge [sflag:s4], $0x0  }
0x19: {  	s7 =	sld [smem:$0x3F9E]  }
0x1a: {  	s8 =	sadd.s32 $0xFFFFE003, lr  }
0x1b: {  	s9 =	sadd.s32 $0xFFFFFEF7, lr;
	s5 =	simm.s32 $0xFFFFFFFF;
	p2 =	slt.u32 s8, $0xFFFFF086  }
0x1c: {  	p1 =	slt.u32 s9, $0xF7A;
	s5 =	simm.s32 @!p2 $0x0  }
0x1d: {  	s5 =	simm.s32 @p1 $0x1;
	p0 =	seq.s32 s7, s2  }
0x1e: {  	s7 =	smul.u32 @!p0 $0xF7A, s2;
	p2 =	seq.s32 @!p0 s5, $0x0  }
0x1f: {  	s9 =	smul.u32 $0xF7A, s1;
	s8 =	simm.s32 @!p0 $0x1BF5;
	p2 =	por !p2, p0  }
0x20: {  	[sflag:s8] =	ssyncset.s32 @!p0 $0xFFFFF086;
	s6 =	sadd.s32 @!p0 s3, s7;
	s7 =	simm.s32 @!p0 $0x108  }
0x21: {  	s3 =	sadd.s32 s3, s9;
	s6 =	sadd.s32 @!p0 $0x88, s6;
	s7 =	simm.s32 @p2 $0x1082  }
0x22: {  	[simem:s7], [sflag:s8] =	dma.local @!p0 [hbm:s6], $0xF7A  }
0x23: {  	s9 =	sor.u32 $0xD0000000, s2;
	s6 =	simm.s32 $0x108;
	_ =	swait.ge @!p0 [sflag:s8], $0x0  }
0x24: {  	s3 =	sadd.s32 $0x88, s3;
	s6 =	simm.s32 @!p1 $0x1082;
	[sflag:s4] =	ssyncset.s32 $0xFFFFF086  }
0x25: {  	[simem:s6], [sflag:s4] =	dma.local [hbm:s3], $0xF7A  }
0x26: {  	[smem:$0x3F9E] =	sst s1;
	(tag) =	ssettag s2;
	_ =	strace s9  }
0x27: {  	s1 =	sld [smem:$0x3FAE]  }
0x28: {  	s2 =	sld [smem:$0x3FAF]  }
0x29: {  	s4 =	sld [smem:$0x3FB1]  }
0x2a: {  	p0 =	seq.s32 s5, $0x0;
	s5 =	sld [smem:$0x3FB2]  }
0x2b: {  	s6 =	sld [smem:$0x3FB3]  }
0x2c: {  	s7 =	sld [smem:$0x3FB4]  }
0x2d: {  	s3 =	simm.s32 $0x108;
	s8 =	sld [smem:$0x3FB5]  }
0x2e: {  	s3 =	simm.s32 @!p0 $0x1082;
	s9 =	sld [smem:$0x3FB6]  }
0x2f: {  	lr =	sadd.s32 s0, s3;
	s0 =	sld [smem:$0x3FAD]  }
0x30: {  	s3 =	sld [smem:$0x3FB0]  }
0x31: {  	[smem:$0x3FB9] =	sst s10  }
0x32: {  	s10 =	sld [smem:$0x3FB7];
	_ =	sdelay $0x3  }
0x33: {  	p0 =	seq.s32 s10, $0x1;
	s10 =	sld [smem:$0x3FB9];
	_ =	sdelay $0x3  }
0x34: {  	[smem:$0x3FB9] =	sst s10  }
0x35: {  	s10 =	sld [smem:$0x3FB8];
	_ =	sdelay $0x3  }
0x36: {  	p1 =	seq.s32 s10, $0x1;
	s10 =	sld [smem:$0x3FB9];
	_ =	sdelay $0x3  }
0x37: {  	[smem:$0x3FB9] =	sst s10  }
0x38: {  	s10 =	sld [smem:$0x3FBA]  }
0x39: {  	_ = 	snop;
	(pc) =	sbr.ind lr, $3  }
0x3a: {  	_ = 	snop  }
0x3b: {  	_ = 	snop  }
0x3c: {  	p2 =	seq.s32 s10, $0x1;
	s10 =	sld [smem:$0x3FB9]  }
0x3d: {  	_ =	shalt  }
0x3e: {  	_ =	shalt  }
0x3f: {  	_ =	shalt  }
0x40: {  	_ =	shalt  }
0x41: {  	_ =	shalt  }
0x42: {  	_ =	shalt  }
0x43: {  	_ =	shalt  }
0x44: {  	_ =	shalt  }
0x45: {  	_ =	shalt  }
0x46: {  	_ =	shalt  }
0x47: {  	_ =	shalt  }
0x48: {  	_ =	shalt  }
0x49: {  	_ =	shalt  }
0x4a: {  	_ =	shalt  }
0x4b: {  	_ =	shalt  }
0x4c: {  	_ =	shalt  }
0x4d: {  	_ =	shalt  }
0x4e: {  	_ =	shalt  }
0x4f: {  	_ =	shalt  }
0x50: {  	_ =	shalt  }
0x51: {  	_ =	shalt  }
0x52: {  	_ =	shalt  }
0x53: {  	_ =	shalt  }
0x54: {  	_ =	shalt  }
0x55: {  	_ =	shalt  }
0x56: {  	_ =	shalt  }
0x57: {  	_ =	shalt  }
0x58: {  	_ =	shalt  }
0x59: {  	_ =	shalt  }
0x5a: {  	_ =	shalt  }
0x5b: {  	_ =	shalt  }
0x5c: {  	_ =	shalt  }
0x5d: {  	_ =	shalt  }
0x5e: {  	_ =	shalt  }
0x5f: {  	_ =	shalt  }
0x60: {  	_ =	shalt  }
0x61: {  	_ =	shalt  }
0x62: {  	_ =	shalt  }
0x63: {  	_ =	shalt  }
0x64: {  	_ =	shalt  }
0x65: {  	_ =	shalt  }
0x66: {  	_ =	shalt  }
0x67: {  	_ =	shalt  }
0x68: {  	_ =	shalt  }
0x69: {  	_ =	shalt  }
0x6a: {  	_ =	shalt  }
0x6b: {  	_ =	shalt  }
0x6c: {  	_ =	shalt  }
0x6d: {  	_ =	shalt  }
0x6e: {  	_ =	shalt  }
0x6f: {  	_ =	shalt  }
0x70: {  	_ =	shalt  }
0x71: {  	_ =	shalt  }
0x72: {  	_ =	shalt  }
0x73: {  	_ =	shalt  }
0x74: {  	_ =	shalt  }
0x75: {  	_ =	shalt  }
0x76: {  	_ =	shalt  }
0x77: {  	_ =	shalt  }
0x78: {  	_ =	shalt  }
0x79: {  	_ =	shalt  }
0x7a: {  	_ =	shalt  }
0x7b: {  	_ =	shalt  }
0x7c: {  	_ =	shalt  }
0x7d: {  	_ =	shalt  }
0x7e: {  	_ =	shalt  }
0x7f: {  	_ =	shalt  }
0x80: {  	_ =	shalt  }
0x81: {  	_ =	shalt  }
0x82: {  	_ =	shalt  }
0x83: {  	_ =	shalt  }
0x84: {  	_ =	shalt  }
0x85: {  	_ =	shalt  }
0x86: {  	_ =	shalt  }
0x87: {  	_ =	shalt  }
.Lfunc_end0:
.L_simem_size_0:
called_computation_lowered:
.L_overlay_start_0:
0x88: {  	s2 =	sld [smem:$0x3FD9]  }
0x89: {  	s3 =	sld [smem:$0x3FFE];
	_ =	sdelay $0x1  }
0x8a: {  	s1 =	srdreg.scid  }
0x8b: {  	s0 =	sand.u32 $0x1, s1  }
0x8c: {  	s14 =	sshll.u32 s0, $0xA;
	s2 =	sadd.s32 s3, s2  }
0x8d: {  	s2 =	sadd.s32 s2, s14  }
0x8e: {  	[smem:$0x3FC5] =	sst s2  }
0x8f: {  	_ = 	snop  }
0x90: {  	s2 =	sld [smem:$0x3FD0];
	_ =	sdelay $0x1  }
0x91: {  	s15 =	sld [smem:$0x3FC9]  }
0x92: {  	s5 =	simm.s32 $0xA;
	s6 =	simm.s32 $0x10;
	s4 =	sld [smem:$0x3FC7]  }
0x93: {  	[smem:s6], [sflag:s5] =	dma.local [hbm:s2], $0x1  }
0x94: {  	_ =	swait.eq [sflag:s5], $0x1  }
0x95: {  	[sflag:s5] =	ssyncset.done $0x0  }
0x96: {  	[sflag:s5] =	ssyncadd.s32 $0xFFFFFFFF  }
0x97: {  	s16 =	sld [smem:$0x10];
	(tm) =	ssettm $0x1  }
0x98: {  	s17 =	sld [smem:$0x3FFB];
	_ =	sdelay $0x3  }
0x99: {  	_ =	strace s17  }
0x9a: {  	s5 =	sld [smem:$0x3FFC];
	_ =	sdelay $0x3  }
0x9b: {  	_ =	strace s5  }
0x9c: {  	s5 =	sld [smem:$0x3FFD];
	_ =	sdelay $0x3  }
0x9d: {  	_ =	strace s5  }
0x9e: {  	_ =	strace $0x8FFFFFFF  }
0x9f: {  	s18 =	sld [smem:$0x3FDB];
	_ =	sdelay $0x1  }
0xa0: {  	s19 =	simm.s32 $_scs_section_size  }
0xa1: {  	s7 =	simm.s32 $_size__tile_overlayer_lowered;
	s8 =	simm.s32 $_tile_overlayer_lowered  }
0xa2: {  	s22 =	simm.s32 $0x1BFF;
	s21 =	sshll.u32 s8, $0x1;
	s5 =	sadd.s32 s19, s18  }
0xa3: {  	s9 =	simm.s32 $0x0;
	s20 =	sshll.u32 s7, $0x1;
	s7 =	sadd.s32 s21, s5  }
0xa4: {  	[timem:s9], [sflag:s22] =	dma.local [hbm:s7], s20  }
0xa5: {  	_ =	swait.ge [sflag:s22], s20  }
0xa6: {  	s6 =	ssub.s32 $0x0, s20;
	[sflag:s22] =	ssyncset.done $0x0  }
0xa7: {  	[sflag:s22] =	ssyncadd.s32 s6;
	_ =	sdelay $0x1  }
0xa8: {  	s23 =	simm.s32 $0x1B8B  }
0xa9: {  	_ =	swait.ge [sflag:s23], $0x1  }
0xaa: {  	[sflag:s23] =	ssyncset.done $0x0  }
0xab: {  	s25 =	simm.s32 $0x1B8E;
	s24 =	sld [smem:$0x3FFE];
	[sflag:s23] =	ssyncadd.s32 $0xFFFFFFFF  }
0xac: {  	s26 =	simm.s32 $execute0_lowered;
	[smem:$0x3FD2] =	sst s25  }
0xad: {  	s7 =	sshll.u32 s26, $0x1;
	_ =	strace $0x80000046;
	[dreg:$0x1] =	wrdreg $0xFFFFFFFF  }
0xae: {  	s28 =	simm.s32 $_size_execute0_lowered;
	s5 =	sadd.s32 s5, s7;
	[dreg:$0x0] =	wrdreg $0x0  }
0xaf: {  	s7 =	sshll.u32 s28, $0x1;
	[dreg:$0x2] =	wrdreg s5  }
0xb0: {  	[dreg:$0x3] =	wrdreg s7  }
0xb1: {  	[dreg:$0x4] =	wrdreg $0xC0  }
0xb2: {  	_ =	task [dreg:s9], $0x5FFFF  }
0xb3: {  	[dreg:$0x1] =	wrdreg $0xFFFFFFFF  }
0xb4: {  	[dreg:$0x0] =	wrdreg $0x60  }
0xb5: {  	[dreg:$0x2] =	wrdreg s15  }
0xb6: {  	[dreg:$0x3] =	wrdreg s24  }
0xb7: {  	[dreg:$0x4] =	wrdreg s4  }
0xb8: {  	[dreg:$0x5] =	wrdreg s16  }
0xb9: {  	[dreg:$0x6] =	wrdreg $0x0  }
0xba: {  	[dreg:$0x7] =	wrdreg $0x9  }
0xbb: {  	_ =	task.clear_ibuf [dreg:s9], $0x8FFFF;
	_ =	strace $0x90000046  }
0xbc: {  	s29 =	simm.s32 $0x9;
	_ =	strace $0x80000048  }
0xbd: {  	_ =	swait.ge [sflag:s29], $0x1  }
0xbe: {  	[sflag:s29] =	ssyncadd.s32 $0xFFFFFFFF  }
0xbf: {  	_ =	strace $0x90000048  }
0xc0: {  	_ =	sfence  }
0xc1: {  	s30 =	sld [smem:$0x0];
	_ =	sdelay $0x2  }
0xc2: {  	s31 =	sshll.u32 s1, $0xD;
	s1 =	sshrl.u32 s1, $0x2  }
0xc3: {  	s3 =	sand.u32 $0x4000, s31;
	s1 =	sadd.s32 s1, s30  }
0xc4: {  	s0 =	sor.u32 s3, s0;
	s1 =	sshll.u32 s1, $0x11  }
0xc5: {  	s0 =	sor.u32 s1, s0  }
0xc6: {  	s0 =	sadd.s32 $0x8F2B, s0  }
0xc7: {  	[sflag:s0] =	ssyncadd.remote.s32 $0x1  }
0xc8: {  	_ =	sfence.sel $0xFFFF  }
0xc9: {  	[dreg:$0x0] =	wrdreg $0xFFFFFFFF;
	(pc) =	sbr.abs _section_cstart, $3  }
0xca: {  	[dreg:$0x1] =	wrdreg $0xFFFFFFFF  }
0xcb: {  	_ =	task.clear_ibuf [dreg:s9], $0x2FFFF;
	_ =	strace $0x9FFFFFFF  }
0xcc: {  	(tm) =	ssettm $0x7FFFFFFF  }
0xcd: {  	_ =	shalt  }
tec
execute0_lowered:
.L_overlay_start_1:
0x0: {  	(tag) =	ssettag $0x1  }
0x1: {  	s1 =	rddreg [dreg:$0x0]  }
0x2: {  	s5 =	rddreg [dreg:$0x1]  }
0x3: {  	s2 =	rddreg [dreg:$0x2]  }
0x4: {  	s3 =	rddreg [dreg:$0x3]  }
0x5: {  	s4 =	rddreg [dreg:$0x4];
	s0 =	srdreg.scid  }
0x6: {  	s16 =	simm.s32 $0x0;
	s6 =	stileid.u32;
	s28 =	simm.s32 $0xF828  }
0x7: {  	s29 =	simm.s32 $0x150A8;
	s30 =	simm.s32 $0x190A8;
	s31 =	simm.s32 $0x1D0A8  }
0x8: {  	s12 =	simm.s32 $0x1DBA8;
	s13 =	simm.s32 $0x1D328;
	s0 =	sand.u32 $0x1, s0  }
0x9: {  	[smem:$0x7FF] =	sst s16;
	s7 =	sshll.u32 s6, $0x7;
	s14 =	sshll.u32 s6, $0x8  }
0xa: {  	s15 =	sshll.u32 s6, $0xA;
	s17 =	sshll.u32 s6, $0xE;
	p0 =	sne.s32 s6, $0x0  }
0xb: {  	s8 =	sshll.u32 s0, $0xB;
	_ =	strace $0x80000047;
	s9 =	ssub.s32 $0x2, s0  }
0xc: {  	s10 =	sshll.u32 s0, $0x4;
	s18 =	sadd.s32 s1, s17;
	[dreg:$0x6] =	wrdreg s15  }
0xd: {  	v2 =	vmov s15;
	s15 =	simm.s32 $0x1EBA8;
	s19 =	sadd.s32 $0x800, s18;
	[dreg:$0x9] =	wrdreg s18  }
0xe: {  	s8 =	sor.u32 s7, s8;
	s20 =	sadd.s32 $0x1000, s18;
	[dreg:$0xa] =	wrdreg s19  }
0xf: {  	s7 =	sadd.s32 s7, s5;
	s21 =	sadd.s32 $0x1800, s18;
	[dreg:$0xb] =	wrdreg s20  }
0x10: {  	s11 =	sshrl.u32 s9, $0x1;
	s22 =	sadd.s32 $0x2000, s18;
	[dreg:$0xc] =	wrdreg s21  }
0x11: {  	s23 =	sadd.s32 $0x2800, s18;
	s24 =	sadd.s32 $0x3000, s18;
	[dreg:$0xd] =	wrdreg s22  }
0x12: {  	s8 =	sshrl.u32 s8, $0x3;
	s9 =	ssub.s32 s9, s11;
	[dreg:$0xe] =	wrdreg s23  }
0x13: {  	s7 =	sadd.s32 $0xC00, s7;
	[dreg:$0xf] =	wrdreg s24;
	s20 =	simm.s32 $0x5  }
0x14: {  	s22 =	simm.s32 $0x10C28;
	s24 =	simm.s32 $0x10;
	s21 =	simm.s32 $0x1D128  }
0x15: {  	s11 =	simm.s32 $0x1D2A8;
	s8 =	sadd.s32 s8, s5;
	s5 =	sadd.s32 s10, s5  }
0x16: {  	[dreg:$0x7] =	wrdreg s7;
	s26 =	smax.u32 s9, $0x1;
	s7 =	simm.s32 $0x10428  }
.Ltmp0:
0x17: {  	s10 =	simm.s32 $0x1D3A8;
	s5 =	sadd.s32 s14, s5;
	(pc) =	sbr.rel .LBB2_1-.Ltmp0, $4  }
0x18: {  	v1 =	vlaneseq.u32;
	s25 =	sadd.s32 $0x1400, s8;
	[dreg:$0x12] =	wrdreg s26;
	s26 =	simm.s32 $0x110A8  }
0x19: {  	v3 =	vimm.s32 $0x0;
	v4 =	vor.u32 $0x10, v1;
	v5 =	vor.u32 $0x20, v1;
	s8 =	simm.s32 $0x1D228;
	s5 =	sadd.s32 $0x1600, s5;
	[dreg:$0x11] =	wrdreg s25  }
0x1a: {  	v6 =	vor.u32 $0x30, v1;
	v7 =	vor.u32 $0x40, v1;
	v8 =	vor.u32 $0x50, v1;
	s14 =	simm.s32 $0x1E3A8;
	[dreg:$0x8] =	wrdreg s5;
	s5 =	sadd.s32 $0x3800, s18  }
0x1b: {  	v9 =	vor.u32 $0x60, v1;
	v10 =	vor.u32 $0x70, v1;
	v0 =	vmov s0;
	s25 =	simm.s32 $0x1D1A8;
	[dreg:$0x10] =	wrdreg s5;
	s5 =	simm.s32 $0x0  }
.LBB2_30:
0x1c: {  	s5 =	rddreg [dreg:$0x13]  }
0x1d: {  	s0 =	rddreg [dreg:$0x12];
	s5 =	sadd.s32 $0x1, s5  }
0x1e: {  	p1 =	sne.s32 s5, s0  }
.Ltmp1:
0x1f: {  	_ = 	snop;
	(pc) =	sbr.rel @!p1 .LBB2_31-.Ltmp1, $1  }
0x20: {  	_ =	sdelay $0x3  }
.LBB2_1:
0x21: {  	[dreg:$0x13] =	wrdreg s5  }
0x22: {  	s0 =	rddreg [dreg:$0x7];
	s23 =	simm.s32 $0xF428  }
0x23: {  	[tilespmem:s23], [sflag:$0x5] =	stream.linear.gather [hbm4b:s0+s16], $0x400, $0x38;
	[tilespmem:$0x1F428] =	vst v63  }
0x24: {  	_ =	swait.ge [sflag:s20], $0x400  }
0x25: {  	[sflag:s20] =	ssyncset.done $0x0  }
0x26: {  	s0 =	simm.s32 $0x0;
	[sflag:s20] =	ssyncadd.s32 $0xFFFFFC00  }
0x27: {  	v11 =	vld [tilespmem:s0+$0xF428]  }
0x28: {  	s6 =	rddreg [dreg:$0x6]  }
0x29: {  	v12 =	vor.u32 s6, v1  }
0x2a: {  	s5 =	simm.s32 $0x40;
	s6 =	sadd.s32 $0x10, s6;
	[tilespmem:s0+$0x10828] =	vst v12  }
.LBB2_2:
0x2b: {  	v14 =	vor.u32 s6, v1;
	p1 =	sne.s32 s5, $0xFC0  }
.Ltmp2:
0x2c: {  	s9 =	sshra.s32 s5, $0x2;
	s5 =	sadd.s32 $0x40, s5;
	vm0 =	vne.s32 v11, $0x0;
	vm1 =	vlt.s32 v11, $0xF4240;
	v13 =	vand.u32 $0x1, v11;
	(pc) =	sbr.rel @p1 .LBB2_2-.Ltmp2, $4  }
0x2d: {  	v12 =	vmov v11;
	[tilespmem:s9+$0x10828] =	vst v14;
	vm0 =	vmand vm0, vm1;
	vm1 =	veq.s32 v13, v0;
	v11 =	vld [tilespmem:s9+$0xF428]  }
0x2e: {  	vm0 =	vmand vm0, vm1  }
0x2f: {  	v12 =	vnsel vm0, $0xFFFFFFFF, v12  }
0x30: {  	s6 =	sadd.s32 $0x10, s6;
	[tilespmem:s0+$0xF828] =	vst v12;
	s0 =	smov.u32 s9  }
0x31: {  	_ = 	snop  }
0x32: {  	vm0 =	vne.s32 v11, $0x0;
	vm1 =	vlt.s32 v11, $0xF4240;
	v12 =	vand.u32 $0x1, v11  }
0x33: {  	vm0 =	vmand vm0, vm1;
	vm13 =	veq.s32 v12, v0  }
0x34: {  	vm0 =	vmand vm0, vm13  }
0x35: {  	v11 =	vnsel vm0, $0xFFFFFFFF, v11  }
0x36: {  	s23 =	simm.s32 $0xF828;
	[tilespmem:s0+$0xF828] =	vst v11;
	(ifvalue) =	ssetifvalue $0xFFFFFFFF  }
0x37: {  	s5 =	simm.s32 $0x10828;
	s9 =	simm.s32 $0x400;
	(ifvalue) =	ssetifvalue $0xFFFFFFFF  }
0x38: {  	[spmem:s4] =	stream.indirect.scatter [tilespmem:s5], [sflag:$0x5], $0x1, s23, s9, $0x40b8;
	[tilespmem:$0x1F428] =	vst v63  }
0x39: {  	_ =	swait.ge [sflag:s20], $0x400  }
0x3a: {  	[sflag:s20] =	ssyncset.done $0x0  }
0x3b: {  	[sflag:s20] =	ssyncadd.s32 $0xFFFFFC00  }
0x3c: {  	[bflag:$0x0] =	sbarrier.arrive $0xFFFF  }
0x3d: {  	(ifvalue) =	ssetifvalue $0xFFFFFFFF  }
0x3e: {  	s6 =	simm.s32 $0x10428;
	(ifvalue) =	ssetifvalue $0xFFFFFFFF  }
0x3f: {  	[tilespmem:s6], [sflag:$0x5] =	stream.indirect.gather [spmem:s4], $0x1, s23, s9, $0x40b8;
	[tilespmem:$0x1F428] =	vst v63  }
0x40: {  	_ =	swait.ge [sflag:s20], $0x400  }
0x41: {  	[sflag:s20] =	ssyncset.done $0x0  }
0x42: {  	[sflag:s20] =	ssyncadd.s32 $0xFFFFFC00  }
0x43: {  	v11 =	vld [tilespmem:s5+$0x0]  }
0x44: {  	v12 =	vld [tilespmem:s23+$0x0]  }
0x45: {  	v13 =	vld [tilespmem:s6+$0x0];
	_ =	sdelay $0x4  }
0x46: {  	vm14 =	vne.s32 v12, $0xFFFFFFFF;
	vm15 =	veq.s32 v13, v11  }
0x47: {  	vm2 =	vmand vm14, vm15  }
0x48: {  	vm0 =	vmxor vm14, vm2  }
0x49: {  	v13 =	vsel vm0, $0x1, v3  }
0x4a: {  	(xrf0) =	vadd.scan.msk.s32 $0xffff, v13;
	_ =	sdelay $0x1  }
0x4b: {  	s0 =	simm.s32 $0x0  }
0x4c: {  	v13 =	vmov s0  }
0x4d: {  	v13 =	vadd.s32 $0xFFFFFFFF, v13  }
0x4e: {  	v13 =	vbroadcast v13, $0x0  }
0x4f: {  	v14, _, _ =	vpop (xrf0)  }
0x50: {  	v13 =	vadd.s32 v14, v13;
	(v2sf) =	vpush v14, $0xF  }
0x51: {  	vm3 =	vgt.s32 v13, $0x0  }
0x52: {  	v13 =	vnsel vm3, $0x0, v13;
	_ =	sdelay $0x1  }
0x53: {  	s9 =	simm.s32 $0xFC28;
	v12 =	vnsel vm15, $0xFFFFFFFF, v12  }
0x54: {  	s6 =	simm.s32 $0x10028;
	[tilespmem:s9+$0x0] =	vst v12;
	v11 =	vnsel vm2, $0xFFFFFFFF, v11  }
0x55: {  	[tilespmem:s6+$0x0] =	vst v11;
	v11 =	vor.u32 s0, v1  }
0x56: {  	s19 =	simm.s32 $0x10838;
	[tilespmem:v13+s22+$0x0] =	vst.idx.msk vm0, v11  }
0x57: {  	s23 =	simm.s32 $0xF838;
	v11 =	vld [tilespmem:s19+$0x0]  }
0x58: {  	s5 =	simm.s32 $0x10438;
	v12 =	vld [tilespmem:s23+$0x0]  }
0x59: {  	s18 =	simm.s32 $0x10;
	s16 =	simm.s32 $0x20;
	v13 =	vld [tilespmem:s5+$0x0]  }
.LBB2_4:
0x5a: {  	p1 =	sne.s32 s16, $0x3F0;
	_ =	sdelay $0x3  }
0x5b: {  	vm0 =	vne.s32 v12, $0xFFFFFFFF;
	vm1 =	veq.s32 v13, v11;
	s17 =	spop (v2sf)  }
0x5c: {  	s9 =	sadd.s32 $0x10, s9;
	vm2 =	vmand vm0, vm1;
	v12 =	vnsel vm1, $0xFFFFFFFF, v12;
	s0 =	sadd.s32 s0, s17  }
0x5d: {  	s6 =	sadd.s32 $0x10, s6;
	[tilespmem:s9+$0x0] =	vst v12;
	v11 =	vnsel vm2, $0xFFFFFFFF, v11;
	vm0 =	vmxor vm0, vm2;
	v12 =	vmov s0  }
0x5e: {  	[tilespmem:s6+$0x0] =	vst v11;
	v11 =	vsel vm0, $0x1, v3;
	v12 =	vadd.s32 $0xFFFFFFFF, v12  }
0x5f: {  	v12 =	vbroadcast v12, $0x0;
	(xrf0) =	vadd.scan.msk.s32 $0xffff, v11;
	_ =	sdelay $0x5  }
0x60: {  	v11, _, _ =	vpop (xrf0)  }
0x61: {  	v12 =	vadd.s32 v11, v12;
	(v2sf) =	vpush v11, $0xF  }
0x62: {  	vm1 =	vgt.s32 v12, $0x0  }
0x63: {  	v11 =	vnsel vm1, $0x0, v12;
	_ =	sdelay $0x3  }
.Ltmp3:
0x64: {  	v12 =	vor.u32 s18, v1;
	s18 =	smov.u32 s16;
	(pc) =	sbr.rel @p1 .LBB2_4-.Ltmp3, $4  }
0x65: {  	s19 =	sadd.s32 $0x10, s19;
	[tilespmem:v11+s22+$0x0] =	vst.idx.msk vm0, v12  }
0x66: {  	s23 =	sadd.s32 $0x10, s23;
	v11 =	vld [tilespmem:s19+$0x0]  }
0x67: {  	s5 =	sadd.s32 $0x10, s5;
	v12 =	vld [tilespmem:s23+$0x0]  }
0x68: {  	s16 =	sadd.s32 $0x10, s16;
	v13 =	vld [tilespmem:s5+$0x0]  }
0x69: {  	_ =	sdelay $0x3  }
0x6a: {  	vm0 =	vne.s32 v12, $0xFFFFFFFF;
	vm1 =	veq.s32 v13, v11  }
0x6b: {  	vm2 =	vmand vm0, vm1  }
0x6c: {  	vm0 =	vmxor vm0, vm2  }
0x6d: {  	v13 =	vsel vm0, $0x1, v3  }
0x6e: {  	(xrf0) =	vadd.scan.msk.s32 $0xffff, v13;
	_ =	sdelay $0x5  }
0x6f: {  	v13, _, _ =	vpop (xrf0)  }
0x70: {  	s5 =	spop (v2sf);
	(v2sf) =	vpush v13, $0xF  }
0x71: {  	s0 =	sadd.s32 s0, s5  }
0x72: {  	v14 =	vmov s0  }
0x73: {  	v14 =	vadd.s32 $0xFFFFFFFF, v14  }
0x74: {  	v14 =	vbroadcast v14, $0x0;
	_ =	sdelay $0x1  }
0x75: {  	v13 =	vadd.s32 v13, v14  }
0x76: {  	vm3 =	vgt.s32 v13, $0x0  }
0x77: {  	v13 =	vnsel vm3, $0x0, v13;
	_ =	sdelay $0x1  }
0x78: {  	s23 =	sadd.s32 $0x10, s9;
	v12 =	vnsel vm1, $0xFFFFFFFF, v12  }
0x79: {  	s6 =	sadd.s32 $0x10, s6;
	[tilespmem:s23+$0x0] =	vst v12;
	v11 =	vnsel vm2, $0xFFFFFFFF, v11  }
0x7a: {  	s9 =	rddreg [dreg:$0x8];
	[tilespmem:s6+$0x0] =	vst v11;
	v11 =	vor.u32 s18, v1  }
0x7b: {  	s17 =	simm.s32 $0x80;
	s16 =	simm.s32 $0xFC28;
	s18 =	simm.s32 $0x100;
	[tilespmem:v13+s22+$0x0] =	vst.idx.msk vm0, v11  }
0x7c: {  	[hbm4b:s9+s17] =	stream.strided.scatter [tilespmem:s16], [sflag:$0x5], $0x400, s18, s17, $0x38;
	[tilespmem:$0x1F428] =	vst v63  }
0x7d: {  	s6 =	spop (v2sf)  }
0x7e: {  	_ =	swait.ge [sflag:s20], $0x400  }
0x7f: {  	[sflag:s20] =	ssyncset.done $0x0  }
0x80: {  	s19 =	simm.s32 $0x0;
	s23 =	rddreg [dreg:$0x9];
	[sflag:s20] =	ssyncadd.s32 $0xFFFFFC00  }
0x81: {  	[tilespmem:s26], [sflag:$0x5] =	stream.linear.gather [hbm4b:s23+s19], $0x4000, $0x38;
	[tilespmem:$0x1F428] =	vst v63  }
0x82: {  	_ =	swait.ge [sflag:s20], $0x4000  }
0x83: {  	v11 =	vmov s19;
	[sflag:s20] =	ssyncset.done $0x0  }
0x84: {  	v12 =	vshll.u32 v11, $0x7;
	[sflag:s20] =	ssyncadd.s32 $0xFFFFC000;
	(ifvalue) =	ssetifvalue $0xFFFFFFFF  }
0x85: {  	v13 =	vor.u32 v1, v12;
	(ifvalue) =	ssetifvalue $0xFFFFFFFF  }
0x86: {  	[tilespmem:s29], [sflag:$0x5] =	stream.indirect.gather [hbm4b:s2+s17], $0x80, s28, s17, $0x40b8;
	[tilespmem:$0x1F428] =	vst v63  }
0x87: {  	_ =	swait.ge [sflag:s20], $0x4000  }
0x88: {  	[sflag:s20] =	ssyncset.done $0x0  }
0x89: {  	[sflag:s20] =	ssyncadd.s32 $0xFFFFC000  }
0x8a: {  	v14 =	vld.idx.msk [tilespmem:v13+s29+$0x0], $0xffff  }
0x8b: {  	v15 =	vld.idx.msk [tilespmem:v13+s26+$0x0], $0xffff  }
0x8c: {  	v11 =	vld.idx.msk [tilespmem:v11+s28+$0x0], $0xffff;
	_ =	sdelay $0x3  }
0x8d: {  	v15 =	vsub.f32 v14, v15  }
0x8e: {  	vm0 =	veq.s32 v11, $0xFFFFFFFF  }
0x8f: {  	v11 =	vsel vm0, $0x0, v15  }
0x90: {  	v16 =	vor.u32 v4, v12;
	v15 =	vmul.f32 $1.000000010e-01, v11;
	_ =	sdelay $0x1  }
0x91: {  	v14 =	vsub.f32 v14, v15;
	_ =	sdelay $0x1  }
0x92: {  	[tilespmem:v13+s30+$0x0] =	vst.idx.msk $0xffff, v14  }
0x93: {  	v13 =	vld.idx.msk [tilespmem:v16+s29+$0x0], $0xffff  }
0x94: {  	v14 =	vld.idx.msk [tilespmem:v16+s26+$0x0], $0xffff;
	_ =	sdelay $0x4  }
0x95: {  	v14 =	vsub.f32 v13, v14;
	_ =	sdelay $0x1  }
0x96: {  	v14 =	vsel vm0, $0x0, v14  }
0x97: {  	v17 =	vor.u32 v5, v12;
	v15 =	vmul.f32 $1.000000010e-01, v14;
	_ =	sdelay $0x1  }
0x98: {  	v13 =	vsub.f32 v13, v15;
	_ =	sdelay $0x1  }
0x99: {  	[tilespmem:v16+s30+$0x0] =	vst.idx.msk $0xffff, v13  }
0x9a: {  	v13 =	vld.idx.msk [tilespmem:v17+s29+$0x0], $0xffff  }
0x9b: {  	v15 =	vld.idx.msk [tilespmem:v17+s26+$0x0], $0xffff;
	_ =	sdelay $0x4  }
0x9c: {  	v15 =	vsub.f32 v13, v15;
	_ =	sdelay $0x1  }
0x9d: {  	v15 =	vsel vm0, $0x0, v15  }
0x9e: {  	v18 =	vor.u32 v6, v12;
	v16 =	vmul.f32 $1.000000010e-01, v15;
	_ =	sdelay $0x1  }
0x9f: {  	v13 =	vsub.f32 v13, v16;
	_ =	sdelay $0x1  }
0xa0: {  	[tilespmem:v17+s30+$0x0] =	vst.idx.msk $0xffff, v13  }
0xa1: {  	v13 =	vld.idx.msk [tilespmem:v18+s29+$0x0], $0xffff  }
0xa2: {  	v16 =	vld.idx.msk [tilespmem:v18+s26+$0x0], $0xffff;
	_ =	sdelay $0x4  }
0xa3: {  	v16 =	vsub.f32 v13, v16;
	_ =	sdelay $0x1  }
0xa4: {  	v16 =	vsel vm0, $0x0, v16  }
0xa5: {  	v19 =	vor.u32 v7, v12;
	v17 =	vmul.f32 $1.000000010e-01, v16;
	_ =	sdelay $0x1  }
0xa6: {  	v13 =	vsub.f32 v13, v17;
	_ =	sdelay $0x1  }
0xa7: {  	[tilespmem:v18+s30+$0x0] =	vst.idx.msk $0xffff, v13  }
0xa8: {  	v13 =	vld.idx.msk [tilespmem:v19+s29+$0x0], $0xffff  }
0xa9: {  	v17 =	vld.idx.msk [tilespmem:v19+s26+$0x0], $0xffff;
	_ =	sdelay $0x4  }
0xaa: {  	v17 =	vsub.f32 v13, v17;
	_ =	sdelay $0x1  }
0xab: {  	v17 =	vsel vm0, $0x0, v17  }
0xac: {  	v20 =	vor.u32 v8, v12;
	v18 =	vmul.f32 $1.000000010e-01, v17;
	_ =	sdelay $0x1  }
0xad: {  	v13 =	vsub.f32 v13, v18;
	_ =	sdelay $0x1  }
0xae: {  	[tilespmem:v19+s30+$0x0] =	vst.idx.msk $0xffff, v13  }
0xaf: {  	v13 =	vld.idx.msk [tilespmem:v20+s29+$0x0], $0xffff  }
0xb0: {  	v18 =	vld.idx.msk [tilespmem:v20+s26+$0x0], $0xffff;
	_ =	sdelay $0x4  }
0xb1: {  	v18 =	vsub.f32 v13, v18;
	_ =	sdelay $0x1  }
0xb2: {  	v19 =	vsel vm0, $0x0, v18  }
0xb3: {  	v21 =	vor.u32 v9, v12;
	v18 =	vmul.f32 $1.000000010e-01, v19;
	_ =	sdelay $0x1  }
0xb4: {  	v13 =	vsub.f32 v13, v18;
	_ =	sdelay $0x1  }
0xb5: {  	[tilespmem:v20+s30+$0x0] =	vst.idx.msk $0xffff, v13  }
0xb6: {  	v13 =	vld.idx.msk [tilespmem:v21+s29+$0x0], $0xffff  }
0xb7: {  	v18 =	vld.idx.msk [tilespmem:v21+s26+$0x0], $0xffff;
	_ =	sdelay $0x4  }
0xb8: {  	v18 =	vsub.f32 v13, v18;
	_ =	sdelay $0x1  }
0xb9: {  	v22 =	vsel vm0, $0x0, v18  }
0xba: {  	v11 =	vmul.f32 v11, v11;
	v18 =	vor.u32 v10, v12;
	v23 =	vmul.f32 $1.000000010e-01, v22  }
0xbb: {  	v20 =	vimm.f32 $0.0e+00  }
0xbc: {  	v14 =	vmul.f32 v14, v14;
	v11 =	vadd.f32 v11, v20;
	v13 =	vsub.f32 v13, v23;
	_ =	sdelay $0x1  }
0xbd: {  	v11 =	vadd.f32 v14, v11;
	v12 =	vmul.f32 v15, v15;
	[tilespmem:v21+s30+$0x0] =	vst.idx.msk $0xffff, v13  }
0xbe: {  	v14 =	vld.idx.msk [tilespmem:v18+s29+$0x0], $0xffff  }
0xbf: {  	v16 =	vmul.f32 v16, v16;
	v11 =	vadd.f32 v12, v11;
	v12 =	vld.idx.msk [tilespmem:v18+s26+$0x0], $0xffff  }
0xc0: {  	v15 =	vmul.f32 v19, v19  }
0xc1: {  	s9 =	sadd.s32 s0, s6;
	s0 =	simm.s32 $0x1;
	v11 =	vadd.f32 v16, v11;
	v13 =	vmul.f32 v17, v17;
	v17 =	vmul.f32 v22, v22  }
.LBB2_6:
0xc2: {  	p1 =	sne.s32 s0, $0x7F;
	s5 =	smov.u32 s0;
	s0 =	sadd.s32 $0x1, s0  }
0xc3: {  	v13 =	vadd.f32 v13, v11  }
0xc4: {  	v16 =	vmov s5;
	v12 =	vsub.f32 v14, v12  }
0xc5: {  	v11 =	vshll.u32 v16, $0x7;
	v13 =	vadd.f32 v15, v13  }
0xc6: {  	v15 =	vor.u32 v1, v11;
	v12 =	vsel vm0, $0x0, v12  }
0xc7: {  	v19 =	vmul.f32 $1.000000010e-01, v12;
	v13 =	vadd.f32 v17, v13;
	v17 =	vmul.f32 v12, v12;
	_ =	sdelay $0x1  }
0xc8: {  	v12 =	vadd.f32 v17, v13;
	v13 =	vsub.f32 v14, v19;
	_ =	sdelay $0x1  }
0xc9: {  	[tilespmem:v18+s30+$0x0] =	vst.idx.msk $0xffff, v13  }
0xca: {  	v13 =	vld.idx.msk [tilespmem:v15+s29+$0x0], $0xffff  }
0xcb: {  	v14 =	vld.idx.msk [tilespmem:v15+s26+$0x0], $0xffff  }
0xcc: {  	v16 =	vld.idx.msk [tilespmem:v16+s28+$0x0], $0xffff;
	_ =	sdelay $0x4  }
0xcd: {  	v14 =	vsub.f32 v13, v14  }
0xce: {  	vm0 =	veq.s32 v16, $0xFFFFFFFF  }
0xcf: {  	v16 =	vsel vm0, $0x0, v14  }
0xd0: {  	v17 =	vor.u32 v4, v11;
	v14 =	vmul.f32 v16, v16;
	v16 =	vmul.f32 $1.000000010e-01, v16;
	_ =	sdelay $0x1  }
0xd1: {  	v13 =	vsub.f32 v13, v16;
	_ =	sdelay $0x1  }
0xd2: {  	[tilespmem:v15+s30+$0x0] =	vst.idx.msk $0xffff, v13  }
0xd3: {  	v13 =	vld.idx.msk [tilespmem:v17+s29+$0x0], $0xffff  }
0xd4: {  	v15 =	vld.idx.msk [tilespmem:v17+s26+$0x0], $0xffff;
	_ =	sdelay $0x5  }
0xd5: {  	v15 =	vsub.f32 v13, v15;
	_ =	sdelay $0x1  }
0xd6: {  	v15 =	vsel vm0, $0x0, v15  }
0xd7: {  	v18 =	vor.u32 v5, v11;
	v16 =	vmul.f32 v15, v15;
	v15 =	vmul.f32 $1.000000010e-01, v15;
	_ =	sdelay $0x1  }
0xd8: {  	v13 =	vsub.f32 v13, v15;
	_ =	sdelay $0x1  }
0xd9: {  	[tilespmem:v17+s30+$0x0] =	vst.idx.msk $0xffff, v13  }
0xda: {  	v13 =	vld.idx.msk [tilespmem:v18+s29+$0x0], $0xffff  }
0xdb: {  	v15 =	vld.idx.msk [tilespmem:v18+s26+$0x0], $0xffff;
	_ =	sdelay $0x5  }
0xdc: {  	v15 =	vsub.f32 v13, v15;
	_ =	sdelay $0x1  }
0xdd: {  	v15 =	vsel vm0, $0x0, v15  }
0xde: {  	v17 =	vor.u32 v6, v11;
	v19 =	vmul.f32 v15, v15;
	v15 =	vmul.f32 $1.000000010e-01, v15;
	_ =	sdelay $0x1  }
0xdf: {  	v13 =	vsub.f32 v13, v15;
	_ =	sdelay $0x1  }
0xe0: {  	[tilespmem:v18+s30+$0x0] =	vst.idx.msk $0xffff, v13  }
0xe1: {  	v13 =	vld.idx.msk [tilespmem:v17+s29+$0x0], $0xffff  }
0xe2: {  	v15 =	vld.idx.msk [tilespmem:v17+s26+$0x0], $0xffff;
	_ =	sdelay $0x5  }
0xe3: {  	v15 =	vsub.f32 v13, v15;
	_ =	sdelay $0x1  }
0xe4: {  	v15 =	vsel vm0, $0x0, v15  }
0xe5: {  	v18 =	vor.u32 v7, v11;
	v20 =	vmul.f32 v15, v15;
	v15 =	vmul.f32 $1.000000010e-01, v15;
	_ =	sdelay $0x1  }
0xe6: {  	v13 =	vsub.f32 v13, v15;
	_ =	sdelay $0x1  }
0xe7: {  	[tilespmem:v17+s30+$0x0] =	vst.idx.msk $0xffff, v13  }
0xe8: {  	v15 =	vld.idx.msk [tilespmem:v18+s29+$0x0], $0xffff  }
0xe9: {  	v13 =	vld.idx.msk [tilespmem:v18+s26+$0x0], $0xffff;
	_ =	sdelay $0x5  }
0xea: {  	v13 =	vsub.f32 v15, v13;
	_ =	sdelay $0x1  }
0xeb: {  	v17 =	vsel vm0, $0x0, v13  }
0xec: {  	v21 =	vor.u32 v8, v11;
	v13 =	vmul.f32 v17, v17;
	v17 =	vmul.f32 $1.000000010e-01, v17;
	_ =	sdelay $0x1  }
0xed: {  	v15 =	vsub.f32 v15, v17;
	_ =	sdelay $0x1  }
0xee: {  	[tilespmem:v18+s30+$0x0] =	vst.idx.msk $0xffff, v15  }
0xef: {  	v17 =	vld.idx.msk [tilespmem:v21+s29+$0x0], $0xffff  }
0xf0: {  	v15 =	vld.idx.msk [tilespmem:v21+s26+$0x0], $0xffff;
	_ =	sdelay $0x5  }
0xf1: {  	v15 =	vsub.f32 v17, v15;
	_ =	sdelay $0x1  }
0xf2: {  	v18 =	vsel vm0, $0x0, v15  }
0xf3: {  	v22 =	vor.u32 v9, v11;
	v15 =	vmul.f32 v18, v18;
	v18 =	vmul.f32 $1.000000010e-01, v18;
	_ =	sdelay $0x1  }
0xf4: {  	v17 =	vsub.f32 v17, v18;
	_ =	sdelay $0x1  }
0xf5: {  	[tilespmem:v21+s30+$0x0] =	vst.idx.msk $0xffff, v17  }
0xf6: {  	v21 =	vld.idx.msk [tilespmem:v22+s29+$0x0], $0xffff  }
0xf7: {  	v17 =	vld.idx.msk [tilespmem:v22+s26+$0x0], $0xffff;
	_ =	sdelay $0x5  }
0xf8: {  	v17 =	vsub.f32 v21, v17;
	_ =	sdelay $0x1  }
0xf9: {  	v18 =	vsel vm0, $0x0, v17  }
0xfa: {  	v17 =	vmul.f32 v18, v18;
	v23 =	vmul.f32 $1.000000010e-01, v18;
	v18 =	vor.u32 v10, v11;
	_ =	sdelay $0x1  }
0xfb: {  	v11 =	vsub.f32 v21, v23  }
0xfc: {  	v12 =	vadd.f32 v14, v12  }
0xfd: {  	[tilespmem:v22+s30+$0x0] =	vst.idx.msk $0xffff, v11  }
.Ltmp4:
0xfe: {  	v11 =	vadd.f32 v16, v12;
	v14 =	vld.idx.msk [tilespmem:v18+s29+$0x0], $0xffff;
	(pc) =	sbr.rel @p1 .LBB2_6-.Ltmp4, $3  }
0xff: {  	v12 =	vld.idx.msk [tilespmem:v18+s26+$0x0], $0xffff  }
0x100: {  	v11 =	vadd.f32 v19, v11;
	_ =	sdelay $0x1  }
0x101: {  	v11 =	vadd.f32 v20, v11  }
0x102: {  	_ = 	snop  }
0x103: {  	v12 =	vsub.f32 v14, v12;
	_ =	sdelay $0x1  }
0x104: {  	v12 =	vsel vm0, $0x0, v12  }
0x105: {  	v16 =	vmul.f32 $1.000000010e-01, v12;
	_ =	sdelay $0x1  }
0x106: {  	v14 =	vsub.f32 v14, v16;
	_ =	sdelay $0x1  }
0x107: {  	[tilespmem:v18+s30+$0x0] =	vst.idx.msk $0xffff, v14;
	(ifvalue) =	ssetifvalue $0xFFFFFFFF  }
0x108: {  	s0 =	simm.s32 $0x10028;
	(ifvalue) =	ssetifvalue $0xFFFFFFFF  }
0x109: {  	[hbm4b:s3+s17] =	stream.indirect.scatter [tilespmem:s30], [sflag:$0x5], $0x80, s0, s17, $0x40b8;
	[tilespmem:$0x1F428] =	vst v63  }
0x10a: {  	_ =	swait.ge [sflag:s20], $0x4000  }
0x10b: {  	[sflag:s20] =	ssyncset.done $0x0  }
0x10c: {  	s19 =	simm.s32 $0x0;
	s5 =	rddreg [dreg:$0xa];
	[sflag:s20] =	ssyncadd.s32 $0xFFFFC000  }
0x10d: {  	[tilespmem:s26], [sflag:$0x5] =	stream.linear.gather [hbm4b:s5+s19], $0x4000, $0x38;
	[tilespmem:$0x1F428] =	vst v63  }
0x10e: {  	_ =	swait.ge [sflag:s20], $0x4000  }
0x10f: {  	v14 =	vmov s19;
	[sflag:s20] =	ssyncset.done $0x0  }
0x110: {  	v16 =	vshll.u32 v14, $0x7;
	[sflag:s20] =	ssyncadd.s32 $0xFFFFC000;
	(ifvalue) =	ssetifvalue $0xFFFFFFFF  }
0x111: {  	s23 =	simm.s32 $0xF8A8;
	v18 =	vor.u32 v1, v16;
	(ifvalue) =	ssetifvalue $0xFFFFFFFF  }
0x112: {  	[tilespmem:s29], [sflag:$0x5] =	stream.indirect.gather [hbm4b:s2+s17], $0x80, s23, s17, $0x40b8;
	[tilespmem:$0x1F428] =	vst v63  }
0x113: {  	v14 =	vor.u32 $0x80, v14;
	_ =	swait.ge [sflag:s20], $0x4000  }
0x114: {  	[sflag:s20] =	ssyncset.done $0x0  }
0x115: {  	[sflag:s20] =	ssyncadd.s32 $0xFFFFC000  }
0x116: {  	v19 =	vld.idx.msk [tilespmem:v18+s29+$0x0], $0xffff  }
0x117: {  	v20 =	vld.idx.msk [tilespmem:v18+s26+$0x0], $0xffff  }
0x118: {  	v14 =	vld.idx.msk [tilespmem:v14+s28+$0x0], $0xffff;
	_ =	sdelay $0x3  }
0x119: {  	v20 =	vsub.f32 v19, v20  }
0x11a: {  	vm0 =	veq.s32 v14, $0xFFFFFFFF  }
0x11b: {  	v14 =	vsel vm0, $0x0, v20  }
0x11c: {  	v21 =	vor.u32 v4, v16;
	v20 =	vmul.f32 $1.000000010e-01, v14;
	_ =	sdelay $0x1  }
0x11d: {  	v19 =	vsub.f32 v19, v20;
	_ =	sdelay $0x1  }
0x11e: {  	[tilespmem:v18+s30+$0x0] =	vst.idx.msk $0xffff, v19  }
0x11f: {  	v18 =	vld.idx.msk [tilespmem:v21+s29+$0x0], $0xffff  }
0x120: {  	v19 =	vld.idx.msk [tilespmem:v21+s26+$0x0], $0xffff;
	_ =	sdelay $0x4  }
0x121: {  	v19 =	vsub.f32 v18, v19;
	_ =	sdelay $0x1  }
0x122: {  	v19 =	vsel vm0, $0x0, v19  }
0x123: {  	v22 =	vor.u32 v5, v16;
	v20 =	vmul.f32 $1.000000010e-01, v19;
	_ =	sdelay $0x1  }
0x124: {  	v18 =	vsub.f32 v18, v20;
	_ =	sdelay $0x1  }
0x125: {  	[tilespmem:v21+s30+$0x0] =	vst.idx.msk $0xffff, v18  }
0x126: {  	v18 =	vld.idx.msk [tilespmem:v22+s29+$0x0], $0xffff  }
0x127: {  	v20 =	vld.idx.msk [tilespmem:v22+s26+$0x0], $0xffff;
	_ =	sdelay $0x4  }
0x128: {  	v20 =	vsub.f32 v18, v20;
	_ =	sdelay $0x1  }
0x129: {  	v20 =	vsel vm0, $0x0, v20  }
0x12a: {  	v23 =	vor.u32 v6, v16;
	v56 =	vmul.f32 $1.000000010e-01, v20;
	_ =	sdelay $0x1  }
0x12b: {  	v18 =	vsub.f32 v18, v56;
	_ =	sdelay $0x1  }
0x12c: {  	[tilespmem:v22+s30+$0x0] =	vst.idx.msk $0xffff, v18  }
0x12d: {  	v18 =	vld.idx.msk [tilespmem:v23+s29+$0x0], $0xffff  }
0x12e: {  	v57 =	vld.idx.msk [tilespmem:v23+s26+$0x0], $0xffff;
	_ =	sdelay $0x4  }
0x12f: {  	v21 =	vsub.f32 v18, v57;
	_ =	sdelay $0x1  }
0x130: {  	v21 =	vsel vm0, $0x0, v21  }
0x131: {  	v24 =	vor.u32 v7, v16;
	v58 =	vmul.f32 $1.000000010e-01, v21;
	_ =	sdelay $0x1  }
0x132: {  	v18 =	vsub.f32 v18, v58;
	_ =	sdelay $0x1  }
0x133: {  	[tilespmem:v23+s30+$0x0] =	vst.idx.msk $0xffff, v18  }
0x134: {  	v18 =	vld.idx.msk [tilespmem:v24+s29+$0x0], $0xffff  }
0x135: {  	v59 =	vld.idx.msk [tilespmem:v24+s26+$0x0], $0xffff;
	_ =	sdelay $0x4  }
0x136: {  	v22 =	vsub.f32 v18, v59;
	_ =	sdelay $0x1  }
0x137: {  	v22 =	vsel vm0, $0x0, v22  }
0x138: {  	v25 =	vor.u32 v8, v16;
	v60 =	vmul.f32 $1.000000010e-01, v22;
	_ =	sdelay $0x1  }
0x139: {  	v18 =	vsub.f32 v18, v60;
	_ =	sdelay $0x1  }
0x13a: {  	[tilespmem:v24+s30+$0x0] =	vst.idx.msk $0xffff, v18  }
0x13b: {  	v18 =	vld.idx.msk [tilespmem:v25+s29+$0x0], $0xffff  }
0x13c: {  	v61 =	vld.idx.msk [tilespmem:v25+s26+$0x0], $0xffff;
	_ =	sdelay $0x4  }
0x13d: {  	v23 =	vsub.f32 v18, v61;
	_ =	sdelay $0x1  }
0x13e: {  	v23 =	vsel vm0, $0x0, v23  }
0x13f: {  	v26 =	vor.u32 v9, v16;
	v62 =	vmul.f32 $1.000000010e-01, v23;
	_ =	sdelay $0x1  }
0x140: {  	v18 =	vsub.f32 v18, v62;
	_ =	sdelay $0x1  }
0x141: {  	[tilespmem:v25+s30+$0x0] =	vst.idx.msk $0xffff, v18  }
0x142: {  	v63 =	vld.idx.msk [tilespmem:v26+s29+$0x0], $0xffff  }
0x143: {  	v11 =	vadd.f32 v13, v11;
	v13 =	vld.idx.msk [tilespmem:v26+s26+$0x0], $0xffff;
	_ =	sdelay $0x2  }
0x144: {  	v11 =	vadd.f32 v15, v11;
	_ =	sdelay $0x1  }
0x145: {  	v12 =	vmul.f32 v12, v12;
	v11 =	vadd.f32 v17, v11;
	v13 =	vsub.f32 v63, v13;
	_ =	sdelay $0x1  }
0x146: {  	v11 =	vadd.f32 v12, v11;
	v17 =	vsel vm0, $0x0, v13  }
0x147: {  	v12 =	vmul.f32 v14, v14;
	v18 =	vor.u32 v10, v16;
	v13 =	vmul.f32 $1.000000010e-01, v17;
	_ =	sdelay $0x1  }
0x148: {  	v11 =	vadd.f32 v12, v11;
	v14 =	vmul.f32 v19, v19;
	v13 =	vsub.f32 v63, v13;
	_ =	sdelay $0x1  }
0x149: {  	v11 =	vadd.f32 v14, v11;
	v12 =	vmul.f32 v20, v20;
	[tilespmem:v26+s30+$0x0] =	vst.idx.msk $0xffff, v13  }
0x14a: {  	v14 =	vld.idx.msk [tilespmem:v18+s29+$0x0], $0xffff  }
0x14b: {  	v11 =	vadd.f32 v12, v11;
	v16 =	vmul.f32 v21, v21;
	v12 =	vld.idx.msk [tilespmem:v18+s26+$0x0], $0xffff  }
0x14c: {  	v15 =	vmul.f32 v23, v23  }
0x14d: {  	s16 =	simm.s32 $0x0;
	s0 =	simm.s32 $0x1;
	s23 =	simm.s32 $0x4;
	v11 =	vadd.f32 v16, v11;
	v17 =	vmul.f32 v17, v17;
	v13 =	vmul.f32 v22, v22  }
.LBB2_8:
0x14e: {  	p1 =	sne.s32 s0, $0x7F;
	s5 =	smov.u32 s0;
	s0 =	sadd.s32 $0x1, s0  }
0x14f: {  	v13 =	vadd.f32 v13, v11  }
0x150: {  	v11 =	vmov s5;
	v12 =	vsub.f32 v14, v12  }
0x151: {  	v16 =	vor.u32 $0x80, v11;
	v11 =	vshll.u32 v11, $0x7;
	v13 =	vadd.f32 v15, v13  }
0x152: {  	v15 =	vor.u32 v1, v11;
	v12 =	vsel vm0, $0x0, v12  }
0x153: {  	v19 =	vmul.f32 $1.000000010e-01, v12;
	v13 =	vadd.f32 v17, v13;
	v17 =	vmul.f32 v12, v12;
	_ =	sdelay $0x1  }
0x154: {  	v12 =	vadd.f32 v17, v13;
	v13 =	vsub.f32 v14, v19;
	_ =	sdelay $0x1  }
0x155: {  	[tilespmem:v18+s30+$0x0] =	vst.idx.msk $0xffff, v13  }
0x156: {  	v13 =	vld.idx.msk [tilespmem:v15+s29+$0x0], $0xffff  }
0x157: {  	v14 =	vld.idx.msk [tilespmem:v15+s26+$0x0], $0xffff  }
0x158: {  	v16 =	vld.idx.msk [tilespmem:v16+s28+$0x0], $0xffff;
	_ =	sdelay $0x4  }
0x159: {  	v14 =	vsub.f32 v13, v14  }
0x15a: {  	vm0 =	veq.s32 v16, $0xFFFFFFFF  }
0x15b: {  	v16 =	vsel vm0, $0x0, v14  }
0x15c: {  	v17 =	vor.u32 v4, v11;
	v14 =	vmul.f32 v16, v16;
	v16 =	vmul.f32 $1.000000010e-01, v16;
	_ =	sdelay $0x1  }
0x15d: {  	v13 =	vsub.f32 v13, v16;
	_ =	sdelay $0x1  }
0x15e: {  	[tilespmem:v15+s30+$0x0] =	vst.idx.msk $0xffff, v13  }
0x15f: {  	v13 =	vld.idx.msk [tilespmem:v17+s29+$0x0], $0xffff  }
0x160: {  	v15 =	vld.idx.msk [tilespmem:v17+s26+$0x0], $0xffff;
	_ =	sdelay $0x5  }
0x161: {  	v15 =	vsub.f32 v13, v15;
	_ =	sdelay $0x1  }
0x162: {  	v15 =	vsel vm0, $0x0, v15  }
0x163: {  	v18 =	vor.u32 v5, v11;
	v16 =	vmul.f32 v15, v15;
	v15 =	vmul.f32 $1.000000010e-01, v15;
	_ =	sdelay $0x1  }
0x164: {  	v13 =	vsub.f32 v13, v15;
	_ =	sdelay $0x1  }
0x165: {  	[tilespmem:v17+s30+$0x0] =	vst.idx.msk $0xffff, v13  }
0x166: {  	v13 =	vld.idx.msk [tilespmem:v18+s29+$0x0], $0xffff  }
0x167: {  	v15 =	vld.idx.msk [tilespmem:v18+s26+$0x0], $0xffff;
	_ =	sdelay $0x5  }
0x168: {  	v15 =	vsub.f32 v13, v15;
	_ =	sdelay $0x1  }
0x169: {  	v15 =	vsel vm0, $0x0, v15  }
0x16a: {  	v17 =	vor.u32 v6, v11;
	v19 =	vmul.f32 v15, v15;
	v15 =	vmul.f32 $1.000000010e-01, v15;
	_ =	sdelay $0x1  }
0x16b: {  	v13 =	vsub.f32 v13, v15;
	_ =	sdelay $0x1  }
0x16c: {  	[tilespmem:v18+s30+$0x0] =	vst.idx.msk $0xffff, v13  }
0x16d: {  	v13 =	vld.idx.msk [tilespmem:v17+s29+$0x0], $0xffff  }
0x16e: {  	v15 =	vld.idx.msk [tilespmem:v17+s26+$0x0], $0xffff;
	_ =	sdelay $0x5  }
0x16f: {  	v15 =	vsub.f32 v13, v15;
	_ =	sdelay $0x1  }
0x170: {  	v15 =	vsel vm0, $0x0, v15  }
0x171: {  	v18 =	vor.u32 v7, v11;
	v20 =	vmul.f32 v15, v15;
	v15 =	vmul.f32 $1.000000010e-01, v15;
	_ =	sdelay $0x1  }
0x172: {  	v13 =	vsub.f32 v13, v15;
	_ =	sdelay $0x1  }
0x173: {  	[tilespmem:v17+s30+$0x0] =	vst.idx.msk $0xffff, v13  }
0x174: {  	v15 =	vld.idx.msk [tilespmem:v18+s29+$0x0], $0xffff  }
0x175: {  	v13 =	vld.idx.msk [tilespmem:v18+s26+$0x0], $0xffff;
	_ =	sdelay $0x5  }
0x176: {  	v13 =	vsub.f32 v15, v13;
	_ =	sdelay $0x1  }
0x177: {  	v17 =	vsel vm0, $0x0, v13  }
0x178: {  	v21 =	vor.u32 v8, v11;
	v13 =	vmul.f32 v17, v17;
	v17 =	vmul.f32 $1.000000010e-01, v17;
	_ =	sdelay $0x1  }
0x179: {  	v15 =	vsub.f32 v15, v17;
	_ =	sdelay $0x1  }
0x17a: {  	[tilespmem:v18+s30+$0x0] =	vst.idx.msk $0xffff, v15  }
0x17b: {  	v17 =	vld.idx.msk [tilespmem:v21+s29+$0x0], $0xffff  }
0x17c: {  	v15 =	vld.idx.msk [tilespmem:v21+s26+$0x0], $0xffff;
	_ =	sdelay $0x5  }
0x17d: {  	v15 =	vsub.f32 v17, v15;
	_ =	sdelay $0x1  }
0x17e: {  	v18 =	vsel vm0, $0x0, v15  }
0x17f: {  	v22 =	vor.u32 v9, v11;
	v15 =	vmul.f32 v18, v18;
	v18 =	vmul.f32 $1.000000010e-01, v18;
	_ =	sdelay $0x1  }
0x180: {  	v17 =	vsub.f32 v17, v18;
	_ =	sdelay $0x1  }
0x181: {  	[tilespmem:v21+s30+$0x0] =	vst.idx.msk $0xffff, v17  }
0x182: {  	v21 =	vld.idx.msk [tilespmem:v22+s29+$0x0], $0xffff  }
0x183: {  	v17 =	vld.idx.msk [tilespmem:v22+s26+$0x0], $0xffff;
	_ =	sdelay $0x5  }
0x184: {  	v17 =	vsub.f32 v21, v17;
	_ =	sdelay $0x1  }
0x185: {  	v18 =	vsel vm0, $0x0, v17  }
0x186: {  	v17 =	vmul.f32 v18, v18;
	v23 =	vmul.f32 $1.000000010e-01, v18;
	v18 =	vor.u32 v10, v11;
	_ =	sdelay $0x1  }
0x187: {  	v11 =	vsub.f32 v21, v23  }
0x188: {  	v12 =	vadd.f32 v14, v12  }
0x189: {  	[tilespmem:v22+s30+$0x0] =	vst.idx.msk $0xffff, v11  }
.Ltmp5:
0x18a: {  	v11 =	vadd.f32 v16, v12;
	v14 =	vld.idx.msk [tilespmem:v18+s29+$0x0], $0xffff;
	(pc) =	sbr.rel @p1 .LBB2_8-.Ltmp5, $3  }
0x18b: {  	v12 =	vld.idx.msk [tilespmem:v18+s26+$0x0], $0xffff  }
0x18c: {  	v11 =	vadd.f32 v19, v11;
	_ =	sdelay $0x1  }
0x18d: {  	v11 =	vadd.f32 v20, v11  }
0x18e: {  	_ = 	snop  }
0x18f: {  	v12 =	vsub.f32 v14, v12;
	_ =	sdelay $0x1  }
0x190: {  	v12 =	vsel vm0, $0x0, v12  }
0x191: {  	v16 =	vmul.f32 $1.000000010e-01, v12;
	_ =	sdelay $0x1  }
0x192: {  	v14 =	vsub.f32 v14, v16;
	_ =	sdelay $0x1  }
0x193: {  	[tilespmem:v18+s30+$0x0] =	vst.idx.msk $0xffff, v14;
	(ifvalue) =	ssetifvalue $0xFFFFFFFF  }
0x194: {  	s0 =	simm.s32 $0x100A8;
	(ifvalue) =	ssetifvalue $0xFFFFFFFF  }
0x195: {  	[hbm4b:s3+s17] =	stream.indirect.scatter [tilespmem:s30], [sflag:$0x5], $0x80, s0, s17, $0x40b8;
	[tilespmem:$0x1F428] =	vst v63  }
0x196: {  	_ =	swait.ge [sflag:s20], $0x4000  }
0x197: {  	[sflag:s20] =	ssyncset.done $0x0  }
0x198: {  	s18 =	simm.s32 $0x0;
	s5 =	rddreg [dreg:$0xb];
	[sflag:s20] =	ssyncadd.s32 $0xFFFFC000  }
0x199: {  	[tilespmem:s26], [sflag:$0x5] =	stream.linear.gather [hbm4b:s5+s18], $0x4000, $0x38;
	[tilespmem:$0x1F428] =	vst v63  }
0x19a: {  	_ =	swait.ge [sflag:s20], $0x4000  }
0x19b: {  	v14 =	vmov s18;
	[sflag:s20] =	ssyncset.done $0x0  }
0x19c: {  	v16 =	vshll.u32 v14, $0x7;
	[sflag:s20] =	ssyncadd.s32 $0xFFFFC000;
	(ifvalue) =	ssetifvalue $0xFFFFFFFF  }
0x19d: {  	s19 =	simm.s32 $0xF928;
	v18 =	vor.u32 v1, v16;
	(ifvalue) =	ssetifvalue $0xFFFFFFFF  }
0x19e: {  	[tilespmem:s29], [sflag:$0x5] =	stream.indirect.gather [hbm4b:s2+s17], $0x80, s19, s17, $0x40b8;
	[tilespmem:$0x1F428] =	vst v63  }
0x19f: {  	v14 =	vor.u32 $0x100, v14;
	_ =	swait.ge [sflag:s20], $0x4000  }
0x1a0: {  	[sflag:s20] =	ssyncset.done $0x0  }
0x1a1: {  	[sflag:s20] =	ssyncadd.s32 $0xFFFFC000  }
0x1a2: {  	v19 =	vld.idx.msk [tilespmem:v18+s29+$0x0], $0xffff  }
0x1a3: {  	v20 =	vld.idx.msk [tilespmem:v18+s26+$0x0], $0xffff  }
0x1a4: {  	v14 =	vld.idx.msk [tilespmem:v14+s28+$0x0], $0xffff;
	_ =	sdelay $0x3  }
0x1a5: {  	v20 =	vsub.f32 v19, v20  }
0x1a6: {  	vm0 =	veq.s32 v14, $0xFFFFFFFF  }
0x1a7: {  	v14 =	vsel vm0, $0x0, v20  }
0x1a8: {  	v21 =	vor.u32 v4, v16;
	v20 =	vmul.f32 $1.000000010e-01, v14;
	_ =	sdelay $0x1  }
0x1a9: {  	v19 =	vsub.f32 v19, v20;
	_ =	sdelay $0x1  }
0x1aa: {  	[tilespmem:v18+s30+$0x0] =	vst.idx.msk $0xffff, v19  }
0x1ab: {  	v18 =	vld.idx.msk [tilespmem:v21+s29+$0x0], $0xffff  }
0x1ac: {  	v19 =	vld.idx.msk [tilespmem:v21+s26+$0x0], $0xffff;
	_ =	sdelay $0x4  }
0x1ad: {  	v19 =	vsub.f32 v18, v19;
	_ =	sdelay $0x1  }
0x1ae: {  	v19 =	vsel vm0, $0x0, v19  }
0x1af: {  	v22 =	vor.u32 v5, v16;
	v20 =	vmul.f32 $1.000000010e-01, v19;
	_ =	sdelay $0x1  }
0x1b0: {  	v18 =	vsub.f32 v18, v20;
	_ =	sdelay $0x1  }
0x1b1: {  	[tilespmem:v21+s30+$0x0] =	vst.idx.msk $0xffff, v18  }
0x1b2: {  	v18 =	vld.idx.msk [tilespmem:v22+s29+$0x0], $0xffff  }
0x1b3: {  	v20 =	vld.idx.msk [tilespmem:v22+s26+$0x0], $0xffff;
	_ =	sdelay $0x4  }
0x1b4: {  	v20 =	vsub.f32 v18, v20;
	_ =	sdelay $0x1  }
0x1b5: {  	v20 =	vsel vm0, $0x0, v20  }
0x1b6: {  	v23 =	vor.u32 v6, v16;
	v56 =	vmul.f32 $1.000000010e-01, v20;
	_ =	sdelay $0x1  }
0x1b7: {  	v18 =	vsub.f32 v18, v56;
	_ =	sdelay $0x1  }
0x1b8: {  	[tilespmem:v22+s30+$0x0] =	vst.idx.msk $0xffff, v18  }
0x1b9: {  	v18 =	vld.idx.msk [tilespmem:v23+s29+$0x0], $0xffff  }
0x1ba: {  	v57 =	vld.idx.msk [tilespmem:v23+s26+$0x0], $0xffff;
	_ =	sdelay $0x4  }
0x1bb: {  	v21 =	vsub.f32 v18, v57;
	_ =	sdelay $0x1  }
0x1bc: {  	v21 =	vsel vm0, $0x0, v21  }
0x1bd: {  	v24 =	vor.u32 v7, v16;
	v58 =	vmul.f32 $1.000000010e-01, v21;
	_ =	sdelay $0x1  }
0x1be: {  	v18 =	vsub.f32 v18, v58;
	_ =	sdelay $0x1  }
0x1bf: {  	[tilespmem:v23+s30+$0x0] =	vst.idx.msk $0xffff, v18  }
0x1c0: {  	v18 =	vld.idx.msk [tilespmem:v24+s29+$0x0], $0xffff  }
0x1c1: {  	v59 =	vld.idx.msk [tilespmem:v24+s26+$0x0], $0xffff;
	_ =	sdelay $0x4  }
0x1c2: {  	v22 =	vsub.f32 v18, v59;
	_ =	sdelay $0x1  }
0x1c3: {  	v22 =	vsel vm0, $0x0, v22  }
0x1c4: {  	v25 =	vor.u32 v8, v16;
	v60 =	vmul.f32 $1.000000010e-01, v22;
	_ =	sdelay $0x1  }
0x1c5: {  	v18 =	vsub.f32 v18, v60;
	_ =	sdelay $0x1  }
0x1c6: {  	[tilespmem:v24+s30+$0x0] =	vst.idx.msk $0xffff, v18  }
0x1c7: {  	v18 =	vld.idx.msk [tilespmem:v25+s29+$0x0], $0xffff  }
0x1c8: {  	v61 =	vld.idx.msk [tilespmem:v25+s26+$0x0], $0xffff;
	_ =	sdelay $0x4  }
0x1c9: {  	v23 =	vsub.f32 v18, v61;
	_ =	sdelay $0x1  }
0x1ca: {  	v23 =	vsel vm0, $0x0, v23  }
0x1cb: {  	v26 =	vor.u32 v9, v16;
	v62 =	vmul.f32 $1.000000010e-01, v23;
	_ =	sdelay $0x1  }
0x1cc: {  	v18 =	vsub.f32 v18, v62;
	_ =	sdelay $0x1  }
0x1cd: {  	[tilespmem:v25+s30+$0x0] =	vst.idx.msk $0xffff, v18  }
0x1ce: {  	v63 =	vld.idx.msk [tilespmem:v26+s29+$0x0], $0xffff  }
0x1cf: {  	v11 =	vadd.f32 v13, v11;
	v13 =	vld.idx.msk [tilespmem:v26+s26+$0x0], $0xffff;
	_ =	sdelay $0x2  }
0x1d0: {  	v11 =	vadd.f32 v15, v11;
	_ =	sdelay $0x1  }
0x1d1: {  	v12 =	vmul.f32 v12, v12;
	v11 =	vadd.f32 v17, v11;
	v13 =	vsub.f32 v63, v13;
	_ =	sdelay $0x1  }
0x1d2: {  	v11 =	vadd.f32 v12, v11;
	v17 =	vsel vm0, $0x0, v13  }
0x1d3: {  	v12 =	vmul.f32 v14, v14;
	v18 =	vor.u32 v10, v16;
	v13 =	vmul.f32 $1.000000010e-01, v17;
	_ =	sdelay $0x1  }
0x1d4: {  	v11 =	vadd.f32 v12, v11;
	v14 =	vmul.f32 v19, v19;
	v13 =	vsub.f32 v63, v13;
	_ =	sdelay $0x1  }
0x1d5: {  	v11 =	vadd.f32 v14, v11;
	v12 =	vmul.f32 v20, v20;
	[tilespmem:v26+s30+$0x0] =	vst.idx.msk $0xffff, v13  }
0x1d6: {  	v14 =	vld.idx.msk [tilespmem:v18+s29+$0x0], $0xffff  }
0x1d7: {  	v11 =	vadd.f32 v12, v11;
	v16 =	vmul.f32 v21, v21;
	v12 =	vld.idx.msk [tilespmem:v18+s26+$0x0], $0xffff  }
0x1d8: {  	v15 =	vmul.f32 v23, v23  }
0x1d9: {  	s0 =	simm.s32 $0x1;
	v11 =	vadd.f32 v16, v11;
	v17 =	vmul.f32 v17, v17;
	v13 =	vmul.f32 v22, v22  }
.LBB2_10:
0x1da: {  	p1 =	sne.s32 s0, $0x7F;
	s5 =	smov.u32 s0;
	s0 =	sadd.s32 $0x1, s0  }
0x1db: {  	v13 =	vadd.f32 v13, v11  }
0x1dc: {  	v11 =	vmov s5;
	v12 =	vsub.f32 v14, v12  }
0x1dd: {  	v16 =	vor.u32 $0x100, v11;
	v11 =	vshll.u32 v11, $0x7;
	v13 =	vadd.f32 v15, v13  }
0x1de: {  	v15 =	vor.u32 v1, v11;
	v12 =	vsel vm0, $0x0, v12  }
0x1df: {  	v19 =	vmul.f32 $1.000000010e-01, v12;
	v13 =	vadd.f32 v17, v13;
	v17 =	vmul.f32 v12, v12;
	_ =	sdelay $0x1  }
0x1e0: {  	v12 =	vadd.f32 v17, v13;
	v13 =	vsub.f32 v14, v19;
	_ =	sdelay $0x1  }
0x1e1: {  	[tilespmem:v18+s30+$0x0] =	vst.idx.msk $0xffff, v13  }
0x1e2: {  	v13 =	vld.idx.msk [tilespmem:v15+s29+$0x0], $0xffff  }
0x1e3: {  	v14 =	vld.idx.msk [tilespmem:v15+s26+$0x0], $0xffff  }
0x1e4: {  	v16 =	vld.idx.msk [tilespmem:v16+s28+$0x0], $0xffff;
	_ =	sdelay $0x4  }
0x1e5: {  	v14 =	vsub.f32 v13, v14  }
0x1e6: {  	vm0 =	veq.s32 v16, $0xFFFFFFFF  }
0x1e7: {  	v16 =	vsel vm0, $0x0, v14  }
0x1e8: {  	v17 =	vor.u32 v4, v11;
	v14 =	vmul.f32 v16, v16;
	v16 =	vmul.f32 $1.000000010e-01, v16;
	_ =	sdelay $0x1  }
0x1e9: {  	v13 =	vsub.f32 v13, v16;
	_ =	sdelay $0x1  }
0x1ea: {  	[tilespmem:v15+s30+$0x0] =	vst.idx.msk $0xffff, v13  }
0x1eb: {  	v13 =	vld.idx.msk [tilespmem:v17+s29+$0x0], $0xffff  }
0x1ec: {  	v15 =	vld.idx.msk [tilespmem:v17+s26+$0x0], $0xffff;
	_ =	sdelay $0x5  }
0x1ed: {  	v15 =	vsub.f32 v13, v15;
	_ =	sdelay $0x1  }
0x1ee: {  	v15 =	vsel vm0, $0x0, v15  }
0x1ef: {  	v18 =	vor.u32 v5, v11;
	v16 =	vmul.f32 v15, v15;
	v15 =	vmul.f32 $1.000000010e-01, v15;
	_ =	sdelay $0x1  }
0x1f0: {  	v13 =	vsub.f32 v13, v15;
	_ =	sdelay $0x1  }
0x1f1: {  	[tilespmem:v17+s30+$0x0] =	vst.idx.msk $0xffff, v13  }
0x1f2: {  	v13 =	vld.idx.msk [tilespmem:v18+s29+$0x0], $0xffff  }
0x1f3: {  	v15 =	vld.idx.msk [tilespmem:v18+s26+$0x0], $0xffff;
	_ =	sdelay $0x5  }
0x1f4: {  	v15 =	vsub.f32 v13, v15;
	_ =	sdelay $0x1  }
0x1f5: {  	v15 =	vsel vm0, $0x0, v15  }
0x1f6: {  	v17 =	vor.u32 v6, v11;
	v19 =	vmul.f32 v15, v15;
	v15 =	vmul.f32 $1.000000010e-01, v15;
	_ =	sdelay $0x1  }
0x1f7: {  	v13 =	vsub.f32 v13, v15;
	_ =	sdelay $0x1  }
0x1f8: {  	[tilespmem:v18+s30+$0x0] =	vst.idx.msk $0xffff, v13  }
0x1f9: {  	v13 =	vld.idx.msk [tilespmem:v17+s29+$0x0], $0xffff  }
0x1fa: {  	v15 =	vld.idx.msk [tilespmem:v17+s26+$0x0], $0xffff;
	_ =	sdelay $0x5  }
0x1fb: {  	v15 =	vsub.f32 v13, v15;
	_ =	sdelay $0x1  }
0x1fc: {  	v15 =	vsel vm0, $0x0, v15  }
0x1fd: {  	v18 =	vor.u32 v7, v11;
	v20 =	vmul.f32 v15, v15;
	v15 =	vmul.f32 $1.000000010e-01, v15;
	_ =	sdelay $0x1  }
0x1fe: {  	v13 =	vsub.f32 v13, v15;
	_ =	sdelay $0x1  }
0x1ff: {  	[tilespmem:v17+s30+$0x0] =	vst.idx.msk $0xffff, v13  }
0x200: {  	v15 =	vld.idx.msk [tilespmem:v18+s29+$0x0], $0xffff  }
0x201: {  	v13 =	vld.idx.msk [tilespmem:v18+s26+$0x0], $0xffff;
	_ =	sdelay $0x5  }
0x202: {  	v13 =	vsub.f32 v15, v13;
	_ =	sdelay $0x1  }
0x203: {  	v17 =	vsel vm0, $0x0, v13  }
0x204: {  	v21 =	vor.u32 v8, v11;
	v13 =	vmul.f32 v17, v17;
	v17 =	vmul.f32 $1.000000010e-01, v17;
	_ =	sdelay $0x1  }
0x205: {  	v15 =	vsub.f32 v15, v17;
	_ =	sdelay $0x1  }
0x206: {  	[tilespmem:v18+s30+$0x0] =	vst.idx.msk $0xffff, v15  }
0x207: {  	v17 =	vld.idx.msk [tilespmem:v21+s29+$0x0], $0xffff  }
0x208: {  	v15 =	vld.idx.msk [tilespmem:v21+s26+$0x0], $0xffff;
	_ =	sdelay $0x5  }
0x209: {  	v15 =	vsub.f32 v17, v15;
	_ =	sdelay $0x1  }
0x20a: {  	v18 =	vsel vm0, $0x0, v15  }
0x20b: {  	v22 =	vor.u32 v9, v11;
	v15 =	vmul.f32 v18, v18;
	v18 =	vmul.f32 $1.000000010e-01, v18;
	_ =	sdelay $0x1  }
0x20c: {  	v17 =	vsub.f32 v17, v18;
	_ =	sdelay $0x1  }
0x20d: {  	[tilespmem:v21+s30+$0x0] =	vst.idx.msk $0xffff, v17  }
0x20e: {  	v21 =	vld.idx.msk [tilespmem:v22+s29+$0x0], $0xffff  }
0x20f: {  	v17 =	vld.idx.msk [tilespmem:v22+s26+$0x0], $0xffff;
	_ =	sdelay $0x5  }
0x210: {  	v17 =	vsub.f32 v21, v17;
	_ =	sdelay $0x1  }
0x211: {  	v18 =	vsel vm0, $0x0, v17  }
0x212: {  	v17 =	vmul.f32 v18, v18;
	v23 =	vmul.f32 $1.000000010e-01, v18;
	v18 =	vor.u32 v10, v11;
	_ =	sdelay $0x1  }
0x213: {  	v11 =	vsub.f32 v21, v23  }
0x214: {  	v12 =	vadd.f32 v14, v12  }
0x215: {  	[tilespmem:v22+s30+$0x0] =	vst.idx.msk $0xffff, v11  }
.Ltmp6:
0x216: {  	v11 =	vadd.f32 v16, v12;
	v14 =	vld.idx.msk [tilespmem:v18+s29+$0x0], $0xffff;
	(pc) =	sbr.rel @p1 .LBB2_10-.Ltmp6, $3  }
0x217: {  	v12 =	vld.idx.msk [tilespmem:v18+s26+$0x0], $0xffff  }
0x218: {  	v11 =	vadd.f32 v19, v11;
	_ =	sdelay $0x1  }
0x219: {  	v11 =	vadd.f32 v20, v11  }
0x21a: {  	_ = 	snop  }
0x21b: {  	v12 =	vsub.f32 v14, v12;
	_ =	sdelay $0x1  }
0x21c: {  	v12 =	vsel vm0, $0x0, v12  }
0x21d: {  	v16 =	vmul.f32 $1.000000010e-01, v12;
	_ =	sdelay $0x1  }
0x21e: {  	v14 =	vsub.f32 v14, v16;
	_ =	sdelay $0x1  }
0x21f: {  	[tilespmem:v18+s30+$0x0] =	vst.idx.msk $0xffff, v14;
	(ifvalue) =	ssetifvalue $0xFFFFFFFF  }
0x220: {  	s0 =	simm.s32 $0x10128;
	(ifvalue) =	ssetifvalue $0xFFFFFFFF  }
0x221: {  	[hbm4b:s3+s17] =	stream.indirect.scatter [tilespmem:s30], [sflag:$0x5], $0x80, s0, s17, $0x40b8;
	[tilespmem:$0x1F428] =	vst v63  }
0x222: {  	_ =	swait.ge [sflag:s20], $0x4000  }
0x223: {  	[sflag:s20] =	ssyncset.done $0x0  }
0x224: {  	s18 =	simm.s32 $0x0;
	s5 =	rddreg [dreg:$0xc];
	[sflag:s20] =	ssyncadd.s32 $0xFFFFC000  }
0x225: {  	[tilespmem:s26], [sflag:$0x5] =	stream.linear.gather [hbm4b:s5+s18], $0x4000, $0x38;
	[tilespmem:$0x1F428] =	vst v63  }
0x226: {  	_ =	swait.ge [sflag:s20], $0x4000  }
0x227: {  	v14 =	vmov s18;
	[sflag:s20] =	ssyncset.done $0x0  }
0x228: {  	v16 =	vshll.u32 v14, $0x7;
	[sflag:s20] =	ssyncadd.s32 $0xFFFFC000;
	(ifvalue) =	ssetifvalue $0xFFFFFFFF  }
0x229: {  	s19 =	simm.s32 $0xF9A8;
	v18 =	vor.u32 v1, v16;
	(ifvalue) =	ssetifvalue $0xFFFFFFFF  }
0x22a: {  	[tilespmem:s29], [sflag:$0x5] =	stream.indirect.gather [hbm4b:s2+s17], $0x80, s19, s17, $0x40b8;
	[tilespmem:$0x1F428] =	vst v63  }
0x22b: {  	v14 =	vor.u32 $0x180, v14;
	_ =	swait.ge [sflag:s20], $0x4000  }
0x22c: {  	[sflag:s20] =	ssyncset.done $0x0  }
0x22d: {  	[sflag:s20] =	ssyncadd.s32 $0xFFFFC000  }
0x22e: {  	v19 =	vld.idx.msk [tilespmem:v18+s29+$0x0], $0xffff  }
0x22f: {  	v20 =	vld.idx.msk [tilespmem:v18+s26+$0x0], $0xffff  }
0x230: {  	v14 =	vld.idx.msk [tilespmem:v14+s28+$0x0], $0xffff;
	_ =	sdelay $0x3  }
0x231: {  	v20 =	vsub.f32 v19, v20  }
0x232: {  	vm0 =	veq.s32 v14, $0xFFFFFFFF  }
0x233: {  	v14 =	vsel vm0, $0x0, v20  }
0x234: {  	v21 =	vor.u32 v4, v16;
	v20 =	vmul.f32 $1.000000010e-01, v14;
	_ =	sdelay $0x1  }
0x235: {  	v19 =	vsub.f32 v19, v20;
	_ =	sdelay $0x1  }
0x236: {  	[tilespmem:v18+s30+$0x0] =	vst.idx.msk $0xffff, v19  }
0x237: {  	v18 =	vld.idx.msk [tilespmem:v21+s29+$0x0], $0xffff  }
0x238: {  	v19 =	vld.idx.msk [tilespmem:v21+s26+$0x0], $0xffff;
	_ =	sdelay $0x4  }
0x239: {  	v19 =	vsub.f32 v18, v19;
	_ =	sdelay $0x1  }
0x23a: {  	v19 =	vsel vm0, $0x0, v19  }
0x23b: {  	v22 =	vor.u32 v5, v16;
	v20 =	vmul.f32 $1.000000010e-01, v19;
	_ =	sdelay $0x1  }
0x23c: {  	v18 =	vsub.f32 v18, v20;
	_ =	sdelay $0x1  }
0x23d: {  	[tilespmem:v21+s30+$0x0] =	vst.idx.msk $0xffff, v18  }
0x23e: {  	v18 =	vld.idx.msk [tilespmem:v22+s29+$0x0], $0xffff  }
0x23f: {  	v20 =	vld.idx.msk [tilespmem:v22+s26+$0x0], $0xffff;
	_ =	sdelay $0x4  }
0x240: {  	v20 =	vsub.f32 v18, v20;
	_ =	sdelay $0x1  }
0x241: {  	v20 =	vsel vm0, $0x0, v20  }
0x242: {  	v23 =	vor.u32 v6, v16;
	v56 =	vmul.f32 $1.000000010e-01, v20;
	_ =	sdelay $0x1  }
0x243: {  	v18 =	vsub.f32 v18, v56;
	_ =	sdelay $0x1  }
0x244: {  	[tilespmem:v22+s30+$0x0] =	vst.idx.msk $0xffff, v18  }
0x245: {  	v18 =	vld.idx.msk [tilespmem:v23+s29+$0x0], $0xffff  }
0x246: {  	v57 =	vld.idx.msk [tilespmem:v23+s26+$0x0], $0xffff;
	_ =	sdelay $0x4  }
0x247: {  	v21 =	vsub.f32 v18, v57;
	_ =	sdelay $0x1  }
0x248: {  	v21 =	vsel vm0, $0x0, v21  }
0x249: {  	v24 =	vor.u32 v7, v16;
	v58 =	vmul.f32 $1.000000010e-01, v21;
	_ =	sdelay $0x1  }
0x24a: {  	v18 =	vsub.f32 v18, v58;
	_ =	sdelay $0x1  }
0x24b: {  	[tilespmem:v23+s30+$0x0] =	vst.idx.msk $0xffff, v18  }
0x24c: {  	v18 =	vld.idx.msk [tilespmem:v24+s29+$0x0], $0xffff  }
0x24d: {  	v59 =	vld.idx.msk [tilespmem:v24+s26+$0x0], $0xffff;
	_ =	sdelay $0x4  }
0x24e: {  	v22 =	vsub.f32 v18, v59;
	_ =	sdelay $0x1  }
0x24f: {  	v22 =	vsel vm0, $0x0, v22  }
0x250: {  	v25 =	vor.u32 v8, v16;
	v60 =	vmul.f32 $1.000000010e-01, v22;
	_ =	sdelay $0x1  }
0x251: {  	v18 =	vsub.f32 v18, v60;
	_ =	sdelay $0x1  }
0x252: {  	[tilespmem:v24+s30+$0x0] =	vst.idx.msk $0xffff, v18  }
0x253: {  	v18 =	vld.idx.msk [tilespmem:v25+s29+$0x0], $0xffff  }
0x254: {  	v61 =	vld.idx.msk [tilespmem:v25+s26+$0x0], $0xffff;
	_ =	sdelay $0x4  }
0x255: {  	v23 =	vsub.f32 v18, v61;
	_ =	sdelay $0x1  }
0x256: {  	v23 =	vsel vm0, $0x0, v23  }
0x257: {  	v26 =	vor.u32 v9, v16;
	v62 =	vmul.f32 $1.000000010e-01, v23;
	_ =	sdelay $0x1  }
0x258: {  	v18 =	vsub.f32 v18, v62;
	_ =	sdelay $0x1  }
0x259: {  	[tilespmem:v25+s30+$0x0] =	vst.idx.msk $0xffff, v18  }
0x25a: {  	v63 =	vld.idx.msk [tilespmem:v26+s29+$0x0], $0xffff  }
0x25b: {  	v11 =	vadd.f32 v13, v11;
	v13 =	vld.idx.msk [tilespmem:v26+s26+$0x0], $0xffff;
	_ =	sdelay $0x2  }
0x25c: {  	v11 =	vadd.f32 v15, v11;
	_ =	sdelay $0x1  }
0x25d: {  	v12 =	vmul.f32 v12, v12;
	v11 =	vadd.f32 v17, v11;
	v13 =	vsub.f32 v63, v13;
	_ =	sdelay $0x1  }
0x25e: {  	v11 =	vadd.f32 v12, v11;
	v17 =	vsel vm0, $0x0, v13  }
0x25f: {  	v12 =	vmul.f32 v14, v14;
	v18 =	vor.u32 v10, v16;
	v13 =	vmul.f32 $1.000000010e-01, v17;
	_ =	sdelay $0x1  }
0x260: {  	v11 =	vadd.f32 v12, v11;
	v14 =	vmul.f32 v19, v19;
	v13 =	vsub.f32 v63, v13;
	_ =	sdelay $0x1  }
0x261: {  	v11 =	vadd.f32 v14, v11;
	v12 =	vmul.f32 v20, v20;
	[tilespmem:v26+s30+$0x0] =	vst.idx.msk $0xffff, v13  }
0x262: {  	v14 =	vld.idx.msk [tilespmem:v18+s29+$0x0], $0xffff  }
0x263: {  	v11 =	vadd.f32 v12, v11;
	v16 =	vmul.f32 v21, v21;
	v12 =	vld.idx.msk [tilespmem:v18+s26+$0x0], $0xffff  }
0x264: {  	v15 =	vmul.f32 v23, v23  }
0x265: {  	s0 =	simm.s32 $0x1;
	v11 =	vadd.f32 v16, v11;
	v17 =	vmul.f32 v17, v17;
	v13 =	vmul.f32 v22, v22  }
.LBB2_12:
0x266: {  	p1 =	sne.s32 s0, $0x7F;
	s5 =	smov.u32 s0;
	s0 =	sadd.s32 $0x1, s0  }
0x267: {  	v13 =	vadd.f32 v13, v11  }
0x268: {  	v11 =	vmov s5;
	v12 =	vsub.f32 v14, v12  }
0x269: {  	v16 =	vor.u32 $0x180, v11;
	v11 =	vshll.u32 v11, $0x7;
	v13 =	vadd.f32 v15, v13  }
0x26a: {  	v15 =	vor.u32 v1, v11;
	v12 =	vsel vm0, $0x0, v12  }
0x26b: {  	v19 =	vmul.f32 $1.000000010e-01, v12;
	v13 =	vadd.f32 v17, v13;
	v17 =	vmul.f32 v12, v12;
	_ =	sdelay $0x1  }
0x26c: {  	v12 =	vadd.f32 v17, v13;
	v13 =	vsub.f32 v14, v19;
	_ =	sdelay $0x1  }
0x26d: {  	[tilespmem:v18+s30+$0x0] =	vst.idx.msk $0xffff, v13  }
0x26e: {  	v13 =	vld.idx.msk [tilespmem:v15+s29+$0x0], $0xffff  }
0x26f: {  	v14 =	vld.idx.msk [tilespmem:v15+s26+$0x0], $0xffff  }
0x270: {  	v16 =	vld.idx.msk [tilespmem:v16+s28+$0x0], $0xffff;
	_ =	sdelay $0x4  }
0x271: {  	v14 =	vsub.f32 v13, v14  }
0x272: {  	vm0 =	veq.s32 v16, $0xFFFFFFFF  }
0x273: {  	v16 =	vsel vm0, $0x0, v14  }
0x274: {  	v17 =	vor.u32 v4, v11;
	v14 =	vmul.f32 v16, v16;
	v16 =	vmul.f32 $1.000000010e-01, v16;
	_ =	sdelay $0x1  }
0x275: {  	v13 =	vsub.f32 v13, v16;
	_ =	sdelay $0x1  }
0x276: {  	[tilespmem:v15+s30+$0x0] =	vst.idx.msk $0xffff, v13  }
0x277: {  	v13 =	vld.idx.msk [tilespmem:v17+s29+$0x0], $0xffff  }
0x278: {  	v15 =	vld.idx.msk [tilespmem:v17+s26+$0x0], $0xffff;
	_ =	sdelay $0x5  }
0x279: {  	v15 =	vsub.f32 v13, v15;
	_ =	sdelay $0x1  }
0x27a: {  	v15 =	vsel vm0, $0x0, v15  }
0x27b: {  	v18 =	vor.u32 v5, v11;
	v16 =	vmul.f32 v15, v15;
	v15 =	vmul.f32 $1.000000010e-01, v15;
	_ =	sdelay $0x1  }
0x27c: {  	v13 =	vsub.f32 v13, v15;
	_ =	sdelay $0x1  }
0x27d: {  	[tilespmem:v17+s30+$0x0] =	vst.idx.msk $0xffff, v13  }
0x27e: {  	v13 =	vld.idx.msk [tilespmem:v18+s29+$0x0], $0xffff  }
0x27f: {  	v15 =	vld.idx.msk [tilespmem:v18+s26+$0x0], $0xffff;
	_ =	sdelay $0x5  }
0x280: {  	v15 =	vsub.f32 v13, v15;
	_ =	sdelay $0x1  }
0x281: {  	v15 =	vsel vm0, $0x0, v15  }
0x282: {  	v17 =	vor.u32 v6, v11;
	v19 =	vmul.f32 v15, v15;
	v15 =	vmul.f32 $1.000000010e-01, v15;
	_ =	sdelay $0x1  }
0x283: {  	v13 =	vsub.f32 v13, v15;
	_ =	sdelay $0x1  }
0x284: {  	[tilespmem:v18+s30+$0x0] =	vst.idx.msk $0xffff, v13  }
0x285: {  	v13 =	vld.idx.msk [tilespmem:v17+s29+$0x0], $0xffff  }
0x286: {  	v15 =	vld.idx.msk [tilespmem:v17+s26+$0x0], $0xffff;
	_ =	sdelay $0x5  }
0x287: {  	v15 =	vsub.f32 v13, v15;
	_ =	sdelay $0x1  }
0x288: {  	v15 =	vsel vm0, $0x0, v15  }
0x289: {  	v18 =	vor.u32 v7, v11;
	v20 =	vmul.f32 v15, v15;
	v15 =	vmul.f32 $1.000000010e-01, v15;
	_ =	sdelay $0x1  }
0x28a: {  	v13 =	vsub.f32 v13, v15;
	_ =	sdelay $0x1  }
0x28b: {  	[tilespmem:v17+s30+$0x0] =	vst.idx.msk $0xffff, v13  }
0x28c: {  	v15 =	vld.idx.msk [tilespmem:v18+s29+$0x0], $0xffff  }
0x28d: {  	v13 =	vld.idx.msk [tilespmem:v18+s26+$0x0], $0xffff;
	_ =	sdelay $0x5  }
0x28e: {  	v13 =	vsub.f32 v15, v13;
	_ =	sdelay $0x1  }
0x28f: {  	v17 =	vsel vm0, $0x0, v13  }
0x290: {  	v21 =	vor.u32 v8, v11;
	v13 =	vmul.f32 v17, v17;
	v17 =	vmul.f32 $1.000000010e-01, v17;
	_ =	sdelay $0x1  }
0x291: {  	v15 =	vsub.f32 v15, v17;
	_ =	sdelay $0x1  }
0x292: {  	[tilespmem:v18+s30+$0x0] =	vst.idx.msk $0xffff, v15  }
0x293: {  	v17 =	vld.idx.msk [tilespmem:v21+s29+$0x0], $0xffff  }
0x294: {  	v15 =	vld.idx.msk [tilespmem:v21+s26+$0x0], $0xffff;
	_ =	sdelay $0x5  }
0x295: {  	v15 =	vsub.f32 v17, v15;
	_ =	sdelay $0x1  }
0x296: {  	v18 =	vsel vm0, $0x0, v15  }
0x297: {  	v22 =	vor.u32 v9, v11;
	v15 =	vmul.f32 v18, v18;
	v18 =	vmul.f32 $1.000000010e-01, v18;
	_ =	sdelay $0x1  }
0x298: {  	v17 =	vsub.f32 v17, v18;
	_ =	sdelay $0x1  }
0x299: {  	[tilespmem:v21+s30+$0x0] =	vst.idx.msk $0xffff, v17  }
0x29a: {  	v21 =	vld.idx.msk [tilespmem:v22+s29+$0x0], $0xffff  }
0x29b: {  	v17 =	vld.idx.msk [tilespmem:v22+s26+$0x0], $0xffff;
	_ =	sdelay $0x5  }
0x29c: {  	v17 =	vsub.f32 v21, v17;
	_ =	sdelay $0x1  }
0x29d: {  	v18 =	vsel vm0, $0x0, v17  }
0x29e: {  	v17 =	vmul.f32 v18, v18;
	v23 =	vmul.f32 $1.000000010e-01, v18;
	v18 =	vor.u32 v10, v11;
	_ =	sdelay $0x1  }
0x29f: {  	v11 =	vsub.f32 v21, v23  }
0x2a0: {  	v12 =	vadd.f32 v14, v12  }
0x2a1: {  	[tilespmem:v22+s30+$0x0] =	vst.idx.msk $0xffff, v11  }
.Ltmp7:
0x2a2: {  	v11 =	vadd.f32 v16, v12;
	v14 =	vld.idx.msk [tilespmem:v18+s29+$0x0], $0xffff;
	(pc) =	sbr.rel @p1 .LBB2_12-.Ltmp7, $3  }
0x2a3: {  	v12 =	vld.idx.msk [tilespmem:v18+s26+$0x0], $0xffff  }
0x2a4: {  	v11 =	vadd.f32 v19, v11;
	_ =	sdelay $0x1  }
0x2a5: {  	v11 =	vadd.f32 v20, v11  }
0x2a6: {  	_ = 	snop  }
0x2a7: {  	v12 =	vsub.f32 v14, v12;
	_ =	sdelay $0x1  }
0x2a8: {  	v12 =	vsel vm0, $0x0, v12  }
0x2a9: {  	v16 =	vmul.f32 $1.000000010e-01, v12;
	_ =	sdelay $0x1  }
0x2aa: {  	v14 =	vsub.f32 v14, v16;
	_ =	sdelay $0x1  }
0x2ab: {  	[tilespmem:v18+s30+$0x0] =	vst.idx.msk $0xffff, v14;
	(ifvalue) =	ssetifvalue $0xFFFFFFFF  }
0x2ac: {  	s0 =	simm.s32 $0x101A8;
	(ifvalue) =	ssetifvalue $0xFFFFFFFF  }
0x2ad: {  	[hbm4b:s3+s17] =	stream.indirect.scatter [tilespmem:s30], [sflag:$0x5], $0x80, s0, s17, $0x40b8;
	[tilespmem:$0x1F428] =	vst v63  }
0x2ae: {  	_ =	swait.ge [sflag:s20], $0x4000  }
0x2af: {  	[sflag:s20] =	ssyncset.done $0x0  }
0x2b0: {  	s18 =	simm.s32 $0x0;
	s5 =	rddreg [dreg:$0xd];
	[sflag:s20] =	ssyncadd.s32 $0xFFFFC000  }
0x2b1: {  	[tilespmem:s26], [sflag:$0x5] =	stream.linear.gather [hbm4b:s5+s18], $0x4000, $0x38;
	[tilespmem:$0x1F428] =	vst v63  }
0x2b2: {  	_ =	swait.ge [sflag:s20], $0x4000  }
0x2b3: {  	v14 =	vmov s18;
	[sflag:s20] =	ssyncset.done $0x0  }
0x2b4: {  	v16 =	vshll.u32 v14, $0x7;
	[sflag:s20] =	ssyncadd.s32 $0xFFFFC000;
	(ifvalue) =	ssetifvalue $0xFFFFFFFF  }
0x2b5: {  	s19 =	simm.s32 $0xFA28;
	v18 =	vor.u32 v1, v16;
	(ifvalue) =	ssetifvalue $0xFFFFFFFF  }
0x2b6: {  	[tilespmem:s29], [sflag:$0x5] =	stream.indirect.gather [hbm4b:s2+s17], $0x80, s19, s17, $0x40b8;
	[tilespmem:$0x1F428] =	vst v63  }
0x2b7: {  	v14 =	vor.u32 $0x200, v14;
	_ =	swait.ge [sflag:s20], $0x4000  }
0x2b8: {  	[sflag:s20] =	ssyncset.done $0x0  }
0x2b9: {  	[sflag:s20] =	ssyncadd.s32 $0xFFFFC000  }
0x2ba: {  	v19 =	vld.idx.msk [tilespmem:v18+s29+$0x0], $0xffff  }
0x2bb: {  	v20 =	vld.idx.msk [tilespmem:v18+s26+$0x0], $0xffff  }
0x2bc: {  	v14 =	vld.idx.msk [tilespmem:v14+s28+$0x0], $0xffff;
	_ =	sdelay $0x3  }
0x2bd: {  	v20 =	vsub.f32 v19, v20  }
0x2be: {  	vm0 =	veq.s32 v14, $0xFFFFFFFF  }
0x2bf: {  	v14 =	vsel vm0, $0x0, v20  }
0x2c0: {  	v21 =	vor.u32 v4, v16;
	v20 =	vmul.f32 $1.000000010e-01, v14;
	_ =	sdelay $0x1  }
0x2c1: {  	v19 =	vsub.f32 v19, v20;
	_ =	sdelay $0x1  }
0x2c2: {  	[tilespmem:v18+s30+$0x0] =	vst.idx.msk $0xffff, v19  }
0x2c3: {  	v18 =	vld.idx.msk [tilespmem:v21+s29+$0x0], $0xffff  }
0x2c4: {  	v19 =	vld.idx.msk [tilespmem:v21+s26+$0x0], $0xffff;
	_ =	sdelay $0x4  }
0x2c5: {  	v19 =	vsub.f32 v18, v19;
	_ =	sdelay $0x1  }
0x2c6: {  	v19 =	vsel vm0, $0x0, v19  }
0x2c7: {  	v22 =	vor.u32 v5, v16;
	v20 =	vmul.f32 $1.000000010e-01, v19;
	_ =	sdelay $0x1  }
0x2c8: {  	v18 =	vsub.f32 v18, v20;
	_ =	sdelay $0x1  }
0x2c9: {  	[tilespmem:v21+s30+$0x0] =	vst.idx.msk $0xffff, v18  }
0x2ca: {  	v18 =	vld.idx.msk [tilespmem:v22+s29+$0x0], $0xffff  }
0x2cb: {  	v20 =	vld.idx.msk [tilespmem:v22+s26+$0x0], $0xffff;
	_ =	sdelay $0x4  }
0x2cc: {  	v20 =	vsub.f32 v18, v20;
	_ =	sdelay $0x1  }
0x2cd: {  	v20 =	vsel vm0, $0x0, v20  }
0x2ce: {  	v23 =	vor.u32 v6, v16;
	v56 =	vmul.f32 $1.000000010e-01, v20;
	_ =	sdelay $0x1  }
0x2cf: {  	v18 =	vsub.f32 v18, v56;
	_ =	sdelay $0x1  }
0x2d0: {  	[tilespmem:v22+s30+$0x0] =	vst.idx.msk $0xffff, v18  }
0x2d1: {  	v18 =	vld.idx.msk [tilespmem:v23+s29+$0x0], $0xffff  }
0x2d2: {  	v57 =	vld.idx.msk [tilespmem:v23+s26+$0x0], $0xffff;
	_ =	sdelay $0x4  }
0x2d3: {  	v21 =	vsub.f32 v18, v57;
	_ =	sdelay $0x1  }
0x2d4: {  	v21 =	vsel vm0, $0x0, v21  }
0x2d5: {  	v24 =	vor.u32 v7, v16;
	v58 =	vmul.f32 $1.000000010e-01, v21;
	_ =	sdelay $0x1  }
0x2d6: {  	v18 =	vsub.f32 v18, v58;
	_ =	sdelay $0x1  }
0x2d7: {  	[tilespmem:v23+s30+$0x0] =	vst.idx.msk $0xffff, v18  }
0x2d8: {  	v18 =	vld.idx.msk [tilespmem:v24+s29+$0x0], $0xffff  }
0x2d9: {  	v59 =	vld.idx.msk [tilespmem:v24+s26+$0x0], $0xffff;
	_ =	sdelay $0x4  }
0x2da: {  	v22 =	vsub.f32 v18, v59;
	_ =	sdelay $0x1  }
0x2db: {  	v22 =	vsel vm0, $0x0, v22  }
0x2dc: {  	v25 =	vor.u32 v8, v16;
	v60 =	vmul.f32 $1.000000010e-01, v22;
	_ =	sdelay $0x1  }
0x2dd: {  	v18 =	vsub.f32 v18, v60;
	_ =	sdelay $0x1  }
0x2de: {  	[tilespmem:v24+s30+$0x0] =	vst.idx.msk $0xffff, v18  }
0x2df: {  	v18 =	vld.idx.msk [tilespmem:v25+s29+$0x0], $0xffff  }
0x2e0: {  	v61 =	vld.idx.msk [tilespmem:v25+s26+$0x0], $0xffff;
	_ =	sdelay $0x4  }
0x2e1: {  	v23 =	vsub.f32 v18, v61;
	_ =	sdelay $0x1  }
0x2e2: {  	v23 =	vsel vm0, $0x0, v23  }
0x2e3: {  	v26 =	vor.u32 v9, v16;
	v62 =	vmul.f32 $1.000000010e-01, v23;
	_ =	sdelay $0x1  }
0x2e4: {  	v18 =	vsub.f32 v18, v62;
	_ =	sdelay $0x1  }
0x2e5: {  	[tilespmem:v25+s30+$0x0] =	vst.idx.msk $0xffff, v18  }
0x2e6: {  	v63 =	vld.idx.msk [tilespmem:v26+s29+$0x0], $0xffff  }
0x2e7: {  	v11 =	vadd.f32 v13, v11;
	v13 =	vld.idx.msk [tilespmem:v26+s26+$0x0], $0xffff;
	_ =	sdelay $0x2  }
0x2e8: {  	v11 =	vadd.f32 v15, v11;
	_ =	sdelay $0x1  }
0x2e9: {  	v12 =	vmul.f32 v12, v12;
	v11 =	vadd.f32 v17, v11;
	v13 =	vsub.f32 v63, v13;
	_ =	sdelay $0x1  }
0x2ea: {  	v11 =	vadd.f32 v12, v11;
	v17 =	vsel vm0, $0x0, v13  }
0x2eb: {  	v12 =	vmul.f32 v14, v14;
	v18 =	vor.u32 v10, v16;
	v13 =	vmul.f32 $1.000000010e-01, v17;
	_ =	sdelay $0x1  }
0x2ec: {  	v11 =	vadd.f32 v12, v11;
	v14 =	vmul.f32 v19, v19;
	v13 =	vsub.f32 v63, v13;
	_ =	sdelay $0x1  }
0x2ed: {  	v11 =	vadd.f32 v14, v11;
	v12 =	vmul.f32 v20, v20;
	[tilespmem:v26+s30+$0x0] =	vst.idx.msk $0xffff, v13  }
0x2ee: {  	v14 =	vld.idx.msk [tilespmem:v18+s29+$0x0], $0xffff  }
0x2ef: {  	v11 =	vadd.f32 v12, v11;
	v16 =	vmul.f32 v21, v21;
	v12 =	vld.idx.msk [tilespmem:v18+s26+$0x0], $0xffff  }
0x2f0: {  	v15 =	vmul.f32 v23, v23  }
0x2f1: {  	s0 =	simm.s32 $0x1;
	v11 =	vadd.f32 v16, v11;
	v17 =	vmul.f32 v17, v17;
	v13 =	vmul.f32 v22, v22  }
.LBB2_14:
0x2f2: {  	p1 =	sne.s32 s0, $0x7F;
	s5 =	smov.u32 s0;
	s0 =	sadd.s32 $0x1, s0  }
0x2f3: {  	v13 =	vadd.f32 v13, v11  }
0x2f4: {  	v11 =	vmov s5;
	v12 =	vsub.f32 v14, v12  }
0x2f5: {  	v16 =	vor.u32 $0x200, v11;
	v11 =	vshll.u32 v11, $0x7;
	v13 =	vadd.f32 v15, v13  }
0x2f6: {  	v15 =	vor.u32 v1, v11;
	v12 =	vsel vm0, $0x0, v12  }
0x2f7: {  	v19 =	vmul.f32 $1.000000010e-01, v12;
	v13 =	vadd.f32 v17, v13;
	v17 =	vmul.f32 v12, v12;
	_ =	sdelay $0x1  }
0x2f8: {  	v12 =	vadd.f32 v17, v13;
	v13 =	vsub.f32 v14, v19;
	_ =	sdelay $0x1  }
0x2f9: {  	[tilespmem:v18+s30+$0x0] =	vst.idx.msk $0xffff, v13  }
0x2fa: {  	v13 =	vld.idx.msk [tilespmem:v15+s29+$0x0], $0xffff  }
0x2fb: {  	v14 =	vld.idx.msk [tilespmem:v15+s26+$0x0], $0xffff  }
0x2fc: {  	v16 =	vld.idx.msk [tilespmem:v16+s28+$0x0], $0xffff;
	_ =	sdelay $0x4  }
0x2fd: {  	v14 =	vsub.f32 v13, v14  }
0x2fe: {  	vm0 =	veq.s32 v16, $0xFFFFFFFF  }
0x2ff: {  	v16 =	vsel vm0, $0x0, v14  }
0x300: {  	v17 =	vor.u32 v4, v11;
	v14 =	vmul.f32 v16, v16;
	v16 =	vmul.f32 $1.000000010e-01, v16;
	_ =	sdelay $0x1  }
0x301: {  	v13 =	vsub.f32 v13, v16;
	_ =	sdelay $0x1  }
0x302: {  	[tilespmem:v15+s30+$0x0] =	vst.idx.msk $0xffff, v13  }
0x303: {  	v13 =	vld.idx.msk [tilespmem:v17+s29+$0x0], $0xffff  }
0x304: {  	v15 =	vld.idx.msk [tilespmem:v17+s26+$0x0], $0xffff;
	_ =	sdelay $0x5  }
0x305: {  	v15 =	vsub.f32 v13, v15;
	_ =	sdelay $0x1  }
0x306: {  	v15 =	vsel vm0, $0x0, v15  }
0x307: {  	v18 =	vor.u32 v5, v11;
	v16 =	vmul.f32 v15, v15;
	v15 =	vmul.f32 $1.000000010e-01, v15;
	_ =	sdelay $0x1  }
0x308: {  	v13 =	vsub.f32 v13, v15;
	_ =	sdelay $0x1  }
0x309: {  	[tilespmem:v17+s30+$0x0] =	vst.idx.msk $0xffff, v13  }
0x30a: {  	v13 =	vld.idx.msk [tilespmem:v18+s29+$0x0], $0xffff  }
0x30b: {  	v15 =	vld.idx.msk [tilespmem:v18+s26+$0x0], $0xffff;
	_ =	sdelay $0x5  }
0x30c: {  	v15 =	vsub.f32 v13, v15;
	_ =	sdelay $0x1  }
0x30d: {  	v15 =	vsel vm0, $0x0, v15  }
0x30e: {  	v17 =	vor.u32 v6, v11;
	v19 =	vmul.f32 v15, v15;
	v15 =	vmul.f32 $1.000000010e-01, v15;
	_ =	sdelay $0x1  }
0x30f: {  	v13 =	vsub.f32 v13, v15;
	_ =	sdelay $0x1  }
0x310: {  	[tilespmem:v18+s30+$0x0] =	vst.idx.msk $0xffff, v13  }
0x311: {  	v13 =	vld.idx.msk [tilespmem:v17+s29+$0x0], $0xffff  }
0x312: {  	v15 =	vld.idx.msk [tilespmem:v17+s26+$0x0], $0xffff;
	_ =	sdelay $0x5  }
0x313: {  	v15 =	vsub.f32 v13, v15;
	_ =	sdelay $0x1  }
0x314: {  	v15 =	vsel vm0, $0x0, v15  }
0x315: {  	v18 =	vor.u32 v7, v11;
	v20 =	vmul.f32 v15, v15;
	v15 =	vmul.f32 $1.000000010e-01, v15;
	_ =	sdelay $0x1  }
0x316: {  	v13 =	vsub.f32 v13, v15;
	_ =	sdelay $0x1  }
0x317: {  	[tilespmem:v17+s30+$0x0] =	vst.idx.msk $0xffff, v13  }
0x318: {  	v15 =	vld.idx.msk [tilespmem:v18+s29+$0x0], $0xffff  }
0x319: {  	v13 =	vld.idx.msk [tilespmem:v18+s26+$0x0], $0xffff;
	_ =	sdelay $0x5  }
0x31a: {  	v13 =	vsub.f32 v15, v13;
	_ =	sdelay $0x1  }
0x31b: {  	v17 =	vsel vm0, $0x0, v13  }
0x31c: {  	v21 =	vor.u32 v8, v11;
	v13 =	vmul.f32 v17, v17;
	v17 =	vmul.f32 $1.000000010e-01, v17;
	_ =	sdelay $0x1  }
0x31d: {  	v15 =	vsub.f32 v15, v17;
	_ =	sdelay $0x1  }
0x31e: {  	[tilespmem:v18+s30+$0x0] =	vst.idx.msk $0xffff, v15  }
0x31f: {  	v17 =	vld.idx.msk [tilespmem:v21+s29+$0x0], $0xffff  }
0x320: {  	v15 =	vld.idx.msk [tilespmem:v21+s26+$0x0], $0xffff;
	_ =	sdelay $0x5  }
0x321: {  	v15 =	vsub.f32 v17, v15;
	_ =	sdelay $0x1  }
0x322: {  	v18 =	vsel vm0, $0x0, v15  }
0x323: {  	v22 =	vor.u32 v9, v11;
	v15 =	vmul.f32 v18, v18;
	v18 =	vmul.f32 $1.000000010e-01, v18;
	_ =	sdelay $0x1  }
0x324: {  	v17 =	vsub.f32 v17, v18;
	_ =	sdelay $0x1  }
0x325: {  	[tilespmem:v21+s30+$0x0] =	vst.idx.msk $0xffff, v17  }
0x326: {  	v21 =	vld.idx.msk [tilespmem:v22+s29+$0x0], $0xffff  }
0x327: {  	v17 =	vld.idx.msk [tilespmem:v22+s26+$0x0], $0xffff;
	_ =	sdelay $0x5  }
0x328: {  	v17 =	vsub.f32 v21, v17;
	_ =	sdelay $0x1  }
0x329: {  	v18 =	vsel vm0, $0x0, v17  }
0x32a: {  	v17 =	vmul.f32 v18, v18;
	v23 =	vmul.f32 $1.000000010e-01, v18;
	v18 =	vor.u32 v10, v11;
	_ =	sdelay $0x1  }
0x32b: {  	v11 =	vsub.f32 v21, v23  }
0x32c: {  	v12 =	vadd.f32 v14, v12  }
0x32d: {  	[tilespmem:v22+s30+$0x0] =	vst.idx.msk $0xffff, v11  }
.Ltmp8:
0x32e: {  	v11 =	vadd.f32 v16, v12;
	v14 =	vld.idx.msk [tilespmem:v18+s29+$0x0], $0xffff;
	(pc) =	sbr.rel @p1 .LBB2_14-.Ltmp8, $3  }
0x32f: {  	v12 =	vld.idx.msk [tilespmem:v18+s26+$0x0], $0xffff  }
0x330: {  	v11 =	vadd.f32 v19, v11;
	_ =	sdelay $0x1  }
0x331: {  	v11 =	vadd.f32 v20, v11  }
0x332: {  	_ = 	snop  }
0x333: {  	v12 =	vsub.f32 v14, v12;
	_ =	sdelay $0x1  }
0x334: {  	v12 =	vsel vm0, $0x0, v12  }
0x335: {  	v16 =	vmul.f32 $1.000000010e-01, v12;
	_ =	sdelay $0x1  }
0x336: {  	v14 =	vsub.f32 v14, v16;
	_ =	sdelay $0x1  }
0x337: {  	[tilespmem:v18+s30+$0x0] =	vst.idx.msk $0xffff, v14;
	(ifvalue) =	ssetifvalue $0xFFFFFFFF  }
0x338: {  	s0 =	simm.s32 $0x10228;
	(ifvalue) =	ssetifvalue $0xFFFFFFFF  }
0x339: {  	[hbm4b:s3+s17] =	stream.indirect.scatter [tilespmem:s30], [sflag:$0x5], $0x80, s0, s17, $0x40b8;
	[tilespmem:$0x1F428] =	vst v63  }
0x33a: {  	_ =	swait.ge [sflag:s20], $0x4000  }
0x33b: {  	[sflag:s20] =	ssyncset.done $0x0  }
0x33c: {  	s18 =	simm.s32 $0x0;
	s5 =	rddreg [dreg:$0xe];
	[sflag:s20] =	ssyncadd.s32 $0xFFFFC000  }
0x33d: {  	[tilespmem:s26], [sflag:$0x5] =	stream.linear.gather [hbm4b:s5+s18], $0x4000, $0x38;
	[tilespmem:$0x1F428] =	vst v63  }
0x33e: {  	_ =	swait.ge [sflag:s20], $0x4000  }
0x33f: {  	v14 =	vmov s18;
	[sflag:s20] =	ssyncset.done $0x0  }
0x340: {  	v16 =	vshll.u32 v14, $0x7;
	[sflag:s20] =	ssyncadd.s32 $0xFFFFC000;
	(ifvalue) =	ssetifvalue $0xFFFFFFFF  }
0x341: {  	s19 =	simm.s32 $0xFAA8;
	v18 =	vor.u32 v1, v16;
	(ifvalue) =	ssetifvalue $0xFFFFFFFF  }
0x342: {  	[tilespmem:s29], [sflag:$0x5] =	stream.indirect.gather [hbm4b:s2+s17], $0x80, s19, s17, $0x40b8;
	[tilespmem:$0x1F428] =	vst v63  }
0x343: {  	v14 =	vor.u32 $0x280, v14;
	_ =	swait.ge [sflag:s20], $0x4000  }
0x344: {  	[sflag:s20] =	ssyncset.done $0x0  }
0x345: {  	[sflag:s20] =	ssyncadd.s32 $0xFFFFC000  }
0x346: {  	v19 =	vld.idx.msk [tilespmem:v18+s29+$0x0], $0xffff  }
0x347: {  	v20 =	vld.idx.msk [tilespmem:v18+s26+$0x0], $0xffff  }
0x348: {  	v14 =	vld.idx.msk [tilespmem:v14+s28+$0x0], $0xffff;
	_ =	sdelay $0x3  }
0x349: {  	v20 =	vsub.f32 v19, v20  }
0x34a: {  	vm0 =	veq.s32 v14, $0xFFFFFFFF  }
0x34b: {  	v14 =	vsel vm0, $0x0, v20  }
0x34c: {  	v21 =	vor.u32 v4, v16;
	v20 =	vmul.f32 $1.000000010e-01, v14;
	_ =	sdelay $0x1  }
0x34d: {  	v19 =	vsub.f32 v19, v20;
	_ =	sdelay $0x1  }
0x34e: {  	[tilespmem:v18+s30+$0x0] =	vst.idx.msk $0xffff, v19  }
0x34f: {  	v18 =	vld.idx.msk [tilespmem:v21+s29+$0x0], $0xffff  }
0x350: {  	v19 =	vld.idx.msk [tilespmem:v21+s26+$0x0], $0xffff;
	_ =	sdelay $0x4  }
0x351: {  	v19 =	vsub.f32 v18, v19;
	_ =	sdelay $0x1  }
0x352: {  	v19 =	vsel vm0, $0x0, v19  }
0x353: {  	v22 =	vor.u32 v5, v16;
	v20 =	vmul.f32 $1.000000010e-01, v19;
	_ =	sdelay $0x1  }
0x354: {  	v18 =	vsub.f32 v18, v20;
	_ =	sdelay $0x1  }
0x355: {  	[tilespmem:v21+s30+$0x0] =	vst.idx.msk $0xffff, v18  }
0x356: {  	v18 =	vld.idx.msk [tilespmem:v22+s29+$0x0], $0xffff  }
0x357: {  	v20 =	vld.idx.msk [tilespmem:v22+s26+$0x0], $0xffff;
	_ =	sdelay $0x4  }
0x358: {  	v20 =	vsub.f32 v18, v20;
	_ =	sdelay $0x1  }
0x359: {  	v20 =	vsel vm0, $0x0, v20  }
0x35a: {  	v23 =	vor.u32 v6, v16;
	v56 =	vmul.f32 $1.000000010e-01, v20;
	_ =	sdelay $0x1  }
0x35b: {  	v18 =	vsub.f32 v18, v56;
	_ =	sdelay $0x1  }
0x35c: {  	[tilespmem:v22+s30+$0x0] =	vst.idx.msk $0xffff, v18  }
0x35d: {  	v18 =	vld.idx.msk [tilespmem:v23+s29+$0x0], $0xffff  }
0x35e: {  	v57 =	vld.idx.msk [tilespmem:v23+s26+$0x0], $0xffff;
	_ =	sdelay $0x4  }
0x35f: {  	v21 =	vsub.f32 v18, v57;
	_ =	sdelay $0x1  }
0x360: {  	v21 =	vsel vm0, $0x0, v21  }
0x361: {  	v24 =	vor.u32 v7, v16;
	v58 =	vmul.f32 $1.000000010e-01, v21;
	_ =	sdelay $0x1  }
0x362: {  	v18 =	vsub.f32 v18, v58;
	_ =	sdelay $0x1  }
0x363: {  	[tilespmem:v23+s30+$0x0] =	vst.idx.msk $0xffff, v18  }
0x364: {  	v18 =	vld.idx.msk [tilespmem:v24+s29+$0x0], $0xffff  }
0x365: {  	v59 =	vld.idx.msk [tilespmem:v24+s26+$0x0], $0xffff;
	_ =	sdelay $0x4  }
0x366: {  	v22 =	vsub.f32 v18, v59;
	_ =	sdelay $0x1  }
0x367: {  	v22 =	vsel vm0, $0x0, v22  }
0x368: {  	v25 =	vor.u32 v8, v16;
	v60 =	vmul.f32 $1.000000010e-01, v22;
	_ =	sdelay $0x1  }
0x369: {  	v18 =	vsub.f32 v18, v60;
	_ =	sdelay $0x1  }
0x36a: {  	[tilespmem:v24+s30+$0x0] =	vst.idx.msk $0xffff, v18  }
0x36b: {  	v18 =	vld.idx.msk [tilespmem:v25+s29+$0x0], $0xffff  }
0x36c: {  	v61 =	vld.idx.msk [tilespmem:v25+s26+$0x0], $0xffff;
	_ =	sdelay $0x4  }
0x36d: {  	v23 =	vsub.f32 v18, v61;
	_ =	sdelay $0x1  }
0x36e: {  	v23 =	vsel vm0, $0x0, v23  }
0x36f: {  	v26 =	vor.u32 v9, v16;
	v62 =	vmul.f32 $1.000000010e-01, v23;
	_ =	sdelay $0x1  }
0x370: {  	v18 =	vsub.f32 v18, v62;
	_ =	sdelay $0x1  }
0x371: {  	[tilespmem:v25+s30+$0x0] =	vst.idx.msk $0xffff, v18  }
0x372: {  	v63 =	vld.idx.msk [tilespmem:v26+s29+$0x0], $0xffff  }
0x373: {  	v11 =	vadd.f32 v13, v11;
	v13 =	vld.idx.msk [tilespmem:v26+s26+$0x0], $0xffff;
	_ =	sdelay $0x2  }
0x374: {  	v11 =	vadd.f32 v15, v11;
	_ =	sdelay $0x1  }
0x375: {  	v12 =	vmul.f32 v12, v12;
	v11 =	vadd.f32 v17, v11;
	v13 =	vsub.f32 v63, v13;
	_ =	sdelay $0x1  }
0x376: {  	v11 =	vadd.f32 v12, v11;
	v17 =	vsel vm0, $0x0, v13  }
0x377: {  	v12 =	vmul.f32 v14, v14;
	v18 =	vor.u32 v10, v16;
	v13 =	vmul.f32 $1.000000010e-01, v17;
	_ =	sdelay $0x1  }
0x378: {  	v11 =	vadd.f32 v12, v11;
	v14 =	vmul.f32 v19, v19;
	v13 =	vsub.f32 v63, v13;
	_ =	sdelay $0x1  }
0x379: {  	v11 =	vadd.f32 v14, v11;
	v12 =	vmul.f32 v20, v20;
	[tilespmem:v26+s30+$0x0] =	vst.idx.msk $0xffff, v13  }
0x37a: {  	v14 =	vld.idx.msk [tilespmem:v18+s29+$0x0], $0xffff  }
0x37b: {  	v11 =	vadd.f32 v12, v11;
	v16 =	vmul.f32 v21, v21;
	v12 =	vld.idx.msk [tilespmem:v18+s26+$0x0], $0xffff  }
0x37c: {  	v15 =	vmul.f32 v23, v23  }
0x37d: {  	s0 =	simm.s32 $0x1;
	v11 =	vadd.f32 v16, v11;
	v17 =	vmul.f32 v17, v17;
	v13 =	vmul.f32 v22, v22  }
.LBB2_16:
0x37e: {  	p1 =	sne.s32 s0, $0x7F;
	s5 =	smov.u32 s0;
	s0 =	sadd.s32 $0x1, s0  }
0x37f: {  	v13 =	vadd.f32 v13, v11  }
0x380: {  	v11 =	vmov s5;
	v12 =	vsub.f32 v14, v12  }
0x381: {  	v16 =	vor.u32 $0x280, v11;
	v11 =	vshll.u32 v11, $0x7;
	v13 =	vadd.f32 v15, v13  }
0x382: {  	v15 =	vor.u32 v1, v11;
	v12 =	vsel vm0, $0x0, v12  }
0x383: {  	v19 =	vmul.f32 $1.000000010e-01, v12;
	v13 =	vadd.f32 v17, v13;
	v17 =	vmul.f32 v12, v12;
	_ =	sdelay $0x1  }
0x384: {  	v12 =	vadd.f32 v17, v13;
	v13 =	vsub.f32 v14, v19;
	_ =	sdelay $0x1  }
0x385: {  	[tilespmem:v18+s30+$0x0] =	vst.idx.msk $0xffff, v13  }
0x386: {  	v13 =	vld.idx.msk [tilespmem:v15+s29+$0x0], $0xffff  }
0x387: {  	v14 =	vld.idx.msk [tilespmem:v15+s26+$0x0], $0xffff  }
0x388: {  	v16 =	vld.idx.msk [tilespmem:v16+s28+$0x0], $0xffff;
	_ =	sdelay $0x4  }
0x389: {  	v14 =	vsub.f32 v13, v14  }
0x38a: {  	vm0 =	veq.s32 v16, $0xFFFFFFFF  }
0x38b: {  	v16 =	vsel vm0, $0x0, v14  }
0x38c: {  	v17 =	vor.u32 v4, v11;
	v14 =	vmul.f32 v16, v16;
	v16 =	vmul.f32 $1.000000010e-01, v16;
	_ =	sdelay $0x1  }
0x38d: {  	v13 =	vsub.f32 v13, v16;
	_ =	sdelay $0x1  }
0x38e: {  	[tilespmem:v15+s30+$0x0] =	vst.idx.msk $0xffff, v13  }
0x38f: {  	v13 =	vld.idx.msk [tilespmem:v17+s29+$0x0], $0xffff  }
0x390: {  	v15 =	vld.idx.msk [tilespmem:v17+s26+$0x0], $0xffff;
	_ =	sdelay $0x5  }
0x391: {  	v15 =	vsub.f32 v13, v15;
	_ =	sdelay $0x1  }
0x392: {  	v15 =	vsel vm0, $0x0, v15  }
0x393: {  	v18 =	vor.u32 v5, v11;
	v16 =	vmul.f32 v15, v15;
	v15 =	vmul.f32 $1.000000010e-01, v15;
	_ =	sdelay $0x1  }
0x394: {  	v13 =	vsub.f32 v13, v15;
	_ =	sdelay $0x1  }
0x395: {  	[tilespmem:v17+s30+$0x0] =	vst.idx.msk $0xffff, v13  }
0x396: {  	v13 =	vld.idx.msk [tilespmem:v18+s29+$0x0], $0xffff  }
0x397: {  	v15 =	vld.idx.msk [tilespmem:v18+s26+$0x0], $0xffff;
	_ =	sdelay $0x5  }
0x398: {  	v15 =	vsub.f32 v13, v15;
	_ =	sdelay $0x1  }
0x399: {  	v15 =	vsel vm0, $0x0, v15  }
0x39a: {  	v17 =	vor.u32 v6, v11;
	v19 =	vmul.f32 v15, v15;
	v15 =	vmul.f32 $1.000000010e-01, v15;
	_ =	sdelay $0x1  }
0x39b: {  	v13 =	vsub.f32 v13, v15;
	_ =	sdelay $0x1  }
0x39c: {  	[tilespmem:v18+s30+$0x0] =	vst.idx.msk $0xffff, v13  }
0x39d: {  	v13 =	vld.idx.msk [tilespmem:v17+s29+$0x0], $0xffff  }
0x39e: {  	v15 =	vld.idx.msk [tilespmem:v17+s26+$0x0], $0xffff;
	_ =	sdelay $0x5  }
0x39f: {  	v15 =	vsub.f32 v13, v15;
	_ =	sdelay $0x1  }
0x3a0: {  	v15 =	vsel vm0, $0x0, v15  }
0x3a1: {  	v18 =	vor.u32 v7, v11;
	v20 =	vmul.f32 v15, v15;
	v15 =	vmul.f32 $1.000000010e-01, v15;
	_ =	sdelay $0x1  }
0x3a2: {  	v13 =	vsub.f32 v13, v15;
	_ =	sdelay $0x1  }
0x3a3: {  	[tilespmem:v17+s30+$0x0] =	vst.idx.msk $0xffff, v13  }
0x3a4: {  	v15 =	vld.idx.msk [tilespmem:v18+s29+$0x0], $0xffff  }
0x3a5: {  	v13 =	vld.idx.msk [tilespmem:v18+s26+$0x0], $0xffff;
	_ =	sdelay $0x5  }
0x3a6: {  	v13 =	vsub.f32 v15, v13;
	_ =	sdelay $0x1  }
0x3a7: {  	v17 =	vsel vm0, $0x0, v13  }
0x3a8: {  	v21 =	vor.u32 v8, v11;
	v13 =	vmul.f32 v17, v17;
	v17 =	vmul.f32 $1.000000010e-01, v17;
	_ =	sdelay $0x1  }
0x3a9: {  	v15 =	vsub.f32 v15, v17;
	_ =	sdelay $0x1  }
0x3aa: {  	[tilespmem:v18+s30+$0x0] =	vst.idx.msk $0xffff, v15  }
0x3ab: {  	v17 =	vld.idx.msk [tilespmem:v21+s29+$0x0], $0xffff  }
0x3ac: {  	v15 =	vld.idx.msk [tilespmem:v21+s26+$0x0], $0xffff;
	_ =	sdelay $0x5  }
0x3ad: {  	v15 =	vsub.f32 v17, v15;
	_ =	sdelay $0x1  }
0x3ae: {  	v18 =	vsel vm0, $0x0, v15  }
0x3af: {  	v22 =	vor.u32 v9, v11;
	v15 =	vmul.f32 v18, v18;
	v18 =	vmul.f32 $1.000000010e-01, v18;
	_ =	sdelay $0x1  }
0x3b0: {  	v17 =	vsub.f32 v17, v18;
	_ =	sdelay $0x1  }
0x3b1: {  	[tilespmem:v21+s30+$0x0] =	vst.idx.msk $0xffff, v17  }
0x3b2: {  	v21 =	vld.idx.msk [tilespmem:v22+s29+$0x0], $0xffff  }
0x3b3: {  	v17 =	vld.idx.msk [tilespmem:v22+s26+$0x0], $0xffff;
	_ =	sdelay $0x5  }
0x3b4: {  	v17 =	vsub.f32 v21, v17;
	_ =	sdelay $0x1  }
0x3b5: {  	v18 =	vsel vm0, $0x0, v17  }
0x3b6: {  	v17 =	vmul.f32 v18, v18;
	v23 =	vmul.f32 $1.000000010e-01, v18;
	v18 =	vor.u32 v10, v11;
	_ =	sdelay $0x1  }
0x3b7: {  	v11 =	vsub.f32 v21, v23  }
0x3b8: {  	v12 =	vadd.f32 v14, v12  }
0x3b9: {  	[tilespmem:v22+s30+$0x0] =	vst.idx.msk $0xffff, v11  }
.Ltmp9:
0x3ba: {  	v11 =	vadd.f32 v16, v12;
	v14 =	vld.idx.msk [tilespmem:v18+s29+$0x0], $0xffff;
	(pc) =	sbr.rel @p1 .LBB2_16-.Ltmp9, $3  }
0x3bb: {  	v12 =	vld.idx.msk [tilespmem:v18+s26+$0x0], $0xffff  }
0x3bc: {  	v11 =	vadd.f32 v19, v11;
	_ =	sdelay $0x1  }
0x3bd: {  	v11 =	vadd.f32 v20, v11  }
0x3be: {  	_ = 	snop  }
0x3bf: {  	v12 =	vsub.f32 v14, v12;
	_ =	sdelay $0x1  }
0x3c0: {  	v12 =	vsel vm0, $0x0, v12  }
0x3c1: {  	v16 =	vmul.f32 $1.000000010e-01, v12;
	_ =	sdelay $0x1  }
0x3c2: {  	v14 =	vsub.f32 v14, v16;
	_ =	sdelay $0x1  }
0x3c3: {  	[tilespmem:v18+s30+$0x0] =	vst.idx.msk $0xffff, v14;
	(ifvalue) =	ssetifvalue $0xFFFFFFFF  }
0x3c4: {  	s0 =	simm.s32 $0x102A8;
	(ifvalue) =	ssetifvalue $0xFFFFFFFF  }
0x3c5: {  	[hbm4b:s3+s17] =	stream.indirect.scatter [tilespmem:s30], [sflag:$0x5], $0x80, s0, s17, $0x40b8;
	[tilespmem:$0x1F428] =	vst v63  }
0x3c6: {  	_ =	swait.ge [sflag:s20], $0x4000  }
0x3c7: {  	[sflag:s20] =	ssyncset.done $0x0  }
0x3c8: {  	s18 =	simm.s32 $0x0;
	s5 =	rddreg [dreg:$0xf];
	[sflag:s20] =	ssyncadd.s32 $0xFFFFC000  }
0x3c9: {  	[tilespmem:s26], [sflag:$0x5] =	stream.linear.gather [hbm4b:s5+s18], $0x4000, $0x38;
	[tilespmem:$0x1F428] =	vst v63  }
0x3ca: {  	_ =	swait.ge [sflag:s20], $0x4000  }
0x3cb: {  	v14 =	vmov s18;
	[sflag:s20] =	ssyncset.done $0x0  }
0x3cc: {  	v16 =	vshll.u32 v14, $0x7;
	[sflag:s20] =	ssyncadd.s32 $0xFFFFC000;
	(ifvalue) =	ssetifvalue $0xFFFFFFFF  }
0x3cd: {  	s19 =	simm.s32 $0xFB28;
	v18 =	vor.u32 v1, v16;
	(ifvalue) =	ssetifvalue $0xFFFFFFFF  }
0x3ce: {  	[tilespmem:s29], [sflag:$0x5] =	stream.indirect.gather [hbm4b:s2+s17], $0x80, s19, s17, $0x40b8;
	[tilespmem:$0x1F428] =	vst v63  }
0x3cf: {  	v14 =	vor.u32 $0x300, v14;
	_ =	swait.ge [sflag:s20], $0x4000  }
0x3d0: {  	[sflag:s20] =	ssyncset.done $0x0  }
0x3d1: {  	[sflag:s20] =	ssyncadd.s32 $0xFFFFC000  }
0x3d2: {  	v19 =	vld.idx.msk [tilespmem:v18+s29+$0x0], $0xffff  }
0x3d3: {  	v20 =	vld.idx.msk [tilespmem:v18+s26+$0x0], $0xffff  }
0x3d4: {  	v14 =	vld.idx.msk [tilespmem:v14+s28+$0x0], $0xffff;
	_ =	sdelay $0x3  }
0x3d5: {  	v20 =	vsub.f32 v19, v20  }
0x3d6: {  	vm0 =	veq.s32 v14, $0xFFFFFFFF  }
0x3d7: {  	v14 =	vsel vm0, $0x0, v20  }
0x3d8: {  	v21 =	vor.u32 v4, v16;
	v20 =	vmul.f32 $1.000000010e-01, v14;
	_ =	sdelay $0x1  }
0x3d9: {  	v19 =	vsub.f32 v19, v20;
	_ =	sdelay $0x1  }
0x3da: {  	[tilespmem:v18+s30+$0x0] =	vst.idx.msk $0xffff, v19  }
0x3db: {  	v18 =	vld.idx.msk [tilespmem:v21+s29+$0x0], $0xffff  }
0x3dc: {  	v19 =	vld.idx.msk [tilespmem:v21+s26+$0x0], $0xffff;
	_ =	sdelay $0x4  }
0x3dd: {  	v19 =	vsub.f32 v18, v19;
	_ =	sdelay $0x1  }
0x3de: {  	v19 =	vsel vm0, $0x0, v19  }
0x3df: {  	v22 =	vor.u32 v5, v16;
	v20 =	vmul.f32 $1.000000010e-01, v19;
	_ =	sdelay $0x1  }
0x3e0: {  	v18 =	vsub.f32 v18, v20;
	_ =	sdelay $0x1  }
0x3e1: {  	[tilespmem:v21+s30+$0x0] =	vst.idx.msk $0xffff, v18  }
0x3e2: {  	v18 =	vld.idx.msk [tilespmem:v22+s29+$0x0], $0xffff  }
0x3e3: {  	v20 =	vld.idx.msk [tilespmem:v22+s26+$0x0], $0xffff;
	_ =	sdelay $0x4  }
0x3e4: {  	v20 =	vsub.f32 v18, v20;
	_ =	sdelay $0x1  }
0x3e5: {  	v20 =	vsel vm0, $0x0, v20  }
0x3e6: {  	v23 =	vor.u32 v6, v16;
	v56 =	vmul.f32 $1.000000010e-01, v20;
	_ =	sdelay $0x1  }
0x3e7: {  	v18 =	vsub.f32 v18, v56;
	_ =	sdelay $0x1  }
0x3e8: {  	[tilespmem:v22+s30+$0x0] =	vst.idx.msk $0xffff, v18  }
0x3e9: {  	v18 =	vld.idx.msk [tilespmem:v23+s29+$0x0], $0xffff  }
0x3ea: {  	v57 =	vld.idx.msk [tilespmem:v23+s26+$0x0], $0xffff;
	_ =	sdelay $0x4  }
0x3eb: {  	v21 =	vsub.f32 v18, v57;
	_ =	sdelay $0x1  }
0x3ec: {  	v21 =	vsel vm0, $0x0, v21  }
0x3ed: {  	v24 =	vor.u32 v7, v16;
	v58 =	vmul.f32 $1.000000010e-01, v21;
	_ =	sdelay $0x1  }
0x3ee: {  	v18 =	vsub.f32 v18, v58;
	_ =	sdelay $0x1  }
0x3ef: {  	[tilespmem:v23+s30+$0x0] =	vst.idx.msk $0xffff, v18  }
0x3f0: {  	v18 =	vld.idx.msk [tilespmem:v24+s29+$0x0], $0xffff  }
0x3f1: {  	v59 =	vld.idx.msk [tilespmem:v24+s26+$0x0], $0xffff;
	_ =	sdelay $0x4  }
0x3f2: {  	v22 =	vsub.f32 v18, v59;
	_ =	sdelay $0x1  }
0x3f3: {  	v22 =	vsel vm0, $0x0, v22  }
0x3f4: {  	v25 =	vor.u32 v8, v16;
	v60 =	vmul.f32 $1.000000010e-01, v22;
	_ =	sdelay $0x1  }
0x3f5: {  	v18 =	vsub.f32 v18, v60;
	_ =	sdelay $0x1  }
0x3f6: {  	[tilespmem:v24+s30+$0x0] =	vst.idx.msk $0xffff, v18  }
0x3f7: {  	v18 =	vld.idx.msk [tilespmem:v25+s29+$0x0], $0xffff  }
0x3f8: {  	v61 =	vld.idx.msk [tilespmem:v25+s26+$0x0], $0xffff;
	_ =	sdelay $0x4  }
0x3f9: {  	v23 =	vsub.f32 v18, v61;
	_ =	sdelay $0x1  }
0x3fa: {  	v23 =	vsel vm0, $0x0, v23  }
0x3fb: {  	v26 =	vor.u32 v9, v16;
	v62 =	vmul.f32 $1.000000010e-01, v23;
	_ =	sdelay $0x1  }
0x3fc: {  	v18 =	vsub.f32 v18, v62;
	_ =	sdelay $0x1  }
0x3fd: {  	[tilespmem:v25+s30+$0x0] =	vst.idx.msk $0xffff, v18  }
0x3fe: {  	v63 =	vld.idx.msk [tilespmem:v26+s29+$0x0], $0xffff  }
0x3ff: {  	v11 =	vadd.f32 v13, v11;
	v13 =	vld.idx.msk [tilespmem:v26+s26+$0x0], $0xffff;
	_ =	sdelay $0x2  }
0x400: {  	v11 =	vadd.f32 v15, v11;
	_ =	sdelay $0x1  }
0x401: {  	v12 =	vmul.f32 v12, v12;
	v11 =	vadd.f32 v17, v11;
	v13 =	vsub.f32 v63, v13;
	_ =	sdelay $0x1  }
0x402: {  	v11 =	vadd.f32 v12, v11;
	v17 =	vsel vm0, $0x0, v13  }
0x403: {  	v12 =	vmul.f32 v14, v14;
	v18 =	vor.u32 v10, v16;
	v13 =	vmul.f32 $1.000000010e-01, v17;
	_ =	sdelay $0x1  }
0x404: {  	v11 =	vadd.f32 v12, v11;
	v14 =	vmul.f32 v19, v19;
	v13 =	vsub.f32 v63, v13;
	_ =	sdelay $0x1  }
0x405: {  	v11 =	vadd.f32 v14, v11;
	v12 =	vmul.f32 v20, v20;
	[tilespmem:v26+s30+$0x0] =	vst.idx.msk $0xffff, v13  }
0x406: {  	v14 =	vld.idx.msk [tilespmem:v18+s29+$0x0], $0xffff  }
0x407: {  	v11 =	vadd.f32 v12, v11;
	v16 =	vmul.f32 v21, v21;
	v12 =	vld.idx.msk [tilespmem:v18+s26+$0x0], $0xffff  }
0x408: {  	v15 =	vmul.f32 v23, v23  }
0x409: {  	s0 =	simm.s32 $0x1;
	v11 =	vadd.f32 v16, v11;
	v17 =	vmul.f32 v17, v17;
	v13 =	vmul.f32 v22, v22  }
.LBB2_18:
0x40a: {  	p1 =	sne.s32 s0, $0x7F;
	s5 =	smov.u32 s0;
	s0 =	sadd.s32 $0x1, s0  }
0x40b: {  	v13 =	vadd.f32 v13, v11  }
0x40c: {  	v11 =	vmov s5;
	v12 =	vsub.f32 v14, v12  }
0x40d: {  	v16 =	vor.u32 $0x300, v11;
	v11 =	vshll.u32 v11, $0x7;
	v13 =	vadd.f32 v15, v13  }
0x40e: {  	v15 =	vor.u32 v1, v11;
	v12 =	vsel vm0, $0x0, v12  }
0x40f: {  	v19 =	vmul.f32 $1.000000010e-01, v12;
	v13 =	vadd.f32 v17, v13;
	v17 =	vmul.f32 v12, v12;
	_ =	sdelay $0x1  }
0x410: {  	v12 =	vadd.f32 v17, v13;
	v13 =	vsub.f32 v14, v19;
	_ =	sdelay $0x1  }
0x411: {  	[tilespmem:v18+s30+$0x0] =	vst.idx.msk $0xffff, v13  }
0x412: {  	v13 =	vld.idx.msk [tilespmem:v15+s29+$0x0], $0xffff  }
0x413: {  	v14 =	vld.idx.msk [tilespmem:v15+s26+$0x0], $0xffff  }
0x414: {  	v16 =	vld.idx.msk [tilespmem:v16+s28+$0x0], $0xffff;
	_ =	sdelay $0x4  }
0x415: {  	v14 =	vsub.f32 v13, v14  }
0x416: {  	vm0 =	veq.s32 v16, $0xFFFFFFFF  }
0x417: {  	v16 =	vsel vm0, $0x0, v14  }
0x418: {  	v17 =	vor.u32 v4, v11;
	v14 =	vmul.f32 v16, v16;
	v16 =	vmul.f32 $1.000000010e-01, v16;
	_ =	sdelay $0x1  }
0x419: {  	v13 =	vsub.f32 v13, v16;
	_ =	sdelay $0x1  }
0x41a: {  	[tilespmem:v15+s30+$0x0] =	vst.idx.msk $0xffff, v13  }
0x41b: {  	v13 =	vld.idx.msk [tilespmem:v17+s29+$0x0], $0xffff  }
0x41c: {  	v15 =	vld.idx.msk [tilespmem:v17+s26+$0x0], $0xffff;
	_ =	sdelay $0x5  }
0x41d: {  	v15 =	vsub.f32 v13, v15;
	_ =	sdelay $0x1  }
0x41e: {  	v15 =	vsel vm0, $0x0, v15  }
0x41f: {  	v18 =	vor.u32 v5, v11;
	v16 =	vmul.f32 v15, v15;
	v15 =	vmul.f32 $1.000000010e-01, v15;
	_ =	sdelay $0x1  }
0x420: {  	v13 =	vsub.f32 v13, v15;
	_ =	sdelay $0x1  }
0x421: {  	[tilespmem:v17+s30+$0x0] =	vst.idx.msk $0xffff, v13  }
0x422: {  	v13 =	vld.idx.msk [tilespmem:v18+s29+$0x0], $0xffff  }
0x423: {  	v15 =	vld.idx.msk [tilespmem:v18+s26+$0x0], $0xffff;
	_ =	sdelay $0x5  }
0x424: {  	v15 =	vsub.f32 v13, v15;
	_ =	sdelay $0x1  }
0x425: {  	v15 =	vsel vm0, $0x0, v15  }
0x426: {  	v17 =	vor.u32 v6, v11;
	v19 =	vmul.f32 v15, v15;
	v15 =	vmul.f32 $1.000000010e-01, v15;
	_ =	sdelay $0x1  }
0x427: {  	v13 =	vsub.f32 v13, v15;
	_ =	sdelay $0x1  }
0x428: {  	[tilespmem:v18+s30+$0x0] =	vst.idx.msk $0xffff, v13  }
0x429: {  	v13 =	vld.idx.msk [tilespmem:v17+s29+$0x0], $0xffff  }
0x42a: {  	v15 =	vld.idx.msk [tilespmem:v17+s26+$0x0], $0xffff;
	_ =	sdelay $0x5  }
0x42b: {  	v15 =	vsub.f32 v13, v15;
	_ =	sdelay $0x1  }
0x42c: {  	v15 =	vsel vm0, $0x0, v15  }
0x42d: {  	v18 =	vor.u32 v7, v11;
	v20 =	vmul.f32 v15, v15;
	v15 =	vmul.f32 $1.000000010e-01, v15;
	_ =	sdelay $0x1  }
0x42e: {  	v13 =	vsub.f32 v13, v15;
	_ =	sdelay $0x1  }
0x42f: {  	[tilespmem:v17+s30+$0x0] =	vst.idx.msk $0xffff, v13  }
0x430: {  	v15 =	vld.idx.msk [tilespmem:v18+s29+$0x0], $0xffff  }
0x431: {  	v13 =	vld.idx.msk [tilespmem:v18+s26+$0x0], $0xffff;
	_ =	sdelay $0x5  }
0x432: {  	v13 =	vsub.f32 v15, v13;
	_ =	sdelay $0x1  }
0x433: {  	v17 =	vsel vm0, $0x0, v13  }
0x434: {  	v21 =	vor.u32 v8, v11;
	v13 =	vmul.f32 v17, v17;
	v17 =	vmul.f32 $1.000000010e-01, v17;
	_ =	sdelay $0x1  }
0x435: {  	v15 =	vsub.f32 v15, v17;
	_ =	sdelay $0x1  }
0x436: {  	[tilespmem:v18+s30+$0x0] =	vst.idx.msk $0xffff, v15  }
0x437: {  	v17 =	vld.idx.msk [tilespmem:v21+s29+$0x0], $0xffff  }
0x438: {  	v15 =	vld.idx.msk [tilespmem:v21+s26+$0x0], $0xffff;
	_ =	sdelay $0x5  }
0x439: {  	v15 =	vsub.f32 v17, v15;
	_ =	sdelay $0x1  }
0x43a: {  	v18 =	vsel vm0, $0x0, v15  }
0x43b: {  	v22 =	vor.u32 v9, v11;
	v15 =	vmul.f32 v18, v18;
	v18 =	vmul.f32 $1.000000010e-01, v18;
	_ =	sdelay $0x1  }
0x43c: {  	v17 =	vsub.f32 v17, v18;
	_ =	sdelay $0x1  }
0x43d: {  	[tilespmem:v21+s30+$0x0] =	vst.idx.msk $0xffff, v17  }
0x43e: {  	v21 =	vld.idx.msk [tilespmem:v22+s29+$0x0], $0xffff  }
0x43f: {  	v17 =	vld.idx.msk [tilespmem:v22+s26+$0x0], $0xffff;
	_ =	sdelay $0x5  }
0x440: {  	v17 =	vsub.f32 v21, v17;
	_ =	sdelay $0x1  }
0x441: {  	v18 =	vsel vm0, $0x0, v17  }
0x442: {  	v17 =	vmul.f32 v18, v18;
	v23 =	vmul.f32 $1.000000010e-01, v18;
	v18 =	vor.u32 v10, v11;
	_ =	sdelay $0x1  }
0x443: {  	v11 =	vsub.f32 v21, v23  }
0x444: {  	v12 =	vadd.f32 v14, v12  }
0x445: {  	[tilespmem:v22+s30+$0x0] =	vst.idx.msk $0xffff, v11  }
.Ltmp10:
0x446: {  	v11 =	vadd.f32 v16, v12;
	v14 =	vld.idx.msk [tilespmem:v18+s29+$0x0], $0xffff;
	(pc) =	sbr.rel @p1 .LBB2_18-.Ltmp10, $3  }
0x447: {  	v12 =	vld.idx.msk [tilespmem:v18+s26+$0x0], $0xffff  }
0x448: {  	v11 =	vadd.f32 v19, v11;
	_ =	sdelay $0x1  }
0x449: {  	v11 =	vadd.f32 v20, v11  }
0x44a: {  	_ = 	snop  }
0x44b: {  	v12 =	vsub.f32 v14, v12;
	_ =	sdelay $0x1  }
0x44c: {  	v12 =	vsel vm0, $0x0, v12  }
0x44d: {  	v16 =	vmul.f32 $1.000000010e-01, v12;
	_ =	sdelay $0x1  }
0x44e: {  	v14 =	vsub.f32 v14, v16;
	_ =	sdelay $0x1  }
0x44f: {  	[tilespmem:v18+s30+$0x0] =	vst.idx.msk $0xffff, v14;
	(ifvalue) =	ssetifvalue $0xFFFFFFFF  }
0x450: {  	s0 =	simm.s32 $0x10328;
	(ifvalue) =	ssetifvalue $0xFFFFFFFF  }
0x451: {  	[hbm4b:s3+s17] =	stream.indirect.scatter [tilespmem:s30], [sflag:$0x5], $0x80, s0, s17, $0x40b8;
	[tilespmem:$0x1F428] =	vst v63  }
0x452: {  	_ =	swait.ge [sflag:s20], $0x4000  }
0x453: {  	[sflag:s20] =	ssyncset.done $0x0  }
0x454: {  	s18 =	simm.s32 $0x0;
	s5 =	rddreg [dreg:$0x10];
	[sflag:s20] =	ssyncadd.s32 $0xFFFFC000  }
0x455: {  	[tilespmem:s26], [sflag:$0x5] =	stream.linear.gather [hbm4b:s5+s18], $0x4000, $0x38;
	[tilespmem:$0x1F428] =	vst v63  }
0x456: {  	_ =	swait.ge [sflag:s20], $0x4000  }
0x457: {  	v14 =	vmov s18;
	[sflag:s20] =	ssyncset.done $0x0  }
0x458: {  	v16 =	vshll.u32 v14, $0x7;
	[sflag:s20] =	ssyncadd.s32 $0xFFFFC000;
	(ifvalue) =	ssetifvalue $0xFFFFFFFF  }
0x459: {  	s19 =	simm.s32 $0xFBA8;
	v18 =	vor.u32 v1, v16;
	(ifvalue) =	ssetifvalue $0xFFFFFFFF  }
0x45a: {  	[tilespmem:s29], [sflag:$0x5] =	stream.indirect.gather [hbm4b:s2+s17], $0x80, s19, s17, $0x40b8;
	[tilespmem:$0x1F428] =	vst v63  }
0x45b: {  	v14 =	vor.u32 $0x380, v14;
	_ =	swait.ge [sflag:s20], $0x4000  }
0x45c: {  	[sflag:s20] =	ssyncset.done $0x0  }
0x45d: {  	[sflag:s20] =	ssyncadd.s32 $0xFFFFC000  }
0x45e: {  	v19 =	vld.idx.msk [tilespmem:v18+s29+$0x0], $0xffff  }
0x45f: {  	v20 =	vld.idx.msk [tilespmem:v18+s26+$0x0], $0xffff  }
0x460: {  	v14 =	vld.idx.msk [tilespmem:v14+s28+$0x0], $0xffff;
	_ =	sdelay $0x3  }
0x461: {  	v20 =	vsub.f32 v19, v20  }
0x462: {  	vm0 =	veq.s32 v14, $0xFFFFFFFF  }
0x463: {  	v14 =	vsel vm0, $0x0, v20  }
0x464: {  	v21 =	vor.u32 v4, v16;
	v20 =	vmul.f32 $1.000000010e-01, v14;
	_ =	sdelay $0x1  }
0x465: {  	v19 =	vsub.f32 v19, v20;
	_ =	sdelay $0x1  }
0x466: {  	[tilespmem:v18+s30+$0x0] =	vst.idx.msk $0xffff, v19  }
0x467: {  	v18 =	vld.idx.msk [tilespmem:v21+s29+$0x0], $0xffff  }
0x468: {  	v19 =	vld.idx.msk [tilespmem:v21+s26+$0x0], $0xffff;
	_ =	sdelay $0x4  }
0x469: {  	v19 =	vsub.f32 v18, v19;
	_ =	sdelay $0x1  }
0x46a: {  	v19 =	vsel vm0, $0x0, v19  }
0x46b: {  	v22 =	vor.u32 v5, v16;
	v20 =	vmul.f32 $1.000000010e-01, v19;
	_ =	sdelay $0x1  }
0x46c: {  	v18 =	vsub.f32 v18, v20;
	_ =	sdelay $0x1  }
0x46d: {  	[tilespmem:v21+s30+$0x0] =	vst.idx.msk $0xffff, v18  }
0x46e: {  	v18 =	vld.idx.msk [tilespmem:v22+s29+$0x0], $0xffff  }
0x46f: {  	v20 =	vld.idx.msk [tilespmem:v22+s26+$0x0], $0xffff;
	_ =	sdelay $0x4  }
0x470: {  	v20 =	vsub.f32 v18, v20;
	_ =	sdelay $0x1  }
0x471: {  	v20 =	vsel vm0, $0x0, v20  }
0x472: {  	v23 =	vor.u32 v6, v16;
	v57 =	vmul.f32 $1.000000010e-01, v20;
	_ =	sdelay $0x1  }
0x473: {  	v18 =	vsub.f32 v18, v57;
	_ =	sdelay $0x1  }
0x474: {  	[tilespmem:v22+s30+$0x0] =	vst.idx.msk $0xffff, v18  }
0x475: {  	v18 =	vld.idx.msk [tilespmem:v23+s29+$0x0], $0xffff  }
0x476: {  	v58 =	vld.idx.msk [tilespmem:v23+s26+$0x0], $0xffff;
	_ =	sdelay $0x4  }
0x477: {  	v21 =	vsub.f32 v18, v58;
	_ =	sdelay $0x1  }
0x478: {  	v21 =	vsel vm0, $0x0, v21  }
0x479: {  	v24 =	vor.u32 v7, v16;
	v59 =	vmul.f32 $1.000000010e-01, v21;
	_ =	sdelay $0x1  }
0x47a: {  	v18 =	vsub.f32 v18, v59;
	_ =	sdelay $0x1  }
0x47b: {  	[tilespmem:v23+s30+$0x0] =	vst.idx.msk $0xffff, v18  }
0x47c: {  	v18 =	vld.idx.msk [tilespmem:v24+s29+$0x0], $0xffff  }
0x47d: {  	v60 =	vld.idx.msk [tilespmem:v24+s26+$0x0], $0xffff;
	_ =	sdelay $0x4  }
0x47e: {  	v22 =	vsub.f32 v18, v60;
	_ =	sdelay $0x1  }
0x47f: {  	v22 =	vsel vm0, $0x0, v22  }
0x480: {  	v25 =	vor.u32 v8, v16;
	v61 =	vmul.f32 $1.000000010e-01, v22;
	_ =	sdelay $0x1  }
0x481: {  	v18 =	vsub.f32 v18, v61;
	_ =	sdelay $0x1  }
0x482: {  	[tilespmem:v24+s30+$0x0] =	vst.idx.msk $0xffff, v18  }
0x483: {  	v18 =	vld.idx.msk [tilespmem:v25+s29+$0x0], $0xffff  }
0x484: {  	v62 =	vld.idx.msk [tilespmem:v25+s26+$0x0], $0xffff;
	_ =	sdelay $0x4  }
0x485: {  	v23 =	vsub.f32 v18, v62;
	_ =	sdelay $0x1  }
0x486: {  	v23 =	vsel vm0, $0x0, v23  }
0x487: {  	v26 =	vor.u32 v9, v16;
	v63 =	vmul.f32 $1.000000010e-01, v23;
	_ =	sdelay $0x1  }
0x488: {  	v18 =	vsub.f32 v18, v63;
	_ =	sdelay $0x1  }
0x489: {  	[tilespmem:v25+s30+$0x0] =	vst.idx.msk $0xffff, v18  }
0x48a: {  	v18 =	vld.idx.msk [tilespmem:v26+s29+$0x0], $0xffff  }
0x48b: {  	v11 =	vadd.f32 v13, v11;
	v13 =	vld.idx.msk [tilespmem:v26+s26+$0x0], $0xffff;
	_ =	sdelay $0x1  }
0x48c: {  	v11 =	vadd.f32 v15, v11;
	_ =	sdelay $0x1  }
0x48d: {  	v12 =	vmul.f32 v12, v12;
	v11 =	vadd.f32 v17, v11  }
0x48e: {  	v13 =	vsub.f32 v18, v13  }
0x48f: {  	v11 =	vadd.f32 v12, v11  }
0x490: {  	v12 =	vmul.f32 v14, v14;
	v14 =	vmul.f32 v19, v19;
	v19 =	vsel vm0, $0x0, v13  }
0x491: {  	v17 =	vor.u32 v10, v16;
	v13 =	vmul.f32 $1.000000010e-01, v19;
	_ =	sdelay $0x1  }
0x492: {  	v11 =	vadd.f32 v12, v11;
	v13 =	vsub.f32 v18, v13;
	_ =	sdelay $0x1  }
0x493: {  	v11 =	vadd.f32 v14, v11;
	v12 =	vmul.f32 v20, v20;
	[tilespmem:v26+s30+$0x0] =	vst.idx.msk $0xffff, v13  }
0x494: {  	v13 =	vld.idx.msk [tilespmem:v17+s29+$0x0], $0xffff  }
0x495: {  	v12 =	vadd.f32 v12, v11;
	v14 =	vmul.f32 v21, v21;
	v11 =	vld.idx.msk [tilespmem:v17+s26+$0x0], $0xffff  }
0x496: {  	v15 =	vmul.f32 v22, v22  }
0x497: {  	s0 =	simm.s32 $0x1;
	v12 =	vadd.f32 v14, v12;
	v16 =	vmul.f32 v23, v23;
	v18 =	vmul.f32 v19, v19  }
.LBB2_20:
0x498: {  	p1 =	sne.s32 s0, $0x7F;
	s5 =	smov.u32 s0;
	s0 =	sadd.s32 $0x1, s0  }
0x499: {  	v12 =	vadd.f32 v15, v12  }
0x49a: {  	v14 =	vmov s5;
	v15 =	vsub.f32 v13, v11  }
0x49b: {  	v19 =	vor.u32 $0x380, v14;
	v11 =	vshll.u32 v14, $0x7;
	v12 =	vadd.f32 v16, v12  }
0x49c: {  	v14 =	vor.u32 v1, v11;
	v15 =	vsel vm0, $0x0, v15  }
0x49d: {  	v16 =	vmul.f32 v15, v15;
	v15 =	vmul.f32 $1.000000010e-01, v15;
	v12 =	vadd.f32 v18, v12;
	_ =	sdelay $0x1  }
0x49e: {  	v13 =	vsub.f32 v13, v15;
	v12 =	vadd.f32 v16, v12;
	_ =	sdelay $0x1  }
0x49f: {  	[tilespmem:v17+s30+$0x0] =	vst.idx.msk $0xffff, v13  }
0x4a0: {  	v15 =	vld.idx.msk [tilespmem:v14+s29+$0x0], $0xffff  }
0x4a1: {  	v13 =	vld.idx.msk [tilespmem:v14+s26+$0x0], $0xffff  }
0x4a2: {  	v16 =	vld.idx.msk [tilespmem:v19+s28+$0x0], $0xffff;
	_ =	sdelay $0x4  }
0x4a3: {  	v13 =	vsub.f32 v15, v13  }
0x4a4: {  	vm0 =	veq.s32 v16, $0xFFFFFFFF  }
0x4a5: {  	v16 =	vsel vm0, $0x0, v13  }
0x4a6: {  	v17 =	vor.u32 v4, v11;
	v13 =	vmul.f32 v16, v16;
	v16 =	vmul.f32 $1.000000010e-01, v16;
	_ =	sdelay $0x1  }
0x4a7: {  	v15 =	vsub.f32 v15, v16;
	_ =	sdelay $0x1  }
0x4a8: {  	[tilespmem:v14+s30+$0x0] =	vst.idx.msk $0xffff, v15  }
0x4a9: {  	v15 =	vld.idx.msk [tilespmem:v17+s29+$0x0], $0xffff  }
0x4aa: {  	v14 =	vld.idx.msk [tilespmem:v17+s26+$0x0], $0xffff;
	_ =	sdelay $0x5  }
0x4ab: {  	v14 =	vsub.f32 v15, v14;
	_ =	sdelay $0x1  }
0x4ac: {  	v16 =	vsel vm0, $0x0, v14  }
0x4ad: {  	v18 =	vor.u32 v5, v11;
	v14 =	vmul.f32 v16, v16;
	v16 =	vmul.f32 $1.000000010e-01, v16;
	_ =	sdelay $0x1  }
0x4ae: {  	v15 =	vsub.f32 v15, v16;
	_ =	sdelay $0x1  }
0x4af: {  	[tilespmem:v17+s30+$0x0] =	vst.idx.msk $0xffff, v15  }
0x4b0: {  	v15 =	vld.idx.msk [tilespmem:v18+s29+$0x0], $0xffff  }
0x4b1: {  	v16 =	vld.idx.msk [tilespmem:v18+s26+$0x0], $0xffff;
	_ =	sdelay $0x5  }
0x4b2: {  	v16 =	vsub.f32 v15, v16;
	_ =	sdelay $0x1  }
0x4b3: {  	v16 =	vsel vm0, $0x0, v16  }
0x4b4: {  	v17 =	vor.u32 v6, v11;
	v19 =	vmul.f32 v16, v16;
	v16 =	vmul.f32 $1.000000010e-01, v16;
	_ =	sdelay $0x1  }
0x4b5: {  	v15 =	vsub.f32 v15, v16;
	_ =	sdelay $0x1  }
0x4b6: {  	[tilespmem:v18+s30+$0x0] =	vst.idx.msk $0xffff, v15  }
0x4b7: {  	v15 =	vld.idx.msk [tilespmem:v17+s29+$0x0], $0xffff  }
0x4b8: {  	v16 =	vld.idx.msk [tilespmem:v17+s26+$0x0], $0xffff;
	_ =	sdelay $0x5  }
0x4b9: {  	v16 =	vsub.f32 v15, v16;
	_ =	sdelay $0x1  }
0x4ba: {  	v16 =	vsel vm0, $0x0, v16  }
0x4bb: {  	v18 =	vor.u32 v7, v11;
	v20 =	vmul.f32 v16, v16;
	v16 =	vmul.f32 $1.000000010e-01, v16;
	_ =	sdelay $0x1  }
0x4bc: {  	v15 =	vsub.f32 v15, v16;
	_ =	sdelay $0x1  }
0x4bd: {  	[tilespmem:v17+s30+$0x0] =	vst.idx.msk $0xffff, v15  }
0x4be: {  	v16 =	vld.idx.msk [tilespmem:v18+s29+$0x0], $0xffff  }
0x4bf: {  	v15 =	vld.idx.msk [tilespmem:v18+s26+$0x0], $0xffff;
	_ =	sdelay $0x5  }
0x4c0: {  	v15 =	vsub.f32 v16, v15;
	_ =	sdelay $0x1  }
0x4c1: {  	v17 =	vsel vm0, $0x0, v15  }
0x4c2: {  	v21 =	vor.u32 v8, v11;
	v15 =	vmul.f32 v17, v17;
	v17 =	vmul.f32 $1.000000010e-01, v17;
	_ =	sdelay $0x1  }
0x4c3: {  	v16 =	vsub.f32 v16, v17;
	_ =	sdelay $0x1  }
0x4c4: {  	[tilespmem:v18+s30+$0x0] =	vst.idx.msk $0xffff, v16  }
0x4c5: {  	v17 =	vld.idx.msk [tilespmem:v21+s29+$0x0], $0xffff  }
0x4c6: {  	v16 =	vld.idx.msk [tilespmem:v21+s26+$0x0], $0xffff;
	_ =	sdelay $0x5  }
0x4c7: {  	v16 =	vsub.f32 v17, v16;
	_ =	sdelay $0x1  }
0x4c8: {  	v18 =	vsel vm0, $0x0, v16  }
0x4c9: {  	v22 =	vor.u32 v9, v11;
	v16 =	vmul.f32 v18, v18;
	v18 =	vmul.f32 $1.000000010e-01, v18;
	_ =	sdelay $0x1  }
0x4ca: {  	v17 =	vsub.f32 v17, v18;
	_ =	sdelay $0x1  }
0x4cb: {  	[tilespmem:v21+s30+$0x0] =	vst.idx.msk $0xffff, v17  }
0x4cc: {  	v21 =	vld.idx.msk [tilespmem:v22+s29+$0x0], $0xffff  }
0x4cd: {  	v17 =	vld.idx.msk [tilespmem:v22+s26+$0x0], $0xffff;
	_ =	sdelay $0x5  }
0x4ce: {  	v17 =	vsub.f32 v21, v17;
	_ =	sdelay $0x1  }
0x4cf: {  	v17 =	vsel vm0, $0x0, v17  }
0x4d0: {  	v18 =	vmul.f32 v17, v17;
	v23 =	vmul.f32 $1.000000010e-01, v17;
	v17 =	vor.u32 v10, v11;
	_ =	sdelay $0x1  }
0x4d1: {  	v11 =	vsub.f32 v21, v23  }
0x4d2: {  	v12 =	vadd.f32 v13, v12  }
0x4d3: {  	[tilespmem:v22+s30+$0x0] =	vst.idx.msk $0xffff, v11  }
.Ltmp11:
0x4d4: {  	v12 =	vadd.f32 v14, v12;
	v13 =	vld.idx.msk [tilespmem:v17+s29+$0x0], $0xffff;
	(pc) =	sbr.rel @p1 .LBB2_20-.Ltmp11, $3  }
0x4d5: {  	v11 =	vld.idx.msk [tilespmem:v17+s26+$0x0], $0xffff  }
0x4d6: {  	v12 =	vadd.f32 v19, v12;
	_ =	sdelay $0x1  }
0x4d7: {  	v12 =	vadd.f32 v20, v12  }
0x4d8: {  	_ = 	snop  }
0x4d9: {  	v11 =	vsub.f32 v13, v11;
	_ =	sdelay $0x1  }
0x4da: {  	v11 =	vsel vm0, $0x0, v11  }
0x4db: {  	v14 =	vmul.f32 $1.000000010e-01, v11;
	_ =	sdelay $0x1  }
0x4dc: {  	v12 =	vadd.f32 v15, v12;
	v63 =	vsub.f32 v13, v14;
	_ =	sdelay $0x1  }
0x4dd: {  	v12 =	vadd.f32 v16, v12;
	[tilespmem:v17+s30+$0x0] =	vst.idx.msk $0xffff, v63;
	(ifvalue) =	ssetifvalue $0xFFFFFFFF  }
0x4de: {  	s0 =	simm.s32 $0x103A8;
	(ifvalue) =	ssetifvalue $0xFFFFFFFF  }
0x4df: {  	v11 =	vmul.f32 v11, v11;
	v12 =	vadd.f32 v18, v12;
	[hbm4b:s3+s17] =	stream.indirect.scatter [tilespmem:s30], [sflag:$0x5], $0x80, s0, s17, $0x40b8;
	[tilespmem:$0x1F428] =	vst v63  }
0x4e0: {  	_ =	swait.ge [sflag:s20], $0x4000  }
0x4e1: {  	v11 =	vadd.f32 v11, v12;
	[sflag:s20] =	ssyncset.done $0x0  }
0x4e2: {  	[sflag:s20] =	ssyncadd.s32 $0xFFFFC000  }
0x4e3: {  	s5 =	simm.s32 $0x1F3A8;
	s6 =	rddreg [dreg:$0x11];
	[tilespmem:$0x1F3A8] =	vst v11  }
0x4e4: {  	[hbm4b:s6+s16] =	stream.linear.scatter [tilespmem:s5], [sflag:$0x5], $0x80, $0x38;
	[tilespmem:$0x1F428] =	vst v63  }
0x4e5: {  	_ =	swait.ge [sflag:s20], $0x80  }
0x4e6: {  	[sflag:s20] =	ssyncset.done $0x0  }
0x4e7: {  	[sflag:s20] =	ssyncadd.s32 $0xFFFFFF80  }
0x4e8: {  	s0 =	simm.s32 @!p0 $0x0;
	[bflag:$0x0] =	sbarrier.arrive $0xFFFF  }
0x4e9: {  	[smem:$0x0] =	sst @!p0 s0  }
0x4ea: {  	s17 =	simm.s32 $0x1;
	[bflag:$0x0] =	sbarrier.arrive $0xFFFF  }
0x4eb: {  	[sflag:s17] =	ssyncset.done $0x0  }
0x4ec: {  	[smem:s16], [sflag:$0x1] =	smem.add.s32 s9  }
0x4ed: {  	_ =	swait.done [sflag:s17]  }
0x4ee: {  	[sflag:s17] =	ssyncset.s32 $0x0  }
0x4ef: {  	[sflag:s17] =	ssyncset.done $0x0  }
0x4f0: {  	s18 =	simm.s32 $0x2;
	[bflag:$0x0] =	sbarrier.arrive $0xFFFF  }
0x4f1: {  	[sflag:s18] =	ssyncset.done $0x0  }
0x4f2: {  	[smem:s16], [sflag:$0x2] =	smem.add.s32 $0x0  }
0x4f3: {  	_ =	swait.done [sflag:s18]  }
0x4f4: {  	s19 =	ssyncread [sflag:$0x2];
	_ =	sdelay $0x2  }
0x4f5: {  	p1 =	slt.s32 s19, $0x1  }
.Ltmp12:
0x4f6: {  	_ = 	snop;
	(pc) =	sbr.rel @!p1 .LBB2_22-.Ltmp12, $4  }
.Ltmp13:
0x4f7: {  	_ = 	snop;
	(pc) =	sbr.rel @p1 .LBB2_30-.Ltmp13, $4  }
0x4f8: {  	_ = 	snop  }
0x4f9: {  	[sflag:s18] =	ssyncset.s32 $0x0  }
0x4fa: {  	s17 =	simm.s32 $0x3;
	[sflag:s18] =	ssyncset.done $0x0  }
0x4fb: {  	_ = 	snop  }
.LBB2_32:
0x4fc: {  	[bflag:$0x0] =	sbarrier.arrive $0xFFFF;
	s9 =	simm.s32 $0x0  }
.LBB2_29:
0x4fd: {  	[bflag:$0x0] =	sbarrier.arrive $0xFFFF;
	s0 =	simm.s32 @!p0 $0x0  }
0x4fe: {  	[smem:$0x0] =	sst @!p0 s0  }
0x4ff: {  	[bflag:$0x0] =	sbarrier.arrive $0xFFFF  }
0x500: {  	[sflag:s17] =	ssyncset.done $0x0  }
0x501: {  	[smem:s16], [sflag:$0x3] =	smem.add.s32 s9  }
0x502: {  	_ =	swait.done [sflag:s17]  }
0x503: {  	[sflag:s17] =	ssyncset.s32 $0x0  }
0x504: {  	[sflag:s17] =	ssyncset.done $0x0  }
0x505: {  	[bflag:$0x0] =	sbarrier.arrive $0xFFFF  }
0x506: {  	[sflag:s23] =	ssyncset.done $0x0  }
0x507: {  	[smem:s16], [sflag:$0x4] =	smem.add.s32 $0x0  }
0x508: {  	_ =	swait.done [sflag:s23]  }
0x509: {  	s19 =	ssyncread [sflag:$0x4];
	_ =	sdelay $0x2  }
0x50a: {  	p1 =	sgt.s32 s19, $0x0  }
.Ltmp14:
0x50b: {  	_ = 	snop;
	(pc) =	sbr.rel @!p1 .LBB2_30-.Ltmp14, $3  }
0x50c: {  	_ =	sdelay $0x1  }
0x50d: {  	[sflag:s23] =	ssyncset.s32 $0x0  }
0x50e: {  	[sflag:s23] =	ssyncset.done $0x0  }
.LBB2_22:
0x50f: {  	s0 =	sadd.s32 $0xF, s9  }
0x510: {  	s5 =	sand.u32 $0xF, s0  }
0x511: {  	s6 =	sshra.s32 s0, $0x1F;
	p1 =	slt.s32 s0, $0x1;
	p2 =	sne.s32 s5, $0x0  }
0x512: {  	s19 =	sshrl.u32 s6, $0x1C;
	p1 =	por !p1, !p2  }
0x513: {  	s5 =	simm.s32 $0x1;
	s0 =	sadd.s32 s19, s0;
	p1 =	por !p1, !p1  }
0x514: {  	s0 =	sshra.s32 s0, $0x4;
	s5 =	simm.s32 @!p1 $0x0  }
0x515: {  	s0 =	ssub.s32 s0, s5  }
0x516: {  	p1 =	slt.s32 s0, $0x1  }
.Ltmp15:
0x517: {  	_ = 	snop;
	(pc) =	sbr.rel @p1 .LBB2_32-.Ltmp15, $1  }
0x518: {  	_ =	sdelay $0x3  }
0x519: {  	s5 =	simm.s32 $0x10C28  }
0x51a: {  	v12 =	vld [tilespmem:s5+$0x0];
	_ =	sdelay $0x1  }
0x51b: {  	s6 =	simm.s32 $0x0  }
0x51c: {  	v11 =	vmov s9;
	v13 =	vor.u32 s6, v1  }
0x51d: {  	vm0 =	vlt.s32 v13, v11  }
0x51e: {  	v12 =	vnsel vm0, $0x0, v12;
	_ =	sdelay $0x4  }
0x51f: {  	v62 =	vld.idx.msk [tilespmem:v12+s28+$0x0], $0xffff;
	_ =	sdelay $0x3  }
0x520: {  	v12 =	vadd.s32 v2, v12  }
0x521: {  	p1 =	seq.s32 s0, $0x1;
	[tilespmem:$0x1D0A8] =	vst v12;
	v63 =	vnsel vm0, $0xFFFFFFFF, v62  }
.Ltmp16:
0x522: {  	[tilespmem:$0x1D1A8] =	vst v63;
	(ifvalue) =	ssetifvalue $0xFFFFFFFF;
	(pc) =	sbr.rel @p1 .LBB2_25-.Ltmp16, $4  }
0x523: {  	(ifvalue) =	ssetifvalue $0xFFFFFFFF  }
0x524: {  	[spmem:s4] =	stream.indirect.scatter [tilespmem:s31], [sflag:$0x5], $0x1, s25, s24, $0x40b8;
	[tilespmem:$0x1F428] =	vst v63  }
0x525: {  	_ =	swait.ge [sflag:s20], $0x10  }
0x526: {  	s9 =	sadd.s32 $0xFFFFFFFF, s0;
	[sflag:s20] =	ssyncset.done $0x0  }
.LBB2_24:
0x527: {  	[sflag:s20] =	ssyncadd.s32 $0xFFFFFFF0;
	s5 =	sadd.s32 $0x10, s5;
	s6 =	sadd.s32 $0x10, s6  }
0x528: {  	p1 =	seq.s32 s9, $0x1;
	s9 =	sadd.s32 $0xFFFFFFFF, s9;
	v12 =	vld [tilespmem:s5+$0x0];
	_ =	sdelay $0x2  }
0x529: {  	v13 =	vor.u32 s6, v1  }
0x52a: {  	vm0 =	vlt.s32 v13, v11  }
0x52b: {  	v12 =	vnsel vm0, $0x0, v12;
	_ =	sdelay $0x4  }
0x52c: {  	v13 =	vld.idx.msk [tilespmem:v12+s28+$0x0], $0xffff;
	v12 =	vadd.s32 v2, v12  }
0x52d: {  	[tilespmem:$0x1D0A8] =	vst v12;
	_ =	sdelay $0x4  }
0x52e: {  	v12 =	vnsel vm0, $0xFFFFFFFF, v13  }
0x52f: {  	[tilespmem:$0x1D1A8] =	vst v12  }
.Ltmp17:
0x530: {  	(ifvalue) =	ssetifvalue $0xFFFFFFFF;
	(pc) =	sbr.rel @!p1 .LBB2_24-.Ltmp17, $4  }
0x531: {  	(ifvalue) =	ssetifvalue $0xFFFFFFFF  }
0x532: {  	[spmem:s4] =	stream.indirect.scatter [tilespmem:s31], [sflag:$0x5], $0x1, s25, s24, $0x40b8;
	[tilespmem:$0x1F428] =	vst v63  }
0x533: {  	_ =	swait.ge [sflag:s20], $0x10  }
0x534: {  	[sflag:s20] =	ssyncset.done $0x0  }
.LBB2_25:
0x535: {  	[sflag:s20] =	ssyncadd.s32 $0xFFFFFFF0  }
0x536: {  	s9 =	simm.s32 $0x0;
	s19 =	simm.s32 $0x0;
	[bflag:$0x0] =	sbarrier.arrive $0xFFFF  }
.LBB2_26:
0x537: {  	s5 =	sshll.u32 s19, $0x4  }
0x538: {  	v12 =	vld [tilespmem:s5+$0x10C28];
	_ =	sdelay $0x2  }
0x539: {  	v13 =	vor.u32 s5, v1  }
0x53a: {  	vm0 =	vlt.s32 v13, v11  }
0x53b: {  	v12 =	vnsel vm0, $0x0, v12;
	_ =	sdelay $0x4  }
0x53c: {  	v13 =	vld.idx.msk [tilespmem:v12+s28+$0x0], $0xffff;
	_ =	sdelay $0x4  }
0x53d: {  	v14 =	vnsel vm0, $0xFFFFFFFF, v13  }
0x53e: {  	[tilespmem:$0x1D1A8] =	vst v14;
	(ifvalue) =	ssetifvalue $0xFFFFFFFF  }
0x53f: {  	(ifvalue) =	ssetifvalue $0xFFFFFFFF  }
0x540: {  	[tilespmem:s21], [sflag:$0x5] =	stream.indirect.gather [spmem:s4], $0x1, s25, s24, $0x40b8;
	[tilespmem:$0x1F428] =	vst v63  }
0x541: {  	_ =	swait.ge [sflag:s20], $0x10  }
0x542: {  	[sflag:s20] =	ssyncset.done $0x0  }
0x543: {  	[sflag:s20] =	ssyncadd.s32 $0xFFFFFFF0  }
0x544: {  	v14 =	vld [tilespmem:$0x1D128];
	_ =	sdelay $0x3  }
0x545: {  	v15 =	vadd.s32 v2, v12;
	v16 =	vld.idx.msk [tilespmem:v12+s7+$0x0], $0xffff  }
0x546: {  	vm1 =	veq.s32 v14, v15  }
0x547: {  	vm1 =	vmand vm0, vm1  }
0x548: {  	v13 =	vnsel vm1, $0xFFFFFFFF, v13  }
0x549: {  	[tilespmem:$0x1D228] =	vst v13;
	v13 =	vnsel vm1, $0xFFFFFFFF, v15  }
0x54a: {  	[tilespmem:$0x1D2A8] =	vst v13;
	v13 =	vnsel vm1, $0xFFFFFFFF, v16  }
0x54b: {  	[tilespmem:$0x1D328] =	vst v13;
	(ifvalue) =	ssetifvalue $0xFFFFFFFF  }
0x54c: {  	(ifvalue) =	ssetifvalue $0xFFFFFFFF  }
0x54d: {  	[tilespmem:s10], [sflag:$0x5] =	stream.indirect.gather [hbm4b:s2+s24], $0x80, s8, s24, $0x40b8;
	[tilespmem:$0x1F428] =	vst v63  }
0x54e: {  	_ =	swait.ge [sflag:s20], $0x800  }
0x54f: {  	[sflag:s20] =	ssyncset.done $0x0  }
0x550: {  	[sflag:s20] =	ssyncadd.s32 $0xFFFFF800;
	(ifvalue) =	ssetifvalue $0xFFFFFFFF  }
0x551: {  	(ifvalue) =	ssetifvalue $0xFFFFFFFF  }
0x552: {  	[tilespmem:s12], [sflag:$0x5] =	stream.indirect.gather [hbm4b:s1+s24], $0x80, s11, s24, $0x40b8;
	[tilespmem:$0x1F428] =	vst v63  }
0x553: {  	_ =	swait.ge [sflag:s20], $0x800  }
0x554: {  	[sflag:s20] =	ssyncset.done $0x0  }
0x555: {  	s18 =	simm.s32 $0x0;
	[sflag:s20] =	ssyncadd.s32 $0xFFFFF800;
	(ifvalue) =	ssetifvalue $0xFFFFFFFF  }
0x556: {  	v13 =	vor.u32 s18, v1;
	(ifvalue) =	ssetifvalue $0xFFFFFFFF  }
0x557: {  	[tilespmem:s14], [sflag:$0x5] =	stream.indirect.gather [hbm4b:s3+s24], $0x80, s13, s24, $0x40b8;
	[tilespmem:$0x1F428] =	vst v63  }
0x558: {  	_ =	swait.ge [sflag:s20], $0x800  }
0x559: {  	[sflag:s20] =	ssyncset.done $0x0  }
0x55a: {  	[sflag:s20] =	ssyncadd.s32 $0xFFFFF800  }
0x55b: {  	v14 =	vld.idx.msk [tilespmem:v13+s10+$0x0], $0xffff  }
0x55c: {  	v15 =	vld.idx.msk [tilespmem:v13+s12+$0x0], $0xffff;
	_ =	sdelay $0x3  }
0x55d: {  	v16 =	vld.idx.msk [tilespmem:v13+s14+$0x0], $0xffff  }
0x55e: {  	v14 =	vsub.f32 v14, v15;
	_ =	sdelay $0x1  }
0x55f: {  	v15 =	vor.u32 s18, v4;
	v14 =	vmul.f32 $1.000000010e-01, v14;
	_ =	sdelay $0x1  }
0x560: {  	v14 =	vsub.f32 v16, v14;
	_ =	sdelay $0x1  }
0x561: {  	[tilespmem:v13+s15+$0x0] =	vst.idx.msk $0xffff, v14  }
0x562: {  	v13 =	vld.idx.msk [tilespmem:v15+s10+$0x0], $0xffff  }
0x563: {  	v14 =	vld.idx.msk [tilespmem:v15+s12+$0x0], $0xffff;
	_ =	sdelay $0x3  }
0x564: {  	v16 =	vld.idx.msk [tilespmem:v15+s14+$0x0], $0xffff  }
0x565: {  	v13 =	vsub.f32 v13, v14;
	_ =	sdelay $0x1  }
0x566: {  	v14 =	vor.u32 s18, v5;
	v13 =	vmul.f32 $1.000000010e-01, v13;
	_ =	sdelay $0x1  }
0x567: {  	v13 =	vsub.f32 v16, v13;
	_ =	sdelay $0x1  }
0x568: {  	[tilespmem:v15+s15+$0x0] =	vst.idx.msk $0xffff, v13  }
0x569: {  	v13 =	vld.idx.msk [tilespmem:v14+s10+$0x0], $0xffff  }
0x56a: {  	v15 =	vld.idx.msk [tilespmem:v14+s12+$0x0], $0xffff;
	_ =	sdelay $0x3  }
0x56b: {  	v16 =	vld.idx.msk [tilespmem:v14+s14+$0x0], $0xffff  }
0x56c: {  	v13 =	vsub.f32 v13, v15;
	_ =	sdelay $0x1  }
0x56d: {  	v15 =	vor.u32 s18, v6;
	v13 =	vmul.f32 $1.000000010e-01, v13;
	_ =	sdelay $0x1  }
0x56e: {  	v13 =	vsub.f32 v16, v13;
	_ =	sdelay $0x1  }
0x56f: {  	[tilespmem:v14+s15+$0x0] =	vst.idx.msk $0xffff, v13  }
0x570: {  	v13 =	vld.idx.msk [tilespmem:v15+s10+$0x0], $0xffff  }
0x571: {  	v14 =	vld.idx.msk [tilespmem:v15+s12+$0x0], $0xffff;
	_ =	sdelay $0x3  }
0x572: {  	v16 =	vld.idx.msk [tilespmem:v15+s14+$0x0], $0xffff  }
0x573: {  	v13 =	vsub.f32 v13, v14;
	_ =	sdelay $0x1  }
0x574: {  	v14 =	vor.u32 s18, v7;
	v13 =	vmul.f32 $1.000000010e-01, v13;
	_ =	sdelay $0x1  }
0x575: {  	v13 =	vsub.f32 v16, v13;
	_ =	sdelay $0x1  }
0x576: {  	[tilespmem:v15+s15+$0x0] =	vst.idx.msk $0xffff, v13  }
0x577: {  	v13 =	vld.idx.msk [tilespmem:v14+s10+$0x0], $0xffff  }
0x578: {  	v15 =	vld.idx.msk [tilespmem:v14+s12+$0x0], $0xffff;
	_ =	sdelay $0x3  }
0x579: {  	v16 =	vld.idx.msk [tilespmem:v14+s14+$0x0], $0xffff  }
0x57a: {  	v13 =	vsub.f32 v13, v15;
	_ =	sdelay $0x1  }
0x57b: {  	v15 =	vor.u32 s18, v8;
	v13 =	vmul.f32 $1.000000010e-01, v13;
	_ =	sdelay $0x1  }
0x57c: {  	v13 =	vsub.f32 v16, v13;
	_ =	sdelay $0x1  }
0x57d: {  	[tilespmem:v14+s15+$0x0] =	vst.idx.msk $0xffff, v13  }
0x57e: {  	v13 =	vld.idx.msk [tilespmem:v15+s10+$0x0], $0xffff  }
0x57f: {  	v14 =	vld.idx.msk [tilespmem:v15+s12+$0x0], $0xffff;
	_ =	sdelay $0x3  }
0x580: {  	v16 =	vld.idx.msk [tilespmem:v15+s14+$0x0], $0xffff  }
0x581: {  	v13 =	vsub.f32 v13, v14;
	_ =	sdelay $0x1  }
0x582: {  	v14 =	vor.u32 s18, v9;
	v13 =	vmul.f32 $1.000000010e-01, v13;
	_ =	sdelay $0x1  }
0x583: {  	v13 =	vsub.f32 v16, v13;
	_ =	sdelay $0x1  }
0x584: {  	[tilespmem:v15+s15+$0x0] =	vst.idx.msk $0xffff, v13  }
0x585: {  	v13 =	vld.idx.msk [tilespmem:v14+s10+$0x0], $0xffff  }
0x586: {  	v15 =	vld.idx.msk [tilespmem:v14+s12+$0x0], $0xffff;
	_ =	sdelay $0x3  }
0x587: {  	v16 =	vld.idx.msk [tilespmem:v14+s14+$0x0], $0xffff  }
0x588: {  	v13 =	vsub.f32 v13, v15;
	_ =	sdelay $0x1  }
0x589: {  	v15 =	vmul.f32 $1.000000010e-01, v13;
	v13 =	vor.u32 s18, v10;
	_ =	sdelay $0x1  }
0x58a: {  	v15 =	vsub.f32 v16, v15;
	_ =	sdelay $0x1  }
0x58b: {  	[tilespmem:v14+s15+$0x0] =	vst.idx.msk $0xffff, v15  }
0x58c: {  	v15 =	vld.idx.msk [tilespmem:v13+s10+$0x0], $0xffff  }
0x58d: {  	v16 =	vld.idx.msk [tilespmem:v13+s12+$0x0], $0xffff  }
0x58e: {  	s6 =	simm.s32 $0x1;
	v14 =	vld.idx.msk [tilespmem:v13+s14+$0x0], $0xffff  }
.LBB2_27:
0x58f: {  	p1 =	sne.s32 s6, $0xF;
	s5 =	smov.u32 s6;
	s6 =	sadd.s32 $0x1, s6  }
0x590: {  	_ =	sdelay $0x1  }
0x591: {  	s18 =	sshll.u32 s5, $0x7;
	v15 =	vsub.f32 v15, v16  }
0x592: {  	v16 =	vor.u32 s18, v1  }
0x593: {  	v15 =	vmul.f32 $1.000000010e-01, v15;
	_ =	sdelay $0x1  }
0x594: {  	v14 =	vsub.f32 v14, v15;
	_ =	sdelay $0x1  }
0x595: {  	[tilespmem:v13+s15+$0x0] =	vst.idx.msk $0xffff, v14  }
0x596: {  	v13 =	vld.idx.msk [tilespmem:v16+s10+$0x0], $0xffff  }
0x597: {  	v14 =	vld.idx.msk [tilespmem:v16+s12+$0x0], $0xffff;
	_ =	sdelay $0x3  }
0x598: {  	v15 =	vld.idx.msk [tilespmem:v16+s14+$0x0], $0xffff;
	_ =	sdelay $0x1  }
0x599: {  	v13 =	vsub.f32 v13, v14;
	_ =	sdelay $0x1  }
0x59a: {  	v14 =	vor.u32 s18, v4;
	v13 =	vmul.f32 $1.000000010e-01, v13;
	_ =	sdelay $0x1  }
0x59b: {  	v13 =	vsub.f32 v15, v13;
	_ =	sdelay $0x1  }
0x59c: {  	[tilespmem:v16+s15+$0x0] =	vst.idx.msk $0xffff, v13  }
0x59d: {  	v13 =	vld.idx.msk [tilespmem:v14+s10+$0x0], $0xffff  }
0x59e: {  	v15 =	vld.idx.msk [tilespmem:v14+s12+$0x0], $0xffff;
	_ =	sdelay $0x3  }
0x59f: {  	v16 =	vld.idx.msk [tilespmem:v14+s14+$0x0], $0xffff;
	_ =	sdelay $0x1  }
0x5a0: {  	v13 =	vsub.f32 v13, v15;
	_ =	sdelay $0x1  }
0x5a1: {  	v15 =	vor.u32 s18, v5;
	v13 =	vmul.f32 $1.000000010e-01, v13;
	_ =	sdelay $0x1  }
0x5a2: {  	v13 =	vsub.f32 v16, v13;
	_ =	sdelay $0x1  }
0x5a3: {  	[tilespmem:v14+s15+$0x0] =	vst.idx.msk $0xffff, v13  }
0x5a4: {  	v13 =	vld.idx.msk [tilespmem:v15+s10+$0x0], $0xffff  }
0x5a5: {  	v14 =	vld.idx.msk [tilespmem:v15+s12+$0x0], $0xffff;
	_ =	sdelay $0x3  }
0x5a6: {  	v16 =	vld.idx.msk [tilespmem:v15+s14+$0x0], $0xffff;
	_ =	sdelay $0x1  }
0x5a7: {  	v13 =	vsub.f32 v13, v14;
	_ =	sdelay $0x1  }
0x5a8: {  	v14 =	vor.u32 s18, v6;
	v13 =	vmul.f32 $1.000000010e-01, v13;
	_ =	sdelay $0x1  }
0x5a9: {  	v13 =	vsub.f32 v16, v13;
	_ =	sdelay $0x1  }
0x5aa: {  	[tilespmem:v15+s15+$0x0] =	vst.idx.msk $0xffff, v13  }
0x5ab: {  	v13 =	vld.idx.msk [tilespmem:v14+s10+$0x0], $0xffff  }
0x5ac: {  	v15 =	vld.idx.msk [tilespmem:v14+s12+$0x0], $0xffff;
	_ =	sdelay $0x3  }
0x5ad: {  	v16 =	vld.idx.msk [tilespmem:v14+s14+$0x0], $0xffff;
	_ =	sdelay $0x1  }
0x5ae: {  	v13 =	vsub.f32 v13, v15;
	_ =	sdelay $0x1  }
0x5af: {  	v15 =	vor.u32 s18, v7;
	v13 =	vmul.f32 $1.000000010e-01, v13;
	_ =	sdelay $0x1  }
0x5b0: {  	v13 =	vsub.f32 v16, v13;
	_ =	sdelay $0x1  }
0x5b1: {  	[tilespmem:v14+s15+$0x0] =	vst.idx.msk $0xffff, v13  }
0x5b2: {  	v13 =	vld.idx.msk [tilespmem:v15+s10+$0x0], $0xffff  }
0x5b3: {  	v14 =	vld.idx.msk [tilespmem:v15+s12+$0x0], $0xffff;
	_ =	sdelay $0x3  }
0x5b4: {  	v16 =	vld.idx.msk [tilespmem:v15+s14+$0x0], $0xffff;
	_ =	sdelay $0x1  }
0x5b5: {  	v13 =	vsub.f32 v13, v14;
	_ =	sdelay $0x1  }
0x5b6: {  	v14 =	vor.u32 s18, v8;
	v13 =	vmul.f32 $1.000000010e-01, v13;
	_ =	sdelay $0x1  }
0x5b7: {  	v13 =	vsub.f32 v16, v13;
	_ =	sdelay $0x1  }
0x5b8: {  	[tilespmem:v15+s15+$0x0] =	vst.idx.msk $0xffff, v13  }
0x5b9: {  	v13 =	vld.idx.msk [tilespmem:v14+s10+$0x0], $0xffff  }
0x5ba: {  	v15 =	vld.idx.msk [tilespmem:v14+s12+$0x0], $0xffff  }
0x5bb: {  	v16 =	vld.idx.msk [tilespmem:v14+s14+$0x0], $0xffff;
	_ =	sdelay $0x4  }
0x5bc: {  	v13 =	vsub.f32 v13, v15;
	_ =	sdelay $0x1  }
0x5bd: {  	v15 =	vor.u32 s18, v9;
	v13 =	vmul.f32 $1.000000010e-01, v13;
	_ =	sdelay $0x1  }
0x5be: {  	v13 =	vsub.f32 v16, v13;
	_ =	sdelay $0x1  }
0x5bf: {  	[tilespmem:v14+s15+$0x0] =	vst.idx.msk $0xffff, v13  }
0x5c0: {  	v13 =	vld.idx.msk [tilespmem:v15+s10+$0x0], $0xffff  }
0x5c1: {  	v14 =	vld.idx.msk [tilespmem:v15+s12+$0x0], $0xffff  }
0x5c2: {  	v16 =	vld.idx.msk [tilespmem:v15+s14+$0x0], $0xffff;
	_ =	sdelay $0x4  }
0x5c3: {  	v13 =	vsub.f32 v13, v14;
	_ =	sdelay $0x1  }
0x5c4: {  	v14 =	vmul.f32 $1.000000010e-01, v13;
	v13 =	vor.u32 s18, v10;
	_ =	sdelay $0x1  }
0x5c5: {  	v14 =	vsub.f32 v16, v14  }
.Ltmp18:
0x5c6: {  	(pc) =	sbr.rel @p1 .LBB2_27-.Ltmp18, $4  }
0x5c7: {  	[tilespmem:v15+s15+$0x0] =	vst.idx.msk $0xffff, v14  }
0x5c8: {  	v15 =	vld.idx.msk [tilespmem:v13+s10+$0x0], $0xffff  }
0x5c9: {  	v16 =	vld.idx.msk [tilespmem:v13+s12+$0x0], $0xffff  }
0x5ca: {  	v14 =	vld.idx.msk [tilespmem:v13+s14+$0x0], $0xffff  }
0x5cb: {  	_ =	sdelay $0x2  }
0x5cc: {  	v15 =	vsub.f32 v15, v16;
	_ =	sdelay $0x1  }
0x5cd: {  	v15 =	vmul.f32 $1.000000010e-01, v15;
	_ =	sdelay $0x1  }
0x5ce: {  	v14 =	vsub.f32 v14, v15;
	_ =	sdelay $0x1  }
0x5cf: {  	[tilespmem:v13+s15+$0x0] =	vst.idx.msk $0xffff, v14;
	(ifvalue) =	ssetifvalue $0xFFFFFFFF  }
0x5d0: {  	(ifvalue) =	ssetifvalue $0xFFFFFFFF  }
0x5d1: {  	vm0 =	vmxor vm0, vm1;
	[hbm4b:s3+s24] =	stream.indirect.scatter [tilespmem:s15], [sflag:$0x5], $0x80, s13, s24, $0x40b8;
	[tilespmem:$0x1F428] =	vst v63  }
0x5d2: {  	v62 =	vsel vm0, $0x1, v3;
	_ =	swait.ge [sflag:s20], $0x800  }
0x5d3: {  	(xrf0) =	vadd.scan.msk.s32 $0xffff, v62;
	_ =	sdelay $0x5  }
0x5d4: {  	v13, _, _ =	vpop (xrf0)  }
0x5d5: {  	(v2sf) =	vpush v13, $0xF;
	_ =	sdelay $0x4  }
0x5d6: {  	v63 =	vmov s9  }
0x5d7: {  	v14 =	vadd.s32 $0xFFFFFFFF, v63  }
0x5d8: {  	v14 =	vbroadcast v14, $0x0;
	_ =	sdelay $0x1  }
0x5d9: {  	v13 =	vadd.s32 v13, v14  }
0x5da: {  	s19 =	sadd.s32 $0x1, s19;
	vm15 =	vgt.s32 v13, $0x0  }
0x5db: {  	p1 =	sne.s32 s19, s0;
	v13 =	vnsel vm15, $0x0, v13  }
.Ltmp19:
0x5dc: {  	_ = 	snop;
	(pc) =	sbr.rel @p1 .LBB2_26-.Ltmp19, $4  }
.Ltmp20:
0x5dd: {  	_ = 	snop;
	(pc) =	sbr.rel @!p1 .LBB2_29-.Ltmp20, $4  }
0x5de: {  	[sflag:s20] =	ssyncset.done $0x0  }
0x5df: {  	[sflag:s20] =	ssyncadd.s32 $0xFFFFF800;
	s5 =	spop (v2sf)  }
0x5e0: {  	[tilespmem:v13+s22+$0x0] =	vst.idx.msk vm0, v12;
	s9 =	sadd.s32 s9, s5  }
0x5e1: {  	_ = 	snop  }
.LBB2_31:
0x5e2: {  	_ =	sfence.sel $0x180000  }
0x5e3: {  	[bflag:$0x0] =	sbarrier.arrive $0xFFFF  }
0x5e4: {  	_ =	strace $0x90000047  }
0x5e5: {  	[bflag:$0x2] =	sbarrier.arrive $0xFFFF  }
0x5e6: {  	s0 =	rddreg [dreg:$0x5]  }
0x5e7: {  	s0 =	sadd.s32 @!p0 $0x100000, s0  }
0x5e8: {  	[sflag:s0] =	ssyncadd.tile.s32 @!p0 $0x1;
	_ =	shalt  }
.Lfunc_end2:
_tile_overlayer_lowered:
.L_overlay_start_2:
0x5e9: {  	(tag) =	ssettag $0x2  }
0x5ea: {  	s0 =	rddreg [dreg:$0x0];
	s2 =	stileid.u32  }
0x5eb: {  	s1 =	rddreg [dreg:$0x1];
	p0 =	sne.s32 s2, $0x0  }
0x5ec: {  	s3 =	rddreg [dreg:$0x2];
	[bflag:$0x3] =	sbarrier.arrive $0xFFFF;
	s2 =	simm.s32 @!p0 $0x1C01  }
0x5ed: {  	[timem:s3], [sflag:s2] =	dma.local @!p0 [hbm:s0], s1  }
0x5ee: {  	s0 =	simm.s32 @!p0 $0x1  }
0x5ef: {  	_ =	swait.ge @!p0 [sflag:s0], s1  }
0x5f0: {  	s1 =	ssub.s32 @!p0 $0x0, s1;
	[sflag:s0] =	ssyncset.done @!p0 $0x0  }
0x5f1: {  	[sflag:s0] =	ssyncadd.s32 @!p0 s1  }
0x5f2: {  	[bflag:$0x3] =	sbarrier.arrive $0xFFFF  }
0x5f3: {  	_ =	shalt  }

// kernel: kernel.8.cloned.1.call-start
scs
__scs_entry_jumppad:
0x0: {  	(pc) =	sbr.rel $0x88, $3  }
0x1: {  	(tag) =	ssettag $0x0;
	lr =	simm.s32 $0x1  }
0x2: {  	[smem:$0x3F9E] =	sst lr;
	_ =	strace $0xD0000000  }
0x3: {  	_ = 	snop  }
0x4: {  	_ = 	snop  }
0x5: {  	_ = 	snop  }
0x6: {  	_ = 	snop  }
0x7: {  	_ = 	snop  }
__scs_overlays_trampoline_lowered:
0x8: {  	[smem:$0x3FAD] =	sst s0  }
0x9: {  	[smem:$0x3FAE] =	sst s1  }
0xa: {  	[smem:$0x3FAF] =	sst s2  }
0xb: {  	[smem:$0x3FB0] =	sst s3  }
0xc: {  	[smem:$0x3FB1] =	sst s4  }
0xd: {  	[smem:$0x3FB2] =	sst s5  }
0xe: {  	[smem:$0x3FB3] =	sst s6  }
0xf: {  	[smem:$0x3FB4] =	sst s7  }
0x10: {  	[smem:$0x3FB5] =	sst s8  }
0x11: {  	[smem:$0x3FB6] =	sst s9;
	s0 =	simm.s32 @!p0 $0x0  }
0x12: {  	s1 =	sld [smem:$0x3F9C];
	s0 =	simm.s32 @p0 $0x1  }
0x13: {  	[smem:$0x3FB7] =	sst s0;
	s0 =	simm.s32 @!p1 $0x0  }
0x14: {  	s2 =	sld [smem:$0x3F9B];
	s0 =	simm.s32 @p1 $0x1  }
0x15: {  	[smem:$0x3FB8] =	sst s0;
	s0 =	simm.s32 @!p2 $0x0  }
0x16: {  	s3 =	sld [smem:$0x3FDB];
	s0 =	simm.s32 @p2 $0x1  }
0x17: {  	s4 =	simm.s32 $0x1BF5;
	[smem:$0x3FBA] =	sst s0  }
0x18: {  	s0 =	sld [smem:$0x3F9D];
	_ =	swait.ge [sflag:s4], $0x0  }
0x19: {  	s7 =	sld [smem:$0x3F9E]  }
0x1a: {  	s8 =	sadd.s32 $0xFFFFE003, lr  }
0x1b: {  	s9 =	sadd.s32 $0xFFFFFEF7, lr;
	s5 =	simm.s32 $0xFFFFFFFF;
	p2 =	slt.u32 s8, $0xFFFFF086  }
0x1c: {  	p1 =	slt.u32 s9, $0xF7A;
	s5 =	simm.s32 @!p2 $0x0  }
0x1d: {  	s5 =	simm.s32 @p1 $0x1;
	p0 =	seq.s32 s7, s2  }
0x1e: {  	s7 =	smul.u32 @!p0 $0xF7A, s2;
	p2 =	seq.s32 @!p0 s5, $0x0  }
0x1f: {  	s9 =	smul.u32 $0xF7A, s1;
	s8 =	simm.s32 @!p0 $0x1BF5;
	p2 =	por !p2, p0  }
0x20: {  	[sflag:s8] =	ssyncset.s32 @!p0 $0xFFFFF086;
	s6 =	sadd.s32 @!p0 s3, s7;
	s7 =	simm.s32 @!p0 $0x108  }
0x21: {  	s3 =	sadd.s32 s3, s9;
	s6 =	sadd.s32 @!p0 $0x88, s6;
	s7 =	simm.s32 @p2 $0x1082  }
0x22: {  	[simem:s7], [sflag:s8] =	dma.local @!p0 [hbm:s6], $0xF7A  }
0x23: {  	s9 =	sor.u32 $0xD0000000, s2;
	s6 =	simm.s32 $0x108;
	_ =	swait.ge @!p0 [sflag:s8], $0x0  }
0x24: {  	s3 =	sadd.s32 $0x88, s3;
	s6 =	simm.s32 @!p1 $0x1082;
	[sflag:s4] =	ssyncset.s32 $0xFFFFF086  }
0x25: {  	[simem:s6], [sflag:s4] =	dma.local [hbm:s3], $0xF7A  }
0x26: {  	[smem:$0x3F9E] =	sst s1;
	(tag) =	ssettag s2;
	_ =	strace s9  }
0x27: {  	s1 =	sld [smem:$0x3FAE]  }
0x28: {  	s2 =	sld [smem:$0x3FAF]  }
0x29: {  	s4 =	sld [smem:$0x3FB1]  }
0x2a: {  	p0 =	seq.s32 s5, $0x0;
	s5 =	sld [smem:$0x3FB2]  }
0x2b: {  	s6 =	sld [smem:$0x3FB3]  }
0x2c: {  	s7 =	sld [smem:$0x3FB4]  }
0x2d: {  	s3 =	simm.s32 $0x108;
	s8 =	sld [smem:$0x3FB5]  }
0x2e: {  	s3 =	simm.s32 @!p0 $0x1082;
	s9 =	sld [smem:$0x3FB6]  }
0x2f: {  	lr =	sadd.s32 s0, s3;
	s0 =	sld [smem:$0x3FAD]  }
0x30: {  	s3 =	sld [smem:$0x3FB0]  }
0x31: {  	[smem:$0x3FB9] =	sst s10  }
0x32: {  	s10 =	sld [smem:$0x3FB7];
	_ =	sdelay $0x3  }
0x33: {  	p0 =	seq.s32 s10, $0x1;
	s10 =	sld [smem:$0x3FB9];
	_ =	sdelay $0x3  }
0x34: {  	[smem:$0x3FB9] =	sst s10  }
0x35: {  	s10 =	sld [smem:$0x3FB8];
	_ =	sdelay $0x3  }
0x36: {  	p1 =	seq.s32 s10, $0x1;
	s10 =	sld [smem:$0x3FB9];
	_ =	sdelay $0x3  }
0x37: {  	[smem:$0x3FB9] =	sst s10  }
0x38: {  	s10 =	sld [smem:$0x3FBA]  }
0x39: {  	_ = 	snop;
	(pc) =	sbr.ind lr, $3  }
0x3a: {  	_ = 	snop  }
0x3b: {  	_ = 	snop  }
0x3c: {  	p2 =	seq.s32 s10, $0x1;
	s10 =	sld [smem:$0x3FB9]  }
0x3d: {  	_ =	shalt  }
0x3e: {  	_ =	shalt  }
0x3f: {  	_ =	shalt  }
0x40: {  	_ =	shalt  }
0x41: {  	_ =	shalt  }
0x42: {  	_ =	shalt  }
0x43: {  	_ =	shalt  }
0x44: {  	_ =	shalt  }
0x45: {  	_ =	shalt  }
0x46: {  	_ =	shalt  }
0x47: {  	_ =	shalt  }
0x48: {  	_ =	shalt  }
0x49: {  	_ =	shalt  }
0x4a: {  	_ =	shalt  }
0x4b: {  	_ =	shalt  }
0x4c: {  	_ =	shalt  }
0x4d: {  	_ =	shalt  }
0x4e: {  	_ =	shalt  }
0x4f: {  	_ =	shalt  }
0x50: {  	_ =	shalt  }
0x51: {  	_ =	shalt  }
0x52: {  	_ =	shalt  }
0x53: {  	_ =	shalt  }
0x54: {  	_ =	shalt  }
0x55: {  	_ =	shalt  }
0x56: {  	_ =	shalt  }
0x57: {  	_ =	shalt  }
0x58: {  	_ =	shalt  }
0x59: {  	_ =	shalt  }
0x5a: {  	_ =	shalt  }
0x5b: {  	_ =	shalt  }
0x5c: {  	_ =	shalt  }
0x5d: {  	_ =	shalt  }
0x5e: {  	_ =	shalt  }
0x5f: {  	_ =	shalt  }
0x60: {  	_ =	shalt  }
0x61: {  	_ =	shalt  }
0x62: {  	_ =	shalt  }
0x63: {  	_ =	shalt  }
0x64: {  	_ =	shalt  }
0x65: {  	_ =	shalt  }
0x66: {  	_ =	shalt  }
0x67: {  	_ =	shalt  }
0x68: {  	_ =	shalt  }
0x69: {  	_ =	shalt  }
0x6a: {  	_ =	shalt  }
0x6b: {  	_ =	shalt  }
0x6c: {  	_ =	shalt  }
0x6d: {  	_ =	shalt  }
0x6e: {  	_ =	shalt  }
0x6f: {  	_ =	shalt  }
0x70: {  	_ =	shalt  }
0x71: {  	_ =	shalt  }
0x72: {  	_ =	shalt  }
0x73: {  	_ =	shalt  }
0x74: {  	_ =	shalt  }
0x75: {  	_ =	shalt  }
0x76: {  	_ =	shalt  }
0x77: {  	_ =	shalt  }
0x78: {  	_ =	shalt  }
0x79: {  	_ =	shalt  }
0x7a: {  	_ =	shalt  }
0x7b: {  	_ =	shalt  }
0x7c: {  	_ =	shalt  }
0x7d: {  	_ =	shalt  }
0x7e: {  	_ =	shalt  }
0x7f: {  	_ =	shalt  }
0x80: {  	_ =	shalt  }
0x81: {  	_ =	shalt  }
0x82: {  	_ =	shalt  }
0x83: {  	_ =	shalt  }
0x84: {  	_ =	shalt  }
0x85: {  	_ =	shalt  }
0x86: {  	_ =	shalt  }
0x87: {  	_ =	shalt  }
.Lfunc_end0:
.L_simem_size_0:
called_computation.1_lowered:
.L_overlay_start_0:
0x88: {  	s2 =	sld [smem:$0x3FD9]  }
0x89: {  	s3 =	sld [smem:$0x3FFE];
	_ =	sdelay $0x1  }
0x8a: {  	s1 =	srdreg.scid  }
0x8b: {  	s0 =	sand.u32 $0x1, s1  }
0x8c: {  	s14 =	sshll.u32 s0, $0xA;
	s2 =	sadd.s32 s3, s2  }
0x8d: {  	s2 =	sadd.s32 s2, s14  }
0x8e: {  	[smem:$0x3FC5] =	sst s2  }
0x8f: {  	_ = 	snop  }
0x90: {  	s2 =	sld [smem:$0x3FD0];
	_ =	sdelay $0x2  }
0x91: {  	s15 =	simm.s32 $0xA;
	s4 =	simm.s32 $0x10  }
0x92: {  	[smem:s4], [sflag:s15] =	dma.local [hbm:s2], $0x1  }
0x93: {  	_ =	swait.eq [sflag:s15], $0x1  }
0x94: {  	[sflag:s15] =	ssyncset.done $0x0  }
0x95: {  	s16 =	sld [smem:$0x10];
	[sflag:s15] =	ssyncadd.s32 $0xFFFFFFFF  }
0x96: {  	s17 =	sld [smem:$0x12];
	(tm) =	ssettm $0x1  }
0x97: {  	s18 =	sld [smem:$0x3FFB];
	_ =	sdelay $0x3  }
0x98: {  	_ =	strace s18  }
0x99: {  	s4 =	sld [smem:$0x3FFC];
	_ =	sdelay $0x3  }
0x9a: {  	_ =	strace s4  }
0x9b: {  	s4 =	sld [smem:$0x3FFD];
	_ =	sdelay $0x3  }
0x9c: {  	_ =	strace s4  }
0x9d: {  	_ =	strace $0x8FFFFFFF  }
0x9e: {  	s19 =	sld [smem:$0x3FDB];
	_ =	sdelay $0x1  }
0x9f: {  	s5 =	simm.s32 $_scs_section_size  }
0xa0: {  	s6 =	simm.s32 $_size__tile_overlayer_lowered;
	s7 =	simm.s32 $_tile_overlayer_lowered  }
0xa1: {  	s22 =	simm.s32 $0x1BFF;
	s21 =	sshll.u32 s7, $0x1;
	s4 =	sadd.s32 s5, s19  }
0xa2: {  	s8 =	simm.s32 $0x0;
	s20 =	sshll.u32 s6, $0x1;
	s6 =	sadd.s32 s21, s4  }
0xa3: {  	[timem:s8], [sflag:s22] =	dma.local [hbm:s6], s20  }
0xa4: {  	_ =	swait.ge [sflag:s22], s20  }
0xa5: {  	s5 =	ssub.s32 $0x0, s20;
	[sflag:s22] =	ssyncset.done $0x0  }
0xa6: {  	[sflag:s22] =	ssyncadd.s32 s5;
	_ =	sdelay $0x1  }
0xa7: {  	s23 =	simm.s32 $0x1B8B  }
0xa8: {  	_ =	swait.ge [sflag:s23], $0x1  }
0xa9: {  	[sflag:s23] =	ssyncset.done $0x0  }
0xaa: {  	s25 =	simm.s32 $0x1B8E;
	s24 =	sld [smem:$0x3FFE];
	[sflag:s23] =	ssyncadd.s32 $0xFFFFFFFF  }
0xab: {  	s26 =	simm.s32 $execute0_lowered;
	[smem:$0x3FD2] =	sst s25  }
0xac: {  	s6 =	sshll.u32 s26, $0x1;
	_ =	strace $0x80000049;
	[dreg:$0x1] =	wrdreg $0xFFFFFFFF  }
0xad: {  	s28 =	simm.s32 $_size_execute0_lowered;
	s4 =	sadd.s32 s4, s6;
	[dreg:$0x0] =	wrdreg $0x0  }
0xae: {  	s6 =	sshll.u32 s28, $0x1;
	[dreg:$0x2] =	wrdreg s4  }
0xaf: {  	[dreg:$0x3] =	wrdreg s6  }
0xb0: {  	[dreg:$0x4] =	wrdreg $0xC0  }
0xb1: {  	_ =	task [dreg:s8], $0x5FFFF  }
0xb2: {  	[dreg:$0x1] =	wrdreg $0xFFFFFFFF  }
0xb3: {  	[dreg:$0x0] =	wrdreg $0x60  }
0xb4: {  	[dreg:$0x2] =	wrdreg s24  }
0xb5: {  	[dreg:$0x3] =	wrdreg s16  }
0xb6: {  	[dreg:$0x4] =	wrdreg s17  }
0xb7: {  	[dreg:$0x5] =	wrdreg $0x9  }
0xb8: {  	_ =	task.clear_ibuf [dreg:s8], $0x6FFFF;
	_ =	strace $0x90000049  }
0xb9: {  	s29 =	simm.s32 $0x9;
	_ =	strace $0x8000004B  }
0xba: {  	_ =	swait.ge [sflag:s29], $0x1  }
0xbb: {  	[sflag:s29] =	ssyncadd.s32 $0xFFFFFFFF  }
0xbc: {  	_ =	strace $0x9000004B  }
0xbd: {  	_ =	sfence  }
0xbe: {  	s30 =	sld [smem:$0x0];
	_ =	sdelay $0x2  }
0xbf: {  	s31 =	sshll.u32 s1, $0xD;
	s1 =	sshrl.u32 s1, $0x2  }
0xc0: {  	s3 =	sand.u32 $0x4000, s31;
	s1 =	sadd.s32 s1, s30  }
0xc1: {  	s0 =	sor.u32 s3, s0;
	s1 =	sshll.u32 s1, $0x11  }
0xc2: {  	s0 =	sor.u32 s1, s0  }
0xc3: {  	s0 =	sadd.s32 $0x8F2B, s0  }
0xc4: {  	[sflag:s0] =	ssyncadd.remote.s32 $0x1  }
0xc5: {  	_ =	sfence.sel $0xFFFF  }
0xc6: {  	[dreg:$0x0] =	wrdreg $0xFFFFFFFF;
	(pc) =	sbr.abs _section_cstart, $3  }
0xc7: {  	[dreg:$0x1] =	wrdreg $0xFFFFFFFF  }
0xc8: {  	_ =	task.clear_ibuf [dreg:s8], $0x2FFFF;
	_ =	strace $0x9FFFFFFF  }
0xc9: {  	(tm) =	ssettm $0x7FFFFFFF  }
tec
execute0_lowered:
.L_overlay_start_1:
0x0: {  	(tag) =	ssettag $0x1  }
0x1: {  	s5 =	rddreg [dreg:$0x0]  }
0x2: {  	s15 =	rddreg [dreg:$0x1]  }
0x3: {  	s2 =	rddreg [dreg:$0x2];
	s3 =	srdreg.scid  }
0x4: {  	s0 =	rddreg [dreg:$0x3];
	s1 =	stileid.u32;
	s19 =	simm.s32 $0x180  }
0x5: {  	s20 =	simm.s32 $0x100;
	s4 =	sand.u32 $0x1, s3;
	s3 =	simm.s32 $0x0  }
0x6: {  	s7 =	sshll.u32 s1, $0x9;
	s13 =	sadd.s32 $0x1600, s5;
	s14 =	sadd.s32 $0x1610, s5  }
0x7: {  	s6 =	sshll.u32 s4, $0xD;
	[smem:$0x7FF] =	sst s3;
	s4 =	ssub.s32 $0x2, s4  }
0x8: {  	s11 =	sor.u32 s7, s6;
	s28 =	sshrl.u32 s4, $0x1;
	_ =	strace $0x8000004A  }
0x9: {  	s7 =	sshrl.u32 s11, $0x2;
	s16 =	ssub.s32 s4, s28;
	s29 =	sshll.u32 s11, $0x4  }
0xa: {  	s8 =	sor.u32 $0x80, s11;
	s12 =	sor.u32 $0x100, s11;
	s18 =	sor.u32 $0x180, s11  }
0xb: {  	s4 =	sadd.s32 s13, s7;
	s5 =	sadd.s32 s7, s14;
	s6 =	sadd.s32 s15, s29  }
0xc: {  	s9 =	sshrl.u32 s8, $0x2;
	s10 =	sshll.u32 s8, $0x4;
	s17 =	sshrl.u32 s12, $0x2  }
0xd: {  	s12 =	sshll.u32 s12, $0x4;
	s30 =	sshrl.u32 s18, $0x2;
	s31 =	sshll.u32 s18, $0x4  }
0xe: {  	s16 =	smax.u32 s16, $0x1;
	s18 =	simm.s32 $0x80;
	s7 =	sadd.s32 s13, s9  }
0xf: {  	s8 =	sadd.s32 s9, s14;
	s9 =	sadd.s32 s15, s10;
	s10 =	sadd.s32 s13, s17  }
0x10: {  	s11 =	sadd.s32 s17, s14;
	s12 =	sadd.s32 s15, s12;
	s13 =	sadd.s32 s13, s30  }
0x11: {  	s14 =	sadd.s32 s30, s14;
	s15 =	sadd.s32 s15, s31;
	s17 =	simm.s32 $0x1  }
.LBB2_1:
0x12: {  	[tilespmem:s3], [sflag:$0x1] =	stream.linear.gather [hbm4b:s4+s3], $0x80, $0x38;
	[tilespmem:$0x4180] =	vst v63  }
0x13: {  	_ =	swait.ge [sflag:s17], $0x80  }
0x14: {  	[sflag:s17] =	ssyncset.done $0x0  }
0x15: {  	[sflag:s17] =	ssyncadd.s32 $0xFFFFFF80  }
0x16: {  	[tilespmem:s18], [sflag:$0x1] =	stream.linear.gather [hbm4b:s5+s3], $0x80, $0x38;
	[tilespmem:$0x4180] =	vst v63  }
0x17: {  	_ =	swait.ge [sflag:s17], $0x80  }
0x18: {  	[sflag:s17] =	ssyncset.done $0x0  }
0x19: {  	[sflag:s17] =	ssyncadd.s32 $0xFFFFFF80  }
0x1a: {  	v0 =	vld [tilespmem:$0x0]  }
0x1b: {  	v1 =	vld [tilespmem:$0x80]  }
0x1c: {  	v2 =	vld [tilespmem:$0x10]  }
0x1d: {  	v3 =	vld [tilespmem:$0x90]  }
0x1e: {  	v4 =	vld [tilespmem:$0x20]  }
0x1f: {  	v5 =	vld [tilespmem:$0xA0]  }
0x20: {  	v6 =	vld [tilespmem:$0x30]  }
0x21: {  	v7 =	vld [tilespmem:$0xB0]  }
0x22: {  	v8 =	vld [tilespmem:$0x40]  }
0x23: {  	v9 =	vld [tilespmem:$0xC0]  }
0x24: {  	v10 =	vld [tilespmem:$0x50]  }
0x25: {  	v11 =	vld [tilespmem:$0xD0]  }
0x26: {  	v12 =	vld [tilespmem:$0x60];
	vm0 =	veq.s32 v0, $0xFFFFFFFF  }
0x27: {  	v36 =	vld [tilespmem:$0xE0];
	vm9 =	veq.s32 v2, $0xFFFFFFFF;
	v0 =	vsel vm0, v1, v0  }
0x28: {  	v38 =	vld [tilespmem:$0x70];
	vm10 =	veq.s32 v4, $0xFFFFFFFF;
	v37 =	vsel vm9, v3, v2;
	[tilespmem:$0x100] =	vst v0  }
0x29: {  	v40 =	vld [tilespmem:$0xF0];
	vm11 =	veq.s32 v6, $0xFFFFFFFF;
	v39 =	vsel vm10, v5, v4;
	[tilespmem:$0x110] =	vst v37  }
0x2a: {  	vm12 =	veq.s32 v8, $0xFFFFFFFF;
	v41 =	vsel vm11, v7, v6;
	[tilespmem:$0x120] =	vst v39  }
0x2b: {  	vm13 =	veq.s32 v10, $0xFFFFFFFF;
	v42 =	vsel vm12, v9, v8;
	[tilespmem:$0x130] =	vst v41  }
0x2c: {  	vm14 =	veq.s32 v12, $0xFFFFFFFF;
	v43 =	vsel vm13, v11, v10;
	[tilespmem:$0x140] =	vst v42  }
0x2d: {  	vm15 =	veq.s32 v38, $0xFFFFFFFF;
	v44 =	vsel vm14, v36, v12;
	[tilespmem:$0x150] =	vst v43  }
0x2e: {  	v45 =	vsel vm15, v40, v38;
	[tilespmem:$0x160] =	vst v44  }
0x2f: {  	[tilespmem:$0x170] =	vst v45  }
0x30: {  	[tilespmem:s19], [sflag:$0x1] =	stream.linear.gather [hbm4b:s6+s3], $0x4000, $0x38;
	[tilespmem:$0x4180] =	vst v63  }
0x31: {  	_ =	swait.ge [sflag:s17], $0x4000  }
0x32: {  	[sflag:s17] =	ssyncset.done $0x0  }
0x33: {  	[sflag:s17] =	ssyncadd.s32 $0xFFFFC000;
	(ifvalue) =	ssetifvalue $0xFFFFFFFF  }
0x34: {  	(ifvalue) =	ssetifvalue $0xFFFFFFFF  }
0x35: {  	[hbm4b:s2+s18] =	stream.indirect.scatter [tilespmem:s19], [sflag:$0x1], $0x80, s20, s18, $0x40b8;
	[tilespmem:$0x4180] =	vst v63  }
0x36: {  	_ =	swait.ge [sflag:s17], $0x4000  }
0x37: {  	[sflag:s17] =	ssyncset.done $0x0  }
0x38: {  	[sflag:s17] =	ssyncadd.s32 $0xFFFFC000  }
0x39: {  	[tilespmem:s3], [sflag:$0x1] =	stream.linear.gather [hbm4b:s7+s3], $0x80, $0x38;
	[tilespmem:$0x4180] =	vst v63  }
0x3a: {  	_ =	swait.ge [sflag:s17], $0x80  }
0x3b: {  	[sflag:s17] =	ssyncset.done $0x0  }
0x3c: {  	[sflag:s17] =	ssyncadd.s32 $0xFFFFFF80  }
0x3d: {  	[tilespmem:s18], [sflag:$0x1] =	stream.linear.gather [hbm4b:s8+s3], $0x80, $0x38;
	[tilespmem:$0x4180] =	vst v63  }
0x3e: {  	_ =	swait.ge [sflag:s17], $0x80  }
0x3f: {  	[sflag:s17] =	ssyncset.done $0x0  }
0x40: {  	[sflag:s17] =	ssyncadd.s32 $0xFFFFFF80  }
0x41: {  	v46 =	vld [tilespmem:$0x0]  }
0x42: {  	v47 =	vld [tilespmem:$0x80]  }
0x43: {  	v48 =	vld [tilespmem:$0x10]  }
0x44: {  	v49 =	vld [tilespmem:$0x90]  }
0x45: {  	v50 =	vld [tilespmem:$0x20]  }
0x46: {  	v51 =	vld [tilespmem:$0xA0]  }
0x47: {  	v52 =	vld [tilespmem:$0x30]  }
0x48: {  	v53 =	vld [tilespmem:$0xB0]  }
0x49: {  	v54 =	vld [tilespmem:$0x40]  }
0x4a: {  	v55 =	vld [tilespmem:$0xC0]  }
0x4b: {  	v56 =	vld [tilespmem:$0x50]  }
0x4c: {  	v57 =	vld [tilespmem:$0xD0]  }
0x4d: {  	v58 =	vld [tilespmem:$0x60];
	vm4 =	veq.s32 v46, $0xFFFFFFFF  }
0x4e: {  	v59 =	vld [tilespmem:$0xE0];
	vm5 =	veq.s32 v48, $0xFFFFFFFF;
	v0 =	vsel vm4, v47, v46  }
0x4f: {  	v61 =	vld [tilespmem:$0x70];
	vm6 =	veq.s32 v50, $0xFFFFFFFF;
	v60 =	vsel vm5, v49, v48;
	[tilespmem:$0x100] =	vst v0  }
0x50: {  	v63 =	vld [tilespmem:$0xF0];
	vm7 =	veq.s32 v52, $0xFFFFFFFF;
	v62 =	vsel vm6, v51, v50;
	[tilespmem:$0x110] =	vst v60  }
0x51: {  	vm8 =	veq.s32 v54, $0xFFFFFFFF;
	v13 =	vsel vm7, v53, v52;
	[tilespmem:$0x120] =	vst v62  }
0x52: {  	vm9 =	veq.s32 v56, $0xFFFFFFFF;
	v14 =	vsel vm8, v55, v54;
	[tilespmem:$0x130] =	vst v13  }
0x53: {  	vm10 =	veq.s32 v58, $0xFFFFFFFF;
	v15 =	vsel vm9, v57, v56;
	[tilespmem:$0x140] =	vst v14  }
0x54: {  	vm11 =	veq.s32 v61, $0xFFFFFFFF;
	v16 =	vsel vm10, v59, v58;
	[tilespmem:$0x150] =	vst v15  }
0x55: {  	v17 =	vsel vm11, v63, v61;
	[tilespmem:$0x160] =	vst v16  }
0x56: {  	[tilespmem:$0x170] =	vst v17  }
0x57: {  	[tilespmem:s19], [sflag:$0x1] =	stream.linear.gather [hbm4b:s9+s3], $0x4000, $0x38;
	[tilespmem:$0x4180] =	vst v63  }
0x58: {  	_ =	swait.ge [sflag:s17], $0x4000  }
0x59: {  	[sflag:s17] =	ssyncset.done $0x0  }
0x5a: {  	[sflag:s17] =	ssyncadd.s32 $0xFFFFC000;
	(ifvalue) =	ssetifvalue $0xFFFFFFFF  }
0x5b: {  	(ifvalue) =	ssetifvalue $0xFFFFFFFF  }
0x5c: {  	[hbm4b:s2+s18] =	stream.indirect.scatter [tilespmem:s19], [sflag:$0x1], $0x80, s20, s18, $0x40b8;
	[tilespmem:$0x4180] =	vst v63  }
0x5d: {  	_ =	swait.ge [sflag:s17], $0x4000  }
0x5e: {  	[sflag:s17] =	ssyncset.done $0x0  }
0x5f: {  	[sflag:s17] =	ssyncadd.s32 $0xFFFFC000  }
0x60: {  	[tilespmem:s3], [sflag:$0x1] =	stream.linear.gather [hbm4b:s10+s3], $0x80, $0x38;
	[tilespmem:$0x4180] =	vst v63  }
0x61: {  	_ =	swait.ge [sflag:s17], $0x80  }
0x62: {  	[sflag:s17] =	ssyncset.done $0x0  }
0x63: {  	[sflag:s17] =	ssyncadd.s32 $0xFFFFFF80  }
0x64: {  	[tilespmem:s18], [sflag:$0x1] =	stream.linear.gather [hbm4b:s11+s3], $0x80, $0x38;
	[tilespmem:$0x4180] =	vst v63  }
0x65: {  	_ =	swait.ge [sflag:s17], $0x80  }
0x66: {  	[sflag:s17] =	ssyncset.done $0x0  }
0x67: {  	[sflag:s17] =	ssyncadd.s32 $0xFFFFFF80  }
0x68: {  	v18 =	vld [tilespmem:$0x0]  }
0x69: {  	v19 =	vld [tilespmem:$0x80]  }
0x6a: {  	v20 =	vld [tilespmem:$0x10]  }
0x6b: {  	v21 =	vld [tilespmem:$0x90]  }
0x6c: {  	v22 =	vld [tilespmem:$0x20]  }
0x6d: {  	v23 =	vld [tilespmem:$0xA0]  }
0x6e: {  	v24 =	vld [tilespmem:$0x30]  }
0x6f: {  	v25 =	vld [tilespmem:$0xB0]  }
0x70: {  	v26 =	vld [tilespmem:$0x40]  }
0x71: {  	v27 =	vld [tilespmem:$0xC0]  }
0x72: {  	v28 =	vld [tilespmem:$0x50]  }
0x73: {  	v29 =	vld [tilespmem:$0xD0]  }
0x74: {  	v30 =	vld [tilespmem:$0x60];
	vm12 =	veq.s32 v18, $0xFFFFFFFF  }
0x75: {  	v31 =	vld [tilespmem:$0xE0];
	vm13 =	veq.s32 v20, $0xFFFFFFFF;
	v0 =	vsel vm12, v19, v18  }
0x76: {  	v33 =	vld [tilespmem:$0x70];
	vm14 =	veq.s32 v22, $0xFFFFFFFF;
	v32 =	vsel vm13, v21, v20;
	[tilespmem:$0x100] =	vst v0  }
0x77: {  	v35 =	vld [tilespmem:$0xF0];
	vm15 =	veq.s32 v24, $0xFFFFFFFF;
	v34 =	vsel vm14, v23, v22;
	[tilespmem:$0x110] =	vst v32  }
0x78: {  	vm4 =	veq.s32 v26, $0xFFFFFFFF;
	v36 =	vsel vm15, v25, v24;
	[tilespmem:$0x120] =	vst v34  }
0x79: {  	vm5 =	veq.s32 v28, $0xFFFFFFFF;
	v37 =	vsel vm4, v27, v26;
	[tilespmem:$0x130] =	vst v36  }
0x7a: {  	vm6 =	veq.s32 v30, $0xFFFFFFFF;
	v38 =	vsel vm5, v29, v28;
	[tilespmem:$0x140] =	vst v37  }
0x7b: {  	vm7 =	veq.s32 v33, $0xFFFFFFFF;
	v39 =	vsel vm6, v31, v30;
	[tilespmem:$0x150] =	vst v38  }
0x7c: {  	v40 =	vsel vm7, v35, v33;
	[tilespmem:$0x160] =	vst v39  }
0x7d: {  	[tilespmem:$0x170] =	vst v40  }
0x7e: {  	[tilespmem:s19], [sflag:$0x1] =	stream.linear.gather [hbm4b:s12+s3], $0x4000, $0x38;
	[tilespmem:$0x4180] =	vst v63  }
0x7f: {  	_ =	swait.ge [sflag:s17], $0x4000  }
0x80: {  	[sflag:s17] =	ssyncset.done $0x0  }
0x81: {  	[sflag:s17] =	ssyncadd.s32 $0xFFFFC000;
	(ifvalue) =	ssetifvalue $0xFFFFFFFF  }
0x82: {  	(ifvalue) =	ssetifvalue $0xFFFFFFFF  }
0x83: {  	[hbm4b:s2+s18] =	stream.indirect.scatter [tilespmem:s19], [sflag:$0x1], $0x80, s20, s18, $0x40b8;
	[tilespmem:$0x4180] =	vst v63  }
0x84: {  	_ =	swait.ge [sflag:s17], $0x4000  }
0x85: {  	[sflag:s17] =	ssyncset.done $0x0  }
0x86: {  	[sflag:s17] =	ssyncadd.s32 $0xFFFFC000  }
0x87: {  	[tilespmem:s3], [sflag:$0x1] =	stream.linear.gather [hbm4b:s13+s3], $0x80, $0x38;
	[tilespmem:$0x4180] =	vst v63  }
0x88: {  	_ =	swait.ge [sflag:s17], $0x80  }
0x89: {  	[sflag:s17] =	ssyncset.done $0x0  }
0x8a: {  	[sflag:s17] =	ssyncadd.s32 $0xFFFFFF80  }
0x8b: {  	[tilespmem:s18], [sflag:$0x1] =	stream.linear.gather [hbm4b:s14+s3], $0x80, $0x38;
	[tilespmem:$0x4180] =	vst v63  }
0x8c: {  	_ =	swait.ge [sflag:s17], $0x80  }
0x8d: {  	[sflag:s17] =	ssyncset.done $0x0  }
0x8e: {  	[sflag:s17] =	ssyncadd.s32 $0xFFFFFF80  }
0x8f: {  	v41 =	vld [tilespmem:$0x0]  }
0x90: {  	v42 =	vld [tilespmem:$0x80]  }
0x91: {  	v43 =	vld [tilespmem:$0x10]  }
0x92: {  	v44 =	vld [tilespmem:$0x90]  }
0x93: {  	v45 =	vld [tilespmem:$0x20]  }
0x94: {  	v46 =	vld [tilespmem:$0xA0]  }
0x95: {  	v47 =	vld [tilespmem:$0x30]  }
0x96: {  	v48 =	vld [tilespmem:$0xB0]  }
0x97: {  	v49 =	vld [tilespmem:$0x40]  }
0x98: {  	v50 =	vld [tilespmem:$0xC0]  }
0x99: {  	v51 =	vld [tilespmem:$0x50]  }
0x9a: {  	v52 =	vld [tilespmem:$0xD0]  }
0x9b: {  	v53 =	vld [tilespmem:$0x60];
	vm8 =	veq.s32 v41, $0xFFFFFFFF  }
0x9c: {  	v54 =	vld [tilespmem:$0xE0];
	vm9 =	veq.s32 v43, $0xFFFFFFFF;
	v0 =	vsel vm8, v42, v41  }
0x9d: {  	v56 =	vld [tilespmem:$0x70];
	vm10 =	veq.s32 v45, $0xFFFFFFFF;
	v55 =	vsel vm9, v44, v43;
	[tilespmem:$0x100] =	vst v0  }
0x9e: {  	v58 =	vld [tilespmem:$0xF0];
	vm11 =	veq.s32 v47, $0xFFFFFFFF;
	v57 =	vsel vm10, v46, v45;
	[tilespmem:$0x110] =	vst v55  }
0x9f: {  	vm12 =	veq.s32 v49, $0xFFFFFFFF;
	v59 =	vsel vm11, v48, v47;
	[tilespmem:$0x120] =	vst v57  }
0xa0: {  	vm13 =	veq.s32 v51, $0xFFFFFFFF;
	v60 =	vsel vm12, v50, v49;
	[tilespmem:$0x130] =	vst v59  }
0xa1: {  	vm14 =	veq.s32 v53, $0xFFFFFFFF;
	v61 =	vsel vm13, v52, v51;
	[tilespmem:$0x140] =	vst v60  }
0xa2: {  	vm15 =	veq.s32 v56, $0xFFFFFFFF;
	v62 =	vsel vm14, v54, v53;
	[tilespmem:$0x150] =	vst v61  }
0xa3: {  	v63 =	vsel vm15, v58, v56;
	[tilespmem:$0x160] =	vst v62  }
0xa4: {  	[tilespmem:$0x170] =	vst v63  }
0xa5: {  	[tilespmem:s19], [sflag:$0x1] =	stream.linear.gather [hbm4b:s15+s3], $0x4000, $0x38;
	[tilespmem:$0x4180] =	vst v63  }
0xa6: {  	_ =	swait.ge [sflag:s17], $0x4000  }
0xa7: {  	[sflag:s17] =	ssyncset.done $0x0  }
0xa8: {  	p0 =	sne.s32 s16, $0x1;
	[sflag:s17] =	ssyncadd.s32 $0xFFFFC000;
	(ifvalue) =	ssetifvalue $0xFFFFFFFF  }
.Ltmp0:
0xa9: {  	(ifvalue) =	ssetifvalue $0xFFFFFFFF;
	(pc) =	sbr.rel @p0 .LBB2_1-.Ltmp0, $4  }
0xaa: {  	[hbm4b:s2+s18] =	stream.indirect.scatter [tilespmem:s19], [sflag:$0x1], $0x80, s20, s18, $0x40b8;
	[tilespmem:$0x4180] =	vst v63  }
0xab: {  	_ =	swait.ge [sflag:s17], $0x4000  }
0xac: {  	[sflag:s17] =	ssyncset.done $0x0  }
0xad: {  	s16 =	sadd.s32 $0xFFFFFFFF, s16;
	[sflag:s17] =	ssyncadd.s32 $0xFFFFC000  }
0xae: {  	_ =	sfence.sel $0x180000  }
0xaf: {  	[bflag:$0x0] =	sbarrier.arrive $0xFFFF  }
0xb0: {  	p0 =	sne.s32 s1, $0x0;
	_ =	strace $0x9000004A  }
0xb1: {  	s0 =	sadd.s32 @!p0 $0x100000, s0;
	[bflag:$0x2] =	sbarrier.arrive $0xFFFF  }
0xb2: {  	[sflag:s0] =	ssyncadd.tile.s32 @!p0 $0x1;
	_ =	shalt  }
.Lfunc_end2:
_tile_overlayer_lowered:
.L_overlay_start_2:
0xb3: {  	(tag) =	ssettag $0x2  }
0xb4: {  	s0 =	rddreg [dreg:$0x0];
	s2 =	stileid.u32  }
0xb5: {  	s1 =	rddreg [dreg:$0x1];
	p0 =	sne.s32 s2, $0x0  }
0xb6: {  	s3 =	rddreg [dreg:$0x2];
	[bflag:$0x3] =	sbarrier.arrive $0xFFFF;
	s2 =	simm.s32 @!p0 $0x1C01  }
0xb7: {  	[timem:s3], [sflag:s2] =	dma.local @!p0 [hbm:s0], s1  }
0xb8: {  	s0 =	simm.s32 @!p0 $0x1  }
0xb9: {  	_ =	swait.ge @!p0 [sflag:s0], s1  }
0xba: {  	s1 =	ssub.s32 @!p0 $0x0, s1;
	[sflag:s0] =	ssyncset.done @!p0 $0x0  }
0xbb: {  	[sflag:s0] =	ssyncadd.s32 @!p0 s1  }
0xbc: {  	[bflag:$0x3] =	sbarrier.arrive $0xFFFF  }
0xbd: {  	_ =	shalt  }

</sc_bundles>
